<compile_context>
chip_gen: v7x
topology: tpu7x:2x2x1
jax: 0.10.2.dev20260603
libtpu: 0.0.44.dev20260713+nightly
codegen_flags: <defaults>
</compile_context>

<pallas_src>
import functools

import jax
import jax.numpy as jnp
from jax import lax
from jax.experimental import pallas as pl
from jax.experimental.pallas import tpu as pltpu
from jax.experimental.pallas import tpu_sc as plsc

N = 10000
E = 160000
D = 256
H = 32
C = 40

NC = 2
NS = 16
NW = NC * NS
CL = 128
CHUNKS = 40
EPT = CHUNKS * CL
E_PAD = NW * EPT
N_ACC = 10240
RPT = N_ACC // NS
DEGW = 16
W2P = 48
DUMMY_DST = N + 16
NBUF = 8
IDX_ROWS = NW * CHUNKS
IDX_PAD = 64
E_PAD2 = (IDX_ROWS + IDX_PAD) * CL
BN = 1000


def _zi(i):
    return i - i


def _mesh():
    return plsc.VectorSubcoreMesh(
        core_axis_name="c", subcore_axis_name="s",
        num_cores=NC, num_subcores=NS)


_SC_PARAMS = pltpu.CompilerParams(use_tc_tiling_on_sc=False)


def _sc_degree(dst2d, zeros16, ones16):
    @functools.partial(
        pl.kernel,
        out_type=jax.ShapeDtypeStruct((NC, N_ACC, DEGW), jnp.float32),
        mesh=_mesh(),
        compiler_params=_SC_PARAMS,
        scratch_types=[
            pltpu.VMEM((CHUNKS, CL), jnp.int32),
            pltpu.VMEM((CL, DEGW), jnp.float32),
            pltpu.VMEM_SHARED((N_ACC, DEGW), jnp.float32),
            pltpu.SemaphoreType.DMA,
        ],
    )
    def k(dst_hbm, zeros_hbm, ones_hbm, out_hbm, dstv, onesv, acc, ssem):
        c = lax.axis_index("c")
        s = lax.axis_index("s")
        wid = c * NS + s
        pltpu.sync_copy(zeros_hbm.at[pl.ds(s * RPT, RPT)],
                        acc.at[pl.ds(s * RPT, RPT)])
        pltpu.sync_copy(dst_hbm.at[pl.ds(wid * CHUNKS, CHUNKS)], dstv)
        pltpu.sync_copy(ones_hbm, onesv)
        plsc.subcore_barrier()

        def fire(i, j):
            pltpu.async_copy(onesv, acc.at[dstv.at[j]], ssem, add=True)
            return j + 1

        lax.fori_loop(jnp.int32(0), jnp.int32(CHUNKS), fire, jnp.int32(0))

        def drain(i, j):
            pltpu.make_async_copy(onesv, acc.at[dstv.at[j]], ssem).wait()
            return j + 1

        lax.fori_loop(jnp.int32(0), jnp.int32(CHUNKS), drain, jnp.int32(0))
        plsc.subcore_barrier()
        pltpu.sync_copy(acc.at[pl.ds(s * RPT, RPT)],
                        out_hbm.at[c, pl.ds(s * RPT, RPT)])

    return k(dst2d, zeros16, ones16)


CPT0 = 72
CPT1 = 8


def _sc_agg(src2d, dst2d, y, zeros_w, w):
    @functools.partial(
        pl.kernel,
        out_type=jax.ShapeDtypeStruct((NC, N_ACC, w), jnp.float32),
        mesh=_mesh(),
        compiler_params=_SC_PARAMS,
        scratch_types=[
            pltpu.VMEM((CPT0, CL), jnp.int32),
            pltpu.VMEM((CPT0, CL), jnp.int32),
            *([pltpu.VMEM((CL, w), jnp.float32)] * NBUF),
            pltpu.VMEM_SHARED((N_ACC, w), jnp.float32),
            *([pltpu.SemaphoreType.DMA] * (2 * NBUF)),
        ],
    )
    def k(src_hbm, dst_hbm, y_hbm, zeros_hbm, out_hbm, srcv, dstv, *rest):
        gb = rest[:NBUF]
        acc = rest[NBUF]
        gs = rest[NBUF + 1:2 * NBUF + 1]
        ss = rest[2 * NBUF + 1:]
        c = lax.axis_index("c")
        s = lax.axis_index("s")
        start = s * jnp.int32(CPT0) + c * (
            jnp.int32(NS * CPT0) - s * jnp.int32(CPT0 - CPT1))
        nloops = (jnp.int32(CPT0 // NBUF - 1)
                  - c * jnp.int32((CPT0 - CPT1) // NBUF))
        pltpu.sync_copy(zeros_hbm.at[pl.ds(s * RPT, RPT)],
                        acc.at[pl.ds(s * RPT, RPT)])
        pltpu.sync_copy(src_hbm.at[pl.ds(start, CPT0)], srcv)
        pltpu.sync_copy(dst_hbm.at[pl.ds(start, CPT0)], dstv)
        plsc.subcore_barrier()

        for b in range(NBUF):
            pltpu.async_copy(y_hbm.at[srcv.at[jnp.int32(b)]], gb[b], gs[b])

        def body(i, j):
            for b in range(NBUF):
                jb = j + b
                pltpu.make_async_copy(y_hbm.at[srcv.at[jb]],
                                      gb[b], gs[b]).wait()
                pltpu.async_copy(gb[b], acc.at[dstv.at[jb]], ss[b], add=True)
            for b in range(NBUF):
                jb = j + b
                pltpu.make_async_copy(gb[b], acc.at[dstv.at[jb]],
                                      ss[b]).wait()
                pltpu.async_copy(y_hbm.at[srcv.at[jb + NBUF]], gb[b], gs[b])
            return j + NBUF

        jf = lax.fori_loop(jnp.int32(0), nloops, body, jnp.int32(0))
        for b in range(NBUF):
            jb = jf + b
            pltpu.make_async_copy(y_hbm.at[srcv.at[jb]], gb[b], gs[b]).wait()
            pltpu.sync_copy(gb[b], acc.at[dstv.at[jb]], add=True)
        plsc.subcore_barrier()
        pltpu.sync_copy(acc.at[pl.ds(s * RPT, RPT)],
                        out_hbm.at[c, pl.ds(s * RPT, RPT)])

    return k(src2d, dst2d, y, zeros_w)


def _dinv_block(dp_ref):
    deg = dp_ref[0, :, 0:1] + dp_ref[1, :, 0:1] + 1.0
    return lax.rsqrt(deg)


def _tc_matmul1(x, w1):
    def body(x_ref, w_ref, y_ref):
        y_ref[...] = jnp.dot(x_ref[...], w_ref[...],
                             preferred_element_type=jnp.float32,
                             precision=lax.Precision.HIGHEST)

    return pl.pallas_call(
        body,
        grid=(N // BN,),
        in_specs=[
            pl.BlockSpec((BN, D), lambda i: (i, _zi(i))),
            pl.BlockSpec((D, H), lambda i: (_zi(i), _zi(i))),
        ],
        out_specs=pl.BlockSpec((BN, H), lambda i: (i, _zi(i))),
        out_shape=jax.ShapeDtypeStruct((N, H), jnp.float32),
    )(x, w1)


def _tc_stage1(xw, degp):
    def body(xw_ref, dp_ref, y_ref):
        dinv = _dinv_block(dp_ref)
        y_ref[...] = xw_ref[...] * dinv

    return pl.pallas_call(
        body,
        grid=(N // BN,),
        in_specs=[
            pl.BlockSpec((BN, H), lambda i: (i, _zi(i))),
            pl.BlockSpec((NC, BN, DEGW), lambda i: (_zi(i), i, _zi(i))),
        ],
        out_specs=pl.BlockSpec((BN, H), lambda i: (i, _zi(i))),
        out_shape=jax.ShapeDtypeStruct((N, H), jnp.float32),
    )(xw, degp)


def _tc_stage2(agg1, y1, degp, b1r, w2p):
    def body(a_ref, y_ref, dp_ref, b_ref, w_ref, o_ref):
        dinv = _dinv_block(dp_ref)
        agg = a_ref[0] + a_ref[1] + y_ref[...]
        h = jnp.maximum(agg * dinv + b_ref[...], 0.0)
        hw = jnp.dot(h, w_ref[...],
                     preferred_element_type=jnp.float32,
                     precision=lax.Precision.HIGHEST)
        o_ref[...] = hw * dinv

    return pl.pallas_call(
        body,
        grid=(N // BN,),
        in_specs=[
            pl.BlockSpec((NC, BN, H), lambda i: (_zi(i), i, _zi(i))),
            pl.BlockSpec((BN, H), lambda i: (i, _zi(i))),
            pl.BlockSpec((NC, BN, DEGW), lambda i: (_zi(i), i, _zi(i))),
            pl.BlockSpec((1, H), lambda i: (_zi(i), _zi(i))),
            pl.BlockSpec((H, W2P), lambda i: (_zi(i), _zi(i))),
        ],
        out_specs=pl.BlockSpec((BN, W2P), lambda i: (i, _zi(i))),
        out_shape=jax.ShapeDtypeStruct((N, W2P), jnp.float32),
    )(agg1, y1, degp, b1r, w2p)


def _tc_stage3(agg2, y2, degp, b2r):
    def body(a_ref, y_ref, dp_ref, b_ref, o_ref):
        dinv = _dinv_block(dp_ref)
        logits = (a_ref[0] + a_ref[1] + y_ref[...]) * dinv + b_ref[...]
        lane = lax.broadcasted_iota(jnp.int32, (BN, W2P), 1)
        valid = lane < C
        masked = jnp.where(valid, logits, -jnp.inf)
        m = jnp.max(masked, axis=1, keepdims=True)
        ex = jnp.where(valid, jnp.exp(logits - m), 0.0)
        lse = jnp.log(jnp.sum(ex, axis=1, keepdims=True))
        res = logits - m - lse
        o_ref[...] = res[:, :C]

    return pl.pallas_call(
        body,
        grid=(N // BN,),
        in_specs=[
            pl.BlockSpec((NC, BN, W2P), lambda i: (_zi(i), i, _zi(i))),
            pl.BlockSpec((BN, W2P), lambda i: (i, _zi(i))),
            pl.BlockSpec((NC, BN, DEGW), lambda i: (_zi(i), i, _zi(i))),
            pl.BlockSpec((1, W2P), lambda i: (_zi(i), _zi(i))),
        ],
        out_specs=pl.BlockSpec((BN, C), lambda i: (i, _zi(i))),
        out_shape=jax.ShapeDtypeStruct((N, C), jnp.float32),
    )(agg2, y2, degp, b2r)


def kernel(x, edge_index, W1, b1, W2, b2):
    x = x.astype(jnp.float32)
    ei = edge_index.astype(jnp.int32)
    src = jnp.concatenate(
        [ei[0], jnp.zeros((E_PAD2 - E,), jnp.int32)]
    ).reshape(IDX_ROWS + IDX_PAD, CL)
    dst = jnp.concatenate(
        [ei[1], jnp.full((E_PAD2 - E,), DUMMY_DST, jnp.int32)]
    ).reshape(IDX_ROWS + IDX_PAD, CL)

    zeros16 = jnp.zeros((N_ACC, DEGW), jnp.float32)
    zeros32 = jnp.zeros((N_ACC, H), jnp.float32)
    zeros48 = jnp.zeros((N_ACC, W2P), jnp.float32)
    ones16 = jnp.ones((CL, DEGW), jnp.float32)
    b1r = b1.astype(jnp.float32).reshape(1, H)
    b2r = jnp.pad(b2.astype(jnp.float32), (0, W2P - C)).reshape(1, W2P)
    w2p = jnp.pad(W2.astype(jnp.float32), ((0, 0), (0, W2P - C)))

    degp = _sc_degree(dst, zeros16, ones16)
    xw = _tc_matmul1(x, W1.astype(jnp.float32))
    y1 = _tc_stage1(xw, degp)
    agg1 = _sc_agg(src, dst, y1, zeros32, H)
    y2 = _tc_stage2(agg1, y1, degp, b1r, w2p)
    agg2 = _sc_agg(src, dst, y2, zeros48, W2P)
    return _tc_stage3(agg2, y2, degp, b2r)

# --- scband reference (transcript-rebuilt; emitter-appended) ---
"""Pipeline reference for scband-gcn-45277545234588 (READ-ONLY COPY).

The authoritative reference and input builder live on the scoring server;
editing this copy changes nothing except your own understanding.
"""

import jax
jax.config.update("jax_enable_x64", True)
import jax.numpy as jnp
import numpy as np

N = 10000
E = 160000
D = 256
H = 32
C = 40


def glorot(key, shape):
    fan_in, fan_out = shape
    limit = np.sqrt(6.0 / (fan_in + fan_out))
    return jax.random.uniform(key, shape, dtype=jnp.float32, minval=-limit, maxval=limit)


def setup_inputs(seed: int = 0) -> dict:
    key = jax.random.key(seed)
    k1, k2, k3, k4 = jax.random.split(key, 4)
    x = jax.random.normal(k1, (N, D), dtype=jnp.float32)
    edge_index = jax.random.randint(k2, (2, E), 0, N, dtype=jnp.int64)
    W1 = glorot(k3, (D, H))
    b1 = jnp.zeros((H,), dtype=jnp.float32)
    W2 = glorot(k4, (H, C))
    b2 = jnp.zeros((C,), dtype=jnp.float32)
    return {"x": x, "edge_index": edge_index, "W1": W1, "b1": b1, "W2": W2, "b2": b2}


def gcn_conv(x, edge_index, W, b):
    # GCNConv: add self-loops, symmetric normalization D^-1/2 (A+I) D^-1/2 X W + b
    src = edge_index[0]
    dst = edge_index[1]
    loop = jnp.arange(N, dtype=edge_index.dtype)
    src = jnp.concatenate([src, loop])
    dst = jnp.concatenate([dst, loop])
    deg = jnp.zeros((N,), dtype=x.dtype).at[dst].add(1.0)
    dinv = jnp.where(deg > 0, jax.lax.rsqrt(jnp.maximum(deg, 1e-12)), 0.0)
    norm = dinv[src] * dinv[dst]
    xw = x @ W
    msg = xw[src] * norm[:, None]
    out = jnp.zeros((N, W.shape[1]), dtype=x.dtype).at[dst].add(msg)
    return out + b


def reference(x, edge_index, W1, b1, W2, b2):
    h = gcn_conv(x, edge_index, W1, b1)
    h = jax.nn.relu(h)
    # dropout is identity in eval mode
    out = gcn_conv(h, edge_index, W2, b2)
    return jax.nn.log_softmax(out, axis=1)

if __name__ == "__main__":
    import jax
    _d = setup_inputs()
    print(jax.jit(kernel)(*tuple(_d.values())))

</pallas_src>

<mosaic_0001>
#map = affine_map<(d0, d1) -> (0, 0)>
#map1 = affine_map<(d0, d1) -> (0, 0, 0)>
module attributes {stable_mosaic.version = 14 : i64} {
  func.func @k(%arg0: i32, %arg1: i32, %arg2: memref<1344x128xi32, #tpu.memory_space<hbm>>, %arg3: memref<1344x128xi32, #tpu.memory_space<hbm>>, %arg4: memref<10000x48xf32, #tpu.memory_space<hbm>>, %arg5: memref<10240x48xf32, #tpu.memory_space<hbm>>, %arg6: memref<2x10240x48xf32, #tpu.memory_space<hbm>>, %arg7: memref<72x128xi32, #tpu.memory_space<vmem>>, %arg8: memref<72x128xi32, #tpu.memory_space<vmem>>, %arg9: memref<128x48xf32, #tpu.memory_space<vmem>>, %arg10: memref<128x48xf32, #tpu.memory_space<vmem>>, %arg11: memref<128x48xf32, #tpu.memory_space<vmem>>, %arg12: memref<128x48xf32, #tpu.memory_space<vmem>>, %arg13: memref<128x48xf32, #tpu.memory_space<vmem>>, %arg14: memref<128x48xf32, #tpu.memory_space<vmem>>, %arg15: memref<128x48xf32, #tpu.memory_space<vmem>>, %arg16: memref<128x48xf32, #tpu.memory_space<vmem>>, %arg17: memref<10240x48xf32, #tpu.memory_space<vmem_shared>>, %arg18: memref<!tpu.dma_semaphore, #tpu.memory_space<semaphore_mem>>, %arg19: memref<!tpu.dma_semaphore, #tpu.memory_space<semaphore_mem>>, %arg20: memref<!tpu.dma_semaphore, #tpu.memory_space<semaphore_mem>>, %arg21: memref<!tpu.dma_semaphore, #tpu.memory_space<semaphore_mem>>, %arg22: memref<!tpu.dma_semaphore, #tpu.memory_space<semaphore_mem>>, %arg23: memref<!tpu.dma_semaphore, #tpu.memory_space<semaphore_mem>>, %arg24: memref<!tpu.dma_semaphore, #tpu.memory_space<semaphore_mem>>, %arg25: memref<!tpu.dma_semaphore, #tpu.memory_space<semaphore_mem>>, %arg26: memref<!tpu.dma_semaphore, #tpu.memory_space<semaphore_mem>>, %arg27: memref<!tpu.dma_semaphore, #tpu.memory_space<semaphore_mem>>, %arg28: memref<!tpu.dma_semaphore, #tpu.memory_space<semaphore_mem>>, %arg29: memref<!tpu.dma_semaphore, #tpu.memory_space<semaphore_mem>>, %arg30: memref<!tpu.dma_semaphore, #tpu.memory_space<semaphore_mem>>, %arg31: memref<!tpu.dma_semaphore, #tpu.memory_space<semaphore_mem>>, %arg32: memref<!tpu.dma_semaphore, #tpu.memory_space<semaphore_mem>>, %arg33: memref<!tpu.dma_semaphore, #tpu.memory_space<semaphore_mem>>) attributes {dimension_semantics = [#tpu.dimension_semantics<core_parallel>, #tpu.dimension_semantics<subcore_parallel>], iteration_bounds = array<i64: 2, 16>, scalar_prefetch = 0 : i64, scratch_operands = 27 : i64, tpu.core_type = #tpu.core_type<sc_vector_subcore>, window_params = [{transform_indices = #map}, {transform_indices = #map}, {transform_indices = #map}, {transform_indices = #map}, {transform_indices = #map1}]} {
    %mul3A = arith.constant 72 : i32
    %mul3A_0 = arith.muli %arg1, %mul3A : i32
    %mul3A_1 = arith.constant 64 : i32
    %mul3A_2 = arith.muli %arg1, %mul3A_1 : i32
    %sub3A = arith.constant 1152 : i32
    %sub3A_3 = arith.subi %sub3A, %mul3A_2 : i32
    %mul3A_4 = arith.muli %arg0, %sub3A_3 : i32
    %add3A = arith.addi %mul3A_0, %mul3A_4 : i32
    %mul3A_5 = arith.constant 8 : i32
    %mul3A_6 = arith.muli %arg0, %mul3A_5 : i32
    %sub3A_7 = arith.constant 8 : i32
    %sub3A_8 = arith.subi %sub3A_7, %mul3A_6 : i32
    %mul3A_9 = arith.constant 640 : i32
    %mul3A_10 = arith.muli %arg1, %mul3A_9 : i32
    %mul3A_11 = arith.constant 640 : i32
    %mul3A_12 = arith.muli %arg1, %mul3A_11 : i32
    "tpu.region"() ({
      %run_scoped3A = tpu.sem_alloc : memref<!tpu.dma_semaphore, #tpu.memory_space<semaphore_mem>>
      %dma_start3A_147 = arith.constant 0 : i32
      %dma_start3A_148 = tpu.memref_slice %arg17[%mul3A_12, %dma_start3A_147] : memref<10240x48xf32, #tpu.memory_space<vmem_shared>> -> memref<640x48xf32, #tpu.memory_space<vmem_shared>>
      %dma_start3A_149 = arith.constant 0 : i32
      %dma_start3A_150 = tpu.memref_slice %arg5[%mul3A_10, %dma_start3A_149] : memref<10240x48xf32, #tpu.memory_space<hbm>> -> memref<640x48xf32, #tpu.memory_space<hbm>>
      tpu.enqueue_dma source(%dma_start3A_150 : memref<640x48xf32, #tpu.memory_space<hbm>>) target(%dma_start3A_148 : memref<640x48xf32, #tpu.memory_space<vmem_shared>>) target_semaphore(%run_scoped3A : memref<!tpu.dma_semaphore, #tpu.memory_space<semaphore_mem>>)
      %dma_wait3A_151 = arith.constant 0 : i32
      %dma_wait3A_152 = tpu.memref_slice %arg17[%mul3A_12, %dma_wait3A_151] : memref<10240x48xf32, #tpu.memory_space<vmem_shared>> -> memref<640x48xf32, #tpu.memory_space<vmem_shared>>
      %dma_wait3A_153 = arith.constant 0 : i32
      %dma_wait3A_154 = tpu.memref_slice %arg5[%mul3A_10, %dma_wait3A_153] : memref<10240x48xf32, #tpu.memory_space<hbm>> -> memref<640x48xf32, #tpu.memory_space<hbm>>
      tpu.wait_dma2 semaphore(%run_scoped3A : memref<!tpu.dma_semaphore, #tpu.memory_space<semaphore_mem>>) src(%dma_wait3A_154 : memref<640x48xf32, #tpu.memory_space<hbm>>) dst(%dma_wait3A_152 : memref<640x48xf32, #tpu.memory_space<vmem_shared>>)
      tpu.yield
    }) : () -> ()
    "tpu.region"() ({
      %run_scoped3A = tpu.sem_alloc : memref<!tpu.dma_semaphore, #tpu.memory_space<semaphore_mem>>
      %dma_start3A_147 = arith.constant 0 : i32
      %dma_start3A_148 = tpu.memref_slice %arg2[%add3A, %dma_start3A_147] : memref<1344x128xi32, #tpu.memory_space<hbm>> -> memref<72x128xi32, #tpu.memory_space<hbm>>
      %dma_start3A_149 = arith.constant 0 : i32
      %dma_start3A_150 = tpu.memref_slice %arg2[%add3A, %dma_start3A_149] : memref<1344x128xi32, #tpu.memory_space<hbm>> -> memref<72x128xi32, #tpu.memory_space<hbm>>
      tpu.enqueue_dma source(%dma_start3A_150 : memref<72x128xi32, #tpu.memory_space<hbm>>) target(%arg7 : memref<72x128xi32, #tpu.memory_space<vmem>>) target_semaphore(%run_scoped3A : memref<!tpu.dma_semaphore, #tpu.memory_space<semaphore_mem>>)
      %dma_wait3A_151 = arith.constant 0 : i32
      %dma_wait3A_152 = tpu.memref_slice %arg2[%add3A, %dma_wait3A_151] : memref<1344x128xi32, #tpu.memory_space<hbm>> -> memref<72x128xi32, #tpu.memory_space<hbm>>
      %dma_wait3A_153 = arith.constant 0 : i32
      %dma_wait3A_154 = tpu.memref_slice %arg2[%add3A, %dma_wait3A_153] : memref<1344x128xi32, #tpu.memory_space<hbm>> -> memref<72x128xi32, #tpu.memory_space<hbm>>
      tpu.wait_dma2 semaphore(%run_scoped3A : memref<!tpu.dma_semaphore, #tpu.memory_space<semaphore_mem>>) src(%dma_wait3A_154 : memref<72x128xi32, #tpu.memory_space<hbm>>) dst(%arg7 : memref<72x128xi32, #tpu.memory_space<vmem>>)
      tpu.yield
    }) : () -> ()
    "tpu.region"() ({
      %run_scoped3A = tpu.sem_alloc : memref<!tpu.dma_semaphore, #tpu.memory_space<semaphore_mem>>
      %dma_start3A_147 = arith.constant 0 : i32
      %dma_start3A_148 = tpu.memref_slice %arg3[%add3A, %dma_start3A_147] : memref<1344x128xi32, #tpu.memory_space<hbm>> -> memref<72x128xi32, #tpu.memory_space<hbm>>
      %dma_start3A_149 = arith.constant 0 : i32
      %dma_start3A_150 = tpu.memref_slice %arg3[%add3A, %dma_start3A_149] : memref<1344x128xi32, #tpu.memory_space<hbm>> -> memref<72x128xi32, #tpu.memory_space<hbm>>
      tpu.enqueue_dma source(%dma_start3A_150 : memref<72x128xi32, #tpu.memory_space<hbm>>) target(%arg8 : memref<72x128xi32, #tpu.memory_space<vmem>>) target_semaphore(%run_scoped3A : memref<!tpu.dma_semaphore, #tpu.memory_space<semaphore_mem>>)
      %dma_wait3A_151 = arith.constant 0 : i32
      %dma_wait3A_152 = tpu.memref_slice %arg3[%add3A, %dma_wait3A_151] : memref<1344x128xi32, #tpu.memory_space<hbm>> -> memref<72x128xi32, #tpu.memory_space<hbm>>
      %dma_wait3A_153 = arith.constant 0 : i32
      %dma_wait3A_154 = tpu.memref_slice %arg3[%add3A, %dma_wait3A_153] : memref<1344x128xi32, #tpu.memory_space<hbm>> -> memref<72x128xi32, #tpu.memory_space<hbm>>
      tpu.wait_dma2 semaphore(%run_scoped3A : memref<!tpu.dma_semaphore, #tpu.memory_space<semaphore_mem>>) src(%dma_wait3A_154 : memref<72x128xi32, #tpu.memory_space<hbm>>) dst(%arg8 : memref<72x128xi32, #tpu.memory_space<vmem>>)
      tpu.yield
    }) : () -> ()
    %barrier3A = arith.constant 0 : index
    tpu.barrier barrier_id(%barrier3A)
    %dma_start3A = arith.constant 0 : i32
    %dma_start3A_13 = arith.constant 0 : i32
    %dma_start3A_14 = tpu.memref_slice %arg7[%dma_start3A, %dma_start3A_13] : memref<72x128xi32, #tpu.memory_space<vmem>> -> memref<1x128xi32, #tpu.memory_space<vmem>>
    %dma_start3A_15 = tpu.memref_squeeze %dma_start3A_14 : memref<1x128xi32, #tpu.memory_space<vmem>> -> memref<128xi32, #tpu.memory_space<vmem>>
    %dma_start3A_16 = arith.constant 0 : i32
    %dma_start3A_17 = arith.constant 0 : i32
    %dma_start3A_18 = tpu.memref_slice %arg4[%dma_start3A_16, %dma_start3A_17] : memref<10000x48xf32, #tpu.memory_space<hbm>> -> memref<10000x48xf32, #tpu.memory_space<hbm>>
    tpu.enqueue_indirect_dma source(%dma_start3A_18 : memref<10000x48xf32, #tpu.memory_space<hbm>>) target(%arg9 : memref<128x48xf32, #tpu.memory_space<vmem>>) offsets(%dma_start3A_15 : memref<128xi32, #tpu.memory_space<vmem>>) semaphore(%arg18 : memref<!tpu.dma_semaphore, #tpu.memory_space<semaphore_mem>>)
    %dma_start3A_19 = arith.constant 1 : i32
    %dma_start3A_20 = arith.constant 0 : i32
    %dma_start3A_21 = tpu.memref_slice %arg7[%dma_start3A_19, %dma_start3A_20] : memref<72x128xi32, #tpu.memory_space<vmem>> -> memref<1x128xi32, #tpu.memory_space<vmem>>
    %dma_start3A_22 = tpu.memref_squeeze %dma_start3A_21 : memref<1x128xi32, #tpu.memory_space<vmem>> -> memref<128xi32, #tpu.memory_space<vmem>>
    %dma_start3A_23 = arith.constant 0 : i32
    %dma_start3A_24 = arith.constant 0 : i32
    %dma_start3A_25 = tpu.memref_slice %arg4[%dma_start3A_23, %dma_start3A_24] : memref<10000x48xf32, #tpu.memory_space<hbm>> -> memref<10000x48xf32, #tpu.memory_space<hbm>>
    tpu.enqueue_indirect_dma source(%dma_start3A_25 : memref<10000x48xf32, #tpu.memory_space<hbm>>) target(%arg10 : memref<128x48xf32, #tpu.memory_space<vmem>>) offsets(%dma_start3A_22 : memref<128xi32, #tpu.memory_space<vmem>>) semaphore(%arg19 : memref<!tpu.dma_semaphore, #tpu.memory_space<semaphore_mem>>)
    %dma_start3A_26 = arith.constant 2 : i32
    %dma_start3A_27 = arith.constant 0 : i32
    %dma_start3A_28 = tpu.memref_slice %arg7[%dma_start3A_26, %dma_start3A_27] : memref<72x128xi32, #tpu.memory_space<vmem>> -> memref<1x128xi32, #tpu.memory_space<vmem>>
    %dma_start3A_29 = tpu.memref_squeeze %dma_start3A_28 : memref<1x128xi32, #tpu.memory_space<vmem>> -> memref<128xi32, #tpu.memory_space<vmem>>
    %dma_start3A_30 = arith.constant 0 : i32
    %dma_start3A_31 = arith.constant 0 : i32
    %dma_start3A_32 = tpu.memref_slice %arg4[%dma_start3A_30, %dma_start3A_31] : memref<10000x48xf32, #tpu.memory_space<hbm>> -> memref<10000x48xf32, #tpu.memory_space<hbm>>
    tpu.enqueue_indirect_dma source(%dma_start3A_32 : memref<10000x48xf32, #tpu.memory_space<hbm>>) target(%arg11 : memref<128x48xf32, #tpu.memory_space<vmem>>) offsets(%dma_start3A_29 : memref<128xi32, #tpu.memory_space<vmem>>) semaphore(%arg20 : memref<!tpu.dma_semaphore, #tpu.memory_space<semaphore_mem>>)
    %dma_start3A_33 = arith.constant 3 : i32
    %dma_start3A_34 = arith.constant 0 : i32
    %dma_start3A_35 = tpu.memref_slice %arg7[%dma_start3A_33, %dma_start3A_34] : memref<72x128xi32, #tpu.memory_space<vmem>> -> memref<1x128xi32, #tpu.memory_space<vmem>>
    %dma_start3A_36 = tpu.memref_squeeze %dma_start3A_35 : memref<1x128xi32, #tpu.memory_space<vmem>> -> memref<128xi32, #tpu.memory_space<vmem>>
    %dma_start3A_37 = arith.constant 0 : i32
    %dma_start3A_38 = arith.constant 0 : i32
    %dma_start3A_39 = tpu.memref_slice %arg4[%dma_start3A_37, %dma_start3A_38] : memref<10000x48xf32, #tpu.memory_space<hbm>> -> memref<10000x48xf32, #tpu.memory_space<hbm>>
    tpu.enqueue_indirect_dma source(%dma_start3A_39 : memref<10000x48xf32, #tpu.memory_space<hbm>>) target(%arg12 : memref<128x48xf32, #tpu.memory_space<vmem>>) offsets(%dma_start3A_36 : memref<128xi32, #tpu.memory_space<vmem>>) semaphore(%arg21 : memref<!tpu.dma_semaphore, #tpu.memory_space<semaphore_mem>>)
    %dma_start3A_40 = arith.constant 4 : i32
    %dma_start3A_41 = arith.constant 0 : i32
    %dma_start3A_42 = tpu.memref_slice %arg7[%dma_start3A_40, %dma_start3A_41] : memref<72x128xi32, #tpu.memory_space<vmem>> -> memref<1x128xi32, #tpu.memory_space<vmem>>
    %dma_start3A_43 = tpu.memref_squeeze %dma_start3A_42 : memref<1x128xi32, #tpu.memory_space<vmem>> -> memref<128xi32, #tpu.memory_space<vmem>>
    %dma_start3A_44 = arith.constant 0 : i32
    %dma_start3A_45 = arith.constant 0 : i32
    %dma_start3A_46 = tpu.memref_slice %arg4[%dma_start3A_44, %dma_start3A_45] : memref<10000x48xf32, #tpu.memory_space<hbm>> -> memref<10000x48xf32, #tpu.memory_space<hbm>>
    tpu.enqueue_indirect_dma source(%dma_start3A_46 : memref<10000x48xf32, #tpu.memory_space<hbm>>) target(%arg13 : memref<128x48xf32, #tpu.memory_space<vmem>>) offsets(%dma_start3A_43 : memref<128xi32, #tpu.memory_space<vmem>>) semaphore(%arg22 : memref<!tpu.dma_semaphore, #tpu.memory_space<semaphore_mem>>)
    %dma_start3A_47 = arith.constant 5 : i32
    %dma_start3A_48 = arith.constant 0 : i32
    %dma_start3A_49 = tpu.memref_slice %arg7[%dma_start3A_47, %dma_start3A_48] : memref<72x128xi32, #tpu.memory_space<vmem>> -> memref<1x128xi32, #tpu.memory_space<vmem>>
    %dma_start3A_50 = tpu.memref_squeeze %dma_start3A_49 : memref<1x128xi32, #tpu.memory_space<vmem>> -> memref<128xi32, #tpu.memory_space<vmem>>
    %dma_start3A_51 = arith.constant 0 : i32
    %dma_start3A_52 = arith.constant 0 : i32
    %dma_start3A_53 = tpu.memref_slice %arg4[%dma_start3A_51, %dma_start3A_52] : memref<10000x48xf32, #tpu.memory_space<hbm>> -> memref<10000x48xf32, #tpu.memory_space<hbm>>
    tpu.enqueue_indirect_dma source(%dma_start3A_53 : memref<10000x48xf32, #tpu.memory_space<hbm>>) target(%arg14 : memref<128x48xf32, #tpu.memory_space<vmem>>) offsets(%dma_start3A_50 : memref<128xi32, #tpu.memory_space<vmem>>) semaphore(%arg23 : memref<!tpu.dma_semaphore, #tpu.memory_space<semaphore_mem>>)
    %dma_start3A_54 = arith.constant 6 : i32
    %dma_start3A_55 = arith.constant 0 : i32
    %dma_start3A_56 = tpu.memref_slice %arg7[%dma_start3A_54, %dma_start3A_55] : memref<72x128xi32, #tpu.memory_space<vmem>> -> memref<1x128xi32, #tpu.memory_space<vmem>>
    %dma_start3A_57 = tpu.memref_squeeze %dma_start3A_56 : memref<1x128xi32, #tpu.memory_space<vmem>> -> memref<128xi32, #tpu.memory_space<vmem>>
    %dma_start3A_58 = arith.constant 0 : i32
    %dma_start3A_59 = arith.constant 0 : i32
    %dma_start3A_60 = tpu.memref_slice %arg4[%dma_start3A_58, %dma_start3A_59] : memref<10000x48xf32, #tpu.memory_space<hbm>> -> memref<10000x48xf32, #tpu.memory_space<hbm>>
    tpu.enqueue_indirect_dma source(%dma_start3A_60 : memref<10000x48xf32, #tpu.memory_space<hbm>>) target(%arg15 : memref<128x48xf32, #tpu.memory_space<vmem>>) offsets(%dma_start3A_57 : memref<128xi32, #tpu.memory_space<vmem>>) semaphore(%arg24 : memref<!tpu.dma_semaphore, #tpu.memory_space<semaphore_mem>>)
    %dma_start3A_61 = arith.constant 7 : i32
    %dma_start3A_62 = arith.constant 0 : i32
    %dma_start3A_63 = tpu.memref_slice %arg7[%dma_start3A_61, %dma_start3A_62] : memref<72x128xi32, #tpu.memory_space<vmem>> -> memref<1x128xi32, #tpu.memory_space<vmem>>
    %dma_start3A_64 = tpu.memref_squeeze %dma_start3A_63 : memref<1x128xi32, #tpu.memory_space<vmem>> -> memref<128xi32, #tpu.memory_space<vmem>>
    %dma_start3A_65 = arith.constant 0 : i32
    %dma_start3A_66 = arith.constant 0 : i32
    %dma_start3A_67 = tpu.memref_slice %arg4[%dma_start3A_65, %dma_start3A_66] : memref<10000x48xf32, #tpu.memory_space<hbm>> -> memref<10000x48xf32, #tpu.memory_space<hbm>>
    tpu.enqueue_indirect_dma source(%dma_start3A_67 : memref<10000x48xf32, #tpu.memory_space<hbm>>) target(%arg16 : memref<128x48xf32, #tpu.memory_space<vmem>>) offsets(%dma_start3A_64 : memref<128xi32, #tpu.memory_space<vmem>>) semaphore(%arg25 : memref<!tpu.dma_semaphore, #tpu.memory_space<semaphore_mem>>)
    %while3A = arith.constant 0 : i32
    %while3A_68 = arith.constant 0 : i32
    %while3A_69 = arith.subi %sub3A_8, %while3A : i32
    %while3A_70 = arith.addi %while3A, %while3A_69 : i32
    %while3A_71 = arith.constant 1 : i32
    %while3A_72 = arith.divsi %while3A_69, %while3A_71 : i32
    %while3A_73 = arith.muli %while3A_72, %while3A_71 : i32
    %while3A_74 = arith.addi %while3A, %while3A_73 : i32
    %while3A_75 = arith.constant 1 : i32
    %while3A_76 = scf.for %while3A_147 = %while3A to %while3A_74 step %while3A_75 iter_args(%while3A_148 = %while3A_68) -> (i32)  : i32 {
      %add3A_149 = arith.constant 0 : i32
      %add3A_150 = arith.addi %while3A_148, %add3A_149 : i32
      %dma_wait3A_151 = arith.constant 0 : i32
      %dma_wait3A_152 = tpu.memref_slice %arg7[%add3A_150, %dma_wait3A_151] : memref<72x128xi32, #tpu.memory_space<vmem>> -> memref<1x128xi32, #tpu.memory_space<vmem>>
      %dma_wait3A_153 = tpu.memref_squeeze %dma_wait3A_152 : memref<1x128xi32, #tpu.memory_space<vmem>> -> memref<128xi32, #tpu.memory_space<vmem>>
      %dma_wait3A_154 = arith.constant 0 : i32
      %dma_wait3A_155 = arith.constant 0 : i32
      %dma_wait3A_156 = tpu.memref_slice %arg4[%dma_wait3A_154, %dma_wait3A_155] : memref<10000x48xf32, #tpu.memory_space<hbm>> -> memref<10000x48xf32, #tpu.memory_space<hbm>>
      tpu.wait_indirect_dma semaphore(%arg18 : memref<!tpu.dma_semaphore, #tpu.memory_space<semaphore_mem>>) src(%dma_wait3A_156 : memref<10000x48xf32, #tpu.memory_space<hbm>>) dst(%arg9 : memref<128x48xf32, #tpu.memory_space<vmem>>)
      %dma_start3A_157 = arith.constant 0 : i32
      %dma_start3A_158 = tpu.memref_slice %arg8[%add3A_150, %dma_start3A_157] : memref<72x128xi32, #tpu.memory_space<vmem>> -> memref<1x128xi32, #tpu.memory_space<vmem>>
      %dma_start3A_159 = tpu.memref_squeeze %dma_start3A_158 : memref<1x128xi32, #tpu.memory_space<vmem>> -> memref<128xi32, #tpu.memory_space<vmem>>
      %dma_start3A_160 = arith.constant 0 : i32
      %dma_start3A_161 = arith.constant 0 : i32
      %dma_start3A_162 = tpu.memref_slice %arg17[%dma_start3A_160, %dma_start3A_161] : memref<10240x48xf32, #tpu.memory_space<vmem_shared>> -> memref<10240x48xf32, #tpu.memory_space<vmem_shared>>
      tpu.enqueue_indirect_dma source(%arg9 : memref<128x48xf32, #tpu.memory_space<vmem>>) target(%dma_start3A_162 : memref<10240x48xf32, #tpu.memory_space<vmem_shared>>) offsets(%dma_start3A_159 : memref<128xi32, #tpu.memory_space<vmem>>) semaphore(%arg26 : memref<!tpu.dma_semaphore, #tpu.memory_space<semaphore_mem>>) {add = true}
      %add3A_163 = arith.constant 1 : i32
      %add3A_164 = arith.addi %while3A_148, %add3A_163 : i32
      %dma_wait3A_165 = arith.constant 0 : i32
      %dma_wait3A_166 = tpu.memref_slice %arg7[%add3A_164, %dma_wait3A_165] : memref<72x128xi32, #tpu.memory_space<vmem>> -> memref<1x128xi32, #tpu.memory_space<vmem>>
      %dma_wait3A_167 = tpu.memref_squeeze %dma_wait3A_166 : memref<1x128xi32, #tpu.memory_space<vmem>> -> memref<128xi32, #tpu.memory_space<vmem>>
      %dma_wait3A_168 = arith.constant 0 : i32
      %dma_wait3A_169 = arith.constant 0 : i32
      %dma_wait3A_170 = tpu.memref_slice %arg4[%dma_wait3A_168, %dma_wait3A_169] : memref<10000x48xf32, #tpu.memory_space<hbm>> -> memref<10000x48xf32, #tpu.memory_space<hbm>>
      tpu.wait_indirect_dma semaphore(%arg19 : memref<!tpu.dma_semaphore, #tpu.memory_space<semaphore_mem>>) src(%dma_wait3A_170 : memref<10000x48xf32, #tpu.memory_space<hbm>>) dst(%arg10 : memref<128x48xf32, #tpu.memory_space<vmem>>)
      %dma_start3A_171 = arith.constant 0 : i32
      %dma_start3A_172 = tpu.memref_slice %arg8[%add3A_164, %dma_start3A_171] : memref<72x128xi32, #tpu.memory_space<vmem>> -> memref<1x128xi32, #tpu.memory_space<vmem>>
      %dma_start3A_173 = tpu.memref_squeeze %dma_start3A_172 : memref<1x128xi32, #tpu.memory_space<vmem>> -> memref<128xi32, #tpu.memory_space<vmem>>
      %dma_start3A_174 = arith.constant 0 : i32
      %dma_start3A_175 = arith.constant 0 : i32
      %dma_start3A_176 = tpu.memref_slice %arg17[%dma_start3A_174, %dma_start3A_175] : memref<10240x48xf32, #tpu.memory_space<vmem_shared>> -> memref<10240x48xf32, #tpu.memory_space<vmem_shared>>
      tpu.enqueue_indirect_dma source(%arg10 : memref<128x48xf32, #tpu.memory_space<vmem>>) target(%dma_start3A_176 : memref<10240x48xf32, #tpu.memory_space<vmem_shared>>) offsets(%dma_start3A_173 : memref<128xi32, #tpu.memory_space<vmem>>) semaphore(%arg27 : memref<!tpu.dma_semaphore, #tpu.memory_space<semaphore_mem>>) {add = true}
      %add3A_177 = arith.constant 2 : i32
      %add3A_178 = arith.addi %while3A_148, %add3A_177 : i32
      %dma_wait3A_179 = arith.constant 0 : i32
      %dma_wait3A_180 = tpu.memref_slice %arg7[%add3A_178, %dma_wait3A_179] : memref<72x128xi32, #tpu.memory_space<vmem>> -> memref<1x128xi32, #tpu.memory_space<vmem>>
      %dma_wait3A_181 = tpu.memref_squeeze %dma_wait3A_180 : memref<1x128xi32, #tpu.memory_space<vmem>> -> memref<128xi32, #tpu.memory_space<vmem>>
      %dma_wait3A_182 = arith.constant 0 : i32
      %dma_wait3A_183 = arith.constant 0 : i32
      %dma_wait3A_184 = tpu.memref_slice %arg4[%dma_wait3A_182, %dma_wait3A_183] : memref<10000x48xf32, #tpu.memory_space<hbm>> -> memref<10000x48xf32, #tpu.memory_space<hbm>>
      tpu.wait_indirect_dma semaphore(%arg20 : memref<!tpu.dma_semaphore, #tpu.memory_space<semaphore_mem>>) src(%dma_wait3A_184 : memref<10000x48xf32, #tpu.memory_space<hbm>>) dst(%arg11 : memref<128x48xf32, #tpu.memory_space<vmem>>)
      %dma_start3A_185 = arith.constant 0 : i32
      %dma_start3A_186 = tpu.memref_slice %arg8[%add3A_178, %dma_start3A_185] : memref<72x128xi32, #tpu.memory_space<vmem>> -> memref<1x128xi32, #tpu.memory_space<vmem>>
      %dma_start3A_187 = tpu.memref_squeeze %dma_start3A_186 : memref<1x128xi32, #tpu.memory_space<vmem>> -> memref<128xi32, #tpu.memory_space<vmem>>
      %dma_start3A_188 = arith.constant 0 : i32
      %dma_start3A_189 = arith.constant 0 : i32
      %dma_start3A_190 = tpu.memref_slice %arg17[%dma_start3A_188, %dma_start3A_189] : memref<10240x48xf32, #tpu.memory_space<vmem_shared>> -> memref<10240x48xf32, #tpu.memory_space<vmem_shared>>
      tpu.enqueue_indirect_dma source(%arg11 : memref<128x48xf32, #tpu.memory_space<vmem>>) target(%dma_start3A_190 : memref<10240x48xf32, #tpu.memory_space<vmem_shared>>) offsets(%dma_start3A_187 : memref<128xi32, #tpu.memory_space<vmem>>) semaphore(%arg28 : memref<!tpu.dma_semaphore, #tpu.memory_space<semaphore_mem>>) {add = true}
      %add3A_191 = arith.constant 3 : i32
      %add3A_192 = arith.addi %while3A_148, %add3A_191 : i32
      %dma_wait3A_193 = arith.constant 0 : i32
      %dma_wait3A_194 = tpu.memref_slice %arg7[%add3A_192, %dma_wait3A_193] : memref<72x128xi32, #tpu.memory_space<vmem>> -> memref<1x128xi32, #tpu.memory_space<vmem>>
      %dma_wait3A_195 = tpu.memref_squeeze %dma_wait3A_194 : memref<1x128xi32, #tpu.memory_space<vmem>> -> memref<128xi32, #tpu.memory_space<vmem>>
      %dma_wait3A_196 = arith.constant 0 : i32
      %dma_wait3A_197 = arith.constant 0 : i32
      %dma_wait3A_198 = tpu.memref_slice %arg4[%dma_wait3A_196, %dma_wait3A_197] : memref<10000x48xf32, #tpu.memory_space<hbm>> -> memref<10000x48xf32, #tpu.memory_space<hbm>>
      tpu.wait_indirect_dma semaphore(%arg21 : memref<!tpu.dma_semaphore, #tpu.memory_space<semaphore_mem>>) src(%dma_wait3A_198 : memref<10000x48xf32, #tpu.memory_space<hbm>>) dst(%arg12 : memref<128x48xf32, #tpu.memory_space<vmem>>)
      %dma_start3A_199 = arith.constant 0 : i32
      %dma_start3A_200 = tpu.memref_slice %arg8[%add3A_192, %dma_start3A_199] : memref<72x128xi32, #tpu.memory_space<vmem>> -> memref<1x128xi32, #tpu.memory_space<vmem>>
      %dma_start3A_201 = tpu.memref_squeeze %dma_start3A_200 : memref<1x128xi32, #tpu.memory_space<vmem>> -> memref<128xi32, #tpu.memory_space<vmem>>
      %dma_start3A_202 = arith.constant 0 : i32
      %dma_start3A_203 = arith.constant 0 : i32
      %dma_start3A_204 = tpu.memref_slice %arg17[%dma_start3A_202, %dma_start3A_203] : memref<10240x48xf32, #tpu.memory_space<vmem_shared>> -> memref<10240x48xf32, #tpu.memory_space<vmem_shared>>
      tpu.enqueue_indirect_dma source(%arg12 : memref<128x48xf32, #tpu.memory_space<vmem>>) target(%dma_start3A_204 : memref<10240x48xf32, #tpu.memory_space<vmem_shared>>) offsets(%dma_start3A_201 : memref<128xi32, #tpu.memory_space<vmem>>) semaphore(%arg29 : memref<!tpu.dma_semaphore, #tpu.memory_space<semaphore_mem>>) {add = true}
      %add3A_205 = arith.constant 4 : i32
      %add3A_206 = arith.addi %while3A_148, %add3A_205 : i32
      %dma_wait3A_207 = arith.constant 0 : i32
      %dma_wait3A_208 = tpu.memref_slice %arg7[%add3A_206, %dma_wait3A_207] : memref<72x128xi32, #tpu.memory_space<vmem>> -> memref<1x128xi32, #tpu.memory_space<vmem>>
      %dma_wait3A_209 = tpu.memref_squeeze %dma_wait3A_208 : memref<1x128xi32, #tpu.memory_space<vmem>> -> memref<128xi32, #tpu.memory_space<vmem>>
      %dma_wait3A_210 = arith.constant 0 : i32
      %dma_wait3A_211 = arith.constant 0 : i32
      %dma_wait3A_212 = tpu.memref_slice %arg4[%dma_wait3A_210, %dma_wait3A_211] : memref<10000x48xf32, #tpu.memory_space<hbm>> -> memref<10000x48xf32, #tpu.memory_space<hbm>>
      tpu.wait_indirect_dma semaphore(%arg22 : memref<!tpu.dma_semaphore, #tpu.memory_space<semaphore_mem>>) src(%dma_wait3A_212 : memref<10000x48xf32, #tpu.memory_space<hbm>>) dst(%arg13 : memref<128x48xf32, #tpu.memory_space<vmem>>)
      %dma_start3A_213 = arith.constant 0 : i32
      %dma_start3A_214 = tpu.memref_slice %arg8[%add3A_206, %dma_start3A_213] : memref<72x128xi32, #tpu.memory_space<vmem>> -> memref<1x128xi32, #tpu.memory_space<vmem>>
      %dma_start3A_215 = tpu.memref_squeeze %dma_start3A_214 : memref<1x128xi32, #tpu.memory_space<vmem>> -> memref<128xi32, #tpu.memory_space<vmem>>
      %dma_start3A_216 = arith.constant 0 : i32
      %dma_start3A_217 = arith.constant 0 : i32
      %dma_start3A_218 = tpu.memref_slice %arg17[%dma_start3A_216, %dma_start3A_217] : memref<10240x48xf32, #tpu.memory_space<vmem_shared>> -> memref<10240x48xf32, #tpu.memory_space<vmem_shared>>
      tpu.enqueue_indirect_dma source(%arg13 : memref<128x48xf32, #tpu.memory_space<vmem>>) target(%dma_start3A_218 : memref<10240x48xf32, #tpu.memory_space<vmem_shared>>) offsets(%dma_start3A_215 : memref<128xi32, #tpu.memory_space<vmem>>) semaphore(%arg30 : memref<!tpu.dma_semaphore, #tpu.memory_space<semaphore_mem>>) {add = true}
      %add3A_219 = arith.constant 5 : i32
      %add3A_220 = arith.addi %while3A_148, %add3A_219 : i32
      %dma_wait3A_221 = arith.constant 0 : i32
      %dma_wait3A_222 = tpu.memref_slice %arg7[%add3A_220, %dma_wait3A_221] : memref<72x128xi32, #tpu.memory_space<vmem>> -> memref<1x128xi32, #tpu.memory_space<vmem>>
      %dma_wait3A_223 = tpu.memref_squeeze %dma_wait3A_222 : memref<1x128xi32, #tpu.memory_space<vmem>> -> memref<128xi32, #tpu.memory_space<vmem>>
      %dma_wait3A_224 = arith.constant 0 : i32
      %dma_wait3A_225 = arith.constant 0 : i32
      %dma_wait3A_226 = tpu.memref_slice %arg4[%dma_wait3A_224, %dma_wait3A_225] : memref<10000x48xf32, #tpu.memory_space<hbm>> -> memref<10000x48xf32, #tpu.memory_space<hbm>>
      tpu.wait_indirect_dma semaphore(%arg23 : memref<!tpu.dma_semaphore, #tpu.memory_space<semaphore_mem>>) src(%dma_wait3A_226 : memref<10000x48xf32, #tpu.memory_space<hbm>>) dst(%arg14 : memref<128x48xf32, #tpu.memory_space<vmem>>)
      %dma_start3A_227 = arith.constant 0 : i32
      %dma_start3A_228 = tpu.memref_slice %arg8[%add3A_220, %dma_start3A_227] : memref<72x128xi32, #tpu.memory_space<vmem>> -> memref<1x128xi32, #tpu.memory_space<vmem>>
      %dma_start3A_229 = tpu.memref_squeeze %dma_start3A_228 : memref<1x128xi32, #tpu.memory_space<vmem>> -> memref<128xi32, #tpu.memory_space<vmem>>
      %dma_start3A_230 = arith.constant 0 : i32
      %dma_start3A_231 = arith.constant 0 : i32
      %dma_start3A_232 = tpu.memref_slice %arg17[%dma_start3A_230, %dma_start3A_231] : memref<10240x48xf32, #tpu.memory_space<vmem_shared>> -> memref<10240x48xf32, #tpu.memory_space<vmem_shared>>
      tpu.enqueue_indirect_dma source(%arg14 : memref<128x48xf32, #tpu.memory_space<vmem>>) target(%dma_start3A_232 : memref<10240x48xf32, #tpu.memory_space<vmem_shared>>) offsets(%dma_start3A_229 : memref<128xi32, #tpu.memory_space<vmem>>) semaphore(%arg31 : memref<!tpu.dma_semaphore, #tpu.memory_space<semaphore_mem>>) {add = true}
      %add3A_233 = arith.constant 6 : i32
      %add3A_234 = arith.addi %while3A_148, %add3A_233 : i32
      %dma_wait3A_235 = arith.constant 0 : i32
      %dma_wait3A_236 = tpu.memref_slice %arg7[%add3A_234, %dma_wait3A_235] : memref<72x128xi32, #tpu.memory_space<vmem>> -> memref<1x128xi32, #tpu.memory_space<vmem>>
      %dma_wait3A_237 = tpu.memref_squeeze %dma_wait3A_236 : memref<1x128xi32, #tpu.memory_space<vmem>> -> memref<128xi32, #tpu.memory_space<vmem>>
      %dma_wait3A_238 = arith.constant 0 : i32
      %dma_wait3A_239 = arith.constant 0 : i32
      %dma_wait3A_240 = tpu.memref_slice %arg4[%dma_wait3A_238, %dma_wait3A_239] : memref<10000x48xf32, #tpu.memory_space<hbm>> -> memref<10000x48xf32, #tpu.memory_space<hbm>>
      tpu.wait_indirect_dma semaphore(%arg24 : memref<!tpu.dma_semaphore, #tpu.memory_space<semaphore_mem>>) src(%dma_wait3A_240 : memref<10000x48xf32, #tpu.memory_space<hbm>>) dst(%arg15 : memref<128x48xf32, #tpu.memory_space<vmem>>)
      %dma_start3A_241 = arith.constant 0 : i32
      %dma_start3A_242 = tpu.memref_slice %arg8[%add3A_234, %dma_start3A_241] : memref<72x128xi32, #tpu.memory_space<vmem>> -> memref<1x128xi32, #tpu.memory_space<vmem>>
      %dma_start3A_243 = tpu.memref_squeeze %dma_start3A_242 : memref<1x128xi32, #tpu.memory_space<vmem>> -> memref<128xi32, #tpu.memory_space<vmem>>
      %dma_start3A_244 = arith.constant 0 : i32
      %dma_start3A_245 = arith.constant 0 : i32
      %dma_start3A_246 = tpu.memref_slice %arg17[%dma_start3A_244, %dma_start3A_245] : memref<10240x48xf32, #tpu.memory_space<vmem_shared>> -> memref<10240x48xf32, #tpu.memory_space<vmem_shared>>
      tpu.enqueue_indirect_dma source(%arg15 : memref<128x48xf32, #tpu.memory_space<vmem>>) target(%dma_start3A_246 : memref<10240x48xf32, #tpu.memory_space<vmem_shared>>) offsets(%dma_start3A_243 : memref<128xi32, #tpu.memory_space<vmem>>) semaphore(%arg32 : memref<!tpu.dma_semaphore, #tpu.memory_space<semaphore_mem>>) {add = true}
      %add3A_247 = arith.constant 7 : i32
      %add3A_248 = arith.addi %while3A_148, %add3A_247 : i32
      %dma_wait3A_249 = arith.constant 0 : i32
      %dma_wait3A_250 = tpu.memref_slice %arg7[%add3A_248, %dma_wait3A_249] : memref<72x128xi32, #tpu.memory_space<vmem>> -> memref<1x128xi32, #tpu.memory_space<vmem>>
      %dma_wait3A_251 = tpu.memref_squeeze %dma_wait3A_250 : memref<1x128xi32, #tpu.memory_space<vmem>> -> memref<128xi32, #tpu.memory_space<vmem>>
      %dma_wait3A_252 = arith.constant 0 : i32
      %dma_wait3A_253 = arith.constant 0 : i32
      %dma_wait3A_254 = tpu.memref_slice %arg4[%dma_wait3A_252, %dma_wait3A_253] : memref<10000x48xf32, #tpu.memory_space<hbm>> -> memref<10000x48xf32, #tpu.memory_space<hbm>>
      tpu.wait_indirect_dma semaphore(%arg25 : memref<!tpu.dma_semaphore, #tpu.memory_space<semaphore_mem>>) src(%dma_wait3A_254 : memref<10000x48xf32, #tpu.memory_space<hbm>>) dst(%arg16 : memref<128x48xf32, #tpu.memory_space<vmem>>)
      %dma_start3A_255 = arith.constant 0 : i32
      %dma_start3A_256 = tpu.memref_slice %arg8[%add3A_248, %dma_start3A_255] : memref<72x128xi32, #tpu.memory_space<vmem>> -> memref<1x128xi32, #tpu.memory_space<vmem>>
      %dma_start3A_257 = tpu.memref_squeeze %dma_start3A_256 : memref<1x128xi32, #tpu.memory_space<vmem>> -> memref<128xi32, #tpu.memory_space<vmem>>
      %dma_start3A_258 = arith.constant 0 : i32
      %dma_start3A_259 = arith.constant 0 : i32
      %dma_start3A_260 = tpu.memref_slice %arg17[%dma_start3A_258, %dma_start3A_259] : memref<10240x48xf32, #tpu.memory_space<vmem_shared>> -> memref<10240x48xf32, #tpu.memory_space<vmem_shared>>
      tpu.enqueue_indirect_dma source(%arg16 : memref<128x48xf32, #tpu.memory_space<vmem>>) target(%dma_start3A_260 : memref<10240x48xf32, #tpu.memory_space<vmem_shared>>) offsets(%dma_start3A_257 : memref<128xi32, #tpu.memory_space<vmem>>) semaphore(%arg33 : memref<!tpu.dma_semaphore, #tpu.memory_space<semaphore_mem>>) {add = true}
      %add3A_261 = arith.constant 0 : i32
      %add3A_262 = arith.addi %while3A_148, %add3A_261 : i32
      %dma_wait3A_263 = arith.constant 0 : i32
      %dma_wait3A_264 = tpu.memref_slice %arg8[%add3A_262, %dma_wait3A_263] : memref<72x128xi32, #tpu.memory_space<vmem>> -> memref<1x128xi32, #tpu.memory_space<vmem>>
      %dma_wait3A_265 = tpu.memref_squeeze %dma_wait3A_264 : memref<1x128xi32, #tpu.memory_space<vmem>> -> memref<128xi32, #tpu.memory_space<vmem>>
      %dma_wait3A_266 = arith.constant 0 : i32
      %dma_wait3A_267 = arith.constant 0 : i32
      %dma_wait3A_268 = tpu.memref_slice %arg17[%dma_wait3A_266, %dma_wait3A_267] : memref<10240x48xf32, #tpu.memory_space<vmem_shared>> -> memref<10240x48xf32, #tpu.memory_space<vmem_shared>>
      tpu.wait_indirect_dma semaphore(%arg26 : memref<!tpu.dma_semaphore, #tpu.memory_space<semaphore_mem>>) src(%arg9 : memref<128x48xf32, #tpu.memory_space<vmem>>) dst(%dma_wait3A_268 : memref<10240x48xf32, #tpu.memory_space<vmem_shared>>)
      %add3A_269 = arith.constant 8 : i32
      %add3A_270 = arith.addi %add3A_262, %add3A_269 : i32
      %dma_start3A_271 = arith.constant 0 : i32
      %dma_start3A_272 = tpu.memref_slice %arg7[%add3A_270, %dma_start3A_271] : memref<72x128xi32, #tpu.memory_space<vmem>> -> memref<1x128xi32, #tpu.memory_space<vmem>>
      %dma_start3A_273 = tpu.memref_squeeze %dma_start3A_272 : memref<1x128xi32, #tpu.memory_space<vmem>> -> memref<128xi32, #tpu.memory_space<vmem>>
      %dma_start3A_274 = arith.constant 0 : i32
      %dma_start3A_275 = arith.constant 0 : i32
      %dma_start3A_276 = tpu.memref_slice %arg4[%dma_start3A_274, %dma_start3A_275] : memref<10000x48xf32, #tpu.memory_space<hbm>> -> memref<10000x48xf32, #tpu.memory_space<hbm>>
      tpu.enqueue_indirect_dma source(%dma_start3A_276 : memref<10000x48xf32, #tpu.memory_space<hbm>>) target(%arg9 : memref<128x48xf32, #tpu.memory_space<vmem>>) offsets(%dma_start3A_273 : memref<128xi32, #tpu.memory_space<vmem>>) semaphore(%arg18 : memref<!tpu.dma_semaphore, #tpu.memory_space<semaphore_mem>>)
      %add3A_277 = arith.constant 1 : i32
      %add3A_278 = arith.addi %while3A_148, %add3A_277 : i32
      %dma_wait3A_279 = arith.constant 0 : i32
      %dma_wait3A_280 = tpu.memref_slice %arg8[%add3A_278, %dma_wait3A_279] : memref<72x128xi32, #tpu.memory_space<vmem>> -> memref<1x128xi32, #tpu.memory_space<vmem>>
      %dma_wait3A_281 = tpu.memref_squeeze %dma_wait3A_280 : memref<1x128xi32, #tpu.memory_space<vmem>> -> memref<128xi32, #tpu.memory_space<vmem>>
      %dma_wait3A_282 = arith.constant 0 : i32
      %dma_wait3A_283 = arith.constant 0 : i32
      %dma_wait3A_284 = tpu.memref_slice %arg17[%dma_wait3A_282, %dma_wait3A_283] : memref<10240x48xf32, #tpu.memory_space<vmem_shared>> -> memref<10240x48xf32, #tpu.memory_space<vmem_shared>>
      tpu.wait_indirect_dma semaphore(%arg27 : memref<!tpu.dma_semaphore, #tpu.memory_space<semaphore_mem>>) src(%arg10 : memref<128x48xf32, #tpu.memory_space<vmem>>) dst(%dma_wait3A_284 : memref<10240x48xf32, #tpu.memory_space<vmem_shared>>)
      %add3A_285 = arith.constant 8 : i32
      %add3A_286 = arith.addi %add3A_278, %add3A_285 : i32
      %dma_start3A_287 = arith.constant 0 : i32
      %dma_start3A_288 = tpu.memref_slice %arg7[%add3A_286, %dma_start3A_287] : memref<72x128xi32, #tpu.memory_space<vmem>> -> memref<1x128xi32, #tpu.memory_space<vmem>>
      %dma_start3A_289 = tpu.memref_squeeze %dma_start3A_288 : memref<1x128xi32, #tpu.memory_space<vmem>> -> memref<128xi32, #tpu.memory_space<vmem>>
      %dma_start3A_290 = arith.constant 0 : i32
      %dma_start3A_291 = arith.constant 0 : i32
      %dma_start3A_292 = tpu.memref_slice %arg4[%dma_start3A_290, %dma_start3A_291] : memref<10000x48xf32, #tpu.memory_space<hbm>> -> memref<10000x48xf32, #tpu.memory_space<hbm>>
      tpu.enqueue_indirect_dma source(%dma_start3A_292 : memref<10000x48xf32, #tpu.memory_space<hbm>>) target(%arg10 : memref<128x48xf32, #tpu.memory_space<vmem>>) offsets(%dma_start3A_289 : memref<128xi32, #tpu.memory_space<vmem>>) semaphore(%arg19 : memref<!tpu.dma_semaphore, #tpu.memory_space<semaphore_mem>>)
      %add3A_293 = arith.constant 2 : i32
      %add3A_294 = arith.addi %while3A_148, %add3A_293 : i32
      %dma_wait3A_295 = arith.constant 0 : i32
      %dma_wait3A_296 = tpu.memref_slice %arg8[%add3A_294, %dma_wait3A_295] : memref<72x128xi32, #tpu.memory_space<vmem>> -> memref<1x128xi32, #tpu.memory_space<vmem>>
      %dma_wait3A_297 = tpu.memref_squeeze %dma_wait3A_296 : memref<1x128xi32, #tpu.memory_space<vmem>> -> memref<128xi32, #tpu.memory_space<vmem>>
      %dma_wait3A_298 = arith.constant 0 : i32
      %dma_wait3A_299 = arith.constant 0 : i32
      %dma_wait3A_300 = tpu.memref_slice %arg17[%dma_wait3A_298, %dma_wait3A_299] : memref<10240x48xf32, #tpu.memory_space<vmem_shared>> -> memref<10240x48xf32, #tpu.memory_space<vmem_shared>>
      tpu.wait_indirect_dma semaphore(%arg28 : memref<!tpu.dma_semaphore, #tpu.memory_space<semaphore_mem>>) src(%arg11 : memref<128x48xf32, #tpu.memory_space<vmem>>) dst(%dma_wait3A_300 : memref<10240x48xf32, #tpu.memory_space<vmem_shared>>)
      %add3A_301 = arith.constant 8 : i32
      %add3A_302 = arith.addi %add3A_294, %add3A_301 : i32
      %dma_start3A_303 = arith.constant 0 : i32
      %dma_start3A_304 = tpu.memref_slice %arg7[%add3A_302, %dma_start3A_303] : memref<72x128xi32, #tpu.memory_space<vmem>> -> memref<1x128xi32, #tpu.memory_space<vmem>>
      %dma_start3A_305 = tpu.memref_squeeze %dma_start3A_304 : memref<1x128xi32, #tpu.memory_space<vmem>> -> memref<128xi32, #tpu.memory_space<vmem>>
      %dma_start3A_306 = arith.constant 0 : i32
      %dma_start3A_307 = arith.constant 0 : i32
      %dma_start3A_308 = tpu.memref_slice %arg4[%dma_start3A_306, %dma_start3A_307] : memref<10000x48xf32, #tpu.memory_space<hbm>> -> memref<10000x48xf32, #tpu.memory_space<hbm>>
      tpu.enqueue_indirect_dma source(%dma_start3A_308 : memref<10000x48xf32, #tpu.memory_space<hbm>>) target(%arg11 : memref<128x48xf32, #tpu.memory_space<vmem>>) offsets(%dma_start3A_305 : memref<128xi32, #tpu.memory_space<vmem>>) semaphore(%arg20 : memref<!tpu.dma_semaphore, #tpu.memory_space<semaphore_mem>>)
      %add3A_309 = arith.constant 3 : i32
      %add3A_310 = arith.addi %while3A_148, %add3A_309 : i32
      %dma_wait3A_311 = arith.constant 0 : i32
      %dma_wait3A_312 = tpu.memref_slice %arg8[%add3A_310, %dma_wait3A_311] : memref<72x128xi32, #tpu.memory_space<vmem>> -> memref<1x128xi32, #tpu.memory_space<vmem>>
      %dma_wait3A_313 = tpu.memref_squeeze %dma_wait3A_312 : memref<1x128xi32, #tpu.memory_space<vmem>> -> memref<128xi32, #tpu.memory_space<vmem>>
      %dma_wait3A_314 = arith.constant 0 : i32
      %dma_wait3A_315 = arith.constant 0 : i32
      %dma_wait3A_316 = tpu.memref_slice %arg17[%dma_wait3A_314, %dma_wait3A_315] : memref<10240x48xf32, #tpu.memory_space<vmem_shared>> -> memref<10240x48xf32, #tpu.memory_space<vmem_shared>>
      tpu.wait_indirect_dma semaphore(%arg29 : memref<!tpu.dma_semaphore, #tpu.memory_space<semaphore_mem>>) src(%arg12 : memref<128x48xf32, #tpu.memory_space<vmem>>) dst(%dma_wait3A_316 : memref<10240x48xf32, #tpu.memory_space<vmem_shared>>)
      %add3A_317 = arith.constant 8 : i32
      %add3A_318 = arith.addi %add3A_310, %add3A_317 : i32
      %dma_start3A_319 = arith.constant 0 : i32
      %dma_start3A_320 = tpu.memref_slice %arg7[%add3A_318, %dma_start3A_319] : memref<72x128xi32, #tpu.memory_space<vmem>> -> memref<1x128xi32, #tpu.memory_space<vmem>>
      %dma_start3A_321 = tpu.memref_squeeze %dma_start3A_320 : memref<1x128xi32, #tpu.memory_space<vmem>> -> memref<128xi32, #tpu.memory_space<vmem>>
      %dma_start3A_322 = arith.constant 0 : i32
      %dma_start3A_323 = arith.constant 0 : i32
      %dma_start3A_324 = tpu.memref_slice %arg4[%dma_start3A_322, %dma_start3A_323] : memref<10000x48xf32, #tpu.memory_space<hbm>> -> memref<10000x48xf32, #tpu.memory_space<hbm>>
      tpu.enqueue_indirect_dma source(%dma_start3A_324 : memref<10000x48xf32, #tpu.memory_space<hbm>>) target(%arg12 : memref<128x48xf32, #tpu.memory_space<vmem>>) offsets(%dma_start3A_321 : memref<128xi32, #tpu.memory_space<vmem>>) semaphore(%arg21 : memref<!tpu.dma_semaphore, #tpu.memory_space<semaphore_mem>>)
      %add3A_325 = arith.constant 4 : i32
      %add3A_326 = arith.addi %while3A_148, %add3A_325 : i32
      %dma_wait3A_327 = arith.constant 0 : i32
      %dma_wait3A_328 = tpu.memref_slice %arg8[%add3A_326, %dma_wait3A_327] : memref<72x128xi32, #tpu.memory_space<vmem>> -> memref<1x128xi32, #tpu.memory_space<vmem>>
      %dma_wait3A_329 = tpu.memref_squeeze %dma_wait3A_328 : memref<1x128xi32, #tpu.memory_space<vmem>> -> memref<128xi32, #tpu.memory_space<vmem>>
      %dma_wait3A_330 = arith.constant 0 : i32
      %dma_wait3A_331 = arith.constant 0 : i32
      %dma_wait3A_332 = tpu.memref_slice %arg17[%dma_wait3A_330, %dma_wait3A_331] : memref<10240x48xf32, #tpu.memory_space<vmem_shared>> -> memref<10240x48xf32, #tpu.memory_space<vmem_shared>>
      tpu.wait_indirect_dma semaphore(%arg30 : memref<!tpu.dma_semaphore, #tpu.memory_space<semaphore_mem>>) src(%arg13 : memref<128x48xf32, #tpu.memory_space<vmem>>) dst(%dma_wait3A_332 : memref<10240x48xf32, #tpu.memory_space<vmem_shared>>)
      %add3A_333 = arith.constant 8 : i32
      %add3A_334 = arith.addi %add3A_326, %add3A_333 : i32
      %dma_start3A_335 = arith.constant 0 : i32
      %dma_start3A_336 = tpu.memref_slice %arg7[%add3A_334, %dma_start3A_335] : memref<72x128xi32, #tpu.memory_space<vmem>> -> memref<1x128xi32, #tpu.memory_space<vmem>>
      %dma_start3A_337 = tpu.memref_squeeze %dma_start3A_336 : memref<1x128xi32, #tpu.memory_space<vmem>> -> memref<128xi32, #tpu.memory_space<vmem>>
      %dma_start3A_338 = arith.constant 0 : i32
      %dma_start3A_339 = arith.constant 0 : i32
      %dma_start3A_340 = tpu.memref_slice %arg4[%dma_start3A_338, %dma_start3A_339] : memref<10000x48xf32, #tpu.memory_space<hbm>> -> memref<10000x48xf32, #tpu.memory_space<hbm>>
      tpu.enqueue_indirect_dma source(%dma_start3A_340 : memref<10000x48xf32, #tpu.memory_space<hbm>>) target(%arg13 : memref<128x48xf32, #tpu.memory_space<vmem>>) offsets(%dma_start3A_337 : memref<128xi32, #tpu.memory_space<vmem>>) semaphore(%arg22 : memref<!tpu.dma_semaphore, #tpu.memory_space<semaphore_mem>>)
      %add3A_341 = arith.constant 5 : i32
      %add3A_342 = arith.addi %while3A_148, %add3A_341 : i32
      %dma_wait3A_343 = arith.constant 0 : i32
      %dma_wait3A_344 = tpu.memref_slice %arg8[%add3A_342, %dma_wait3A_343] : memref<72x128xi32, #tpu.memory_space<vmem>> -> memref<1x128xi32, #tpu.memory_space<vmem>>
      %dma_wait3A_345 = tpu.memref_squeeze %dma_wait3A_344 : memref<1x128xi32, #tpu.memory_space<vmem>> -> memref<128xi32, #tpu.memory_space<vmem>>
      %dma_wait3A_346 = arith.constant 0 : i32
      %dma_wait3A_347 = arith.constant 0 : i32
      %dma_wait3A_348 = tpu.memref_slice %arg17[%dma_wait3A_346, %dma_wait3A_347] : memref<10240x48xf32, #tpu.memory_space<vmem_shared>> -> memref<10240x48xf32, #tpu.memory_space<vmem_shared>>
      tpu.wait_indirect_dma semaphore(%arg31 : memref<!tpu.dma_semaphore, #tpu.memory_space<semaphore_mem>>) src(%arg14 : memref<128x48xf32, #tpu.memory_space<vmem>>) dst(%dma_wait3A_348 : memref<10240x48xf32, #tpu.memory_space<vmem_shared>>)
      %add3A_349 = arith.constant 8 : i32
      %add3A_350 = arith.addi %add3A_342, %add3A_349 : i32
      %dma_start3A_351 = arith.constant 0 : i32
      %dma_start3A_352 = tpu.memref_slice %arg7[%add3A_350, %dma_start3A_351] : memref<72x128xi32, #tpu.memory_space<vmem>> -> memref<1x128xi32, #tpu.memory_space<vmem>>
      %dma_start3A_353 = tpu.memref_squeeze %dma_start3A_352 : memref<1x128xi32, #tpu.memory_space<vmem>> -> memref<128xi32, #tpu.memory_space<vmem>>
      %dma_start3A_354 = arith.constant 0 : i32
      %dma_start3A_355 = arith.constant 0 : i32
      %dma_start3A_356 = tpu.memref_slice %arg4[%dma_start3A_354, %dma_start3A_355] : memref<10000x48xf32, #tpu.memory_space<hbm>> -> memref<10000x48xf32, #tpu.memory_space<hbm>>
      tpu.enqueue_indirect_dma source(%dma_start3A_356 : memref<10000x48xf32, #tpu.memory_space<hbm>>) target(%arg14 : memref<128x48xf32, #tpu.memory_space<vmem>>) offsets(%dma_start3A_353 : memref<128xi32, #tpu.memory_space<vmem>>) semaphore(%arg23 : memref<!tpu.dma_semaphore, #tpu.memory_space<semaphore_mem>>)
      %add3A_357 = arith.constant 6 : i32
      %add3A_358 = arith.addi %while3A_148, %add3A_357 : i32
      %dma_wait3A_359 = arith.constant 0 : i32
      %dma_wait3A_360 = tpu.memref_slice %arg8[%add3A_358, %dma_wait3A_359] : memref<72x128xi32, #tpu.memory_space<vmem>> -> memref<1x128xi32, #tpu.memory_space<vmem>>
      %dma_wait3A_361 = tpu.memref_squeeze %dma_wait3A_360 : memref<1x128xi32, #tpu.memory_space<vmem>> -> memref<128xi32, #tpu.memory_space<vmem>>
      %dma_wait3A_362 = arith.constant 0 : i32
      %dma_wait3A_363 = arith.constant 0 : i32
      %dma_wait3A_364 = tpu.memref_slice %arg17[%dma_wait3A_362, %dma_wait3A_363] : memref<10240x48xf32, #tpu.memory_space<vmem_shared>> -> memref<10240x48xf32, #tpu.memory_space<vmem_shared>>
      tpu.wait_indirect_dma semaphore(%arg32 : memref<!tpu.dma_semaphore, #tpu.memory_space<semaphore_mem>>) src(%arg15 : memref<128x48xf32, #tpu.memory_space<vmem>>) dst(%dma_wait3A_364 : memref<10240x48xf32, #tpu.memory_space<vmem_shared>>)
      %add3A_365 = arith.constant 8 : i32
      %add3A_366 = arith.addi %add3A_358, %add3A_365 : i32
      %dma_start3A_367 = arith.constant 0 : i32
      %dma_start3A_368 = tpu.memref_slice %arg7[%add3A_366, %dma_start3A_367] : memref<72x128xi32, #tpu.memory_space<vmem>> -> memref<1x128xi32, #tpu.memory_space<vmem>>
      %dma_start3A_369 = tpu.memref_squeeze %dma_start3A_368 : memref<1x128xi32, #tpu.memory_space<vmem>> -> memref<128xi32, #tpu.memory_space<vmem>>
      %dma_start3A_370 = arith.constant 0 : i32
      %dma_start3A_371 = arith.constant 0 : i32
      %dma_start3A_372 = tpu.memref_slice %arg4[%dma_start3A_370, %dma_start3A_371] : memref<10000x48xf32, #tpu.memory_space<hbm>> -> memref<10000x48xf32, #tpu.memory_space<hbm>>
      tpu.enqueue_indirect_dma source(%dma_start3A_372 : memref<10000x48xf32, #tpu.memory_space<hbm>>) target(%arg15 : memref<128x48xf32, #tpu.memory_space<vmem>>) offsets(%dma_start3A_369 : memref<128xi32, #tpu.memory_space<vmem>>) semaphore(%arg24 : memref<!tpu.dma_semaphore, #tpu.memory_space<semaphore_mem>>)
      %add3A_373 = arith.constant 7 : i32
      %add3A_374 = arith.addi %while3A_148, %add3A_373 : i32
      %dma_wait3A_375 = arith.constant 0 : i32
      %dma_wait3A_376 = tpu.memref_slice %arg8[%add3A_374, %dma_wait3A_375] : memref<72x128xi32, #tpu.memory_space<vmem>> -> memref<1x128xi32, #tpu.memory_space<vmem>>
      %dma_wait3A_377 = tpu.memref_squeeze %dma_wait3A_376 : memref<1x128xi32, #tpu.memory_space<vmem>> -> memref<128xi32, #tpu.memory_space<vmem>>
      %dma_wait3A_378 = arith.constant 0 : i32
      %dma_wait3A_379 = arith.constant 0 : i32
      %dma_wait3A_380 = tpu.memref_slice %arg17[%dma_wait3A_378, %dma_wait3A_379] : memref<10240x48xf32, #tpu.memory_space<vmem_shared>> -> memref<10240x48xf32, #tpu.memory_space<vmem_shared>>
      tpu.wait_indirect_dma semaphore(%arg33 : memref<!tpu.dma_semaphore, #tpu.memory_space<semaphore_mem>>) src(%arg16 : memref<128x48xf32, #tpu.memory_space<vmem>>) dst(%dma_wait3A_380 : memref<10240x48xf32, #tpu.memory_space<vmem_shared>>)
      %add3A_381 = arith.constant 8 : i32
      %add3A_382 = arith.addi %add3A_374, %add3A_381 : i32
      %dma_start3A_383 = arith.constant 0 : i32
      %dma_start3A_384 = tpu.memref_slice %arg7[%add3A_382, %dma_start3A_383] : memref<72x128xi32, #tpu.memory_space<vmem>> -> memref<1x128xi32, #tpu.memory_space<vmem>>
      %dma_start3A_385 = tpu.memref_squeeze %dma_start3A_384 : memref<1x128xi32, #tpu.memory_space<vmem>> -> memref<128xi32, #tpu.memory_space<vmem>>
      %dma_start3A_386 = arith.constant 0 : i32
      %dma_start3A_387 = arith.constant 0 : i32
      %dma_start3A_388 = tpu.memref_slice %arg4[%dma_start3A_386, %dma_start3A_387] : memref<10000x48xf32, #tpu.memory_space<hbm>> -> memref<10000x48xf32, #tpu.memory_space<hbm>>
      tpu.enqueue_indirect_dma source(%dma_start3A_388 : memref<10000x48xf32, #tpu.memory_space<hbm>>) target(%arg16 : memref<128x48xf32, #tpu.memory_space<vmem>>) offsets(%dma_start3A_385 : memref<128xi32, #tpu.memory_space<vmem>>) semaphore(%arg25 : memref<!tpu.dma_semaphore, #tpu.memory_space<semaphore_mem>>)
      %add3A_389 = arith.constant 8 : i32
      %add3A_390 = arith.addi %while3A_148, %add3A_389 : i32
      scf.yield %add3A_390 : i32
    }
    %while3A_77 = arith.constant 1 : i32
    %while3A_78 = scf.for %while3A_147 = %while3A_74 to %while3A_70 step %while3A_77 iter_args(%while3A_148 = %while3A_76) -> (i32)  : i32 {
      %add3A_149 = arith.constant 0 : i32
      %add3A_150 = arith.addi %while3A_148, %add3A_149 : i32
      %dma_wait3A_151 = arith.constant 0 : i32
      %dma_wait3A_152 = tpu.memref_slice %arg7[%add3A_150, %dma_wait3A_151] : memref<72x128xi32, #tpu.memory_space<vmem>> -> memref<1x128xi32, #tpu.memory_space<vmem>>
      %dma_wait3A_153 = tpu.memref_squeeze %dma_wait3A_152 : memref<1x128xi32, #tpu.memory_space<vmem>> -> memref<128xi32, #tpu.memory_space<vmem>>
      %dma_wait3A_154 = arith.constant 0 : i32
      %dma_wait3A_155 = arith.constant 0 : i32
      %dma_wait3A_156 = tpu.memref_slice %arg4[%dma_wait3A_154, %dma_wait3A_155] : memref<10000x48xf32, #tpu.memory_space<hbm>> -> memref<10000x48xf32, #tpu.memory_space<hbm>>
      tpu.wait_indirect_dma semaphore(%arg18 : memref<!tpu.dma_semaphore, #tpu.memory_space<semaphore_mem>>) src(%dma_wait3A_156 : memref<10000x48xf32, #tpu.memory_space<hbm>>) dst(%arg9 : memref<128x48xf32, #tpu.memory_space<vmem>>)
      %dma_start3A_157 = arith.constant 0 : i32
      %dma_start3A_158 = tpu.memref_slice %arg8[%add3A_150, %dma_start3A_157] : memref<72x128xi32, #tpu.memory_space<vmem>> -> memref<1x128xi32, #tpu.memory_space<vmem>>
      %dma_start3A_159 = tpu.memref_squeeze %dma_start3A_158 : memref<1x128xi32, #tpu.memory_space<vmem>> -> memref<128xi32, #tpu.memory_space<vmem>>
      %dma_start3A_160 = arith.constant 0 : i32
      %dma_start3A_161 = arith.constant 0 : i32
      %dma_start3A_162 = tpu.memref_slice %arg17[%dma_start3A_160, %dma_start3A_161] : memref<10240x48xf32, #tpu.memory_space<vmem_shared>> -> memref<10240x48xf32, #tpu.memory_space<vmem_shared>>
      tpu.enqueue_indirect_dma source(%arg9 : memref<128x48xf32, #tpu.memory_space<vmem>>) target(%dma_start3A_162 : memref<10240x48xf32, #tpu.memory_space<vmem_shared>>) offsets(%dma_start3A_159 : memref<128xi32, #tpu.memory_space<vmem>>) semaphore(%arg26 : memref<!tpu.dma_semaphore, #tpu.memory_space<semaphore_mem>>) {add = true}
      %add3A_163 = arith.constant 1 : i32
      %add3A_164 = arith.addi %while3A_148, %add3A_163 : i32
      %dma_wait3A_165 = arith.constant 0 : i32
      %dma_wait3A_166 = tpu.memref_slice %arg7[%add3A_164, %dma_wait3A_165] : memref<72x128xi32, #tpu.memory_space<vmem>> -> memref<1x128xi32, #tpu.memory_space<vmem>>
      %dma_wait3A_167 = tpu.memref_squeeze %dma_wait3A_166 : memref<1x128xi32, #tpu.memory_space<vmem>> -> memref<128xi32, #tpu.memory_space<vmem>>
      %dma_wait3A_168 = arith.constant 0 : i32
      %dma_wait3A_169 = arith.constant 0 : i32
      %dma_wait3A_170 = tpu.memref_slice %arg4[%dma_wait3A_168, %dma_wait3A_169] : memref<10000x48xf32, #tpu.memory_space<hbm>> -> memref<10000x48xf32, #tpu.memory_space<hbm>>
      tpu.wait_indirect_dma semaphore(%arg19 : memref<!tpu.dma_semaphore, #tpu.memory_space<semaphore_mem>>) src(%dma_wait3A_170 : memref<10000x48xf32, #tpu.memory_space<hbm>>) dst(%arg10 : memref<128x48xf32, #tpu.memory_space<vmem>>)
      %dma_start3A_171 = arith.constant 0 : i32
      %dma_start3A_172 = tpu.memref_slice %arg8[%add3A_164, %dma_start3A_171] : memref<72x128xi32, #tpu.memory_space<vmem>> -> memref<1x128xi32, #tpu.memory_space<vmem>>
      %dma_start3A_173 = tpu.memref_squeeze %dma_start3A_172 : memref<1x128xi32, #tpu.memory_space<vmem>> -> memref<128xi32, #tpu.memory_space<vmem>>
      %dma_start3A_174 = arith.constant 0 : i32
      %dma_start3A_175 = arith.constant 0 : i32
      %dma_start3A_176 = tpu.memref_slice %arg17[%dma_start3A_174, %dma_start3A_175] : memref<10240x48xf32, #tpu.memory_space<vmem_shared>> -> memref<10240x48xf32, #tpu.memory_space<vmem_shared>>
      tpu.enqueue_indirect_dma source(%arg10 : memref<128x48xf32, #tpu.memory_space<vmem>>) target(%dma_start3A_176 : memref<10240x48xf32, #tpu.memory_space<vmem_shared>>) offsets(%dma_start3A_173 : memref<128xi32, #tpu.memory_space<vmem>>) semaphore(%arg27 : memref<!tpu.dma_semaphore, #tpu.memory_space<semaphore_mem>>) {add = true}
      %add3A_177 = arith.constant 2 : i32
      %add3A_178 = arith.addi %while3A_148, %add3A_177 : i32
      %dma_wait3A_179 = arith.constant 0 : i32
      %dma_wait3A_180 = tpu.memref_slice %arg7[%add3A_178, %dma_wait3A_179] : memref<72x128xi32, #tpu.memory_space<vmem>> -> memref<1x128xi32, #tpu.memory_space<vmem>>
      %dma_wait3A_181 = tpu.memref_squeeze %dma_wait3A_180 : memref<1x128xi32, #tpu.memory_space<vmem>> -> memref<128xi32, #tpu.memory_space<vmem>>
      %dma_wait3A_182 = arith.constant 0 : i32
      %dma_wait3A_183 = arith.constant 0 : i32
      %dma_wait3A_184 = tpu.memref_slice %arg4[%dma_wait3A_182, %dma_wait3A_183] : memref<10000x48xf32, #tpu.memory_space<hbm>> -> memref<10000x48xf32, #tpu.memory_space<hbm>>
      tpu.wait_indirect_dma semaphore(%arg20 : memref<!tpu.dma_semaphore, #tpu.memory_space<semaphore_mem>>) src(%dma_wait3A_184 : memref<10000x48xf32, #tpu.memory_space<hbm>>) dst(%arg11 : memref<128x48xf32, #tpu.memory_space<vmem>>)
      %dma_start3A_185 = arith.constant 0 : i32
      %dma_start3A_186 = tpu.memref_slice %arg8[%add3A_178, %dma_start3A_185] : memref<72x128xi32, #tpu.memory_space<vmem>> -> memref<1x128xi32, #tpu.memory_space<vmem>>
      %dma_start3A_187 = tpu.memref_squeeze %dma_start3A_186 : memref<1x128xi32, #tpu.memory_space<vmem>> -> memref<128xi32, #tpu.memory_space<vmem>>
      %dma_start3A_188 = arith.constant 0 : i32
      %dma_start3A_189 = arith.constant 0 : i32
      %dma_start3A_190 = tpu.memref_slice %arg17[%dma_start3A_188, %dma_start3A_189] : memref<10240x48xf32, #tpu.memory_space<vmem_shared>> -> memref<10240x48xf32, #tpu.memory_space<vmem_shared>>
      tpu.enqueue_indirect_dma source(%arg11 : memref<128x48xf32, #tpu.memory_space<vmem>>) target(%dma_start3A_190 : memref<10240x48xf32, #tpu.memory_space<vmem_shared>>) offsets(%dma_start3A_187 : memref<128xi32, #tpu.memory_space<vmem>>) semaphore(%arg28 : memref<!tpu.dma_semaphore, #tpu.memory_space<semaphore_mem>>) {add = true}
      %add3A_191 = arith.constant 3 : i32
      %add3A_192 = arith.addi %while3A_148, %add3A_191 : i32
      %dma_wait3A_193 = arith.constant 0 : i32
      %dma_wait3A_194 = tpu.memref_slice %arg7[%add3A_192, %dma_wait3A_193] : memref<72x128xi32, #tpu.memory_space<vmem>> -> memref<1x128xi32, #tpu.memory_space<vmem>>
      %dma_wait3A_195 = tpu.memref_squeeze %dma_wait3A_194 : memref<1x128xi32, #tpu.memory_space<vmem>> -> memref<128xi32, #tpu.memory_space<vmem>>
      %dma_wait3A_196 = arith.constant 0 : i32
      %dma_wait3A_197 = arith.constant 0 : i32
      %dma_wait3A_198 = tpu.memref_slice %arg4[%dma_wait3A_196, %dma_wait3A_197] : memref<10000x48xf32, #tpu.memory_space<hbm>> -> memref<10000x48xf32, #tpu.memory_space<hbm>>
      tpu.wait_indirect_dma semaphore(%arg21 : memref<!tpu.dma_semaphore, #tpu.memory_space<semaphore_mem>>) src(%dma_wait3A_198 : memref<10000x48xf32, #tpu.memory_space<hbm>>) dst(%arg12 : memref<128x48xf32, #tpu.memory_space<vmem>>)
      %dma_start3A_199 = arith.constant 0 : i32
      %dma_start3A_200 = tpu.memref_slice %arg8[%add3A_192, %dma_start3A_199] : memref<72x128xi32, #tpu.memory_space<vmem>> -> memref<1x128xi32, #tpu.memory_space<vmem>>
      %dma_start3A_201 = tpu.memref_squeeze %dma_start3A_200 : memref<1x128xi32, #tpu.memory_space<vmem>> -> memref<128xi32, #tpu.memory_space<vmem>>
      %dma_start3A_202 = arith.constant 0 : i32
      %dma_start3A_203 = arith.constant 0 : i32
      %dma_start3A_204 = tpu.memref_slice %arg17[%dma_start3A_202, %dma_start3A_203] : memref<10240x48xf32, #tpu.memory_space<vmem_shared>> -> memref<10240x48xf32, #tpu.memory_space<vmem_shared>>
      tpu.enqueue_indirect_dma source(%arg12 : memref<128x48xf32, #tpu.memory_space<vmem>>) target(%dma_start3A_204 : memref<10240x48xf32, #tpu.memory_space<vmem_shared>>) offsets(%dma_start3A_201 : memref<128xi32, #tpu.memory_space<vmem>>) semaphore(%arg29 : memref<!tpu.dma_semaphore, #tpu.memory_space<semaphore_mem>>) {add = true}
      %add3A_205 = arith.constant 4 : i32
      %add3A_206 = arith.addi %while3A_148, %add3A_205 : i32
      %dma_wait3A_207 = arith.constant 0 : i32
      %dma_wait3A_208 = tpu.memref_slice %arg7[%add3A_206, %dma_wait3A_207] : memref<72x128xi32, #tpu.memory_space<vmem>> -> memref<1x128xi32, #tpu.memory_space<vmem>>
      %dma_wait3A_209 = tpu.memref_squeeze %dma_wait3A_208 : memref<1x128xi32, #tpu.memory_space<vmem>> -> memref<128xi32, #tpu.memory_space<vmem>>
      %dma_wait3A_210 = arith.constant 0 : i32
      %dma_wait3A_211 = arith.constant 0 : i32
      %dma_wait3A_212 = tpu.memref_slice %arg4[%dma_wait3A_210, %dma_wait3A_211] : memref<10000x48xf32, #tpu.memory_space<hbm>> -> memref<10000x48xf32, #tpu.memory_space<hbm>>
      tpu.wait_indirect_dma semaphore(%arg22 : memref<!tpu.dma_semaphore, #tpu.memory_space<semaphore_mem>>) src(%dma_wait3A_212 : memref<10000x48xf32, #tpu.memory_space<hbm>>) dst(%arg13 : memref<128x48xf32, #tpu.memory_space<vmem>>)
      %dma_start3A_213 = arith.constant 0 : i32
      %dma_start3A_214 = tpu.memref_slice %arg8[%add3A_206, %dma_start3A_213] : memref<72x128xi32, #tpu.memory_space<vmem>> -> memref<1x128xi32, #tpu.memory_space<vmem>>
      %dma_start3A_215 = tpu.memref_squeeze %dma_start3A_214 : memref<1x128xi32, #tpu.memory_space<vmem>> -> memref<128xi32, #tpu.memory_space<vmem>>
      %dma_start3A_216 = arith.constant 0 : i32
      %dma_start3A_217 = arith.constant 0 : i32
      %dma_start3A_218 = tpu.memref_slice %arg17[%dma_start3A_216, %dma_start3A_217] : memref<10240x48xf32, #tpu.memory_space<vmem_shared>> -> memref<10240x48xf32, #tpu.memory_space<vmem_shared>>
      tpu.enqueue_indirect_dma source(%arg13 : memref<128x48xf32, #tpu.memory_space<vmem>>) target(%dma_start3A_218 : memref<10240x48xf32, #tpu.memory_space<vmem_shared>>) offsets(%dma_start3A_215 : memref<128xi32, #tpu.memory_space<vmem>>) semaphore(%arg30 : memref<!tpu.dma_semaphore, #tpu.memory_space<semaphore_mem>>) {add = true}
      %add3A_219 = arith.constant 5 : i32
      %add3A_220 = arith.addi %while3A_148, %add3A_219 : i32
      %dma_wait3A_221 = arith.constant 0 : i32
      %dma_wait3A_222 = tpu.memref_slice %arg7[%add3A_220, %dma_wait3A_221] : memref<72x128xi32, #tpu.memory_space<vmem>> -> memref<1x128xi32, #tpu.memory_space<vmem>>
      %dma_wait3A_223 = tpu.memref_squeeze %dma_wait3A_222 : memref<1x128xi32, #tpu.memory_space<vmem>> -> memref<128xi32, #tpu.memory_space<vmem>>
      %dma_wait3A_224 = arith.constant 0 : i32
      %dma_wait3A_225 = arith.constant 0 : i32
      %dma_wait3A_226 = tpu.memref_slice %arg4[%dma_wait3A_224, %dma_wait3A_225] : memref<10000x48xf32, #tpu.memory_space<hbm>> -> memref<10000x48xf32, #tpu.memory_space<hbm>>
      tpu.wait_indirect_dma semaphore(%arg23 : memref<!tpu.dma_semaphore, #tpu.memory_space<semaphore_mem>>) src(%dma_wait3A_226 : memref<10000x48xf32, #tpu.memory_space<hbm>>) dst(%arg14 : memref<128x48xf32, #tpu.memory_space<vmem>>)
      %dma_start3A_227 = arith.constant 0 : i32
      %dma_start3A_228 = tpu.memref_slice %arg8[%add3A_220, %dma_start3A_227] : memref<72x128xi32, #tpu.memory_space<vmem>> -> memref<1x128xi32, #tpu.memory_space<vmem>>
      %dma_start3A_229 = tpu.memref_squeeze %dma_start3A_228 : memref<1x128xi32, #tpu.memory_space<vmem>> -> memref<128xi32, #tpu.memory_space<vmem>>
      %dma_start3A_230 = arith.constant 0 : i32
      %dma_start3A_231 = arith.constant 0 : i32
      %dma_start3A_232 = tpu.memref_slice %arg17[%dma_start3A_230, %dma_start3A_231] : memref<10240x48xf32, #tpu.memory_space<vmem_shared>> -> memref<10240x48xf32, #tpu.memory_space<vmem_shared>>
      tpu.enqueue_indirect_dma source(%arg14 : memref<128x48xf32, #tpu.memory_space<vmem>>) target(%dma_start3A_232 : memref<10240x48xf32, #tpu.memory_space<vmem_shared>>) offsets(%dma_start3A_229 : memref<128xi32, #tpu.memory_space<vmem>>) semaphore(%arg31 : memref<!tpu.dma_semaphore, #tpu.memory_space<semaphore_mem>>) {add = true}
      %add3A_233 = arith.constant 6 : i32
      %add3A_234 = arith.addi %while3A_148, %add3A_233 : i32
      %dma_wait3A_235 = arith.constant 0 : i32
      %dma_wait3A_236 = tpu.memref_slice %arg7[%add3A_234, %dma_wait3A_235] : memref<72x128xi32, #tpu.memory_space<vmem>> -> memref<1x128xi32, #tpu.memory_space<vmem>>
      %dma_wait3A_237 = tpu.memref_squeeze %dma_wait3A_236 : memref<1x128xi32, #tpu.memory_space<vmem>> -> memref<128xi32, #tpu.memory_space<vmem>>
      %dma_wait3A_238 = arith.constant 0 : i32
      %dma_wait3A_239 = arith.constant 0 : i32
      %dma_wait3A_240 = tpu.memref_slice %arg4[%dma_wait3A_238, %dma_wait3A_239] : memref<10000x48xf32, #tpu.memory_space<hbm>> -> memref<10000x48xf32, #tpu.memory_space<hbm>>
      tpu.wait_indirect_dma semaphore(%arg24 : memref<!tpu.dma_semaphore, #tpu.memory_space<semaphore_mem>>) src(%dma_wait3A_240 : memref<10000x48xf32, #tpu.memory_space<hbm>>) dst(%arg15 : memref<128x48xf32, #tpu.memory_space<vmem>>)
      %dma_start3A_241 = arith.constant 0 : i32
      %dma_start3A_242 = tpu.memref_slice %arg8[%add3A_234, %dma_start3A_241] : memref<72x128xi32, #tpu.memory_space<vmem>> -> memref<1x128xi32, #tpu.memory_space<vmem>>
      %dma_start3A_243 = tpu.memref_squeeze %dma_start3A_242 : memref<1x128xi32, #tpu.memory_space<vmem>> -> memref<128xi32, #tpu.memory_space<vmem>>
      %dma_start3A_244 = arith.constant 0 : i32
      %dma_start3A_245 = arith.constant 0 : i32
      %dma_start3A_246 = tpu.memref_slice %arg17[%dma_start3A_244, %dma_start3A_245] : memref<10240x48xf32, #tpu.memory_space<vmem_shared>> -> memref<10240x48xf32, #tpu.memory_space<vmem_shared>>
      tpu.enqueue_indirect_dma source(%arg15 : memref<128x48xf32, #tpu.memory_space<vmem>>) target(%dma_start3A_246 : memref<10240x48xf32, #tpu.memory_space<vmem_shared>>) offsets(%dma_start3A_243 : memref<128xi32, #tpu.memory_space<vmem>>) semaphore(%arg32 : memref<!tpu.dma_semaphore, #tpu.memory_space<semaphore_mem>>) {add = true}
      %add3A_247 = arith.constant 7 : i32
      %add3A_248 = arith.addi %while3A_148, %add3A_247 : i32
      %dma_wait3A_249 = arith.constant 0 : i32
      %dma_wait3A_250 = tpu.memref_slice %arg7[%add3A_248, %dma_wait3A_249] : memref<72x128xi32, #tpu.memory_space<vmem>> -> memref<1x128xi32, #tpu.memory_space<vmem>>
      %dma_wait3A_251 = tpu.memref_squeeze %dma_wait3A_250 : memref<1x128xi32, #tpu.memory_space<vmem>> -> memref<128xi32, #tpu.memory_space<vmem>>
      %dma_wait3A_252 = arith.constant 0 : i32
      %dma_wait3A_253 = arith.constant 0 : i32
      %dma_wait3A_254 = tpu.memref_slice %arg4[%dma_wait3A_252, %dma_wait3A_253] : memref<10000x48xf32, #tpu.memory_space<hbm>> -> memref<10000x48xf32, #tpu.memory_space<hbm>>
      tpu.wait_indirect_dma semaphore(%arg25 : memref<!tpu.dma_semaphore, #tpu.memory_space<semaphore_mem>>) src(%dma_wait3A_254 : memref<10000x48xf32, #tpu.memory_space<hbm>>) dst(%arg16 : memref<128x48xf32, #tpu.memory_space<vmem>>)
      %dma_start3A_255 = arith.constant 0 : i32
      %dma_start3A_256 = tpu.memref_slice %arg8[%add3A_248, %dma_start3A_255] : memref<72x128xi32, #tpu.memory_space<vmem>> -> memref<1x128xi32, #tpu.memory_space<vmem>>
      %dma_start3A_257 = tpu.memref_squeeze %dma_start3A_256 : memref<1x128xi32, #tpu.memory_space<vmem>> -> memref<128xi32, #tpu.memory_space<vmem>>
      %dma_start3A_258 = arith.constant 0 : i32
      %dma_start3A_259 = arith.constant 0 : i32
      %dma_start3A_260 = tpu.memref_slice %arg17[%dma_start3A_258, %dma_start3A_259] : memref<10240x48xf32, #tpu.memory_space<vmem_shared>> -> memref<10240x48xf32, #tpu.memory_space<vmem_shared>>
      tpu.enqueue_indirect_dma source(%arg16 : memref<128x48xf32, #tpu.memory_space<vmem>>) target(%dma_start3A_260 : memref<10240x48xf32, #tpu.memory_space<vmem_shared>>) offsets(%dma_start3A_257 : memref<128xi32, #tpu.memory_space<vmem>>) semaphore(%arg33 : memref<!tpu.dma_semaphore, #tpu.memory_space<semaphore_mem>>) {add = true}
      %add3A_261 = arith.constant 0 : i32
      %add3A_262 = arith.addi %while3A_148, %add3A_261 : i32
      %dma_wait3A_263 = arith.constant 0 : i32
      %dma_wait3A_264 = tpu.memref_slice %arg8[%add3A_262, %dma_wait3A_263] : memref<72x128xi32, #tpu.memory_space<vmem>> -> memref<1x128xi32, #tpu.memory_space<vmem>>
      %dma_wait3A_265 = tpu.memref_squeeze %dma_wait3A_264 : memref<1x128xi32, #tpu.memory_space<vmem>> -> memref<128xi32, #tpu.memory_space<vmem>>
      %dma_wait3A_266 = arith.constant 0 : i32
      %dma_wait3A_267 = arith.constant 0 : i32
      %dma_wait3A_268 = tpu.memref_slice %arg17[%dma_wait3A_266, %dma_wait3A_267] : memref<10240x48xf32, #tpu.memory_space<vmem_shared>> -> memref<10240x48xf32, #tpu.memory_space<vmem_shared>>
      tpu.wait_indirect_dma semaphore(%arg26 : memref<!tpu.dma_semaphore, #tpu.memory_space<semaphore_mem>>) src(%arg9 : memref<128x48xf32, #tpu.memory_space<vmem>>) dst(%dma_wait3A_268 : memref<10240x48xf32, #tpu.memory_space<vmem_shared>>)
      %add3A_269 = arith.constant 8 : i32
      %add3A_270 = arith.addi %add3A_262, %add3A_269 : i32
      %dma_start3A_271 = arith.constant 0 : i32
      %dma_start3A_272 = tpu.memref_slice %arg7[%add3A_270, %dma_start3A_271] : memref<72x128xi32, #tpu.memory_space<vmem>> -> memref<1x128xi32, #tpu.memory_space<vmem>>
      %dma_start3A_273 = tpu.memref_squeeze %dma_start3A_272 : memref<1x128xi32, #tpu.memory_space<vmem>> -> memref<128xi32, #tpu.memory_space<vmem>>
      %dma_start3A_274 = arith.constant 0 : i32
      %dma_start3A_275 = arith.constant 0 : i32
      %dma_start3A_276 = tpu.memref_slice %arg4[%dma_start3A_274, %dma_start3A_275] : memref<10000x48xf32, #tpu.memory_space<hbm>> -> memref<10000x48xf32, #tpu.memory_space<hbm>>
      tpu.enqueue_indirect_dma source(%dma_start3A_276 : memref<10000x48xf32, #tpu.memory_space<hbm>>) target(%arg9 : memref<128x48xf32, #tpu.memory_space<vmem>>) offsets(%dma_start3A_273 : memref<128xi32, #tpu.memory_space<vmem>>) semaphore(%arg18 : memref<!tpu.dma_semaphore, #tpu.memory_space<semaphore_mem>>)
      %add3A_277 = arith.constant 1 : i32
      %add3A_278 = arith.addi %while3A_148, %add3A_277 : i32
      %dma_wait3A_279 = arith.constant 0 : i32
      %dma_wait3A_280 = tpu.memref_slice %arg8[%add3A_278, %dma_wait3A_279] : memref<72x128xi32, #tpu.memory_space<vmem>> -> memref<1x128xi32, #tpu.memory_space<vmem>>
      %dma_wait3A_281 = tpu.memref_squeeze %dma_wait3A_280 : memref<1x128xi32, #tpu.memory_space<vmem>> -> memref<128xi32, #tpu.memory_space<vmem>>
      %dma_wait3A_282 = arith.constant 0 : i32
      %dma_wait3A_283 = arith.constant 0 : i32
      %dma_wait3A_284 = tpu.memref_slice %arg17[%dma_wait3A_282, %dma_wait3A_283] : memref<10240x48xf32, #tpu.memory_space<vmem_shared>> -> memref<10240x48xf32, #tpu.memory_space<vmem_shared>>
      tpu.wait_indirect_dma semaphore(%arg27 : memref<!tpu.dma_semaphore, #tpu.memory_space<semaphore_mem>>) src(%arg10 : memref<128x48xf32, #tpu.memory_space<vmem>>) dst(%dma_wait3A_284 : memref<10240x48xf32, #tpu.memory_space<vmem_shared>>)
      %add3A_285 = arith.constant 8 : i32
      %add3A_286 = arith.addi %add3A_278, %add3A_285 : i32
      %dma_start3A_287 = arith.constant 0 : i32
      %dma_start3A_288 = tpu.memref_slice %arg7[%add3A_286, %dma_start3A_287] : memref<72x128xi32, #tpu.memory_space<vmem>> -> memref<1x128xi32, #tpu.memory_space<vmem>>
      %dma_start3A_289 = tpu.memref_squeeze %dma_start3A_288 : memref<1x128xi32, #tpu.memory_space<vmem>> -> memref<128xi32, #tpu.memory_space<vmem>>
      %dma_start3A_290 = arith.constant 0 : i32
      %dma_start3A_291 = arith.constant 0 : i32
      %dma_start3A_292 = tpu.memref_slice %arg4[%dma_start3A_290, %dma_start3A_291] : memref<10000x48xf32, #tpu.memory_space<hbm>> -> memref<10000x48xf32, #tpu.memory_space<hbm>>
      tpu.enqueue_indirect_dma source(%dma_start3A_292 : memref<10000x48xf32, #tpu.memory_space<hbm>>) target(%arg10 : memref<128x48xf32, #tpu.memory_space<vmem>>) offsets(%dma_start3A_289 : memref<128xi32, #tpu.memory_space<vmem>>) semaphore(%arg19 : memref<!tpu.dma_semaphore, #tpu.memory_space<semaphore_mem>>)
      %add3A_293 = arith.constant 2 : i32
      %add3A_294 = arith.addi %while3A_148, %add3A_293 : i32
      %dma_wait3A_295 = arith.constant 0 : i32
      %dma_wait3A_296 = tpu.memref_slice %arg8[%add3A_294, %dma_wait3A_295] : memref<72x128xi32, #tpu.memory_space<vmem>> -> memref<1x128xi32, #tpu.memory_space<vmem>>
      %dma_wait3A_297 = tpu.memref_squeeze %dma_wait3A_296 : memref<1x128xi32, #tpu.memory_space<vmem>> -> memref<128xi32, #tpu.memory_space<vmem>>
      %dma_wait3A_298 = arith.constant 0 : i32
      %dma_wait3A_299 = arith.constant 0 : i32
      %dma_wait3A_300 = tpu.memref_slice %arg17[%dma_wait3A_298, %dma_wait3A_299] : memref<10240x48xf32, #tpu.memory_space<vmem_shared>> -> memref<10240x48xf32, #tpu.memory_space<vmem_shared>>
      tpu.wait_indirect_dma semaphore(%arg28 : memref<!tpu.dma_semaphore, #tpu.memory_space<semaphore_mem>>) src(%arg11 : memref<128x48xf32, #tpu.memory_space<vmem>>) dst(%dma_wait3A_300 : memref<10240x48xf32, #tpu.memory_space<vmem_shared>>)
      %add3A_301 = arith.constant 8 : i32
      %add3A_302 = arith.addi %add3A_294, %add3A_301 : i32
      %dma_start3A_303 = arith.constant 0 : i32
      %dma_start3A_304 = tpu.memref_slice %arg7[%add3A_302, %dma_start3A_303] : memref<72x128xi32, #tpu.memory_space<vmem>> -> memref<1x128xi32, #tpu.memory_space<vmem>>
      %dma_start3A_305 = tpu.memref_squeeze %dma_start3A_304 : memref<1x128xi32, #tpu.memory_space<vmem>> -> memref<128xi32, #tpu.memory_space<vmem>>
      %dma_start3A_306 = arith.constant 0 : i32
      %dma_start3A_307 = arith.constant 0 : i32
      %dma_start3A_308 = tpu.memref_slice %arg4[%dma_start3A_306, %dma_start3A_307] : memref<10000x48xf32, #tpu.memory_space<hbm>> -> memref<10000x48xf32, #tpu.memory_space<hbm>>
      tpu.enqueue_indirect_dma source(%dma_start3A_308 : memref<10000x48xf32, #tpu.memory_space<hbm>>) target(%arg11 : memref<128x48xf32, #tpu.memory_space<vmem>>) offsets(%dma_start3A_305 : memref<128xi32, #tpu.memory_space<vmem>>) semaphore(%arg20 : memref<!tpu.dma_semaphore, #tpu.memory_space<semaphore_mem>>)
      %add3A_309 = arith.constant 3 : i32
      %add3A_310 = arith.addi %while3A_148, %add3A_309 : i32
      %dma_wait3A_311 = arith.constant 0 : i32
      %dma_wait3A_312 = tpu.memref_slice %arg8[%add3A_310, %dma_wait3A_311] : memref<72x128xi32, #tpu.memory_space<vmem>> -> memref<1x128xi32, #tpu.memory_space<vmem>>
      %dma_wait3A_313 = tpu.memref_squeeze %dma_wait3A_312 : memref<1x128xi32, #tpu.memory_space<vmem>> -> memref<128xi32, #tpu.memory_space<vmem>>
      %dma_wait3A_314 = arith.constant 0 : i32
      %dma_wait3A_315 = arith.constant 0 : i32
      %dma_wait3A_316 = tpu.memref_slice %arg17[%dma_wait3A_314, %dma_wait3A_315] : memref<10240x48xf32, #tpu.memory_space<vmem_shared>> -> memref<10240x48xf32, #tpu.memory_space<vmem_shared>>
      tpu.wait_indirect_dma semaphore(%arg29 : memref<!tpu.dma_semaphore, #tpu.memory_space<semaphore_mem>>) src(%arg12 : memref<128x48xf32, #tpu.memory_space<vmem>>) dst(%dma_wait3A_316 : memref<10240x48xf32, #tpu.memory_space<vmem_shared>>)
      %add3A_317 = arith.constant 8 : i32
      %add3A_318 = arith.addi %add3A_310, %add3A_317 : i32
      %dma_start3A_319 = arith.constant 0 : i32
      %dma_start3A_320 = tpu.memref_slice %arg7[%add3A_318, %dma_start3A_319] : memref<72x128xi32, #tpu.memory_space<vmem>> -> memref<1x128xi32, #tpu.memory_space<vmem>>
      %dma_start3A_321 = tpu.memref_squeeze %dma_start3A_320 : memref<1x128xi32, #tpu.memory_space<vmem>> -> memref<128xi32, #tpu.memory_space<vmem>>
      %dma_start3A_322 = arith.constant 0 : i32
      %dma_start3A_323 = arith.constant 0 : i32
      %dma_start3A_324 = tpu.memref_slice %arg4[%dma_start3A_322, %dma_start3A_323] : memref<10000x48xf32, #tpu.memory_space<hbm>> -> memref<10000x48xf32, #tpu.memory_space<hbm>>
      tpu.enqueue_indirect_dma source(%dma_start3A_324 : memref<10000x48xf32, #tpu.memory_space<hbm>>) target(%arg12 : memref<128x48xf32, #tpu.memory_space<vmem>>) offsets(%dma_start3A_321 : memref<128xi32, #tpu.memory_space<vmem>>) semaphore(%arg21 : memref<!tpu.dma_semaphore, #tpu.memory_space<semaphore_mem>>)
      %add3A_325 = arith.constant 4 : i32
      %add3A_326 = arith.addi %while3A_148, %add3A_325 : i32
      %dma_wait3A_327 = arith.constant 0 : i32
      %dma_wait3A_328 = tpu.memref_slice %arg8[%add3A_326, %dma_wait3A_327] : memref<72x128xi32, #tpu.memory_space<vmem>> -> memref<1x128xi32, #tpu.memory_space<vmem>>
      %dma_wait3A_329 = tpu.memref_squeeze %dma_wait3A_328 : memref<1x128xi32, #tpu.memory_space<vmem>> -> memref<128xi32, #tpu.memory_space<vmem>>
      %dma_wait3A_330 = arith.constant 0 : i32
      %dma_wait3A_331 = arith.constant 0 : i32
      %dma_wait3A_332 = tpu.memref_slice %arg17[%dma_wait3A_330, %dma_wait3A_331] : memref<10240x48xf32, #tpu.memory_space<vmem_shared>> -> memref<10240x48xf32, #tpu.memory_space<vmem_shared>>
      tpu.wait_indirect_dma semaphore(%arg30 : memref<!tpu.dma_semaphore, #tpu.memory_space<semaphore_mem>>) src(%arg13 : memref<128x48xf32, #tpu.memory_space<vmem>>) dst(%dma_wait3A_332 : memref<10240x48xf32, #tpu.memory_space<vmem_shared>>)
      %add3A_333 = arith.constant 8 : i32
      %add3A_334 = arith.addi %add3A_326, %add3A_333 : i32
      %dma_start3A_335 = arith.constant 0 : i32
      %dma_start3A_336 = tpu.memref_slice %arg7[%add3A_334, %dma_start3A_335] : memref<72x128xi32, #tpu.memory_space<vmem>> -> memref<1x128xi32, #tpu.memory_space<vmem>>
      %dma_start3A_337 = tpu.memref_squeeze %dma_start3A_336 : memref<1x128xi32, #tpu.memory_space<vmem>> -> memref<128xi32, #tpu.memory_space<vmem>>
      %dma_start3A_338 = arith.constant 0 : i32
      %dma_start3A_339 = arith.constant 0 : i32
      %dma_start3A_340 = tpu.memref_slice %arg4[%dma_start3A_338, %dma_start3A_339] : memref<10000x48xf32, #tpu.memory_space<hbm>> -> memref<10000x48xf32, #tpu.memory_space<hbm>>
      tpu.enqueue_indirect_dma source(%dma_start3A_340 : memref<10000x48xf32, #tpu.memory_space<hbm>>) target(%arg13 : memref<128x48xf32, #tpu.memory_space<vmem>>) offsets(%dma_start3A_337 : memref<128xi32, #tpu.memory_space<vmem>>) semaphore(%arg22 : memref<!tpu.dma_semaphore, #tpu.memory_space<semaphore_mem>>)
      %add3A_341 = arith.constant 5 : i32
      %add3A_342 = arith.addi %while3A_148, %add3A_341 : i32
      %dma_wait3A_343 = arith.constant 0 : i32
      %dma_wait3A_344 = tpu.memref_slice %arg8[%add3A_342, %dma_wait3A_343] : memref<72x128xi32, #tpu.memory_space<vmem>> -> memref<1x128xi32, #tpu.memory_space<vmem>>
      %dma_wait3A_345 = tpu.memref_squeeze %dma_wait3A_344 : memref<1x128xi32, #tpu.memory_space<vmem>> -> memref<128xi32, #tpu.memory_space<vmem>>
      %dma_wait3A_346 = arith.constant 0 : i32
      %dma_wait3A_347 = arith.constant 0 : i32
      %dma_wait3A_348 = tpu.memref_slice %arg17[%dma_wait3A_346, %dma_wait3A_347] : memref<10240x48xf32, #tpu.memory_space<vmem_shared>> -> memref<10240x48xf32, #tpu.memory_space<vmem_shared>>
      tpu.wait_indirect_dma semaphore(%arg31 : memref<!tpu.dma_semaphore, #tpu.memory_space<semaphore_mem>>) src(%arg14 : memref<128x48xf32, #tpu.memory_space<vmem>>) dst(%dma_wait3A_348 : memref<10240x48xf32, #tpu.memory_space<vmem_shared>>)
      %add3A_349 = arith.constant 8 : i32
      %add3A_350 = arith.addi %add3A_342, %add3A_349 : i32
      %dma_start3A_351 = arith.constant 0 : i32
      %dma_start3A_352 = tpu.memref_slice %arg7[%add3A_350, %dma_start3A_351] : memref<72x128xi32, #tpu.memory_space<vmem>> -> memref<1x128xi32, #tpu.memory_space<vmem>>
      %dma_start3A_353 = tpu.memref_squeeze %dma_start3A_352 : memref<1x128xi32, #tpu.memory_space<vmem>> -> memref<128xi32, #tpu.memory_space<vmem>>
      %dma_start3A_354 = arith.constant 0 : i32
      %dma_start3A_355 = arith.constant 0 : i32
      %dma_start3A_356 = tpu.memref_slice %arg4[%dma_start3A_354, %dma_start3A_355] : memref<10000x48xf32, #tpu.memory_space<hbm>> -> memref<10000x48xf32, #tpu.memory_space<hbm>>
      tpu.enqueue_indirect_dma source(%dma_start3A_356 : memref<10000x48xf32, #tpu.memory_space<hbm>>) target(%arg14 : memref<128x48xf32, #tpu.memory_space<vmem>>) offsets(%dma_start3A_353 : memref<128xi32, #tpu.memory_space<vmem>>) semaphore(%arg23 : memref<!tpu.dma_semaphore, #tpu.memory_space<semaphore_mem>>)
      %add3A_357 = arith.constant 6 : i32
      %add3A_358 = arith.addi %while3A_148, %add3A_357 : i32
      %dma_wait3A_359 = arith.constant 0 : i32
      %dma_wait3A_360 = tpu.memref_slice %arg8[%add3A_358, %dma_wait3A_359] : memref<72x128xi32, #tpu.memory_space<vmem>> -> memref<1x128xi32, #tpu.memory_space<vmem>>
      %dma_wait3A_361 = tpu.memref_squeeze %dma_wait3A_360 : memref<1x128xi32, #tpu.memory_space<vmem>> -> memref<128xi32, #tpu.memory_space<vmem>>
      %dma_wait3A_362 = arith.constant 0 : i32
      %dma_wait3A_363 = arith.constant 0 : i32
      %dma_wait3A_364 = tpu.memref_slice %arg17[%dma_wait3A_362, %dma_wait3A_363] : memref<10240x48xf32, #tpu.memory_space<vmem_shared>> -> memref<10240x48xf32, #tpu.memory_space<vmem_shared>>
      tpu.wait_indirect_dma semaphore(%arg32 : memref<!tpu.dma_semaphore, #tpu.memory_space<semaphore_mem>>) src(%arg15 : memref<128x48xf32, #tpu.memory_space<vmem>>) dst(%dma_wait3A_364 : memref<10240x48xf32, #tpu.memory_space<vmem_shared>>)
      %add3A_365 = arith.constant 8 : i32
      %add3A_366 = arith.addi %add3A_358, %add3A_365 : i32
      %dma_start3A_367 = arith.constant 0 : i32
      %dma_start3A_368 = tpu.memref_slice %arg7[%add3A_366, %dma_start3A_367] : memref<72x128xi32, #tpu.memory_space<vmem>> -> memref<1x128xi32, #tpu.memory_space<vmem>>
      %dma_start3A_369 = tpu.memref_squeeze %dma_start3A_368 : memref<1x128xi32, #tpu.memory_space<vmem>> -> memref<128xi32, #tpu.memory_space<vmem>>
      %dma_start3A_370 = arith.constant 0 : i32
      %dma_start3A_371 = arith.constant 0 : i32
      %dma_start3A_372 = tpu.memref_slice %arg4[%dma_start3A_370, %dma_start3A_371] : memref<10000x48xf32, #tpu.memory_space<hbm>> -> memref<10000x48xf32, #tpu.memory_space<hbm>>
      tpu.enqueue_indirect_dma source(%dma_start3A_372 : memref<10000x48xf32, #tpu.memory_space<hbm>>) target(%arg15 : memref<128x48xf32, #tpu.memory_space<vmem>>) offsets(%dma_start3A_369 : memref<128xi32, #tpu.memory_space<vmem>>) semaphore(%arg24 : memref<!tpu.dma_semaphore, #tpu.memory_space<semaphore_mem>>)
      %add3A_373 = arith.constant 7 : i32
      %add3A_374 = arith.addi %while3A_148, %add3A_373 : i32
      %dma_wait3A_375 = arith.constant 0 : i32
      %dma_wait3A_376 = tpu.memref_slice %arg8[%add3A_374, %dma_wait3A_375] : memref<72x128xi32, #tpu.memory_space<vmem>> -> memref<1x128xi32, #tpu.memory_space<vmem>>
      %dma_wait3A_377 = tpu.memref_squeeze %dma_wait3A_376 : memref<1x128xi32, #tpu.memory_space<vmem>> -> memref<128xi32, #tpu.memory_space<vmem>>
      %dma_wait3A_378 = arith.constant 0 : i32
      %dma_wait3A_379 = arith.constant 0 : i32
      %dma_wait3A_380 = tpu.memref_slice %arg17[%dma_wait3A_378, %dma_wait3A_379] : memref<10240x48xf32, #tpu.memory_space<vmem_shared>> -> memref<10240x48xf32, #tpu.memory_space<vmem_shared>>
      tpu.wait_indirect_dma semaphore(%arg33 : memref<!tpu.dma_semaphore, #tpu.memory_space<semaphore_mem>>) src(%arg16 : memref<128x48xf32, #tpu.memory_space<vmem>>) dst(%dma_wait3A_380 : memref<10240x48xf32, #tpu.memory_space<vmem_shared>>)
      %add3A_381 = arith.constant 8 : i32
      %add3A_382 = arith.addi %add3A_374, %add3A_381 : i32
      %dma_start3A_383 = arith.constant 0 : i32
      %dma_start3A_384 = tpu.memref_slice %arg7[%add3A_382, %dma_start3A_383] : memref<72x128xi32, #tpu.memory_space<vmem>> -> memref<1x128xi32, #tpu.memory_space<vmem>>
      %dma_start3A_385 = tpu.memref_squeeze %dma_start3A_384 : memref<1x128xi32, #tpu.memory_space<vmem>> -> memref<128xi32, #tpu.memory_space<vmem>>
      %dma_start3A_386 = arith.constant 0 : i32
      %dma_start3A_387 = arith.constant 0 : i32
      %dma_start3A_388 = tpu.memref_slice %arg4[%dma_start3A_386, %dma_start3A_387] : memref<10000x48xf32, #tpu.memory_space<hbm>> -> memref<10000x48xf32, #tpu.memory_space<hbm>>
      tpu.enqueue_indirect_dma source(%dma_start3A_388 : memref<10000x48xf32, #tpu.memory_space<hbm>>) target(%arg16 : memref<128x48xf32, #tpu.memory_space<vmem>>) offsets(%dma_start3A_385 : memref<128xi32, #tpu.memory_space<vmem>>) semaphore(%arg25 : memref<!tpu.dma_semaphore, #tpu.memory_space<semaphore_mem>>)
      %add3A_389 = arith.constant 8 : i32
      %add3A_390 = arith.addi %while3A_148, %add3A_389 : i32
      scf.yield %add3A_390 : i32
    }
    %add3A_79 = arith.constant 0 : i32
    %add3A_80 = arith.addi %while3A_78, %add3A_79 : i32
    %dma_wait3A = arith.constant 0 : i32
    %dma_wait3A_81 = tpu.memref_slice %arg7[%add3A_80, %dma_wait3A] : memref<72x128xi32, #tpu.memory_space<vmem>> -> memref<1x128xi32, #tpu.memory_space<vmem>>
    %dma_wait3A_82 = tpu.memref_squeeze %dma_wait3A_81 : memref<1x128xi32, #tpu.memory_space<vmem>> -> memref<128xi32, #tpu.memory_space<vmem>>
    %dma_wait3A_83 = arith.constant 0 : i32
    %dma_wait3A_84 = arith.constant 0 : i32
    %dma_wait3A_85 = tpu.memref_slice %arg4[%dma_wait3A_83, %dma_wait3A_84] : memref<10000x48xf32, #tpu.memory_space<hbm>> -> memref<10000x48xf32, #tpu.memory_space<hbm>>
    tpu.wait_indirect_dma semaphore(%arg18 : memref<!tpu.dma_semaphore, #tpu.memory_space<semaphore_mem>>) src(%dma_wait3A_85 : memref<10000x48xf32, #tpu.memory_space<hbm>>) dst(%arg9 : memref<128x48xf32, #tpu.memory_space<vmem>>)
    "tpu.region"() ({
      %run_scoped3A = tpu.sem_alloc : memref<!tpu.dma_semaphore, #tpu.memory_space<semaphore_mem>>
      %dma_start3A_147 = arith.constant 0 : i32
      %dma_start3A_148 = tpu.memref_slice %arg8[%add3A_80, %dma_start3A_147] : memref<72x128xi32, #tpu.memory_space<vmem>> -> memref<1x128xi32, #tpu.memory_space<vmem>>
      %dma_start3A_149 = tpu.memref_squeeze %dma_start3A_148 : memref<1x128xi32, #tpu.memory_space<vmem>> -> memref<128xi32, #tpu.memory_space<vmem>>
      %dma_start3A_150 = arith.constant 0 : i32
      %dma_start3A_151 = arith.constant 0 : i32
      %dma_start3A_152 = tpu.memref_slice %arg17[%dma_start3A_150, %dma_start3A_151] : memref<10240x48xf32, #tpu.memory_space<vmem_shared>> -> memref<10240x48xf32, #tpu.memory_space<vmem_shared>>
      tpu.enqueue_indirect_dma source(%arg9 : memref<128x48xf32, #tpu.memory_space<vmem>>) target(%dma_start3A_152 : memref<10240x48xf32, #tpu.memory_space<vmem_shared>>) offsets(%dma_start3A_149 : memref<128xi32, #tpu.memory_space<vmem>>) semaphore(%run_scoped3A : memref<!tpu.dma_semaphore, #tpu.memory_space<semaphore_mem>>) {add = true}
      %dma_wait3A_153 = arith.constant 0 : i32
      %dma_wait3A_154 = tpu.memref_slice %arg8[%add3A_80, %dma_wait3A_153] : memref<72x128xi32, #tpu.memory_space<vmem>> -> memref<1x128xi32, #tpu.memory_space<vmem>>
      %dma_wait3A_155 = tpu.memref_squeeze %dma_wait3A_154 : memref<1x128xi32, #tpu.memory_space<vmem>> -> memref<128xi32, #tpu.memory_space<vmem>>
      %dma_wait3A_156 = arith.constant 0 : i32
      %dma_wait3A_157 = arith.constant 0 : i32
      %dma_wait3A_158 = tpu.memref_slice %arg17[%dma_wait3A_156, %dma_wait3A_157] : memref<10240x48xf32, #tpu.memory_space<vmem_shared>> -> memref<10240x48xf32, #tpu.memory_space<vmem_shared>>
      tpu.wait_indirect_dma semaphore(%run_scoped3A : memref<!tpu.dma_semaphore, #tpu.memory_space<semaphore_mem>>) src(%arg9 : memref<128x48xf32, #tpu.memory_space<vmem>>) dst(%dma_wait3A_158 : memref<10240x48xf32, #tpu.memory_space<vmem_shared>>)
      tpu.yield
    }) : () -> ()
    %add3A_86 = arith.constant 1 : i32
    %add3A_87 = arith.addi %while3A_78, %add3A_86 : i32
    %dma_wait3A_88 = arith.constant 0 : i32
    %dma_wait3A_89 = tpu.memref_slice %arg7[%add3A_87, %dma_wait3A_88] : memref<72x128xi32, #tpu.memory_space<vmem>> -> memref<1x128xi32, #tpu.memory_space<vmem>>
    %dma_wait3A_90 = tpu.memref_squeeze %dma_wait3A_89 : memref<1x128xi32, #tpu.memory_space<vmem>> -> memref<128xi32, #tpu.memory_space<vmem>>
    %dma_wait3A_91 = arith.constant 0 : i32
    %dma_wait3A_92 = arith.constant 0 : i32
    %dma_wait3A_93 = tpu.memref_slice %arg4[%dma_wait3A_91, %dma_wait3A_92] : memref<10000x48xf32, #tpu.memory_space<hbm>> -> memref<10000x48xf32, #tpu.memory_space<hbm>>
    tpu.wait_indirect_dma semaphore(%arg19 : memref<!tpu.dma_semaphore, #tpu.memory_space<semaphore_mem>>) src(%dma_wait3A_93 : memref<10000x48xf32, #tpu.memory_space<hbm>>) dst(%arg10 : memref<128x48xf32, #tpu.memory_space<vmem>>)
    "tpu.region"() ({
      %run_scoped3A = tpu.sem_alloc : memref<!tpu.dma_semaphore, #tpu.memory_space<semaphore_mem>>
      %dma_start3A_147 = arith.constant 0 : i32
      %dma_start3A_148 = tpu.memref_slice %arg8[%add3A_87, %dma_start3A_147] : memref<72x128xi32, #tpu.memory_space<vmem>> -> memref<1x128xi32, #tpu.memory_space<vmem>>
      %dma_start3A_149 = tpu.memref_squeeze %dma_start3A_148 : memref<1x128xi32, #tpu.memory_space<vmem>> -> memref<128xi32, #tpu.memory_space<vmem>>
      %dma_start3A_150 = arith.constant 0 : i32
      %dma_start3A_151 = arith.constant 0 : i32
      %dma_start3A_152 = tpu.memref_slice %arg17[%dma_start3A_150, %dma_start3A_151] : memref<10240x48xf32, #tpu.memory_space<vmem_shared>> -> memref<10240x48xf32, #tpu.memory_space<vmem_shared>>
      tpu.enqueue_indirect_dma source(%arg10 : memref<128x48xf32, #tpu.memory_space<vmem>>) target(%dma_start3A_152 : memref<10240x48xf32, #tpu.memory_space<vmem_shared>>) offsets(%dma_start3A_149 : memref<128xi32, #tpu.memory_space<vmem>>) semaphore(%run_scoped3A : memref<!tpu.dma_semaphore, #tpu.memory_space<semaphore_mem>>) {add = true}
      %dma_wait3A_153 = arith.constant 0 : i32
      %dma_wait3A_154 = tpu.memref_slice %arg8[%add3A_87, %dma_wait3A_153] : memref<72x128xi32, #tpu.memory_space<vmem>> -> memref<1x128xi32, #tpu.memory_space<vmem>>
      %dma_wait3A_155 = tpu.memref_squeeze %dma_wait3A_154 : memref<1x128xi32, #tpu.memory_space<vmem>> -> memref<128xi32, #tpu.memory_space<vmem>>
      %dma_wait3A_156 = arith.constant 0 : i32
      %dma_wait3A_157 = arith.constant 0 : i32
      %dma_wait3A_158 = tpu.memref_slice %arg17[%dma_wait3A_156, %dma_wait3A_157] : memref<10240x48xf32, #tpu.memory_space<vmem_shared>> -> memref<10240x48xf32, #tpu.memory_space<vmem_shared>>
      tpu.wait_indirect_dma semaphore(%run_scoped3A : memref<!tpu.dma_semaphore, #tpu.memory_space<semaphore_mem>>) src(%arg10 : memref<128x48xf32, #tpu.memory_space<vmem>>) dst(%dma_wait3A_158 : memref<10240x48xf32, #tpu.memory_space<vmem_shared>>)
      tpu.yield
    }) : () -> ()
    %add3A_94 = arith.constant 2 : i32
    %add3A_95 = arith.addi %while3A_78, %add3A_94 : i32
    %dma_wait3A_96 = arith.constant 0 : i32
    %dma_wait3A_97 = tpu.memref_slice %arg7[%add3A_95, %dma_wait3A_96] : memref<72x128xi32, #tpu.memory_space<vmem>> -> memref<1x128xi32, #tpu.memory_space<vmem>>
    %dma_wait3A_98 = tpu.memref_squeeze %dma_wait3A_97 : memref<1x128xi32, #tpu.memory_space<vmem>> -> memref<128xi32, #tpu.memory_space<vmem>>
    %dma_wait3A_99 = arith.constant 0 : i32
    %dma_wait3A_100 = arith.constant 0 : i32
    %dma_wait3A_101 = tpu.memref_slice %arg4[%dma_wait3A_99, %dma_wait3A_100] : memref<10000x48xf32, #tpu.memory_space<hbm>> -> memref<10000x48xf32, #tpu.memory_space<hbm>>
    tpu.wait_indirect_dma semaphore(%arg20 : memref<!tpu.dma_semaphore, #tpu.memory_space<semaphore_mem>>) src(%dma_wait3A_101 : memref<10000x48xf32, #tpu.memory_space<hbm>>) dst(%arg11 : memref<128x48xf32, #tpu.memory_space<vmem>>)
    "tpu.region"() ({
      %run_scoped3A = tpu.sem_alloc : memref<!tpu.dma_semaphore, #tpu.memory_space<semaphore_mem>>
      %dma_start3A_147 = arith.constant 0 : i32
      %dma_start3A_148 = tpu.memref_slice %arg8[%add3A_95, %dma_start3A_147] : memref<72x128xi32, #tpu.memory_space<vmem>> -> memref<1x128xi32, #tpu.memory_space<vmem>>
      %dma_start3A_149 = tpu.memref_squeeze %dma_start3A_148 : memref<1x128xi32, #tpu.memory_space<vmem>> -> memref<128xi32, #tpu.memory_space<vmem>>
      %dma_start3A_150 = arith.constant 0 : i32
      %dma_start3A_151 = arith.constant 0 : i32
      %dma_start3A_152 = tpu.memref_slice %arg17[%dma_start3A_150, %dma_start3A_151] : memref<10240x48xf32, #tpu.memory_space<vmem_shared>> -> memref<10240x48xf32, #tpu.memory_space<vmem_shared>>
      tpu.enqueue_indirect_dma source(%arg11 : memref<128x48xf32, #tpu.memory_space<vmem>>) target(%dma_start3A_152 : memref<10240x48xf32, #tpu.memory_space<vmem_shared>>) offsets(%dma_start3A_149 : memref<128xi32, #tpu.memory_space<vmem>>) semaphore(%run_scoped3A : memref<!tpu.dma_semaphore, #tpu.memory_space<semaphore_mem>>) {add = true}
      %dma_wait3A_153 = arith.constant 0 : i32
      %dma_wait3A_154 = tpu.memref_slice %arg8[%add3A_95, %dma_wait3A_153] : memref<72x128xi32, #tpu.memory_space<vmem>> -> memref<1x128xi32, #tpu.memory_space<vmem>>
      %dma_wait3A_155 = tpu.memref_squeeze %dma_wait3A_154 : memref<1x128xi32, #tpu.memory_space<vmem>> -> memref<128xi32, #tpu.memory_space<vmem>>
      %dma_wait3A_156 = arith.constant 0 : i32
      %dma_wait3A_157 = arith.constant 0 : i32
      %dma_wait3A_158 = tpu.memref_slice %arg17[%dma_wait3A_156, %dma_wait3A_157] : memref<10240x48xf32, #tpu.memory_space<vmem_shared>> -> memref<10240x48xf32, #tpu.memory_space<vmem_shared>>
      tpu.wait_indirect_dma semaphore(%run_scoped3A : memref<!tpu.dma_semaphore, #tpu.memory_space<semaphore_mem>>) src(%arg11 : memref<128x48xf32, #tpu.memory_space<vmem>>) dst(%dma_wait3A_158 : memref<10240x48xf32, #tpu.memory_space<vmem_shared>>)
      tpu.yield
    }) : () -> ()
    %add3A_102 = arith.constant 3 : i32
    %add3A_103 = arith.addi %while3A_78, %add3A_102 : i32
    %dma_wait3A_104 = arith.constant 0 : i32
    %dma_wait3A_105 = tpu.memref_slice %arg7[%add3A_103, %dma_wait3A_104] : memref<72x128xi32, #tpu.memory_space<vmem>> -> memref<1x128xi32, #tpu.memory_space<vmem>>
    %dma_wait3A_106 = tpu.memref_squeeze %dma_wait3A_105 : memref<1x128xi32, #tpu.memory_space<vmem>> -> memref<128xi32, #tpu.memory_space<vmem>>
    %dma_wait3A_107 = arith.constant 0 : i32
    %dma_wait3A_108 = arith.constant 0 : i32
    %dma_wait3A_109 = tpu.memref_slice %arg4[%dma_wait3A_107, %dma_wait3A_108] : memref<10000x48xf32, #tpu.memory_space<hbm>> -> memref<10000x48xf32, #tpu.memory_space<hbm>>
    tpu.wait_indirect_dma semaphore(%arg21 : memref<!tpu.dma_semaphore, #tpu.memory_space<semaphore_mem>>) src(%dma_wait3A_109 : memref<10000x48xf32, #tpu.memory_space<hbm>>) dst(%arg12 : memref<128x48xf32, #tpu.memory_space<vmem>>)
    "tpu.region"() ({
      %run_scoped3A = tpu.sem_alloc : memref<!tpu.dma_semaphore, #tpu.memory_space<semaphore_mem>>
      %dma_start3A_147 = arith.constant 0 : i32
      %dma_start3A_148 = tpu.memref_slice %arg8[%add3A_103, %dma_start3A_147] : memref<72x128xi32, #tpu.memory_space<vmem>> -> memref<1x128xi32, #tpu.memory_space<vmem>>
      %dma_start3A_149 = tpu.memref_squeeze %dma_start3A_148 : memref<1x128xi32, #tpu.memory_space<vmem>> -> memref<128xi32, #tpu.memory_space<vmem>>
      %dma_start3A_150 = arith.constant 0 : i32
      %dma_start3A_151 = arith.constant 0 : i32
      %dma_start3A_152 = tpu.memref_slice %arg17[%dma_start3A_150, %dma_start3A_151] : memref<10240x48xf32, #tpu.memory_space<vmem_shared>> -> memref<10240x48xf32, #tpu.memory_space<vmem_shared>>
      tpu.enqueue_indirect_dma source(%arg12 : memref<128x48xf32, #tpu.memory_space<vmem>>) target(%dma_start3A_152 : memref<10240x48xf32, #tpu.memory_space<vmem_shared>>) offsets(%dma_start3A_149 : memref<128xi32, #tpu.memory_space<vmem>>) semaphore(%run_scoped3A : memref<!tpu.dma_semaphore, #tpu.memory_space<semaphore_mem>>) {add = true}
      %dma_wait3A_153 = arith.constant 0 : i32
      %dma_wait3A_154 = tpu.memref_slice %arg8[%add3A_103, %dma_wait3A_153] : memref<72x128xi32, #tpu.memory_space<vmem>> -> memref<1x128xi32, #tpu.memory_space<vmem>>
      %dma_wait3A_155 = tpu.memref_squeeze %dma_wait3A_154 : memref<1x128xi32, #tpu.memory_space<vmem>> -> memref<128xi32, #tpu.memory_space<vmem>>
      %dma_wait3A_156 = arith.constant 0 : i32
      %dma_wait3A_157 = arith.constant 0 : i32
      %dma_wait3A_158 = tpu.memref_slice %arg17[%dma_wait3A_156, %dma_wait3A_157] : memref<10240x48xf32, #tpu.memory_space<vmem_shared>> -> memref<10240x48xf32, #tpu.memory_space<vmem_shared>>
      tpu.wait_indirect_dma semaphore(%run_scoped3A : memref<!tpu.dma_semaphore, #tpu.memory_space<semaphore_mem>>) src(%arg12 : memref<128x48xf32, #tpu.memory_space<vmem>>) dst(%dma_wait3A_158 : memref<10240x48xf32, #tpu.memory_space<vmem_shared>>)
      tpu.yield
    }) : () -> ()
    %add3A_110 = arith.constant 4 : i32
    %add3A_111 = arith.addi %while3A_78, %add3A_110 : i32
    %dma_wait3A_112 = arith.constant 0 : i32
    %dma_wait3A_113 = tpu.memref_slice %arg7[%add3A_111, %dma_wait3A_112] : memref<72x128xi32, #tpu.memory_space<vmem>> -> memref<1x128xi32, #tpu.memory_space<vmem>>
    %dma_wait3A_114 = tpu.memref_squeeze %dma_wait3A_113 : memref<1x128xi32, #tpu.memory_space<vmem>> -> memref<128xi32, #tpu.memory_space<vmem>>
    %dma_wait3A_115 = arith.constant 0 : i32
    %dma_wait3A_116 = arith.constant 0 : i32
    %dma_wait3A_117 = tpu.memref_slice %arg4[%dma_wait3A_115, %dma_wait3A_116] : memref<10000x48xf32, #tpu.memory_space<hbm>> -> memref<10000x48xf32, #tpu.memory_space<hbm>>
    tpu.wait_indirect_dma semaphore(%arg22 : memref<!tpu.dma_semaphore, #tpu.memory_space<semaphore_mem>>) src(%dma_wait3A_117 : memref<10000x48xf32, #tpu.memory_space<hbm>>) dst(%arg13 : memref<128x48xf32, #tpu.memory_space<vmem>>)
    "tpu.region"() ({
      %run_scoped3A = tpu.sem_alloc : memref<!tpu.dma_semaphore, #tpu.memory_space<semaphore_mem>>
      %dma_start3A_147 = arith.constant 0 : i32
      %dma_start3A_148 = tpu.memref_slice %arg8[%add3A_111, %dma_start3A_147] : memref<72x128xi32, #tpu.memory_space<vmem>> -> memref<1x128xi32, #tpu.memory_space<vmem>>
      %dma_start3A_149 = tpu.memref_squeeze %dma_start3A_148 : memref<1x128xi32, #tpu.memory_space<vmem>> -> memref<128xi32, #tpu.memory_space<vmem>>
      %dma_start3A_150 = arith.constant 0 : i32
      %dma_start3A_151 = arith.constant 0 : i32
      %dma_start3A_152 = tpu.memref_slice %arg17[%dma_start3A_150, %dma_start3A_151] : memref<10240x48xf32, #tpu.memory_space<vmem_shared>> -> memref<10240x48xf32, #tpu.memory_space<vmem_shared>>
      tpu.enqueue_indirect_dma source(%arg13 : memref<128x48xf32, #tpu.memory_space<vmem>>) target(%dma_start3A_152 : memref<10240x48xf32, #tpu.memory_space<vmem_shared>>) offsets(%dma_start3A_149 : memref<128xi32, #tpu.memory_space<vmem>>) semaphore(%run_scoped3A : memref<!tpu.dma_semaphore, #tpu.memory_space<semaphore_mem>>) {add = true}
      %dma_wait3A_153 = arith.constant 0 : i32
      %dma_wait3A_154 = tpu.memref_slice %arg8[%add3A_111, %dma_wait3A_153] : memref<72x128xi32, #tpu.memory_space<vmem>> -> memref<1x128xi32, #tpu.memory_space<vmem>>
      %dma_wait3A_155 = tpu.memref_squeeze %dma_wait3A_154 : memref<1x128xi32, #tpu.memory_space<vmem>> -> memref<128xi32, #tpu.memory_space<vmem>>
      %dma_wait3A_156 = arith.constant 0 : i32
      %dma_wait3A_157 = arith.constant 0 : i32
      %dma_wait3A_158 = tpu.memref_slice %arg17[%dma_wait3A_156, %dma_wait3A_157] : memref<10240x48xf32, #tpu.memory_space<vmem_shared>> -> memref<10240x48xf32, #tpu.memory_space<vmem_shared>>
      tpu.wait_indirect_dma semaphore(%run_scoped3A : memref<!tpu.dma_semaphore, #tpu.memory_space<semaphore_mem>>) src(%arg13 : memref<128x48xf32, #tpu.memory_space<vmem>>) dst(%dma_wait3A_158 : memref<10240x48xf32, #tpu.memory_space<vmem_shared>>)
      tpu.yield
    }) : () -> ()
    %add3A_118 = arith.constant 5 : i32
    %add3A_119 = arith.addi %while3A_78, %add3A_118 : i32
    %dma_wait3A_120 = arith.constant 0 : i32
    %dma_wait3A_121 = tpu.memref_slice %arg7[%add3A_119, %dma_wait3A_120] : memref<72x128xi32, #tpu.memory_space<vmem>> -> memref<1x128xi32, #tpu.memory_space<vmem>>
    %dma_wait3A_122 = tpu.memref_squeeze %dma_wait3A_121 : memref<1x128xi32, #tpu.memory_space<vmem>> -> memref<128xi32, #tpu.memory_space<vmem>>
    %dma_wait3A_123 = arith.constant 0 : i32
    %dma_wait3A_124 = arith.constant 0 : i32
    %dma_wait3A_125 = tpu.memref_slice %arg4[%dma_wait3A_123, %dma_wait3A_124] : memref<10000x48xf32, #tpu.memory_space<hbm>> -> memref<10000x48xf32, #tpu.memory_space<hbm>>
    tpu.wait_indirect_dma semaphore(%arg23 : memref<!tpu.dma_semaphore, #tpu.memory_space<semaphore_mem>>) src(%dma_wait3A_125 : memref<10000x48xf32, #tpu.memory_space<hbm>>) dst(%arg14 : memref<128x48xf32, #tpu.memory_space<vmem>>)
    "tpu.region"() ({
      %run_scoped3A = tpu.sem_alloc : memref<!tpu.dma_semaphore, #tpu.memory_space<semaphore_mem>>
      %dma_start3A_147 = arith.constant 0 : i32
      %dma_start3A_148 = tpu.memref_slice %arg8[%add3A_119, %dma_start3A_147] : memref<72x128xi32, #tpu.memory_space<vmem>> -> memref<1x128xi32, #tpu.memory_space<vmem>>
      %dma_start3A_149 = tpu.memref_squeeze %dma_start3A_148 : memref<1x128xi32, #tpu.memory_space<vmem>> -> memref<128xi32, #tpu.memory_space<vmem>>
      %dma_start3A_150 = arith.constant 0 : i32
      %dma_start3A_151 = arith.constant 0 : i32
      %dma_start3A_152 = tpu.memref_slice %arg17[%dma_start3A_150, %dma_start3A_151] : memref<10240x48xf32, #tpu.memory_space<vmem_shared>> -> memref<10240x48xf32, #tpu.memory_space<vmem_shared>>
      tpu.enqueue_indirect_dma source(%arg14 : memref<128x48xf32, #tpu.memory_space<vmem>>) target(%dma_start3A_152 : memref<10240x48xf32, #tpu.memory_space<vmem_shared>>) offsets(%dma_start3A_149 : memref<128xi32, #tpu.memory_space<vmem>>) semaphore(%run_scoped3A : memref<!tpu.dma_semaphore, #tpu.memory_space<semaphore_mem>>) {add = true}
      %dma_wait3A_153 = arith.constant 0 : i32
      %dma_wait3A_154 = tpu.memref_slice %arg8[%add3A_119, %dma_wait3A_153] : memref<72x128xi32, #tpu.memory_space<vmem>> -> memref<1x128xi32, #tpu.memory_space<vmem>>
      %dma_wait3A_155 = tpu.memref_squeeze %dma_wait3A_154 : memref<1x128xi32, #tpu.memory_space<vmem>> -> memref<128xi32, #tpu.memory_space<vmem>>
      %dma_wait3A_156 = arith.constant 0 : i32
      %dma_wait3A_157 = arith.constant 0 : i32
      %dma_wait3A_158 = tpu.memref_slice %arg17[%dma_wait3A_156, %dma_wait3A_157] : memref<10240x48xf32, #tpu.memory_space<vmem_shared>> -> memref<10240x48xf32, #tpu.memory_space<vmem_shared>>
      tpu.wait_indirect_dma semaphore(%run_scoped3A : memref<!tpu.dma_semaphore, #tpu.memory_space<semaphore_mem>>) src(%arg14 : memref<128x48xf32, #tpu.memory_space<vmem>>) dst(%dma_wait3A_158 : memref<10240x48xf32, #tpu.memory_space<vmem_shared>>)
      tpu.yield
    }) : () -> ()
    %add3A_126 = arith.constant 6 : i32
    %add3A_127 = arith.addi %while3A_78, %add3A_126 : i32
    %dma_wait3A_128 = arith.constant 0 : i32
    %dma_wait3A_129 = tpu.memref_slice %arg7[%add3A_127, %dma_wait3A_128] : memref<72x128xi32, #tpu.memory_space<vmem>> -> memref<1x128xi32, #tpu.memory_space<vmem>>
    %dma_wait3A_130 = tpu.memref_squeeze %dma_wait3A_129 : memref<1x128xi32, #tpu.memory_space<vmem>> -> memref<128xi32, #tpu.memory_space<vmem>>
    %dma_wait3A_131 = arith.constant 0 : i32
    %dma_wait3A_132 = arith.constant 0 : i32
    %dma_wait3A_133 = tpu.memref_slice %arg4[%dma_wait3A_131, %dma_wait3A_132] : memref<10000x48xf32, #tpu.memory_space<hbm>> -> memref<10000x48xf32, #tpu.memory_space<hbm>>
    tpu.wait_indirect_dma semaphore(%arg24 : memref<!tpu.dma_semaphore, #tpu.memory_space<semaphore_mem>>) src(%dma_wait3A_133 : memref<10000x48xf32, #tpu.memory_space<hbm>>) dst(%arg15 : memref<128x48xf32, #tpu.memory_space<vmem>>)
    "tpu.region"() ({
      %run_scoped3A = tpu.sem_alloc : memref<!tpu.dma_semaphore, #tpu.memory_space<semaphore_mem>>
      %dma_start3A_147 = arith.constant 0 : i32
      %dma_start3A_148 = tpu.memref_slice %arg8[%add3A_127, %dma_start3A_147] : memref<72x128xi32, #tpu.memory_space<vmem>> -> memref<1x128xi32, #tpu.memory_space<vmem>>
      %dma_start3A_149 = tpu.memref_squeeze %dma_start3A_148 : memref<1x128xi32, #tpu.memory_space<vmem>> -> memref<128xi32, #tpu.memory_space<vmem>>
      %dma_start3A_150 = arith.constant 0 : i32
      %dma_start3A_151 = arith.constant 0 : i32
      %dma_start3A_152 = tpu.memref_slice %arg17[%dma_start3A_150, %dma_start3A_151] : memref<10240x48xf32, #tpu.memory_space<vmem_shared>> -> memref<10240x48xf32, #tpu.memory_space<vmem_shared>>
      tpu.enqueue_indirect_dma source(%arg15 : memref<128x48xf32, #tpu.memory_space<vmem>>) target(%dma_start3A_152 : memref<10240x48xf32, #tpu.memory_space<vmem_shared>>) offsets(%dma_start3A_149 : memref<128xi32, #tpu.memory_space<vmem>>) semaphore(%run_scoped3A : memref<!tpu.dma_semaphore, #tpu.memory_space<semaphore_mem>>) {add = true}
      %dma_wait3A_153 = arith.constant 0 : i32
      %dma_wait3A_154 = tpu.memref_slice %arg8[%add3A_127, %dma_wait3A_153] : memref<72x128xi32, #tpu.memory_space<vmem>> -> memref<1x128xi32, #tpu.memory_space<vmem>>
      %dma_wait3A_155 = tpu.memref_squeeze %dma_wait3A_154 : memref<1x128xi32, #tpu.memory_space<vmem>> -> memref<128xi32, #tpu.memory_space<vmem>>
      %dma_wait3A_156 = arith.constant 0 : i32
      %dma_wait3A_157 = arith.constant 0 : i32
      %dma_wait3A_158 = tpu.memref_slice %arg17[%dma_wait3A_156, %dma_wait3A_157] : memref<10240x48xf32, #tpu.memory_space<vmem_shared>> -> memref<10240x48xf32, #tpu.memory_space<vmem_shared>>
      tpu.wait_indirect_dma semaphore(%run_scoped3A : memref<!tpu.dma_semaphore, #tpu.memory_space<semaphore_mem>>) src(%arg15 : memref<128x48xf32, #tpu.memory_space<vmem>>) dst(%dma_wait3A_158 : memref<10240x48xf32, #tpu.memory_space<vmem_shared>>)
      tpu.yield
    }) : () -> ()
    %add3A_134 = arith.constant 7 : i32
    %add3A_135 = arith.addi %while3A_78, %add3A_134 : i32
    %dma_wait3A_136 = arith.constant 0 : i32
    %dma_wait3A_137 = tpu.memref_slice %arg7[%add3A_135, %dma_wait3A_136] : memref<72x128xi32, #tpu.memory_space<vmem>> -> memref<1x128xi32, #tpu.memory_space<vmem>>
    %dma_wait3A_138 = tpu.memref_squeeze %dma_wait3A_137 : memref<1x128xi32, #tpu.memory_space<vmem>> -> memref<128xi32, #tpu.memory_space<vmem>>
    %dma_wait3A_139 = arith.constant 0 : i32
    %dma_wait3A_140 = arith.constant 0 : i32
    %dma_wait3A_141 = tpu.memref_slice %arg4[%dma_wait3A_139, %dma_wait3A_140] : memref<10000x48xf32, #tpu.memory_space<hbm>> -> memref<10000x48xf32, #tpu.memory_space<hbm>>
    tpu.wait_indirect_dma semaphore(%arg25 : memref<!tpu.dma_semaphore, #tpu.memory_space<semaphore_mem>>) src(%dma_wait3A_141 : memref<10000x48xf32, #tpu.memory_space<hbm>>) dst(%arg16 : memref<128x48xf32, #tpu.memory_space<vmem>>)
    "tpu.region"() ({
      %run_scoped3A = tpu.sem_alloc : memref<!tpu.dma_semaphore, #tpu.memory_space<semaphore_mem>>
      %dma_start3A_147 = arith.constant 0 : i32
      %dma_start3A_148 = tpu.memref_slice %arg8[%add3A_135, %dma_start3A_147] : memref<72x128xi32, #tpu.memory_space<vmem>> -> memref<1x128xi32, #tpu.memory_space<vmem>>
      %dma_start3A_149 = tpu.memref_squeeze %dma_start3A_148 : memref<1x128xi32, #tpu.memory_space<vmem>> -> memref<128xi32, #tpu.memory_space<vmem>>
      %dma_start3A_150 = arith.constant 0 : i32
      %dma_start3A_151 = arith.constant 0 : i32
      %dma_start3A_152 = tpu.memref_slice %arg17[%dma_start3A_150, %dma_start3A_151] : memref<10240x48xf32, #tpu.memory_space<vmem_shared>> -> memref<10240x48xf32, #tpu.memory_space<vmem_shared>>
      tpu.enqueue_indirect_dma source(%arg16 : memref<128x48xf32, #tpu.memory_space<vmem>>) target(%dma_start3A_152 : memref<10240x48xf32, #tpu.memory_space<vmem_shared>>) offsets(%dma_start3A_149 : memref<128xi32, #tpu.memory_space<vmem>>) semaphore(%run_scoped3A : memref<!tpu.dma_semaphore, #tpu.memory_space<semaphore_mem>>) {add = true}
      %dma_wait3A_153 = arith.constant 0 : i32
      %dma_wait3A_154 = tpu.memref_slice %arg8[%add3A_135, %dma_wait3A_153] : memref<72x128xi32, #tpu.memory_space<vmem>> -> memref<1x128xi32, #tpu.memory_space<vmem>>
      %dma_wait3A_155 = tpu.memref_squeeze %dma_wait3A_154 : memref<1x128xi32, #tpu.memory_space<vmem>> -> memref<128xi32, #tpu.memory_space<vmem>>
      %dma_wait3A_156 = arith.constant 0 : i32
      %dma_wait3A_157 = arith.constant 0 : i32
      %dma_wait3A_158 = tpu.memref_slice %arg17[%dma_wait3A_156, %dma_wait3A_157] : memref<10240x48xf32, #tpu.memory_space<vmem_shared>> -> memref<10240x48xf32, #tpu.memory_space<vmem_shared>>
      tpu.wait_indirect_dma semaphore(%run_scoped3A : memref<!tpu.dma_semaphore, #tpu.memory_space<semaphore_mem>>) src(%arg16 : memref<128x48xf32, #tpu.memory_space<vmem>>) dst(%dma_wait3A_158 : memref<10240x48xf32, #tpu.memory_space<vmem_shared>>)
      tpu.yield
    }) : () -> ()
    %barrier3A_142 = arith.constant 0 : index
    tpu.barrier barrier_id(%barrier3A_142)
    %mul3A_143 = arith.constant 640 : i32
    %mul3A_144 = arith.muli %arg1, %mul3A_143 : i32
    %mul3A_145 = arith.constant 640 : i32
    %mul3A_146 = arith.muli %arg1, %mul3A_145 : i32
    "tpu.region"() ({
      %run_scoped3A = tpu.sem_alloc : memref<!tpu.dma_semaphore, #tpu.memory_space<semaphore_mem>>
      %dma_start3A_147 = arith.constant 0 : i32
      %dma_start3A_148 = tpu.memref_slice %arg6[%arg0, %mul3A_146, %dma_start3A_147] : memref<2x10240x48xf32, #tpu.memory_space<hbm>> -> memref<1x640x48xf32, #tpu.memory_space<hbm>>
      %dma_start3A_149 = tpu.memref_squeeze %dma_start3A_148 : memref<1x640x48xf32, #tpu.memory_space<hbm>> -> memref<640x48xf32, #tpu.memory_space<hbm>>
      %dma_start3A_150 = arith.constant 0 : i32
      %dma_start3A_151 = tpu.memref_slice %arg17[%mul3A_144, %dma_start3A_150] : memref<10240x48xf32, #tpu.memory_space<vmem_shared>> -> memref<640x48xf32, #tpu.memory_space<vmem_shared>>
      tpu.enqueue_dma source(%dma_start3A_151 : memref<640x48xf32, #tpu.memory_space<vmem_shared>>) target(%dma_start3A_149 : memref<640x48xf32, #tpu.memory_space<hbm>>) target_semaphore(%run_scoped3A : memref<!tpu.dma_semaphore, #tpu.memory_space<semaphore_mem>>)
      %dma_wait3A_152 = arith.constant 0 : i32
      %dma_wait3A_153 = tpu.memref_slice %arg6[%arg0, %mul3A_146, %dma_wait3A_152] : memref<2x10240x48xf32, #tpu.memory_space<hbm>> -> memref<1x640x48xf32, #tpu.memory_space<hbm>>
      %dma_wait3A_154 = tpu.memref_squeeze %dma_wait3A_153 : memref<1x640x48xf32, #tpu.memory_space<hbm>> -> memref<640x48xf32, #tpu.memory_space<hbm>>
      %dma_wait3A_155 = arith.constant 0 : i32
      %dma_wait3A_156 = tpu.memref_slice %arg17[%mul3A_144, %dma_wait3A_155] : memref<10240x48xf32, #tpu.memory_space<vmem_shared>> -> memref<640x48xf32, #tpu.memory_space<vmem_shared>>
      tpu.wait_dma2 semaphore(%run_scoped3A : memref<!tpu.dma_semaphore, #tpu.memory_space<semaphore_mem>>) src(%dma_wait3A_156 : memref<640x48xf32, #tpu.memory_space<vmem_shared>>) dst(%dma_wait3A_154 : memref<640x48xf32, #tpu.memory_space<hbm>>)
      tpu.yield
    }) : () -> ()
    return
  }
}

#map = affine_map<(d0, d1) -> (0, 0)>
#map1 = affine_map<(d0, d1) -> (0, 0, 0)>
module attributes {stable_mosaic.version = 14 : i64} {
  func.func @k(%arg0: i32, %arg1: i32, %arg2: memref<1344x128xi32, #tpu.memory_space<hbm>>, %arg3: memref<10240x16xf32, #tpu.memory_space<hbm>>, %arg4: memref<128x16xf32, #tpu.memory_space<hbm>>, %arg5: memref<2x10240x16xf32, #tpu.memory_space<hbm>>, %arg6: memref<40x128xi32, #tpu.memory_space<vmem>>, %arg7: memref<128x16xf32, #tpu.memory_space<vmem>>, %arg8: memref<10240x16xf32, #tpu.memory_space<vmem_shared>>, %arg9: memref<!tpu.dma_semaphore, #tpu.memory_space<semaphore_mem>>) attributes {dimension_semantics = [#tpu.dimension_semantics<core_parallel>, #tpu.dimension_semantics<subcore_parallel>], iteration_bounds = array<i64: 2, 16>, scalar_prefetch = 0 : i64, scratch_operands = 4 : i64, tpu.core_type = #tpu.core_type<sc_vector_subcore>, window_params = [{transform_indices = #map}, {transform_indices = #map}, {transform_indices = #map}, {transform_indices = #map1}]} {
    %mul3A = arith.constant 16 : i32
    %mul3A_0 = arith.muli %arg0, %mul3A : i32
    %add3A = arith.addi %mul3A_0, %arg1 : i32
    %mul3A_1 = arith.constant 640 : i32
    %mul3A_2 = arith.muli %arg1, %mul3A_1 : i32
    %mul3A_3 = arith.constant 640 : i32
    %mul3A_4 = arith.muli %arg1, %mul3A_3 : i32
    "tpu.region"() ({
      %run_scoped3A = tpu.sem_alloc : memref<!tpu.dma_semaphore, #tpu.memory_space<semaphore_mem>>
      %dma_start3A = arith.constant 0 : i32
      %dma_start3A_37 = tpu.memref_slice %arg8[%mul3A_4, %dma_start3A] : memref<10240x16xf32, #tpu.memory_space<vmem_shared>> -> memref<640x16xf32, #tpu.memory_space<vmem_shared>>
      %dma_start3A_38 = arith.constant 0 : i32
      %dma_start3A_39 = tpu.memref_slice %arg3[%mul3A_2, %dma_start3A_38] : memref<10240x16xf32, #tpu.memory_space<hbm>> -> memref<640x16xf32, #tpu.memory_space<hbm>>
      tpu.enqueue_dma source(%dma_start3A_39 : memref<640x16xf32, #tpu.memory_space<hbm>>) target(%dma_start3A_37 : memref<640x16xf32, #tpu.memory_space<vmem_shared>>) target_semaphore(%run_scoped3A : memref<!tpu.dma_semaphore, #tpu.memory_space<semaphore_mem>>)
      %dma_wait3A = arith.constant 0 : i32
      %dma_wait3A_40 = tpu.memref_slice %arg8[%mul3A_4, %dma_wait3A] : memref<10240x16xf32, #tpu.memory_space<vmem_shared>> -> memref<640x16xf32, #tpu.memory_space<vmem_shared>>
      %dma_wait3A_41 = arith.constant 0 : i32
      %dma_wait3A_42 = tpu.memref_slice %arg3[%mul3A_2, %dma_wait3A_41] : memref<10240x16xf32, #tpu.memory_space<hbm>> -> memref<640x16xf32, #tpu.memory_space<hbm>>
      tpu.wait_dma2 semaphore(%run_scoped3A : memref<!tpu.dma_semaphore, #tpu.memory_space<semaphore_mem>>) src(%dma_wait3A_42 : memref<640x16xf32, #tpu.memory_space<hbm>>) dst(%dma_wait3A_40 : memref<640x16xf32, #tpu.memory_space<vmem_shared>>)
      tpu.yield
    }) : () -> ()
    %mul3A_5 = arith.constant 40 : i32
    %mul3A_6 = arith.muli %add3A, %mul3A_5 : i32
    "tpu.region"() ({
      %run_scoped3A = tpu.sem_alloc : memref<!tpu.dma_semaphore, #tpu.memory_space<semaphore_mem>>
      %dma_start3A = arith.constant 0 : i32
      %dma_start3A_37 = tpu.memref_slice %arg2[%mul3A_6, %dma_start3A] : memref<1344x128xi32, #tpu.memory_space<hbm>> -> memref<40x128xi32, #tpu.memory_space<hbm>>
      %dma_start3A_38 = arith.constant 0 : i32
      %dma_start3A_39 = tpu.memref_slice %arg2[%mul3A_6, %dma_start3A_38] : memref<1344x128xi32, #tpu.memory_space<hbm>> -> memref<40x128xi32, #tpu.memory_space<hbm>>
      tpu.enqueue_dma source(%dma_start3A_39 : memref<40x128xi32, #tpu.memory_space<hbm>>) target(%arg6 : memref<40x128xi32, #tpu.memory_space<vmem>>) target_semaphore(%run_scoped3A : memref<!tpu.dma_semaphore, #tpu.memory_space<semaphore_mem>>)
      %dma_wait3A = arith.constant 0 : i32
      %dma_wait3A_40 = tpu.memref_slice %arg2[%mul3A_6, %dma_wait3A] : memref<1344x128xi32, #tpu.memory_space<hbm>> -> memref<40x128xi32, #tpu.memory_space<hbm>>
      %dma_wait3A_41 = arith.constant 0 : i32
      %dma_wait3A_42 = tpu.memref_slice %arg2[%mul3A_6, %dma_wait3A_41] : memref<1344x128xi32, #tpu.memory_space<hbm>> -> memref<40x128xi32, #tpu.memory_space<hbm>>
      tpu.wait_dma2 semaphore(%run_scoped3A : memref<!tpu.dma_semaphore, #tpu.memory_space<semaphore_mem>>) src(%dma_wait3A_42 : memref<40x128xi32, #tpu.memory_space<hbm>>) dst(%arg6 : memref<40x128xi32, #tpu.memory_space<vmem>>)
      tpu.yield
    }) : () -> ()
    "tpu.region"() ({
      %run_scoped3A = tpu.sem_alloc : memref<!tpu.dma_semaphore, #tpu.memory_space<semaphore_mem>>
      tpu.enqueue_dma source(%arg4 : memref<128x16xf32, #tpu.memory_space<hbm>>) target(%arg7 : memref<128x16xf32, #tpu.memory_space<vmem>>) target_semaphore(%run_scoped3A : memref<!tpu.dma_semaphore, #tpu.memory_space<semaphore_mem>>)
      tpu.wait_dma2 semaphore(%run_scoped3A : memref<!tpu.dma_semaphore, #tpu.memory_space<semaphore_mem>>) src(%arg4 : memref<128x16xf32, #tpu.memory_space<hbm>>) dst(%arg7 : memref<128x16xf32, #tpu.memory_space<vmem>>)
      tpu.yield
    }) : () -> ()
    %barrier3A = arith.constant 0 : index
    tpu.barrier barrier_id(%barrier3A)
    %while3A = arith.constant 0 : i32
    %while3A_7 = arith.constant 40 : i32
    %while3A_8 = arith.constant 0 : i32
    %while3A_9 = arith.subi %while3A_7, %while3A : i32
    %while3A_10 = arith.addi %while3A, %while3A_9 : i32
    %while3A_11 = arith.constant 1 : i32
    %while3A_12 = arith.divsi %while3A_9, %while3A_11 : i32
    %while3A_13 = arith.muli %while3A_12, %while3A_11 : i32
    %while3A_14 = arith.addi %while3A, %while3A_13 : i32
    %while3A_15 = arith.constant 1 : i32
    %while3A_16 = scf.for %while3A_37 = %while3A to %while3A_14 step %while3A_15 iter_args(%while3A_38 = %while3A_8) -> (i32)  : i32 {
      %dma_start3A = arith.constant 0 : i32
      %dma_start3A_39 = tpu.memref_slice %arg6[%while3A_38, %dma_start3A] : memref<40x128xi32, #tpu.memory_space<vmem>> -> memref<1x128xi32, #tpu.memory_space<vmem>>
      %dma_start3A_40 = tpu.memref_squeeze %dma_start3A_39 : memref<1x128xi32, #tpu.memory_space<vmem>> -> memref<128xi32, #tpu.memory_space<vmem>>
      %dma_start3A_41 = arith.constant 0 : i32
      %dma_start3A_42 = arith.constant 0 : i32
      %dma_start3A_43 = tpu.memref_slice %arg8[%dma_start3A_41, %dma_start3A_42] : memref<10240x16xf32, #tpu.memory_space<vmem_shared>> -> memref<10240x16xf32, #tpu.memory_space<vmem_shared>>
      tpu.enqueue_indirect_dma source(%arg7 : memref<128x16xf32, #tpu.memory_space<vmem>>) target(%dma_start3A_43 : memref<10240x16xf32, #tpu.memory_space<vmem_shared>>) offsets(%dma_start3A_40 : memref<128xi32, #tpu.memory_space<vmem>>) semaphore(%arg9 : memref<!tpu.dma_semaphore, #tpu.memory_space<semaphore_mem>>) {add = true}
      %add3A_44 = arith.constant 1 : i32
      %add3A_45 = arith.addi %while3A_38, %add3A_44 : i32
      scf.yield %add3A_45 : i32
    }
    %while3A_17 = arith.constant 1 : i32
    %while3A_18 = scf.for %while3A_37 = %while3A_14 to %while3A_10 step %while3A_17 iter_args(%while3A_38 = %while3A_16) -> (i32)  : i32 {
      %dma_start3A = arith.constant 0 : i32
      %dma_start3A_39 = tpu.memref_slice %arg6[%while3A_38, %dma_start3A] : memref<40x128xi32, #tpu.memory_space<vmem>> -> memref<1x128xi32, #tpu.memory_space<vmem>>
      %dma_start3A_40 = tpu.memref_squeeze %dma_start3A_39 : memref<1x128xi32, #tpu.memory_space<vmem>> -> memref<128xi32, #tpu.memory_space<vmem>>
      %dma_start3A_41 = arith.constant 0 : i32
      %dma_start3A_42 = arith.constant 0 : i32
      %dma_start3A_43 = tpu.memref_slice %arg8[%dma_start3A_41, %dma_start3A_42] : memref<10240x16xf32, #tpu.memory_space<vmem_shared>> -> memref<10240x16xf32, #tpu.memory_space<vmem_shared>>
      tpu.enqueue_indirect_dma source(%arg7 : memref<128x16xf32, #tpu.memory_space<vmem>>) target(%dma_start3A_43 : memref<10240x16xf32, #tpu.memory_space<vmem_shared>>) offsets(%dma_start3A_40 : memref<128xi32, #tpu.memory_space<vmem>>) semaphore(%arg9 : memref<!tpu.dma_semaphore, #tpu.memory_space<semaphore_mem>>) {add = true}
      %add3A_44 = arith.constant 1 : i32
      %add3A_45 = arith.addi %while3A_38, %add3A_44 : i32
      scf.yield %add3A_45 : i32
    }
    %while3A_19 = arith.constant 0 : i32
    %while3A_20 = arith.constant 40 : i32
    %while3A_21 = arith.constant 0 : i32
    %while3A_22 = arith.subi %while3A_20, %while3A_19 : i32
    %while3A_23 = arith.addi %while3A_19, %while3A_22 : i32
    %while3A_24 = arith.constant 1 : i32
    %while3A_25 = arith.divsi %while3A_22, %while3A_24 : i32
    %while3A_26 = arith.muli %while3A_25, %while3A_24 : i32
    %while3A_27 = arith.addi %while3A_19, %while3A_26 : i32
    %while3A_28 = arith.constant 1 : i32
    %while3A_29 = scf.for %while3A_37 = %while3A_19 to %while3A_27 step %while3A_28 iter_args(%while3A_38 = %while3A_21) -> (i32)  : i32 {
      %dma_wait3A = arith.constant 0 : i32
      %dma_wait3A_39 = tpu.memref_slice %arg6[%while3A_38, %dma_wait3A] : memref<40x128xi32, #tpu.memory_space<vmem>> -> memref<1x128xi32, #tpu.memory_space<vmem>>
      %dma_wait3A_40 = tpu.memref_squeeze %dma_wait3A_39 : memref<1x128xi32, #tpu.memory_space<vmem>> -> memref<128xi32, #tpu.memory_space<vmem>>
      %dma_wait3A_41 = arith.constant 0 : i32
      %dma_wait3A_42 = arith.constant 0 : i32
      %dma_wait3A_43 = tpu.memref_slice %arg8[%dma_wait3A_41, %dma_wait3A_42] : memref<10240x16xf32, #tpu.memory_space<vmem_shared>> -> memref<10240x16xf32, #tpu.memory_space<vmem_shared>>
      tpu.wait_indirect_dma semaphore(%arg9 : memref<!tpu.dma_semaphore, #tpu.memory_space<semaphore_mem>>) src(%arg7 : memref<128x16xf32, #tpu.memory_space<vmem>>) dst(%dma_wait3A_43 : memref<10240x16xf32, #tpu.memory_space<vmem_shared>>)
      %add3A_44 = arith.constant 1 : i32
      %add3A_45 = arith.addi %while3A_38, %add3A_44 : i32
      scf.yield %add3A_45 : i32
    }
    %while3A_30 = arith.constant 1 : i32
    %while3A_31 = scf.for %while3A_37 = %while3A_27 to %while3A_23 step %while3A_30 iter_args(%while3A_38 = %while3A_29) -> (i32)  : i32 {
      %dma_wait3A = arith.constant 0 : i32
      %dma_wait3A_39 = tpu.memref_slice %arg6[%while3A_38, %dma_wait3A] : memref<40x128xi32, #tpu.memory_space<vmem>> -> memref<1x128xi32, #tpu.memory_space<vmem>>
      %dma_wait3A_40 = tpu.memref_squeeze %dma_wait3A_39 : memref<1x128xi32, #tpu.memory_space<vmem>> -> memref<128xi32, #tpu.memory_space<vmem>>
      %dma_wait3A_41 = arith.constant 0 : i32
      %dma_wait3A_42 = arith.constant 0 : i32
      %dma_wait3A_43 = tpu.memref_slice %arg8[%dma_wait3A_41, %dma_wait3A_42] : memref<10240x16xf32, #tpu.memory_space<vmem_shared>> -> memref<10240x16xf32, #tpu.memory_space<vmem_shared>>
      tpu.wait_indirect_dma semaphore(%arg9 : memref<!tpu.dma_semaphore, #tpu.memory_space<semaphore_mem>>) src(%arg7 : memref<128x16xf32, #tpu.memory_space<vmem>>) dst(%dma_wait3A_43 : memref<10240x16xf32, #tpu.memory_space<vmem_shared>>)
      %add3A_44 = arith.constant 1 : i32
      %add3A_45 = arith.addi %while3A_38, %add3A_44 : i32
      scf.yield %add3A_45 : i32
    }
    %barrier3A_32 = arith.constant 0 : index
    tpu.barrier barrier_id(%barrier3A_32)
    %mul3A_33 = arith.constant 640 : i32
    %mul3A_34 = arith.muli %arg1, %mul3A_33 : i32
    %mul3A_35 = arith.constant 640 : i32
    %mul3A_36 = arith.muli %arg1, %mul3A_35 : i32
    "tpu.region"() ({
      %run_scoped3A = tpu.sem_alloc : memref<!tpu.dma_semaphore, #tpu.memory_space<semaphore_mem>>
      %dma_start3A = arith.constant 0 : i32
      %dma_start3A_37 = tpu.memref_slice %arg5[%arg0, %mul3A_36, %dma_start3A] : memref<2x10240x16xf32, #tpu.memory_space<hbm>> -> memref<1x640x16xf32, #tpu.memory_space<hbm>>
      %dma_start3A_38 = tpu.memref_squeeze %dma_start3A_37 : memref<1x640x16xf32, #tpu.memory_space<hbm>> -> memref<640x16xf32, #tpu.memory_space<hbm>>
      %dma_start3A_39 = arith.constant 0 : i32
      %dma_start3A_40 = tpu.memref_slice %arg8[%mul3A_34, %dma_start3A_39] : memref<10240x16xf32, #tpu.memory_space<vmem_shared>> -> memref<640x16xf32, #tpu.memory_space<vmem_shared>>
      tpu.enqueue_dma source(%dma_start3A_40 : memref<640x16xf32, #tpu.memory_space<vmem_shared>>) target(%dma_start3A_38 : memref<640x16xf32, #tpu.memory_space<hbm>>) target_semaphore(%run_scoped3A : memref<!tpu.dma_semaphore, #tpu.memory_space<semaphore_mem>>)
      %dma_wait3A = arith.constant 0 : i32
      %dma_wait3A_41 = tpu.memref_slice %arg5[%arg0, %mul3A_36, %dma_wait3A] : memref<2x10240x16xf32, #tpu.memory_space<hbm>> -> memref<1x640x16xf32, #tpu.memory_space<hbm>>
      %dma_wait3A_42 = tpu.memref_squeeze %dma_wait3A_41 : memref<1x640x16xf32, #tpu.memory_space<hbm>> -> memref<640x16xf32, #tpu.memory_space<hbm>>
      %dma_wait3A_43 = arith.constant 0 : i32
      %dma_wait3A_44 = tpu.memref_slice %arg8[%mul3A_34, %dma_wait3A_43] : memref<10240x16xf32, #tpu.memory_space<vmem_shared>> -> memref<640x16xf32, #tpu.memory_space<vmem_shared>>
      tpu.wait_dma2 semaphore(%run_scoped3A : memref<!tpu.dma_semaphore, #tpu.memory_space<semaphore_mem>>) src(%dma_wait3A_44 : memref<640x16xf32, #tpu.memory_space<vmem_shared>>) dst(%dma_wait3A_42 : memref<640x16xf32, #tpu.memory_space<hbm>>)
      tpu.yield
    }) : () -> ()
    return
  }
}

#map = affine_map<(d0, d1) -> (0, 0)>
#map1 = affine_map<(d0, d1) -> (0, 0, 0)>
module attributes {stable_mosaic.version = 14 : i64} {
  func.func @k(%arg0: i32, %arg1: i32, %arg2: memref<1344x128xi32, #tpu.memory_space<hbm>>, %arg3: memref<1344x128xi32, #tpu.memory_space<hbm>>, %arg4: memref<10000x32xf32, #tpu.memory_space<hbm>>, %arg5: memref<10240x32xf32, #tpu.memory_space<hbm>>, %arg6: memref<2x10240x32xf32, #tpu.memory_space<hbm>>, %arg7: memref<72x128xi32, #tpu.memory_space<vmem>>, %arg8: memref<72x128xi32, #tpu.memory_space<vmem>>, %arg9: memref<128x32xf32, #tpu.memory_space<vmem>>, %arg10: memref<128x32xf32, #tpu.memory_space<vmem>>, %arg11: memref<128x32xf32, #tpu.memory_space<vmem>>, %arg12: memref<128x32xf32, #tpu.memory_space<vmem>>, %arg13: memref<128x32xf32, #tpu.memory_space<vmem>>, %arg14: memref<128x32xf32, #tpu.memory_space<vmem>>, %arg15: memref<128x32xf32, #tpu.memory_space<vmem>>, %arg16: memref<128x32xf32, #tpu.memory_space<vmem>>, %arg17: memref<10240x32xf32, #tpu.memory_space<vmem_shared>>, %arg18: memref<!tpu.dma_semaphore, #tpu.memory_space<semaphore_mem>>, %arg19: memref<!tpu.dma_semaphore, #tpu.memory_space<semaphore_mem>>, %arg20: memref<!tpu.dma_semaphore, #tpu.memory_space<semaphore_mem>>, %arg21: memref<!tpu.dma_semaphore, #tpu.memory_space<semaphore_mem>>, %arg22: memref<!tpu.dma_semaphore, #tpu.memory_space<semaphore_mem>>, %arg23: memref<!tpu.dma_semaphore, #tpu.memory_space<semaphore_mem>>, %arg24: memref<!tpu.dma_semaphore, #tpu.memory_space<semaphore_mem>>, %arg25: memref<!tpu.dma_semaphore, #tpu.memory_space<semaphore_mem>>, %arg26: memref<!tpu.dma_semaphore, #tpu.memory_space<semaphore_mem>>, %arg27: memref<!tpu.dma_semaphore, #tpu.memory_space<semaphore_mem>>, %arg28: memref<!tpu.dma_semaphore, #tpu.memory_space<semaphore_mem>>, %arg29: memref<!tpu.dma_semaphore, #tpu.memory_space<semaphore_mem>>, %arg30: memref<!tpu.dma_semaphore, #tpu.memory_space<semaphore_mem>>, %arg31: memref<!tpu.dma_semaphore, #tpu.memory_space<semaphore_mem>>, %arg32: memref<!tpu.dma_semaphore, #tpu.memory_space<semaphore_mem>>, %arg33: memref<!tpu.dma_semaphore, #tpu.memory_space<semaphore_mem>>) attributes {dimension_semantics = [#tpu.dimension_semantics<core_parallel>, #tpu.dimension_semantics<subcore_parallel>], iteration_bounds = array<i64: 2, 16>, scalar_prefetch = 0 : i64, scratch_operands = 27 : i64, tpu.core_type = #tpu.core_type<sc_vector_subcore>, window_params = [{transform_indices = #map}, {transform_indices = #map}, {transform_indices = #map}, {transform_indices = #map}, {transform_indices = #map1}]} {
    %mul3A = arith.constant 72 : i32
    %mul3A_0 = arith.muli %arg1, %mul3A : i32
    %mul3A_1 = arith.constant 64 : i32
    %mul3A_2 = arith.muli %arg1, %mul3A_1 : i32
    %sub3A = arith.constant 1152 : i32
    %sub3A_3 = arith.subi %sub3A, %mul3A_2 : i32
    %mul3A_4 = arith.muli %arg0, %sub3A_3 : i32
    %add3A = arith.addi %mul3A_0, %mul3A_4 : i32
    %mul3A_5 = arith.constant 8 : i32
    %mul3A_6 = arith.muli %arg0, %mul3A_5 : i32
    %sub3A_7 = arith.constant 8 : i32
    %sub3A_8 = arith.subi %sub3A_7, %mul3A_6 : i32
    %mul3A_9 = arith.constant 640 : i32
    %mul3A_10 = arith.muli %arg1, %mul3A_9 : i32
    %mul3A_11 = arith.constant 640 : i32
    %mul3A_12 = arith.muli %arg1, %mul3A_11 : i32
    "tpu.region"() ({
      %run_scoped3A = tpu.sem_alloc : memref<!tpu.dma_semaphore, #tpu.memory_space<semaphore_mem>>
      %dma_start3A_147 = arith.constant 0 : i32
      %dma_start3A_148 = tpu.memref_slice %arg17[%mul3A_12, %dma_start3A_147] : memref<10240x32xf32, #tpu.memory_space<vmem_shared>> -> memref<640x32xf32, #tpu.memory_space<vmem_shared>>
      %dma_start3A_149 = arith.constant 0 : i32
      %dma_start3A_150 = tpu.memref_slice %arg5[%mul3A_10, %dma_start3A_149] : memref<10240x32xf32, #tpu.memory_space<hbm>> -> memref<640x32xf32, #tpu.memory_space<hbm>>
      tpu.enqueue_dma source(%dma_start3A_150 : memref<640x32xf32, #tpu.memory_space<hbm>>) target(%dma_start3A_148 : memref<640x32xf32, #tpu.memory_space<vmem_shared>>) target_semaphore(%run_scoped3A : memref<!tpu.dma_semaphore, #tpu.memory_space<semaphore_mem>>)
      %dma_wait3A_151 = arith.constant 0 : i32
      %dma_wait3A_152 = tpu.memref_slice %arg17[%mul3A_12, %dma_wait3A_151] : memref<10240x32xf32, #tpu.memory_space<vmem_shared>> -> memref<640x32xf32, #tpu.memory_space<vmem_shared>>
      %dma_wait3A_153 = arith.constant 0 : i32
      %dma_wait3A_154 = tpu.memref_slice %arg5[%mul3A_10, %dma_wait3A_153] : memref<10240x32xf32, #tpu.memory_space<hbm>> -> memref<640x32xf32, #tpu.memory_space<hbm>>
      tpu.wait_dma2 semaphore(%run_scoped3A : memref<!tpu.dma_semaphore, #tpu.memory_space<semaphore_mem>>) src(%dma_wait3A_154 : memref<640x32xf32, #tpu.memory_space<hbm>>) dst(%dma_wait3A_152 : memref<640x32xf32, #tpu.memory_space<vmem_shared>>)
      tpu.yield
    }) : () -> ()
    "tpu.region"() ({
      %run_scoped3A = tpu.sem_alloc : memref<!tpu.dma_semaphore, #tpu.memory_space<semaphore_mem>>
      %dma_start3A_147 = arith.constant 0 : i32
      %dma_start3A_148 = tpu.memref_slice %arg2[%add3A, %dma_start3A_147] : memref<1344x128xi32, #tpu.memory_space<hbm>> -> memref<72x128xi32, #tpu.memory_space<hbm>>
      %dma_start3A_149 = arith.constant 0 : i32
      %dma_start3A_150 = tpu.memref_slice %arg2[%add3A, %dma_start3A_149] : memref<1344x128xi32, #tpu.memory_space<hbm>> -> memref<72x128xi32, #tpu.memory_space<hbm>>
      tpu.enqueue_dma source(%dma_start3A_150 : memref<72x128xi32, #tpu.memory_space<hbm>>) target(%arg7 : memref<72x128xi32, #tpu.memory_space<vmem>>) target_semaphore(%run_scoped3A : memref<!tpu.dma_semaphore, #tpu.memory_space<semaphore_mem>>)
      %dma_wait3A_151 = arith.constant 0 : i32
      %dma_wait3A_152 = tpu.memref_slice %arg2[%add3A, %dma_wait3A_151] : memref<1344x128xi32, #tpu.memory_space<hbm>> -> memref<72x128xi32, #tpu.memory_space<hbm>>
      %dma_wait3A_153 = arith.constant 0 : i32
      %dma_wait3A_154 = tpu.memref_slice %arg2[%add3A, %dma_wait3A_153] : memref<1344x128xi32, #tpu.memory_space<hbm>> -> memref<72x128xi32, #tpu.memory_space<hbm>>
      tpu.wait_dma2 semaphore(%run_scoped3A : memref<!tpu.dma_semaphore, #tpu.memory_space<semaphore_mem>>) src(%dma_wait3A_154 : memref<72x128xi32, #tpu.memory_space<hbm>>) dst(%arg7 : memref<72x128xi32, #tpu.memory_space<vmem>>)
      tpu.yield
    }) : () -> ()
    "tpu.region"() ({
      %run_scoped3A = tpu.sem_alloc : memref<!tpu.dma_semaphore, #tpu.memory_space<semaphore_mem>>
      %dma_start3A_147 = arith.constant 0 : i32
      %dma_start3A_148 = tpu.memref_slice %arg3[%add3A, %dma_start3A_147] : memref<1344x128xi32, #tpu.memory_space<hbm>> -> memref<72x128xi32, #tpu.memory_space<hbm>>
      %dma_start3A_149 = arith.constant 0 : i32
      %dma_start3A_150 = tpu.memref_slice %arg3[%add3A, %dma_start3A_149] : memref<1344x128xi32, #tpu.memory_space<hbm>> -> memref<72x128xi32, #tpu.memory_space<hbm>>
      tpu.enqueue_dma source(%dma_start3A_150 : memref<72x128xi32, #tpu.memory_space<hbm>>) target(%arg8 : memref<72x128xi32, #tpu.memory_space<vmem>>) target_semaphore(%run_scoped3A : memref<!tpu.dma_semaphore, #tpu.memory_space<semaphore_mem>>)
      %dma_wait3A_151 = arith.constant 0 : i32
      %dma_wait3A_152 = tpu.memref_slice %arg3[%add3A, %dma_wait3A_151] : memref<1344x128xi32, #tpu.memory_space<hbm>> -> memref<72x128xi32, #tpu.memory_space<hbm>>
      %dma_wait3A_153 = arith.constant 0 : i32
      %dma_wait3A_154 = tpu.memref_slice %arg3[%add3A, %dma_wait3A_153] : memref<1344x128xi32, #tpu.memory_space<hbm>> -> memref<72x128xi32, #tpu.memory_space<hbm>>
      tpu.wait_dma2 semaphore(%run_scoped3A : memref<!tpu.dma_semaphore, #tpu.memory_space<semaphore_mem>>) src(%dma_wait3A_154 : memref<72x128xi32, #tpu.memory_space<hbm>>) dst(%arg8 : memref<72x128xi32, #tpu.memory_space<vmem>>)
      tpu.yield
    }) : () -> ()
    %barrier3A = arith.constant 0 : index
    tpu.barrier barrier_id(%barrier3A)
    %dma_start3A = arith.constant 0 : i32
    %dma_start3A_13 = arith.constant 0 : i32
    %dma_start3A_14 = tpu.memref_slice %arg7[%dma_start3A, %dma_start3A_13] : memref<72x128xi32, #tpu.memory_space<vmem>> -> memref<1x128xi32, #tpu.memory_space<vmem>>
    %dma_start3A_15 = tpu.memref_squeeze %dma_start3A_14 : memref<1x128xi32, #tpu.memory_space<vmem>> -> memref<128xi32, #tpu.memory_space<vmem>>
    %dma_start3A_16 = arith.constant 0 : i32
    %dma_start3A_17 = arith.constant 0 : i32
    %dma_start3A_18 = tpu.memref_slice %arg4[%dma_start3A_16, %dma_start3A_17] : memref<10000x32xf32, #tpu.memory_space<hbm>> -> memref<10000x32xf32, #tpu.memory_space<hbm>>
    tpu.enqueue_indirect_dma source(%dma_start3A_18 : memref<10000x32xf32, #tpu.memory_space<hbm>>) target(%arg9 : memref<128x32xf32, #tpu.memory_space<vmem>>) offsets(%dma_start3A_15 : memref<128xi32, #tpu.memory_space<vmem>>) semaphore(%arg18 : memref<!tpu.dma_semaphore, #tpu.memory_space<semaphore_mem>>)
    %dma_start3A_19 = arith.constant 1 : i32
    %dma_start3A_20 = arith.constant 0 : i32
    %dma_start3A_21 = tpu.memref_slice %arg7[%dma_start3A_19, %dma_start3A_20] : memref<72x128xi32, #tpu.memory_space<vmem>> -> memref<1x128xi32, #tpu.memory_space<vmem>>
    %dma_start3A_22 = tpu.memref_squeeze %dma_start3A_21 : memref<1x128xi32, #tpu.memory_space<vmem>> -> memref<128xi32, #tpu.memory_space<vmem>>
    %dma_start3A_23 = arith.constant 0 : i32
    %dma_start3A_24 = arith.constant 0 : i32
    %dma_start3A_25 = tpu.memref_slice %arg4[%dma_start3A_23, %dma_start3A_24] : memref<10000x32xf32, #tpu.memory_space<hbm>> -> memref<10000x32xf32, #tpu.memory_space<hbm>>
    tpu.enqueue_indirect_dma source(%dma_start3A_25 : memref<10000x32xf32, #tpu.memory_space<hbm>>) target(%arg10 : memref<128x32xf32, #tpu.memory_space<vmem>>) offsets(%dma_start3A_22 : memref<128xi32, #tpu.memory_space<vmem>>) semaphore(%arg19 : memref<!tpu.dma_semaphore, #tpu.memory_space<semaphore_mem>>)
    %dma_start3A_26 = arith.constant 2 : i32
    %dma_start3A_27 = arith.constant 0 : i32
    %dma_start3A_28 = tpu.memref_slice %arg7[%dma_start3A_26, %dma_start3A_27] : memref<72x128xi32, #tpu.memory_space<vmem>> -> memref<1x128xi32, #tpu.memory_space<vmem>>
    %dma_start3A_29 = tpu.memref_squeeze %dma_start3A_28 : memref<1x128xi32, #tpu.memory_space<vmem>> -> memref<128xi32, #tpu.memory_space<vmem>>
    %dma_start3A_30 = arith.constant 0 : i32
    %dma_start3A_31 = arith.constant 0 : i32
    %dma_start3A_32 = tpu.memref_slice %arg4[%dma_start3A_30, %dma_start3A_31] : memref<10000x32xf32, #tpu.memory_space<hbm>> -> memref<10000x32xf32, #tpu.memory_space<hbm>>
    tpu.enqueue_indirect_dma source(%dma_start3A_32 : memref<10000x32xf32, #tpu.memory_space<hbm>>) target(%arg11 : memref<128x32xf32, #tpu.memory_space<vmem>>) offsets(%dma_start3A_29 : memref<128xi32, #tpu.memory_space<vmem>>) semaphore(%arg20 : memref<!tpu.dma_semaphore, #tpu.memory_space<semaphore_mem>>)
    %dma_start3A_33 = arith.constant 3 : i32
    %dma_start3A_34 = arith.constant 0 : i32
    %dma_start3A_35 = tpu.memref_slice %arg7[%dma_start3A_33, %dma_start3A_34] : memref<72x128xi32, #tpu.memory_space<vmem>> -> memref<1x128xi32, #tpu.memory_space<vmem>>
    %dma_start3A_36 = tpu.memref_squeeze %dma_start3A_35 : memref<1x128xi32, #tpu.memory_space<vmem>> -> memref<128xi32, #tpu.memory_space<vmem>>
    %dma_start3A_37 = arith.constant 0 : i32
    %dma_start3A_38 = arith.constant 0 : i32
    %dma_start3A_39 = tpu.memref_slice %arg4[%dma_start3A_37, %dma_start3A_38] : memref<10000x32xf32, #tpu.memory_space<hbm>> -> memref<10000x32xf32, #tpu.memory_space<hbm>>
    tpu.enqueue_indirect_dma source(%dma_start3A_39 : memref<10000x32xf32, #tpu.memory_space<hbm>>) target(%arg12 : memref<128x32xf32, #tpu.memory_space<vmem>>) offsets(%dma_start3A_36 : memref<128xi32, #tpu.memory_space<vmem>>) semaphore(%arg21 : memref<!tpu.dma_semaphore, #tpu.memory_space<semaphore_mem>>)
    %dma_start3A_40 = arith.constant 4 : i32
    %dma_start3A_41 = arith.constant 0 : i32
    %dma_start3A_42 = tpu.memref_slice %arg7[%dma_start3A_40, %dma_start3A_41] : memref<72x128xi32, #tpu.memory_space<vmem>> -> memref<1x128xi32, #tpu.memory_space<vmem>>
    %dma_start3A_43 = tpu.memref_squeeze %dma_start3A_42 : memref<1x128xi32, #tpu.memory_space<vmem>> -> memref<128xi32, #tpu.memory_space<vmem>>
    %dma_start3A_44 = arith.constant 0 : i32
    %dma_start3A_45 = arith.constant 0 : i32
    %dma_start3A_46 = tpu.memref_slice %arg4[%dma_start3A_44, %dma_start3A_45] : memref<10000x32xf32, #tpu.memory_space<hbm>> -> memref<10000x32xf32, #tpu.memory_space<hbm>>
    tpu.enqueue_indirect_dma source(%dma_start3A_46 : memref<10000x32xf32, #tpu.memory_space<hbm>>) target(%arg13 : memref<128x32xf32, #tpu.memory_space<vmem>>) offsets(%dma_start3A_43 : memref<128xi32, #tpu.memory_space<vmem>>) semaphore(%arg22 : memref<!tpu.dma_semaphore, #tpu.memory_space<semaphore_mem>>)
    %dma_start3A_47 = arith.constant 5 : i32
    %dma_start3A_48 = arith.constant 0 : i32
    %dma_start3A_49 = tpu.memref_slice %arg7[%dma_start3A_47, %dma_start3A_48] : memref<72x128xi32, #tpu.memory_space<vmem>> -> memref<1x128xi32, #tpu.memory_space<vmem>>
    %dma_start3A_50 = tpu.memref_squeeze %dma_start3A_49 : memref<1x128xi32, #tpu.memory_space<vmem>> -> memref<128xi32, #tpu.memory_space<vmem>>
    %dma_start3A_51 = arith.constant 0 : i32
    %dma_start3A_52 = arith.constant 0 : i32
    %dma_start3A_53 = tpu.memref_slice %arg4[%dma_start3A_51, %dma_start3A_52] : memref<10000x32xf32, #tpu.memory_space<hbm>> -> memref<10000x32xf32, #tpu.memory_space<hbm>>
    tpu.enqueue_indirect_dma source(%dma_start3A_53 : memref<10000x32xf32, #tpu.memory_space<hbm>>) target(%arg14 : memref<128x32xf32, #tpu.memory_space<vmem>>) offsets(%dma_start3A_50 : memref<128xi32, #tpu.memory_space<vmem>>) semaphore(%arg23 : memref<!tpu.dma_semaphore, #tpu.memory_space<semaphore_mem>>)
    %dma_start3A_54 = arith.constant 6 : i32
    %dma_start3A_55 = arith.constant 0 : i32
    %dma_start3A_56 = tpu.memref_slice %arg7[%dma_start3A_54, %dma_start3A_55] : memref<72x128xi32, #tpu.memory_space<vmem>> -> memref<1x128xi32, #tpu.memory_space<vmem>>
    %dma_start3A_57 = tpu.memref_squeeze %dma_start3A_56 : memref<1x128xi32, #tpu.memory_space<vmem>> -> memref<128xi32, #tpu.memory_space<vmem>>
    %dma_start3A_58 = arith.constant 0 : i32
    %dma_start3A_59 = arith.constant 0 : i32
    %dma_start3A_60 = tpu.memref_slice %arg4[%dma_start3A_58, %dma_start3A_59] : memref<10000x32xf32, #tpu.memory_space<hbm>> -> memref<10000x32xf32, #tpu.memory_space<hbm>>
    tpu.enqueue_indirect_dma source(%dma_start3A_60 : memref<10000x32xf32, #tpu.memory_space<hbm>>) target(%arg15 : memref<128x32xf32, #tpu.memory_space<vmem>>) offsets(%dma_start3A_57 : memref<128xi32, #tpu.memory_space<vmem>>) semaphore(%arg24 : memref<!tpu.dma_semaphore, #tpu.memory_space<semaphore_mem>>)
    %dma_start3A_61 = arith.constant 7 : i32
    %dma_start3A_62 = arith.constant 0 : i32
    %dma_start3A_63 = tpu.memref_slice %arg7[%dma_start3A_61, %dma_start3A_62] : memref<72x128xi32, #tpu.memory_space<vmem>> -> memref<1x128xi32, #tpu.memory_space<vmem>>
    %dma_start3A_64 = tpu.memref_squeeze %dma_start3A_63 : memref<1x128xi32, #tpu.memory_space<vmem>> -> memref<128xi32, #tpu.memory_space<vmem>>
    %dma_start3A_65 = arith.constant 0 : i32
    %dma_start3A_66 = arith.constant 0 : i32
    %dma_start3A_67 = tpu.memref_slice %arg4[%dma_start3A_65, %dma_start3A_66] : memref<10000x32xf32, #tpu.memory_space<hbm>> -> memref<10000x32xf32, #tpu.memory_space<hbm>>
    tpu.enqueue_indirect_dma source(%dma_start3A_67 : memref<10000x32xf32, #tpu.memory_space<hbm>>) target(%arg16 : memref<128x32xf32, #tpu.memory_space<vmem>>) offsets(%dma_start3A_64 : memref<128xi32, #tpu.memory_space<vmem>>) semaphore(%arg25 : memref<!tpu.dma_semaphore, #tpu.memory_space<semaphore_mem>>)
    %while3A = arith.constant 0 : i32
    %while3A_68 = arith.constant 0 : i32
    %while3A_69 = arith.subi %sub3A_8, %while3A : i32
    %while3A_70 = arith.addi %while3A, %while3A_69 : i32
    %while3A_71 = arith.constant 1 : i32
    %while3A_72 = arith.divsi %while3A_69, %while3A_71 : i32
    %while3A_73 = arith.muli %while3A_72, %while3A_71 : i32
    %while3A_74 = arith.addi %while3A, %while3A_73 : i32
    %while3A_75 = arith.constant 1 : i32
    %while3A_76 = scf.for %while3A_147 = %while3A to %while3A_74 step %while3A_75 iter_args(%while3A_148 = %while3A_68) -> (i32)  : i32 {
      %add3A_149 = arith.constant 0 : i32
      %add3A_150 = arith.addi %while3A_148, %add3A_149 : i32
      %dma_wait3A_151 = arith.constant 0 : i32
      %dma_wait3A_152 = tpu.memref_slice %arg7[%add3A_150, %dma_wait3A_151] : memref<72x128xi32, #tpu.memory_space<vmem>> -> memref<1x128xi32, #tpu.memory_space<vmem>>
      %dma_wait3A_153 = tpu.memref_squeeze %dma_wait3A_152 : memref<1x128xi32, #tpu.memory_space<vmem>> -> memref<128xi32, #tpu.memory_space<vmem>>
      %dma_wait3A_154 = arith.constant 0 : i32
      %dma_wait3A_155 = arith.constant 0 : i32
      %dma_wait3A_156 = tpu.memref_slice %arg4[%dma_wait3A_154, %dma_wait3A_155] : memref<10000x32xf32, #tpu.memory_space<hbm>> -> memref<10000x32xf32, #tpu.memory_space<hbm>>
      tpu.wait_indirect_dma semaphore(%arg18 : memref<!tpu.dma_semaphore, #tpu.memory_space<semaphore_mem>>) src(%dma_wait3A_156 : memref<10000x32xf32, #tpu.memory_space<hbm>>) dst(%arg9 : memref<128x32xf32, #tpu.memory_space<vmem>>)
      %dma_start3A_157 = arith.constant 0 : i32
      %dma_start3A_158 = tpu.memref_slice %arg8[%add3A_150, %dma_start3A_157] : memref<72x128xi32, #tpu.memory_space<vmem>> -> memref<1x128xi32, #tpu.memory_space<vmem>>
      %dma_start3A_159 = tpu.memref_squeeze %dma_start3A_158 : memref<1x128xi32, #tpu.memory_space<vmem>> -> memref<128xi32, #tpu.memory_space<vmem>>
      %dma_start3A_160 = arith.constant 0 : i32
      %dma_start3A_161 = arith.constant 0 : i32
      %dma_start3A_162 = tpu.memref_slice %arg17[%dma_start3A_160, %dma_start3A_161] : memref<10240x32xf32, #tpu.memory_space<vmem_shared>> -> memref<10240x32xf32, #tpu.memory_space<vmem_shared>>
      tpu.enqueue_indirect_dma source(%arg9 : memref<128x32xf32, #tpu.memory_space<vmem>>) target(%dma_start3A_162 : memref<10240x32xf32, #tpu.memory_space<vmem_shared>>) offsets(%dma_start3A_159 : memref<128xi32, #tpu.memory_space<vmem>>) semaphore(%arg26 : memref<!tpu.dma_semaphore, #tpu.memory_space<semaphore_mem>>) {add = true}
      %add3A_163 = arith.constant 1 : i32
      %add3A_164 = arith.addi %while3A_148, %add3A_163 : i32
      %dma_wait3A_165 = arith.constant 0 : i32
      %dma_wait3A_166 = tpu.memref_slice %arg7[%add3A_164, %dma_wait3A_165] : memref<72x128xi32, #tpu.memory_space<vmem>> -> memref<1x128xi32, #tpu.memory_space<vmem>>
      %dma_wait3A_167 = tpu.memref_squeeze %dma_wait3A_166 : memref<1x128xi32, #tpu.memory_space<vmem>> -> memref<128xi32, #tpu.memory_space<vmem>>
      %dma_wait3A_168 = arith.constant 0 : i32
      %dma_wait3A_169 = arith.constant 0 : i32
      %dma_wait3A_170 = tpu.memref_slice %arg4[%dma_wait3A_168, %dma_wait3A_169] : memref<10000x32xf32, #tpu.memory_space<hbm>> -> memref<10000x32xf32, #tpu.memory_space<hbm>>
      tpu.wait_indirect_dma semaphore(%arg19 : memref<!tpu.dma_semaphore, #tpu.memory_space<semaphore_mem>>) src(%dma_wait3A_170 : memref<10000x32xf32, #tpu.memory_space<hbm>>) dst(%arg10 : memref<128x32xf32, #tpu.memory_space<vmem>>)
      %dma_start3A_171 = arith.constant 0 : i32
      %dma_start3A_172 = tpu.memref_slice %arg8[%add3A_164, %dma_start3A_171] : memref<72x128xi32, #tpu.memory_space<vmem>> -> memref<1x128xi32, #tpu.memory_space<vmem>>
      %dma_start3A_173 = tpu.memref_squeeze %dma_start3A_172 : memref<1x128xi32, #tpu.memory_space<vmem>> -> memref<128xi32, #tpu.memory_space<vmem>>
      %dma_start3A_174 = arith.constant 0 : i32
      %dma_start3A_175 = arith.constant 0 : i32
      %dma_start3A_176 = tpu.memref_slice %arg17[%dma_start3A_174, %dma_start3A_175] : memref<10240x32xf32, #tpu.memory_space<vmem_shared>> -> memref<10240x32xf32, #tpu.memory_space<vmem_shared>>
      tpu.enqueue_indirect_dma source(%arg10 : memref<128x32xf32, #tpu.memory_space<vmem>>) target(%dma_start3A_176 : memref<10240x32xf32, #tpu.memory_space<vmem_shared>>) offsets(%dma_start3A_173 : memref<128xi32, #tpu.memory_space<vmem>>) semaphore(%arg27 : memref<!tpu.dma_semaphore, #tpu.memory_space<semaphore_mem>>) {add = true}
      %add3A_177 = arith.constant 2 : i32
      %add3A_178 = arith.addi %while3A_148, %add3A_177 : i32
      %dma_wait3A_179 = arith.constant 0 : i32
      %dma_wait3A_180 = tpu.memref_slice %arg7[%add3A_178, %dma_wait3A_179] : memref<72x128xi32, #tpu.memory_space<vmem>> -> memref<1x128xi32, #tpu.memory_space<vmem>>
      %dma_wait3A_181 = tpu.memref_squeeze %dma_wait3A_180 : memref<1x128xi32, #tpu.memory_space<vmem>> -> memref<128xi32, #tpu.memory_space<vmem>>
      %dma_wait3A_182 = arith.constant 0 : i32
      %dma_wait3A_183 = arith.constant 0 : i32
      %dma_wait3A_184 = tpu.memref_slice %arg4[%dma_wait3A_182, %dma_wait3A_183] : memref<10000x32xf32, #tpu.memory_space<hbm>> -> memref<10000x32xf32, #tpu.memory_space<hbm>>
      tpu.wait_indirect_dma semaphore(%arg20 : memref<!tpu.dma_semaphore, #tpu.memory_space<semaphore_mem>>) src(%dma_wait3A_184 : memref<10000x32xf32, #tpu.memory_space<hbm>>) dst(%arg11 : memref<128x32xf32, #tpu.memory_space<vmem>>)
      %dma_start3A_185 = arith.constant 0 : i32
      %dma_start3A_186 = tpu.memref_slice %arg8[%add3A_178, %dma_start3A_185] : memref<72x128xi32, #tpu.memory_space<vmem>> -> memref<1x128xi32, #tpu.memory_space<vmem>>
      %dma_start3A_187 = tpu.memref_squeeze %dma_start3A_186 : memref<1x128xi32, #tpu.memory_space<vmem>> -> memref<128xi32, #tpu.memory_space<vmem>>
      %dma_start3A_188 = arith.constant 0 : i32
      %dma_start3A_189 = arith.constant 0 : i32
      %dma_start3A_190 = tpu.memref_slice %arg17[%dma_start3A_188, %dma_start3A_189] : memref<10240x32xf32, #tpu.memory_space<vmem_shared>> -> memref<10240x32xf32, #tpu.memory_space<vmem_shared>>
      tpu.enqueue_indirect_dma source(%arg11 : memref<128x32xf32, #tpu.memory_space<vmem>>) target(%dma_start3A_190 : memref<10240x32xf32, #tpu.memory_space<vmem_shared>>) offsets(%dma_start3A_187 : memref<128xi32, #tpu.memory_space<vmem>>) semaphore(%arg28 : memref<!tpu.dma_semaphore, #tpu.memory_space<semaphore_mem>>) {add = true}
      %add3A_191 = arith.constant 3 : i32
      %add3A_192 = arith.addi %while3A_148, %add3A_191 : i32
      %dma_wait3A_193 = arith.constant 0 : i32
      %dma_wait3A_194 = tpu.memref_slice %arg7[%add3A_192, %dma_wait3A_193] : memref<72x128xi32, #tpu.memory_space<vmem>> -> memref<1x128xi32, #tpu.memory_space<vmem>>
      %dma_wait3A_195 = tpu.memref_squeeze %dma_wait3A_194 : memref<1x128xi32, #tpu.memory_space<vmem>> -> memref<128xi32, #tpu.memory_space<vmem>>
      %dma_wait3A_196 = arith.constant 0 : i32
      %dma_wait3A_197 = arith.constant 0 : i32
      %dma_wait3A_198 = tpu.memref_slice %arg4[%dma_wait3A_196, %dma_wait3A_197] : memref<10000x32xf32, #tpu.memory_space<hbm>> -> memref<10000x32xf32, #tpu.memory_space<hbm>>
      tpu.wait_indirect_dma semaphore(%arg21 : memref<!tpu.dma_semaphore, #tpu.memory_space<semaphore_mem>>) src(%dma_wait3A_198 : memref<10000x32xf32, #tpu.memory_space<hbm>>) dst(%arg12 : memref<128x32xf32, #tpu.memory_space<vmem>>)
      %dma_start3A_199 = arith.constant 0 : i32
      %dma_start3A_200 = tpu.memref_slice %arg8[%add3A_192, %dma_start3A_199] : memref<72x128xi32, #tpu.memory_space<vmem>> -> memref<1x128xi32, #tpu.memory_space<vmem>>
      %dma_start3A_201 = tpu.memref_squeeze %dma_start3A_200 : memref<1x128xi32, #tpu.memory_space<vmem>> -> memref<128xi32, #tpu.memory_space<vmem>>
      %dma_start3A_202 = arith.constant 0 : i32
      %dma_start3A_203 = arith.constant 0 : i32
      %dma_start3A_204 = tpu.memref_slice %arg17[%dma_start3A_202, %dma_start3A_203] : memref<10240x32xf32, #tpu.memory_space<vmem_shared>> -> memref<10240x32xf32, #tpu.memory_space<vmem_shared>>
      tpu.enqueue_indirect_dma source(%arg12 : memref<128x32xf32, #tpu.memory_space<vmem>>) target(%dma_start3A_204 : memref<10240x32xf32, #tpu.memory_space<vmem_shared>>) offsets(%dma_start3A_201 : memref<128xi32, #tpu.memory_space<vmem>>) semaphore(%arg29 : memref<!tpu.dma_semaphore, #tpu.memory_space<semaphore_mem>>) {add = true}
      %add3A_205 = arith.constant 4 : i32
      %add3A_206 = arith.addi %while3A_148, %add3A_205 : i32
      %dma_wait3A_207 = arith.constant 0 : i32
      %dma_wait3A_208 = tpu.memref_slice %arg7[%add3A_206, %dma_wait3A_207] : memref<72x128xi32, #tpu.memory_space<vmem>> -> memref<1x128xi32, #tpu.memory_space<vmem>>
      %dma_wait3A_209 = tpu.memref_squeeze %dma_wait3A_208 : memref<1x128xi32, #tpu.memory_space<vmem>> -> memref<128xi32, #tpu.memory_space<vmem>>
      %dma_wait3A_210 = arith.constant 0 : i32
      %dma_wait3A_211 = arith.constant 0 : i32
      %dma_wait3A_212 = tpu.memref_slice %arg4[%dma_wait3A_210, %dma_wait3A_211] : memref<10000x32xf32, #tpu.memory_space<hbm>> -> memref<10000x32xf32, #tpu.memory_space<hbm>>
      tpu.wait_indirect_dma semaphore(%arg22 : memref<!tpu.dma_semaphore, #tpu.memory_space<semaphore_mem>>) src(%dma_wait3A_212 : memref<10000x32xf32, #tpu.memory_space<hbm>>) dst(%arg13 : memref<128x32xf32, #tpu.memory_space<vmem>>)
      %dma_start3A_213 = arith.constant 0 : i32
      %dma_start3A_214 = tpu.memref_slice %arg8[%add3A_206, %dma_start3A_213] : memref<72x128xi32, #tpu.memory_space<vmem>> -> memref<1x128xi32, #tpu.memory_space<vmem>>
      %dma_start3A_215 = tpu.memref_squeeze %dma_start3A_214 : memref<1x128xi32, #tpu.memory_space<vmem>> -> memref<128xi32, #tpu.memory_space<vmem>>
      %dma_start3A_216 = arith.constant 0 : i32
      %dma_start3A_217 = arith.constant 0 : i32
      %dma_start3A_218 = tpu.memref_slice %arg17[%dma_start3A_216, %dma_start3A_217] : memref<10240x32xf32, #tpu.memory_space<vmem_shared>> -> memref<10240x32xf32, #tpu.memory_space<vmem_shared>>
      tpu.enqueue_indirect_dma source(%arg13 : memref<128x32xf32, #tpu.memory_space<vmem>>) target(%dma_start3A_218 : memref<10240x32xf32, #tpu.memory_space<vmem_shared>>) offsets(%dma_start3A_215 : memref<128xi32, #tpu.memory_space<vmem>>) semaphore(%arg30 : memref<!tpu.dma_semaphore, #tpu.memory_space<semaphore_mem>>) {add = true}
      %add3A_219 = arith.constant 5 : i32
      %add3A_220 = arith.addi %while3A_148, %add3A_219 : i32
      %dma_wait3A_221 = arith.constant 0 : i32
      %dma_wait3A_222 = tpu.memref_slice %arg7[%add3A_220, %dma_wait3A_221] : memref<72x128xi32, #tpu.memory_space<vmem>> -> memref<1x128xi32, #tpu.memory_space<vmem>>
      %dma_wait3A_223 = tpu.memref_squeeze %dma_wait3A_222 : memref<1x128xi32, #tpu.memory_space<vmem>> -> memref<128xi32, #tpu.memory_space<vmem>>
      %dma_wait3A_224 = arith.constant 0 : i32
      %dma_wait3A_225 = arith.constant 0 : i32
      %dma_wait3A_226 = tpu.memref_slice %arg4[%dma_wait3A_224, %dma_wait3A_225] : memref<10000x32xf32, #tpu.memory_space<hbm>> -> memref<10000x32xf32, #tpu.memory_space<hbm>>
      tpu.wait_indirect_dma semaphore(%arg23 : memref<!tpu.dma_semaphore, #tpu.memory_space<semaphore_mem>>) src(%dma_wait3A_226 : memref<10000x32xf32, #tpu.memory_space<hbm>>) dst(%arg14 : memref<128x32xf32, #tpu.memory_space<vmem>>)
      %dma_start3A_227 = arith.constant 0 : i32
      %dma_start3A_228 = tpu.memref_slice %arg8[%add3A_220, %dma_start3A_227] : memref<72x128xi32, #tpu.memory_space<vmem>> -> memref<1x128xi32, #tpu.memory_space<vmem>>
      %dma_start3A_229 = tpu.memref_squeeze %dma_start3A_228 : memref<1x128xi32, #tpu.memory_space<vmem>> -> memref<128xi32, #tpu.memory_space<vmem>>
      %dma_start3A_230 = arith.constant 0 : i32
      %dma_start3A_231 = arith.constant 0 : i32
      %dma_start3A_232 = tpu.memref_slice %arg17[%dma_start3A_230, %dma_start3A_231] : memref<10240x32xf32, #tpu.memory_space<vmem_shared>> -> memref<10240x32xf32, #tpu.memory_space<vmem_shared>>
      tpu.enqueue_indirect_dma source(%arg14 : memref<128x32xf32, #tpu.memory_space<vmem>>) target(%dma_start3A_232 : memref<10240x32xf32, #tpu.memory_space<vmem_shared>>) offsets(%dma_start3A_229 : memref<128xi32, #tpu.memory_space<vmem>>) semaphore(%arg31 : memref<!tpu.dma_semaphore, #tpu.memory_space<semaphore_mem>>) {add = true}
      %add3A_233 = arith.constant 6 : i32
      %add3A_234 = arith.addi %while3A_148, %add3A_233 : i32
      %dma_wait3A_235 = arith.constant 0 : i32
      %dma_wait3A_236 = tpu.memref_slice %arg7[%add3A_234, %dma_wait3A_235] : memref<72x128xi32, #tpu.memory_space<vmem>> -> memref<1x128xi32, #tpu.memory_space<vmem>>
      %dma_wait3A_237 = tpu.memref_squeeze %dma_wait3A_236 : memref<1x128xi32, #tpu.memory_space<vmem>> -> memref<128xi32, #tpu.memory_space<vmem>>
      %dma_wait3A_238 = arith.constant 0 : i32
      %dma_wait3A_239 = arith.constant 0 : i32
      %dma_wait3A_240 = tpu.memref_slice %arg4[%dma_wait3A_238, %dma_wait3A_239] : memref<10000x32xf32, #tpu.memory_space<hbm>> -> memref<10000x32xf32, #tpu.memory_space<hbm>>
      tpu.wait_indirect_dma semaphore(%arg24 : memref<!tpu.dma_semaphore, #tpu.memory_space<semaphore_mem>>) src(%dma_wait3A_240 : memref<10000x32xf32, #tpu.memory_space<hbm>>) dst(%arg15 : memref<128x32xf32, #tpu.memory_space<vmem>>)
      %dma_start3A_241 = arith.constant 0 : i32
      %dma_start3A_242 = tpu.memref_slice %arg8[%add3A_234, %dma_start3A_241] : memref<72x128xi32, #tpu.memory_space<vmem>> -> memref<1x128xi32, #tpu.memory_space<vmem>>
      %dma_start3A_243 = tpu.memref_squeeze %dma_start3A_242 : memref<1x128xi32, #tpu.memory_space<vmem>> -> memref<128xi32, #tpu.memory_space<vmem>>
      %dma_start3A_244 = arith.constant 0 : i32
      %dma_start3A_245 = arith.constant 0 : i32
      %dma_start3A_246 = tpu.memref_slice %arg17[%dma_start3A_244, %dma_start3A_245] : memref<10240x32xf32, #tpu.memory_space<vmem_shared>> -> memref<10240x32xf32, #tpu.memory_space<vmem_shared>>
      tpu.enqueue_indirect_dma source(%arg15 : memref<128x32xf32, #tpu.memory_space<vmem>>) target(%dma_start3A_246 : memref<10240x32xf32, #tpu.memory_space<vmem_shared>>) offsets(%dma_start3A_243 : memref<128xi32, #tpu.memory_space<vmem>>) semaphore(%arg32 : memref<!tpu.dma_semaphore, #tpu.memory_space<semaphore_mem>>) {add = true}
      %add3A_247 = arith.constant 7 : i32
      %add3A_248 = arith.addi %while3A_148, %add3A_247 : i32
      %dma_wait3A_249 = arith.constant 0 : i32
      %dma_wait3A_250 = tpu.memref_slice %arg7[%add3A_248, %dma_wait3A_249] : memref<72x128xi32, #tpu.memory_space<vmem>> -> memref<1x128xi32, #tpu.memory_space<vmem>>
      %dma_wait3A_251 = tpu.memref_squeeze %dma_wait3A_250 : memref<1x128xi32, #tpu.memory_space<vmem>> -> memref<128xi32, #tpu.memory_space<vmem>>
      %dma_wait3A_252 = arith.constant 0 : i32
      %dma_wait3A_253 = arith.constant 0 : i32
      %dma_wait3A_254 = tpu.memref_slice %arg4[%dma_wait3A_252, %dma_wait3A_253] : memref<10000x32xf32, #tpu.memory_space<hbm>> -> memref<10000x32xf32, #tpu.memory_space<hbm>>
      tpu.wait_indirect_dma semaphore(%arg25 : memref<!tpu.dma_semaphore, #tpu.memory_space<semaphore_mem>>) src(%dma_wait3A_254 : memref<10000x32xf32, #tpu.memory_space<hbm>>) dst(%arg16 : memref<128x32xf32, #tpu.memory_space<vmem>>)
      %dma_start3A_255 = arith.constant 0 : i32
      %dma_start3A_256 = tpu.memref_slice %arg8[%add3A_248, %dma_start3A_255] : memref<72x128xi32, #tpu.memory_space<vmem>> -> memref<1x128xi32, #tpu.memory_space<vmem>>
      %dma_start3A_257 = tpu.memref_squeeze %dma_start3A_256 : memref<1x128xi32, #tpu.memory_space<vmem>> -> memref<128xi32, #tpu.memory_space<vmem>>
      %dma_start3A_258 = arith.constant 0 : i32
      %dma_start3A_259 = arith.constant 0 : i32
      %dma_start3A_260 = tpu.memref_slice %arg17[%dma_start3A_258, %dma_start3A_259] : memref<10240x32xf32, #tpu.memory_space<vmem_shared>> -> memref<10240x32xf32, #tpu.memory_space<vmem_shared>>
      tpu.enqueue_indirect_dma source(%arg16 : memref<128x32xf32, #tpu.memory_space<vmem>>) target(%dma_start3A_260 : memref<10240x32xf32, #tpu.memory_space<vmem_shared>>) offsets(%dma_start3A_257 : memref<128xi32, #tpu.memory_space<vmem>>) semaphore(%arg33 : memref<!tpu.dma_semaphore, #tpu.memory_space<semaphore_mem>>) {add = true}
      %add3A_261 = arith.constant 0 : i32
      %add3A_262 = arith.addi %while3A_148, %add3A_261 : i32
      %dma_wait3A_263 = arith.constant 0 : i32
      %dma_wait3A_264 = tpu.memref_slice %arg8[%add3A_262, %dma_wait3A_263] : memref<72x128xi32, #tpu.memory_space<vmem>> -> memref<1x128xi32, #tpu.memory_space<vmem>>
      %dma_wait3A_265 = tpu.memref_squeeze %dma_wait3A_264 : memref<1x128xi32, #tpu.memory_space<vmem>> -> memref<128xi32, #tpu.memory_space<vmem>>
      %dma_wait3A_266 = arith.constant 0 : i32
      %dma_wait3A_267 = arith.constant 0 : i32
      %dma_wait3A_268 = tpu.memref_slice %arg17[%dma_wait3A_266, %dma_wait3A_267] : memref<10240x32xf32, #tpu.memory_space<vmem_shared>> -> memref<10240x32xf32, #tpu.memory_space<vmem_shared>>
      tpu.wait_indirect_dma semaphore(%arg26 : memref<!tpu.dma_semaphore, #tpu.memory_space<semaphore_mem>>) src(%arg9 : memref<128x32xf32, #tpu.memory_space<vmem>>) dst(%dma_wait3A_268 : memref<10240x32xf32, #tpu.memory_space<vmem_shared>>)
      %add3A_269 = arith.constant 8 : i32
      %add3A_270 = arith.addi %add3A_262, %add3A_269 : i32
      %dma_start3A_271 = arith.constant 0 : i32
      %dma_start3A_272 = tpu.memref_slice %arg7[%add3A_270, %dma_start3A_271] : memref<72x128xi32, #tpu.memory_space<vmem>> -> memref<1x128xi32, #tpu.memory_space<vmem>>
      %dma_start3A_273 = tpu.memref_squeeze %dma_start3A_272 : memref<1x128xi32, #tpu.memory_space<vmem>> -> memref<128xi32, #tpu.memory_space<vmem>>
      %dma_start3A_274 = arith.constant 0 : i32
      %dma_start3A_275 = arith.constant 0 : i32
      %dma_start3A_276 = tpu.memref_slice %arg4[%dma_start3A_274, %dma_start3A_275] : memref<10000x32xf32, #tpu.memory_space<hbm>> -> memref<10000x32xf32, #tpu.memory_space<hbm>>
      tpu.enqueue_indirect_dma source(%dma_start3A_276 : memref<10000x32xf32, #tpu.memory_space<hbm>>) target(%arg9 : memref<128x32xf32, #tpu.memory_space<vmem>>) offsets(%dma_start3A_273 : memref<128xi32, #tpu.memory_space<vmem>>) semaphore(%arg18 : memref<!tpu.dma_semaphore, #tpu.memory_space<semaphore_mem>>)
      %add3A_277 = arith.constant 1 : i32
      %add3A_278 = arith.addi %while3A_148, %add3A_277 : i32
      %dma_wait3A_279 = arith.constant 0 : i32
      %dma_wait3A_280 = tpu.memref_slice %arg8[%add3A_278, %dma_wait3A_279] : memref<72x128xi32, #tpu.memory_space<vmem>> -> memref<1x128xi32, #tpu.memory_space<vmem>>
      %dma_wait3A_281 = tpu.memref_squeeze %dma_wait3A_280 : memref<1x128xi32, #tpu.memory_space<vmem>> -> memref<128xi32, #tpu.memory_space<vmem>>
      %dma_wait3A_282 = arith.constant 0 : i32
      %dma_wait3A_283 = arith.constant 0 : i32
      %dma_wait3A_284 = tpu.memref_slice %arg17[%dma_wait3A_282, %dma_wait3A_283] : memref<10240x32xf32, #tpu.memory_space<vmem_shared>> -> memref<10240x32xf32, #tpu.memory_space<vmem_shared>>
      tpu.wait_indirect_dma semaphore(%arg27 : memref<!tpu.dma_semaphore, #tpu.memory_space<semaphore_mem>>) src(%arg10 : memref<128x32xf32, #tpu.memory_space<vmem>>) dst(%dma_wait3A_284 : memref<10240x32xf32, #tpu.memory_space<vmem_shared>>)
      %add3A_285 = arith.constant 8 : i32
      %add3A_286 = arith.addi %add3A_278, %add3A_285 : i32
      %dma_start3A_287 = arith.constant 0 : i32
      %dma_start3A_288 = tpu.memref_slice %arg7[%add3A_286, %dma_start3A_287] : memref<72x128xi32, #tpu.memory_space<vmem>> -> memref<1x128xi32, #tpu.memory_space<vmem>>
      %dma_start3A_289 = tpu.memref_squeeze %dma_start3A_288 : memref<1x128xi32, #tpu.memory_space<vmem>> -> memref<128xi32, #tpu.memory_space<vmem>>
      %dma_start3A_290 = arith.constant 0 : i32
      %dma_start3A_291 = arith.constant 0 : i32
      %dma_start3A_292 = tpu.memref_slice %arg4[%dma_start3A_290, %dma_start3A_291] : memref<10000x32xf32, #tpu.memory_space<hbm>> -> memref<10000x32xf32, #tpu.memory_space<hbm>>
      tpu.enqueue_indirect_dma source(%dma_start3A_292 : memref<10000x32xf32, #tpu.memory_space<hbm>>) target(%arg10 : memref<128x32xf32, #tpu.memory_space<vmem>>) offsets(%dma_start3A_289 : memref<128xi32, #tpu.memory_space<vmem>>) semaphore(%arg19 : memref<!tpu.dma_semaphore, #tpu.memory_space<semaphore_mem>>)
      %add3A_293 = arith.constant 2 : i32
      %add3A_294 = arith.addi %while3A_148, %add3A_293 : i32
      %dma_wait3A_295 = arith.constant 0 : i32
      %dma_wait3A_296 = tpu.memref_slice %arg8[%add3A_294, %dma_wait3A_295] : memref<72x128xi32, #tpu.memory_space<vmem>> -> memref<1x128xi32, #tpu.memory_space<vmem>>
      %dma_wait3A_297 = tpu.memref_squeeze %dma_wait3A_296 : memref<1x128xi32, #tpu.memory_space<vmem>> -> memref<128xi32, #tpu.memory_space<vmem>>
      %dma_wait3A_298 = arith.constant 0 : i32
      %dma_wait3A_299 = arith.constant 0 : i32
      %dma_wait3A_300 = tpu.memref_slice %arg17[%dma_wait3A_298, %dma_wait3A_299] : memref<10240x32xf32, #tpu.memory_space<vmem_shared>> -> memref<10240x32xf32, #tpu.memory_space<vmem_shared>>
      tpu.wait_indirect_dma semaphore(%arg28 : memref<!tpu.dma_semaphore, #tpu.memory_space<semaphore_mem>>) src(%arg11 : memref<128x32xf32, #tpu.memory_space<vmem>>) dst(%dma_wait3A_300 : memref<10240x32xf32, #tpu.memory_space<vmem_shared>>)
      %add3A_301 = arith.constant 8 : i32
      %add3A_302 = arith.addi %add3A_294, %add3A_301 : i32
      %dma_start3A_303 = arith.constant 0 : i32
      %dma_start3A_304 = tpu.memref_slice %arg7[%add3A_302, %dma_start3A_303] : memref<72x128xi32, #tpu.memory_space<vmem>> -> memref<1x128xi32, #tpu.memory_space<vmem>>
      %dma_start3A_305 = tpu.memref_squeeze %dma_start3A_304 : memref<1x128xi32, #tpu.memory_space<vmem>> -> memref<128xi32, #tpu.memory_space<vmem>>
      %dma_start3A_306 = arith.constant 0 : i32
      %dma_start3A_307 = arith.constant 0 : i32
      %dma_start3A_308 = tpu.memref_slice %arg4[%dma_start3A_306, %dma_start3A_307] : memref<10000x32xf32, #tpu.memory_space<hbm>> -> memref<10000x32xf32, #tpu.memory_space<hbm>>
      tpu.enqueue_indirect_dma source(%dma_start3A_308 : memref<10000x32xf32, #tpu.memory_space<hbm>>) target(%arg11 : memref<128x32xf32, #tpu.memory_space<vmem>>) offsets(%dma_start3A_305 : memref<128xi32, #tpu.memory_space<vmem>>) semaphore(%arg20 : memref<!tpu.dma_semaphore, #tpu.memory_space<semaphore_mem>>)
      %add3A_309 = arith.constant 3 : i32
      %add3A_310 = arith.addi %while3A_148, %add3A_309 : i32
      %dma_wait3A_311 = arith.constant 0 : i32
      %dma_wait3A_312 = tpu.memref_slice %arg8[%add3A_310, %dma_wait3A_311] : memref<72x128xi32, #tpu.memory_space<vmem>> -> memref<1x128xi32, #tpu.memory_space<vmem>>
      %dma_wait3A_313 = tpu.memref_squeeze %dma_wait3A_312 : memref<1x128xi32, #tpu.memory_space<vmem>> -> memref<128xi32, #tpu.memory_space<vmem>>
      %dma_wait3A_314 = arith.constant 0 : i32
      %dma_wait3A_315 = arith.constant 0 : i32
      %dma_wait3A_316 = tpu.memref_slice %arg17[%dma_wait3A_314, %dma_wait3A_315] : memref<10240x32xf32, #tpu.memory_space<vmem_shared>> -> memref<10240x32xf32, #tpu.memory_space<vmem_shared>>
      tpu.wait_indirect_dma semaphore(%arg29 : memref<!tpu.dma_semaphore, #tpu.memory_space<semaphore_mem>>) src(%arg12 : memref<128x32xf32, #tpu.memory_space<vmem>>) dst(%dma_wait3A_316 : memref<10240x32xf32, #tpu.memory_space<vmem_shared>>)
      %add3A_317 = arith.constant 8 : i32
      %add3A_318 = arith.addi %add3A_310, %add3A_317 : i32
      %dma_start3A_319 = arith.constant 0 : i32
      %dma_start3A_320 = tpu.memref_slice %arg7[%add3A_318, %dma_start3A_319] : memref<72x128xi32, #tpu.memory_space<vmem>> -> memref<1x128xi32, #tpu.memory_space<vmem>>
      %dma_start3A_321 = tpu.memref_squeeze %dma_start3A_320 : memref<1x128xi32, #tpu.memory_space<vmem>> -> memref<128xi32, #tpu.memory_space<vmem>>
      %dma_start3A_322 = arith.constant 0 : i32
      %dma_start3A_323 = arith.constant 0 : i32
      %dma_start3A_324 = tpu.memref_slice %arg4[%dma_start3A_322, %dma_start3A_323] : memref<10000x32xf32, #tpu.memory_space<hbm>> -> memref<10000x32xf32, #tpu.memory_space<hbm>>
      tpu.enqueue_indirect_dma source(%dma_start3A_324 : memref<10000x32xf32, #tpu.memory_space<hbm>>) target(%arg12 : memref<128x32xf32, #tpu.memory_space<vmem>>) offsets(%dma_start3A_321 : memref<128xi32, #tpu.memory_space<vmem>>) semaphore(%arg21 : memref<!tpu.dma_semaphore, #tpu.memory_space<semaphore_mem>>)
      %add3A_325 = arith.constant 4 : i32
      %add3A_326 = arith.addi %while3A_148, %add3A_325 : i32
      %dma_wait3A_327 = arith.constant 0 : i32
      %dma_wait3A_328 = tpu.memref_slice %arg8[%add3A_326, %dma_wait3A_327] : memref<72x128xi32, #tpu.memory_space<vmem>> -> memref<1x128xi32, #tpu.memory_space<vmem>>
      %dma_wait3A_329 = tpu.memref_squeeze %dma_wait3A_328 : memref<1x128xi32, #tpu.memory_space<vmem>> -> memref<128xi32, #tpu.memory_space<vmem>>
      %dma_wait3A_330 = arith.constant 0 : i32
      %dma_wait3A_331 = arith.constant 0 : i32
      %dma_wait3A_332 = tpu.memref_slice %arg17[%dma_wait3A_330, %dma_wait3A_331] : memref<10240x32xf32, #tpu.memory_space<vmem_shared>> -> memref<10240x32xf32, #tpu.memory_space<vmem_shared>>
      tpu.wait_indirect_dma semaphore(%arg30 : memref<!tpu.dma_semaphore, #tpu.memory_space<semaphore_mem>>) src(%arg13 : memref<128x32xf32, #tpu.memory_space<vmem>>) dst(%dma_wait3A_332 : memref<10240x32xf32, #tpu.memory_space<vmem_shared>>)
      %add3A_333 = arith.constant 8 : i32
      %add3A_334 = arith.addi %add3A_326, %add3A_333 : i32
      %dma_start3A_335 = arith.constant 0 : i32
      %dma_start3A_336 = tpu.memref_slice %arg7[%add3A_334, %dma_start3A_335] : memref<72x128xi32, #tpu.memory_space<vmem>> -> memref<1x128xi32, #tpu.memory_space<vmem>>
      %dma_start3A_337 = tpu.memref_squeeze %dma_start3A_336 : memref<1x128xi32, #tpu.memory_space<vmem>> -> memref<128xi32, #tpu.memory_space<vmem>>
      %dma_start3A_338 = arith.constant 0 : i32
      %dma_start3A_339 = arith.constant 0 : i32
      %dma_start3A_340 = tpu.memref_slice %arg4[%dma_start3A_338, %dma_start3A_339] : memref<10000x32xf32, #tpu.memory_space<hbm>> -> memref<10000x32xf32, #tpu.memory_space<hbm>>
      tpu.enqueue_indirect_dma source(%dma_start3A_340 : memref<10000x32xf32, #tpu.memory_space<hbm>>) target(%arg13 : memref<128x32xf32, #tpu.memory_space<vmem>>) offsets(%dma_start3A_337 : memref<128xi32, #tpu.memory_space<vmem>>) semaphore(%arg22 : memref<!tpu.dma_semaphore, #tpu.memory_space<semaphore_mem>>)
      %add3A_341 = arith.constant 5 : i32
      %add3A_342 = arith.addi %while3A_148, %add3A_341 : i32
      %dma_wait3A_343 = arith.constant 0 : i32
      %dma_wait3A_344 = tpu.memref_slice %arg8[%add3A_342, %dma_wait3A_343] : memref<72x128xi32, #tpu.memory_space<vmem>> -> memref<1x128xi32, #tpu.memory_space<vmem>>
      %dma_wait3A_345 = tpu.memref_squeeze %dma_wait3A_344 : memref<1x128xi32, #tpu.memory_space<vmem>> -> memref<128xi32, #tpu.memory_space<vmem>>
      %dma_wait3A_346 = arith.constant 0 : i32
      %dma_wait3A_347 = arith.constant 0 : i32
      %dma_wait3A_348 = tpu.memref_slice %arg17[%dma_wait3A_346, %dma_wait3A_347] : memref<10240x32xf32, #tpu.memory_space<vmem_shared>> -> memref<10240x32xf32, #tpu.memory_space<vmem_shared>>
      tpu.wait_indirect_dma semaphore(%arg31 : memref<!tpu.dma_semaphore, #tpu.memory_space<semaphore_mem>>) src(%arg14 : memref<128x32xf32, #tpu.memory_space<vmem>>) dst(%dma_wait3A_348 : memref<10240x32xf32, #tpu.memory_space<vmem_shared>>)
      %add3A_349 = arith.constant 8 : i32
      %add3A_350 = arith.addi %add3A_342, %add3A_349 : i32
      %dma_start3A_351 = arith.constant 0 : i32
      %dma_start3A_352 = tpu.memref_slice %arg7[%add3A_350, %dma_start3A_351] : memref<72x128xi32, #tpu.memory_space<vmem>> -> memref<1x128xi32, #tpu.memory_space<vmem>>
      %dma_start3A_353 = tpu.memref_squeeze %dma_start3A_352 : memref<1x128xi32, #tpu.memory_space<vmem>> -> memref<128xi32, #tpu.memory_space<vmem>>
      %dma_start3A_354 = arith.constant 0 : i32
      %dma_start3A_355 = arith.constant 0 : i32
      %dma_start3A_356 = tpu.memref_slice %arg4[%dma_start3A_354, %dma_start3A_355] : memref<10000x32xf32, #tpu.memory_space<hbm>> -> memref<10000x32xf32, #tpu.memory_space<hbm>>
      tpu.enqueue_indirect_dma source(%dma_start3A_356 : memref<10000x32xf32, #tpu.memory_space<hbm>>) target(%arg14 : memref<128x32xf32, #tpu.memory_space<vmem>>) offsets(%dma_start3A_353 : memref<128xi32, #tpu.memory_space<vmem>>) semaphore(%arg23 : memref<!tpu.dma_semaphore, #tpu.memory_space<semaphore_mem>>)
      %add3A_357 = arith.constant 6 : i32
      %add3A_358 = arith.addi %while3A_148, %add3A_357 : i32
      %dma_wait3A_359 = arith.constant 0 : i32
      %dma_wait3A_360 = tpu.memref_slice %arg8[%add3A_358, %dma_wait3A_359] : memref<72x128xi32, #tpu.memory_space<vmem>> -> memref<1x128xi32, #tpu.memory_space<vmem>>
      %dma_wait3A_361 = tpu.memref_squeeze %dma_wait3A_360 : memref<1x128xi32, #tpu.memory_space<vmem>> -> memref<128xi32, #tpu.memory_space<vmem>>
      %dma_wait3A_362 = arith.constant 0 : i32
      %dma_wait3A_363 = arith.constant 0 : i32
      %dma_wait3A_364 = tpu.memref_slice %arg17[%dma_wait3A_362, %dma_wait3A_363] : memref<10240x32xf32, #tpu.memory_space<vmem_shared>> -> memref<10240x32xf32, #tpu.memory_space<vmem_shared>>
      tpu.wait_indirect_dma semaphore(%arg32 : memref<!tpu.dma_semaphore, #tpu.memory_space<semaphore_mem>>) src(%arg15 : memref<128x32xf32, #tpu.memory_space<vmem>>) dst(%dma_wait3A_364 : memref<10240x32xf32, #tpu.memory_space<vmem_shared>>)
      %add3A_365 = arith.constant 8 : i32
      %add3A_366 = arith.addi %add3A_358, %add3A_365 : i32
      %dma_start3A_367 = arith.constant 0 : i32
      %dma_start3A_368 = tpu.memref_slice %arg7[%add3A_366, %dma_start3A_367] : memref<72x128xi32, #tpu.memory_space<vmem>> -> memref<1x128xi32, #tpu.memory_space<vmem>>
      %dma_start3A_369 = tpu.memref_squeeze %dma_start3A_368 : memref<1x128xi32, #tpu.memory_space<vmem>> -> memref<128xi32, #tpu.memory_space<vmem>>
      %dma_start3A_370 = arith.constant 0 : i32
      %dma_start3A_371 = arith.constant 0 : i32
      %dma_start3A_372 = tpu.memref_slice %arg4[%dma_start3A_370, %dma_start3A_371] : memref<10000x32xf32, #tpu.memory_space<hbm>> -> memref<10000x32xf32, #tpu.memory_space<hbm>>
      tpu.enqueue_indirect_dma source(%dma_start3A_372 : memref<10000x32xf32, #tpu.memory_space<hbm>>) target(%arg15 : memref<128x32xf32, #tpu.memory_space<vmem>>) offsets(%dma_start3A_369 : memref<128xi32, #tpu.memory_space<vmem>>) semaphore(%arg24 : memref<!tpu.dma_semaphore, #tpu.memory_space<semaphore_mem>>)
      %add3A_373 = arith.constant 7 : i32
      %add3A_374 = arith.addi %while3A_148, %add3A_373 : i32
      %dma_wait3A_375 = arith.constant 0 : i32
      %dma_wait3A_376 = tpu.memref_slice %arg8[%add3A_374, %dma_wait3A_375] : memref<72x128xi32, #tpu.memory_space<vmem>> -> memref<1x128xi32, #tpu.memory_space<vmem>>
      %dma_wait3A_377 = tpu.memref_squeeze %dma_wait3A_376 : memref<1x128xi32, #tpu.memory_space<vmem>> -> memref<128xi32, #tpu.memory_space<vmem>>
      %dma_wait3A_378 = arith.constant 0 : i32
      %dma_wait3A_379 = arith.constant 0 : i32
      %dma_wait3A_380 = tpu.memref_slice %arg17[%dma_wait3A_378, %dma_wait3A_379] : memref<10240x32xf32, #tpu.memory_space<vmem_shared>> -> memref<10240x32xf32, #tpu.memory_space<vmem_shared>>
      tpu.wait_indirect_dma semaphore(%arg33 : memref<!tpu.dma_semaphore, #tpu.memory_space<semaphore_mem>>) src(%arg16 : memref<128x32xf32, #tpu.memory_space<vmem>>) dst(%dma_wait3A_380 : memref<10240x32xf32, #tpu.memory_space<vmem_shared>>)
      %add3A_381 = arith.constant 8 : i32
      %add3A_382 = arith.addi %add3A_374, %add3A_381 : i32
      %dma_start3A_383 = arith.constant 0 : i32
      %dma_start3A_384 = tpu.memref_slice %arg7[%add3A_382, %dma_start3A_383] : memref<72x128xi32, #tpu.memory_space<vmem>> -> memref<1x128xi32, #tpu.memory_space<vmem>>
      %dma_start3A_385 = tpu.memref_squeeze %dma_start3A_384 : memref<1x128xi32, #tpu.memory_space<vmem>> -> memref<128xi32, #tpu.memory_space<vmem>>
      %dma_start3A_386 = arith.constant 0 : i32
      %dma_start3A_387 = arith.constant 0 : i32
      %dma_start3A_388 = tpu.memref_slice %arg4[%dma_start3A_386, %dma_start3A_387] : memref<10000x32xf32, #tpu.memory_space<hbm>> -> memref<10000x32xf32, #tpu.memory_space<hbm>>
      tpu.enqueue_indirect_dma source(%dma_start3A_388 : memref<10000x32xf32, #tpu.memory_space<hbm>>) target(%arg16 : memref<128x32xf32, #tpu.memory_space<vmem>>) offsets(%dma_start3A_385 : memref<128xi32, #tpu.memory_space<vmem>>) semaphore(%arg25 : memref<!tpu.dma_semaphore, #tpu.memory_space<semaphore_mem>>)
      %add3A_389 = arith.constant 8 : i32
      %add3A_390 = arith.addi %while3A_148, %add3A_389 : i32
      scf.yield %add3A_390 : i32
    }
    %while3A_77 = arith.constant 1 : i32
    %while3A_78 = scf.for %while3A_147 = %while3A_74 to %while3A_70 step %while3A_77 iter_args(%while3A_148 = %while3A_76) -> (i32)  : i32 {
      %add3A_149 = arith.constant 0 : i32
      %add3A_150 = arith.addi %while3A_148, %add3A_149 : i32
      %dma_wait3A_151 = arith.constant 0 : i32
      %dma_wait3A_152 = tpu.memref_slice %arg7[%add3A_150, %dma_wait3A_151] : memref<72x128xi32, #tpu.memory_space<vmem>> -> memref<1x128xi32, #tpu.memory_space<vmem>>
      %dma_wait3A_153 = tpu.memref_squeeze %dma_wait3A_152 : memref<1x128xi32, #tpu.memory_space<vmem>> -> memref<128xi32, #tpu.memory_space<vmem>>
      %dma_wait3A_154 = arith.constant 0 : i32
      %dma_wait3A_155 = arith.constant 0 : i32
      %dma_wait3A_156 = tpu.memref_slice %arg4[%dma_wait3A_154, %dma_wait3A_155] : memref<10000x32xf32, #tpu.memory_space<hbm>> -> memref<10000x32xf32, #tpu.memory_space<hbm>>
      tpu.wait_indirect_dma semaphore(%arg18 : memref<!tpu.dma_semaphore, #tpu.memory_space<semaphore_mem>>) src(%dma_wait3A_156 : memref<10000x32xf32, #tpu.memory_space<hbm>>) dst(%arg9 : memref<128x32xf32, #tpu.memory_space<vmem>>)
      %dma_start3A_157 = arith.constant 0 : i32
      %dma_start3A_158 = tpu.memref_slice %arg8[%add3A_150, %dma_start3A_157] : memref<72x128xi32, #tpu.memory_space<vmem>> -> memref<1x128xi32, #tpu.memory_space<vmem>>
      %dma_start3A_159 = tpu.memref_squeeze %dma_start3A_158 : memref<1x128xi32, #tpu.memory_space<vmem>> -> memref<128xi32, #tpu.memory_space<vmem>>
      %dma_start3A_160 = arith.constant 0 : i32
      %dma_start3A_161 = arith.constant 0 : i32
      %dma_start3A_162 = tpu.memref_slice %arg17[%dma_start3A_160, %dma_start3A_161] : memref<10240x32xf32, #tpu.memory_space<vmem_shared>> -> memref<10240x32xf32, #tpu.memory_space<vmem_shared>>
      tpu.enqueue_indirect_dma source(%arg9 : memref<128x32xf32, #tpu.memory_space<vmem>>) target(%dma_start3A_162 : memref<10240x32xf32, #tpu.memory_space<vmem_shared>>) offsets(%dma_start3A_159 : memref<128xi32, #tpu.memory_space<vmem>>) semaphore(%arg26 : memref<!tpu.dma_semaphore, #tpu.memory_space<semaphore_mem>>) {add = true}
      %add3A_163 = arith.constant 1 : i32
      %add3A_164 = arith.addi %while3A_148, %add3A_163 : i32
      %dma_wait3A_165 = arith.constant 0 : i32
      %dma_wait3A_166 = tpu.memref_slice %arg7[%add3A_164, %dma_wait3A_165] : memref<72x128xi32, #tpu.memory_space<vmem>> -> memref<1x128xi32, #tpu.memory_space<vmem>>
      %dma_wait3A_167 = tpu.memref_squeeze %dma_wait3A_166 : memref<1x128xi32, #tpu.memory_space<vmem>> -> memref<128xi32, #tpu.memory_space<vmem>>
      %dma_wait3A_168 = arith.constant 0 : i32
      %dma_wait3A_169 = arith.constant 0 : i32
      %dma_wait3A_170 = tpu.memref_slice %arg4[%dma_wait3A_168, %dma_wait3A_169] : memref<10000x32xf32, #tpu.memory_space<hbm>> -> memref<10000x32xf32, #tpu.memory_space<hbm>>
      tpu.wait_indirect_dma semaphore(%arg19 : memref<!tpu.dma_semaphore, #tpu.memory_space<semaphore_mem>>) src(%dma_wait3A_170 : memref<10000x32xf32, #tpu.memory_space<hbm>>) dst(%arg10 : memref<128x32xf32, #tpu.memory_space<vmem>>)
      %dma_start3A_171 = arith.constant 0 : i32
      %dma_start3A_172 = tpu.memref_slice %arg8[%add3A_164, %dma_start3A_171] : memref<72x128xi32, #tpu.memory_space<vmem>> -> memref<1x128xi32, #tpu.memory_space<vmem>>
      %dma_start3A_173 = tpu.memref_squeeze %dma_start3A_172 : memref<1x128xi32, #tpu.memory_space<vmem>> -> memref<128xi32, #tpu.memory_space<vmem>>
      %dma_start3A_174 = arith.constant 0 : i32
      %dma_start3A_175 = arith.constant 0 : i32
      %dma_start3A_176 = tpu.memref_slice %arg17[%dma_start3A_174, %dma_start3A_175] : memref<10240x32xf32, #tpu.memory_space<vmem_shared>> -> memref<10240x32xf32, #tpu.memory_space<vmem_shared>>
      tpu.enqueue_indirect_dma source(%arg10 : memref<128x32xf32, #tpu.memory_space<vmem>>) target(%dma_start3A_176 : memref<10240x32xf32, #tpu.memory_space<vmem_shared>>) offsets(%dma_start3A_173 : memref<128xi32, #tpu.memory_space<vmem>>) semaphore(%arg27 : memref<!tpu.dma_semaphore, #tpu.memory_space<semaphore_mem>>) {add = true}
      %add3A_177 = arith.constant 2 : i32
      %add3A_178 = arith.addi %while3A_148, %add3A_177 : i32
      %dma_wait3A_179 = arith.constant 0 : i32
      %dma_wait3A_180 = tpu.memref_slice %arg7[%add3A_178, %dma_wait3A_179] : memref<72x128xi32, #tpu.memory_space<vmem>> -> memref<1x128xi32, #tpu.memory_space<vmem>>
      %dma_wait3A_181 = tpu.memref_squeeze %dma_wait3A_180 : memref<1x128xi32, #tpu.memory_space<vmem>> -> memref<128xi32, #tpu.memory_space<vmem>>
      %dma_wait3A_182 = arith.constant 0 : i32
      %dma_wait3A_183 = arith.constant 0 : i32
      %dma_wait3A_184 = tpu.memref_slice %arg4[%dma_wait3A_182, %dma_wait3A_183] : memref<10000x32xf32, #tpu.memory_space<hbm>> -> memref<10000x32xf32, #tpu.memory_space<hbm>>
      tpu.wait_indirect_dma semaphore(%arg20 : memref<!tpu.dma_semaphore, #tpu.memory_space<semaphore_mem>>) src(%dma_wait3A_184 : memref<10000x32xf32, #tpu.memory_space<hbm>>) dst(%arg11 : memref<128x32xf32, #tpu.memory_space<vmem>>)
      %dma_start3A_185 = arith.constant 0 : i32
      %dma_start3A_186 = tpu.memref_slice %arg8[%add3A_178, %dma_start3A_185] : memref<72x128xi32, #tpu.memory_space<vmem>> -> memref<1x128xi32, #tpu.memory_space<vmem>>
      %dma_start3A_187 = tpu.memref_squeeze %dma_start3A_186 : memref<1x128xi32, #tpu.memory_space<vmem>> -> memref<128xi32, #tpu.memory_space<vmem>>
      %dma_start3A_188 = arith.constant 0 : i32
      %dma_start3A_189 = arith.constant 0 : i32
      %dma_start3A_190 = tpu.memref_slice %arg17[%dma_start3A_188, %dma_start3A_189] : memref<10240x32xf32, #tpu.memory_space<vmem_shared>> -> memref<10240x32xf32, #tpu.memory_space<vmem_shared>>
      tpu.enqueue_indirect_dma source(%arg11 : memref<128x32xf32, #tpu.memory_space<vmem>>) target(%dma_start3A_190 : memref<10240x32xf32, #tpu.memory_space<vmem_shared>>) offsets(%dma_start3A_187 : memref<128xi32, #tpu.memory_space<vmem>>) semaphore(%arg28 : memref<!tpu.dma_semaphore, #tpu.memory_space<semaphore_mem>>) {add = true}
      %add3A_191 = arith.constant 3 : i32
      %add3A_192 = arith.addi %while3A_148, %add3A_191 : i32
      %dma_wait3A_193 = arith.constant 0 : i32
      %dma_wait3A_194 = tpu.memref_slice %arg7[%add3A_192, %dma_wait3A_193] : memref<72x128xi32, #tpu.memory_space<vmem>> -> memref<1x128xi32, #tpu.memory_space<vmem>>
      %dma_wait3A_195 = tpu.memref_squeeze %dma_wait3A_194 : memref<1x128xi32, #tpu.memory_space<vmem>> -> memref<128xi32, #tpu.memory_space<vmem>>
      %dma_wait3A_196 = arith.constant 0 : i32
      %dma_wait3A_197 = arith.constant 0 : i32
      %dma_wait3A_198 = tpu.memref_slice %arg4[%dma_wait3A_196, %dma_wait3A_197] : memref<10000x32xf32, #tpu.memory_space<hbm>> -> memref<10000x32xf32, #tpu.memory_space<hbm>>
      tpu.wait_indirect_dma semaphore(%arg21 : memref<!tpu.dma_semaphore, #tpu.memory_space<semaphore_mem>>) src(%dma_wait3A_198 : memref<10000x32xf32, #tpu.memory_space<hbm>>) dst(%arg12 : memref<128x32xf32, #tpu.memory_space<vmem>>)
      %dma_start3A_199 = arith.constant 0 : i32
      %dma_start3A_200 = tpu.memref_slice %arg8[%add3A_192, %dma_start3A_199] : memref<72x128xi32, #tpu.memory_space<vmem>> -> memref<1x128xi32, #tpu.memory_space<vmem>>
      %dma_start3A_201 = tpu.memref_squeeze %dma_start3A_200 : memref<1x128xi32, #tpu.memory_space<vmem>> -> memref<128xi32, #tpu.memory_space<vmem>>
      %dma_start3A_202 = arith.constant 0 : i32
      %dma_start3A_203 = arith.constant 0 : i32
      %dma_start3A_204 = tpu.memref_slice %arg17[%dma_start3A_202, %dma_start3A_203] : memref<10240x32xf32, #tpu.memory_space<vmem_shared>> -> memref<10240x32xf32, #tpu.memory_space<vmem_shared>>
      tpu.enqueue_indirect_dma source(%arg12 : memref<128x32xf32, #tpu.memory_space<vmem>>) target(%dma_start3A_204 : memref<10240x32xf32, #tpu.memory_space<vmem_shared>>) offsets(%dma_start3A_201 : memref<128xi32, #tpu.memory_space<vmem>>) semaphore(%arg29 : memref<!tpu.dma_semaphore, #tpu.memory_space<semaphore_mem>>) {add = true}
      %add3A_205 = arith.constant 4 : i32
      %add3A_206 = arith.addi %while3A_148, %add3A_205 : i32
      %dma_wait3A_207 = arith.constant 0 : i32
      %dma_wait3A_208 = tpu.memref_slice %arg7[%add3A_206, %dma_wait3A_207] : memref<72x128xi32, #tpu.memory_space<vmem>> -> memref<1x128xi32, #tpu.memory_space<vmem>>
      %dma_wait3A_209 = tpu.memref_squeeze %dma_wait3A_208 : memref<1x128xi32, #tpu.memory_space<vmem>> -> memref<128xi32, #tpu.memory_space<vmem>>
      %dma_wait3A_210 = arith.constant 0 : i32
      %dma_wait3A_211 = arith.constant 0 : i32
      %dma_wait3A_212 = tpu.memref_slice %arg4[%dma_wait3A_210, %dma_wait3A_211] : memref<10000x32xf32, #tpu.memory_space<hbm>> -> memref<10000x32xf32, #tpu.memory_space<hbm>>
      tpu.wait_indirect_dma semaphore(%arg22 : memref<!tpu.dma_semaphore, #tpu.memory_space<semaphore_mem>>) src(%dma_wait3A_212 : memref<10000x32xf32, #tpu.memory_space<hbm>>) dst(%arg13 : memref<128x32xf32, #tpu.memory_space<vmem>>)
      %dma_start3A_213 = arith.constant 0 : i32
      %dma_start3A_214 = tpu.memref_slice %arg8[%add3A_206, %dma_start3A_213] : memref<72x128xi32, #tpu.memory_space<vmem>> -> memref<1x128xi32, #tpu.memory_space<vmem>>
      %dma_start3A_215 = tpu.memref_squeeze %dma_start3A_214 : memref<1x128xi32, #tpu.memory_space<vmem>> -> memref<128xi32, #tpu.memory_space<vmem>>
      %dma_start3A_216 = arith.constant 0 : i32
      %dma_start3A_217 = arith.constant 0 : i32
      %dma_start3A_218 = tpu.memref_slice %arg17[%dma_start3A_216, %dma_start3A_217] : memref<10240x32xf32, #tpu.memory_space<vmem_shared>> -> memref<10240x32xf32, #tpu.memory_space<vmem_shared>>
      tpu.enqueue_indirect_dma source(%arg13 : memref<128x32xf32, #tpu.memory_space<vmem>>) target(%dma_start3A_218 : memref<10240x32xf32, #tpu.memory_space<vmem_shared>>) offsets(%dma_start3A_215 : memref<128xi32, #tpu.memory_space<vmem>>) semaphore(%arg30 : memref<!tpu.dma_semaphore, #tpu.memory_space<semaphore_mem>>) {add = true}
      %add3A_219 = arith.constant 5 : i32
      %add3A_220 = arith.addi %while3A_148, %add3A_219 : i32
      %dma_wait3A_221 = arith.constant 0 : i32
      %dma_wait3A_222 = tpu.memref_slice %arg7[%add3A_220, %dma_wait3A_221] : memref<72x128xi32, #tpu.memory_space<vmem>> -> memref<1x128xi32, #tpu.memory_space<vmem>>
      %dma_wait3A_223 = tpu.memref_squeeze %dma_wait3A_222 : memref<1x128xi32, #tpu.memory_space<vmem>> -> memref<128xi32, #tpu.memory_space<vmem>>
      %dma_wait3A_224 = arith.constant 0 : i32
      %dma_wait3A_225 = arith.constant 0 : i32
      %dma_wait3A_226 = tpu.memref_slice %arg4[%dma_wait3A_224, %dma_wait3A_225] : memref<10000x32xf32, #tpu.memory_space<hbm>> -> memref<10000x32xf32, #tpu.memory_space<hbm>>
      tpu.wait_indirect_dma semaphore(%arg23 : memref<!tpu.dma_semaphore, #tpu.memory_space<semaphore_mem>>) src(%dma_wait3A_226 : memref<10000x32xf32, #tpu.memory_space<hbm>>) dst(%arg14 : memref<128x32xf32, #tpu.memory_space<vmem>>)
      %dma_start3A_227 = arith.constant 0 : i32
      %dma_start3A_228 = tpu.memref_slice %arg8[%add3A_220, %dma_start3A_227] : memref<72x128xi32, #tpu.memory_space<vmem>> -> memref<1x128xi32, #tpu.memory_space<vmem>>
      %dma_start3A_229 = tpu.memref_squeeze %dma_start3A_228 : memref<1x128xi32, #tpu.memory_space<vmem>> -> memref<128xi32, #tpu.memory_space<vmem>>
      %dma_start3A_230 = arith.constant 0 : i32
      %dma_start3A_231 = arith.constant 0 : i32
      %dma_start3A_232 = tpu.memref_slice %arg17[%dma_start3A_230, %dma_start3A_231] : memref<10240x32xf32, #tpu.memory_space<vmem_shared>> -> memref<10240x32xf32, #tpu.memory_space<vmem_shared>>
      tpu.enqueue_indirect_dma source(%arg14 : memref<128x32xf32, #tpu.memory_space<vmem>>) target(%dma_start3A_232 : memref<10240x32xf32, #tpu.memory_space<vmem_shared>>) offsets(%dma_start3A_229 : memref<128xi32, #tpu.memory_space<vmem>>) semaphore(%arg31 : memref<!tpu.dma_semaphore, #tpu.memory_space<semaphore_mem>>) {add = true}
      %add3A_233 = arith.constant 6 : i32
      %add3A_234 = arith.addi %while3A_148, %add3A_233 : i32
      %dma_wait3A_235 = arith.constant 0 : i32
      %dma_wait3A_236 = tpu.memref_slice %arg7[%add3A_234, %dma_wait3A_235] : memref<72x128xi32, #tpu.memory_space<vmem>> -> memref<1x128xi32, #tpu.memory_space<vmem>>
      %dma_wait3A_237 = tpu.memref_squeeze %dma_wait3A_236 : memref<1x128xi32, #tpu.memory_space<vmem>> -> memref<128xi32, #tpu.memory_space<vmem>>
      %dma_wait3A_238 = arith.constant 0 : i32
      %dma_wait3A_239 = arith.constant 0 : i32
      %dma_wait3A_240 = tpu.memref_slice %arg4[%dma_wait3A_238, %dma_wait3A_239] : memref<10000x32xf32, #tpu.memory_space<hbm>> -> memref<10000x32xf32, #tpu.memory_space<hbm>>
      tpu.wait_indirect_dma semaphore(%arg24 : memref<!tpu.dma_semaphore, #tpu.memory_space<semaphore_mem>>) src(%dma_wait3A_240 : memref<10000x32xf32, #tpu.memory_space<hbm>>) dst(%arg15 : memref<128x32xf32, #tpu.memory_space<vmem>>)
      %dma_start3A_241 = arith.constant 0 : i32
      %dma_start3A_242 = tpu.memref_slice %arg8[%add3A_234, %dma_start3A_241] : memref<72x128xi32, #tpu.memory_space<vmem>> -> memref<1x128xi32, #tpu.memory_space<vmem>>
      %dma_start3A_243 = tpu.memref_squeeze %dma_start3A_242 : memref<1x128xi32, #tpu.memory_space<vmem>> -> memref<128xi32, #tpu.memory_space<vmem>>
      %dma_start3A_244 = arith.constant 0 : i32
      %dma_start3A_245 = arith.constant 0 : i32
      %dma_start3A_246 = tpu.memref_slice %arg17[%dma_start3A_244, %dma_start3A_245] : memref<10240x32xf32, #tpu.memory_space<vmem_shared>> -> memref<10240x32xf32, #tpu.memory_space<vmem_shared>>
      tpu.enqueue_indirect_dma source(%arg15 : memref<128x32xf32, #tpu.memory_space<vmem>>) target(%dma_start3A_246 : memref<10240x32xf32, #tpu.memory_space<vmem_shared>>) offsets(%dma_start3A_243 : memref<128xi32, #tpu.memory_space<vmem>>) semaphore(%arg32 : memref<!tpu.dma_semaphore, #tpu.memory_space<semaphore_mem>>) {add = true}
      %add3A_247 = arith.constant 7 : i32
      %add3A_248 = arith.addi %while3A_148, %add3A_247 : i32
      %dma_wait3A_249 = arith.constant 0 : i32
      %dma_wait3A_250 = tpu.memref_slice %arg7[%add3A_248, %dma_wait3A_249] : memref<72x128xi32, #tpu.memory_space<vmem>> -> memref<1x128xi32, #tpu.memory_space<vmem>>
      %dma_wait3A_251 = tpu.memref_squeeze %dma_wait3A_250 : memref<1x128xi32, #tpu.memory_space<vmem>> -> memref<128xi32, #tpu.memory_space<vmem>>
      %dma_wait3A_252 = arith.constant 0 : i32
      %dma_wait3A_253 = arith.constant 0 : i32
      %dma_wait3A_254 = tpu.memref_slice %arg4[%dma_wait3A_252, %dma_wait3A_253] : memref<10000x32xf32, #tpu.memory_space<hbm>> -> memref<10000x32xf32, #tpu.memory_space<hbm>>
      tpu.wait_indirect_dma semaphore(%arg25 : memref<!tpu.dma_semaphore, #tpu.memory_space<semaphore_mem>>) src(%dma_wait3A_254 : memref<10000x32xf32, #tpu.memory_space<hbm>>) dst(%arg16 : memref<128x32xf32, #tpu.memory_space<vmem>>)
      %dma_start3A_255 = arith.constant 0 : i32
      %dma_start3A_256 = tpu.memref_slice %arg8[%add3A_248, %dma_start3A_255] : memref<72x128xi32, #tpu.memory_space<vmem>> -> memref<1x128xi32, #tpu.memory_space<vmem>>
      %dma_start3A_257 = tpu.memref_squeeze %dma_start3A_256 : memref<1x128xi32, #tpu.memory_space<vmem>> -> memref<128xi32, #tpu.memory_space<vmem>>
      %dma_start3A_258 = arith.constant 0 : i32
      %dma_start3A_259 = arith.constant 0 : i32
      %dma_start3A_260 = tpu.memref_slice %arg17[%dma_start3A_258, %dma_start3A_259] : memref<10240x32xf32, #tpu.memory_space<vmem_shared>> -> memref<10240x32xf32, #tpu.memory_space<vmem_shared>>
      tpu.enqueue_indirect_dma source(%arg16 : memref<128x32xf32, #tpu.memory_space<vmem>>) target(%dma_start3A_260 : memref<10240x32xf32, #tpu.memory_space<vmem_shared>>) offsets(%dma_start3A_257 : memref<128xi32, #tpu.memory_space<vmem>>) semaphore(%arg33 : memref<!tpu.dma_semaphore, #tpu.memory_space<semaphore_mem>>) {add = true}
      %add3A_261 = arith.constant 0 : i32
      %add3A_262 = arith.addi %while3A_148, %add3A_261 : i32
      %dma_wait3A_263 = arith.constant 0 : i32
      %dma_wait3A_264 = tpu.memref_slice %arg8[%add3A_262, %dma_wait3A_263] : memref<72x128xi32, #tpu.memory_space<vmem>> -> memref<1x128xi32, #tpu.memory_space<vmem>>
      %dma_wait3A_265 = tpu.memref_squeeze %dma_wait3A_264 : memref<1x128xi32, #tpu.memory_space<vmem>> -> memref<128xi32, #tpu.memory_space<vmem>>
      %dma_wait3A_266 = arith.constant 0 : i32
      %dma_wait3A_267 = arith.constant 0 : i32
      %dma_wait3A_268 = tpu.memref_slice %arg17[%dma_wait3A_266, %dma_wait3A_267] : memref<10240x32xf32, #tpu.memory_space<vmem_shared>> -> memref<10240x32xf32, #tpu.memory_space<vmem_shared>>
      tpu.wait_indirect_dma semaphore(%arg26 : memref<!tpu.dma_semaphore, #tpu.memory_space<semaphore_mem>>) src(%arg9 : memref<128x32xf32, #tpu.memory_space<vmem>>) dst(%dma_wait3A_268 : memref<10240x32xf32, #tpu.memory_space<vmem_shared>>)
      %add3A_269 = arith.constant 8 : i32
      %add3A_270 = arith.addi %add3A_262, %add3A_269 : i32
      %dma_start3A_271 = arith.constant 0 : i32
      %dma_start3A_272 = tpu.memref_slice %arg7[%add3A_270, %dma_start3A_271] : memref<72x128xi32, #tpu.memory_space<vmem>> -> memref<1x128xi32, #tpu.memory_space<vmem>>
      %dma_start3A_273 = tpu.memref_squeeze %dma_start3A_272 : memref<1x128xi32, #tpu.memory_space<vmem>> -> memref<128xi32, #tpu.memory_space<vmem>>
      %dma_start3A_274 = arith.constant 0 : i32
      %dma_start3A_275 = arith.constant 0 : i32
      %dma_start3A_276 = tpu.memref_slice %arg4[%dma_start3A_274, %dma_start3A_275] : memref<10000x32xf32, #tpu.memory_space<hbm>> -> memref<10000x32xf32, #tpu.memory_space<hbm>>
      tpu.enqueue_indirect_dma source(%dma_start3A_276 : memref<10000x32xf32, #tpu.memory_space<hbm>>) target(%arg9 : memref<128x32xf32, #tpu.memory_space<vmem>>) offsets(%dma_start3A_273 : memref<128xi32, #tpu.memory_space<vmem>>) semaphore(%arg18 : memref<!tpu.dma_semaphore, #tpu.memory_space<semaphore_mem>>)
      %add3A_277 = arith.constant 1 : i32
      %add3A_278 = arith.addi %while3A_148, %add3A_277 : i32
      %dma_wait3A_279 = arith.constant 0 : i32
      %dma_wait3A_280 = tpu.memref_slice %arg8[%add3A_278, %dma_wait3A_279] : memref<72x128xi32, #tpu.memory_space<vmem>> -> memref<1x128xi32, #tpu.memory_space<vmem>>
      %dma_wait3A_281 = tpu.memref_squeeze %dma_wait3A_280 : memref<1x128xi32, #tpu.memory_space<vmem>> -> memref<128xi32, #tpu.memory_space<vmem>>
      %dma_wait3A_282 = arith.constant 0 : i32
      %dma_wait3A_283 = arith.constant 0 : i32
      %dma_wait3A_284 = tpu.memref_slice %arg17[%dma_wait3A_282, %dma_wait3A_283] : memref<10240x32xf32, #tpu.memory_space<vmem_shared>> -> memref<10240x32xf32, #tpu.memory_space<vmem_shared>>
      tpu.wait_indirect_dma semaphore(%arg27 : memref<!tpu.dma_semaphore, #tpu.memory_space<semaphore_mem>>) src(%arg10 : memref<128x32xf32, #tpu.memory_space<vmem>>) dst(%dma_wait3A_284 : memref<10240x32xf32, #tpu.memory_space<vmem_shared>>)
      %add3A_285 = arith.constant 8 : i32
      %add3A_286 = arith.addi %add3A_278, %add3A_285 : i32
      %dma_start3A_287 = arith.constant 0 : i32
      %dma_start3A_288 = tpu.memref_slice %arg7[%add3A_286, %dma_start3A_287] : memref<72x128xi32, #tpu.memory_space<vmem>> -> memref<1x128xi32, #tpu.memory_space<vmem>>
      %dma_start3A_289 = tpu.memref_squeeze %dma_start3A_288 : memref<1x128xi32, #tpu.memory_space<vmem>> -> memref<128xi32, #tpu.memory_space<vmem>>
      %dma_start3A_290 = arith.constant 0 : i32
      %dma_start3A_291 = arith.constant 0 : i32
      %dma_start3A_292 = tpu.memref_slice %arg4[%dma_start3A_290, %dma_start3A_291] : memref<10000x32xf32, #tpu.memory_space<hbm>> -> memref<10000x32xf32, #tpu.memory_space<hbm>>
      tpu.enqueue_indirect_dma source(%dma_start3A_292 : memref<10000x32xf32, #tpu.memory_space<hbm>>) target(%arg10 : memref<128x32xf32, #tpu.memory_space<vmem>>) offsets(%dma_start3A_289 : memref<128xi32, #tpu.memory_space<vmem>>) semaphore(%arg19 : memref<!tpu.dma_semaphore, #tpu.memory_space<semaphore_mem>>)
      %add3A_293 = arith.constant 2 : i32
      %add3A_294 = arith.addi %while3A_148, %add3A_293 : i32
      %dma_wait3A_295 = arith.constant 0 : i32
      %dma_wait3A_296 = tpu.memref_slice %arg8[%add3A_294, %dma_wait3A_295] : memref<72x128xi32, #tpu.memory_space<vmem>> -> memref<1x128xi32, #tpu.memory_space<vmem>>
      %dma_wait3A_297 = tpu.memref_squeeze %dma_wait3A_296 : memref<1x128xi32, #tpu.memory_space<vmem>> -> memref<128xi32, #tpu.memory_space<vmem>>
      %dma_wait3A_298 = arith.constant 0 : i32
      %dma_wait3A_299 = arith.constant 0 : i32
      %dma_wait3A_300 = tpu.memref_slice %arg17[%dma_wait3A_298, %dma_wait3A_299] : memref<10240x32xf32, #tpu.memory_space<vmem_shared>> -> memref<10240x32xf32, #tpu.memory_space<vmem_shared>>
      tpu.wait_indirect_dma semaphore(%arg28 : memref<!tpu.dma_semaphore, #tpu.memory_space<semaphore_mem>>) src(%arg11 : memref<128x32xf32, #tpu.memory_space<vmem>>) dst(%dma_wait3A_300 : memref<10240x32xf32, #tpu.memory_space<vmem_shared>>)
      %add3A_301 = arith.constant 8 : i32
      %add3A_302 = arith.addi %add3A_294, %add3A_301 : i32
      %dma_start3A_303 = arith.constant 0 : i32
      %dma_start3A_304 = tpu.memref_slice %arg7[%add3A_302, %dma_start3A_303] : memref<72x128xi32, #tpu.memory_space<vmem>> -> memref<1x128xi32, #tpu.memory_space<vmem>>
      %dma_start3A_305 = tpu.memref_squeeze %dma_start3A_304 : memref<1x128xi32, #tpu.memory_space<vmem>> -> memref<128xi32, #tpu.memory_space<vmem>>
      %dma_start3A_306 = arith.constant 0 : i32
      %dma_start3A_307 = arith.constant 0 : i32
      %dma_start3A_308 = tpu.memref_slice %arg4[%dma_start3A_306, %dma_start3A_307] : memref<10000x32xf32, #tpu.memory_space<hbm>> -> memref<10000x32xf32, #tpu.memory_space<hbm>>
      tpu.enqueue_indirect_dma source(%dma_start3A_308 : memref<10000x32xf32, #tpu.memory_space<hbm>>) target(%arg11 : memref<128x32xf32, #tpu.memory_space<vmem>>) offsets(%dma_start3A_305 : memref<128xi32, #tpu.memory_space<vmem>>) semaphore(%arg20 : memref<!tpu.dma_semaphore, #tpu.memory_space<semaphore_mem>>)
      %add3A_309 = arith.constant 3 : i32
      %add3A_310 = arith.addi %while3A_148, %add3A_309 : i32
      %dma_wait3A_311 = arith.constant 0 : i32
      %dma_wait3A_312 = tpu.memref_slice %arg8[%add3A_310, %dma_wait3A_311] : memref<72x128xi32, #tpu.memory_space<vmem>> -> memref<1x128xi32, #tpu.memory_space<vmem>>
      %dma_wait3A_313 = tpu.memref_squeeze %dma_wait3A_312 : memref<1x128xi32, #tpu.memory_space<vmem>> -> memref<128xi32, #tpu.memory_space<vmem>>
      %dma_wait3A_314 = arith.constant 0 : i32
      %dma_wait3A_315 = arith.constant 0 : i32
      %dma_wait3A_316 = tpu.memref_slice %arg17[%dma_wait3A_314, %dma_wait3A_315] : memref<10240x32xf32, #tpu.memory_space<vmem_shared>> -> memref<10240x32xf32, #tpu.memory_space<vmem_shared>>
      tpu.wait_indirect_dma semaphore(%arg29 : memref<!tpu.dma_semaphore, #tpu.memory_space<semaphore_mem>>) src(%arg12 : memref<128x32xf32, #tpu.memory_space<vmem>>) dst(%dma_wait3A_316 : memref<10240x32xf32, #tpu.memory_space<vmem_shared>>)
      %add3A_317 = arith.constant 8 : i32
      %add3A_318 = arith.addi %add3A_310, %add3A_317 : i32
      %dma_start3A_319 = arith.constant 0 : i32
      %dma_start3A_320 = tpu.memref_slice %arg7[%add3A_318, %dma_start3A_319] : memref<72x128xi32, #tpu.memory_space<vmem>> -> memref<1x128xi32, #tpu.memory_space<vmem>>
      %dma_start3A_321 = tpu.memref_squeeze %dma_start3A_320 : memref<1x128xi32, #tpu.memory_space<vmem>> -> memref<128xi32, #tpu.memory_space<vmem>>
      %dma_start3A_322 = arith.constant 0 : i32
      %dma_start3A_323 = arith.constant 0 : i32
      %dma_start3A_324 = tpu.memref_slice %arg4[%dma_start3A_322, %dma_start3A_323] : memref<10000x32xf32, #tpu.memory_space<hbm>> -> memref<10000x32xf32, #tpu.memory_space<hbm>>
      tpu.enqueue_indirect_dma source(%dma_start3A_324 : memref<10000x32xf32, #tpu.memory_space<hbm>>) target(%arg12 : memref<128x32xf32, #tpu.memory_space<vmem>>) offsets(%dma_start3A_321 : memref<128xi32, #tpu.memory_space<vmem>>) semaphore(%arg21 : memref<!tpu.dma_semaphore, #tpu.memory_space<semaphore_mem>>)
      %add3A_325 = arith.constant 4 : i32
      %add3A_326 = arith.addi %while3A_148, %add3A_325 : i32
      %dma_wait3A_327 = arith.constant 0 : i32
      %dma_wait3A_328 = tpu.memref_slice %arg8[%add3A_326, %dma_wait3A_327] : memref<72x128xi32, #tpu.memory_space<vmem>> -> memref<1x128xi32, #tpu.memory_space<vmem>>
      %dma_wait3A_329 = tpu.memref_squeeze %dma_wait3A_328 : memref<1x128xi32, #tpu.memory_space<vmem>> -> memref<128xi32, #tpu.memory_space<vmem>>
      %dma_wait3A_330 = arith.constant 0 : i32
      %dma_wait3A_331 = arith.constant 0 : i32
      %dma_wait3A_332 = tpu.memref_slice %arg17[%dma_wait3A_330, %dma_wait3A_331] : memref<10240x32xf32, #tpu.memory_space<vmem_shared>> -> memref<10240x32xf32, #tpu.memory_space<vmem_shared>>
      tpu.wait_indirect_dma semaphore(%arg30 : memref<!tpu.dma_semaphore, #tpu.memory_space<semaphore_mem>>) src(%arg13 : memref<128x32xf32, #tpu.memory_space<vmem>>) dst(%dma_wait3A_332 : memref<10240x32xf32, #tpu.memory_space<vmem_shared>>)
      %add3A_333 = arith.constant 8 : i32
      %add3A_334 = arith.addi %add3A_326, %add3A_333 : i32
      %dma_start3A_335 = arith.constant 0 : i32
      %dma_start3A_336 = tpu.memref_slice %arg7[%add3A_334, %dma_start3A_335] : memref<72x128xi32, #tpu.memory_space<vmem>> -> memref<1x128xi32, #tpu.memory_space<vmem>>
      %dma_start3A_337 = tpu.memref_squeeze %dma_start3A_336 : memref<1x128xi32, #tpu.memory_space<vmem>> -> memref<128xi32, #tpu.memory_space<vmem>>
      %dma_start3A_338 = arith.constant 0 : i32
      %dma_start3A_339 = arith.constant 0 : i32
      %dma_start3A_340 = tpu.memref_slice %arg4[%dma_start3A_338, %dma_start3A_339] : memref<10000x32xf32, #tpu.memory_space<hbm>> -> memref<10000x32xf32, #tpu.memory_space<hbm>>
      tpu.enqueue_indirect_dma source(%dma_start3A_340 : memref<10000x32xf32, #tpu.memory_space<hbm>>) target(%arg13 : memref<128x32xf32, #tpu.memory_space<vmem>>) offsets(%dma_start3A_337 : memref<128xi32, #tpu.memory_space<vmem>>) semaphore(%arg22 : memref<!tpu.dma_semaphore, #tpu.memory_space<semaphore_mem>>)
      %add3A_341 = arith.constant 5 : i32
      %add3A_342 = arith.addi %while3A_148, %add3A_341 : i32
      %dma_wait3A_343 = arith.constant 0 : i32
      %dma_wait3A_344 = tpu.memref_slice %arg8[%add3A_342, %dma_wait3A_343] : memref<72x128xi32, #tpu.memory_space<vmem>> -> memref<1x128xi32, #tpu.memory_space<vmem>>
      %dma_wait3A_345 = tpu.memref_squeeze %dma_wait3A_344 : memref<1x128xi32, #tpu.memory_space<vmem>> -> memref<128xi32, #tpu.memory_space<vmem>>
      %dma_wait3A_346 = arith.constant 0 : i32
      %dma_wait3A_347 = arith.constant 0 : i32
      %dma_wait3A_348 = tpu.memref_slice %arg17[%dma_wait3A_346, %dma_wait3A_347] : memref<10240x32xf32, #tpu.memory_space<vmem_shared>> -> memref<10240x32xf32, #tpu.memory_space<vmem_shared>>
      tpu.wait_indirect_dma semaphore(%arg31 : memref<!tpu.dma_semaphore, #tpu.memory_space<semaphore_mem>>) src(%arg14 : memref<128x32xf32, #tpu.memory_space<vmem>>) dst(%dma_wait3A_348 : memref<10240x32xf32, #tpu.memory_space<vmem_shared>>)
      %add3A_349 = arith.constant 8 : i32
      %add3A_350 = arith.addi %add3A_342, %add3A_349 : i32
      %dma_start3A_351 = arith.constant 0 : i32
      %dma_start3A_352 = tpu.memref_slice %arg7[%add3A_350, %dma_start3A_351] : memref<72x128xi32, #tpu.memory_space<vmem>> -> memref<1x128xi32, #tpu.memory_space<vmem>>
      %dma_start3A_353 = tpu.memref_squeeze %dma_start3A_352 : memref<1x128xi32, #tpu.memory_space<vmem>> -> memref<128xi32, #tpu.memory_space<vmem>>
      %dma_start3A_354 = arith.constant 0 : i32
      %dma_start3A_355 = arith.constant 0 : i32
      %dma_start3A_356 = tpu.memref_slice %arg4[%dma_start3A_354, %dma_start3A_355] : memref<10000x32xf32, #tpu.memory_space<hbm>> -> memref<10000x32xf32, #tpu.memory_space<hbm>>
      tpu.enqueue_indirect_dma source(%dma_start3A_356 : memref<10000x32xf32, #tpu.memory_space<hbm>>) target(%arg14 : memref<128x32xf32, #tpu.memory_space<vmem>>) offsets(%dma_start3A_353 : memref<128xi32, #tpu.memory_space<vmem>>) semaphore(%arg23 : memref<!tpu.dma_semaphore, #tpu.memory_space<semaphore_mem>>)
      %add3A_357 = arith.constant 6 : i32
      %add3A_358 = arith.addi %while3A_148, %add3A_357 : i32
      %dma_wait3A_359 = arith.constant 0 : i32
      %dma_wait3A_360 = tpu.memref_slice %arg8[%add3A_358, %dma_wait3A_359] : memref<72x128xi32, #tpu.memory_space<vmem>> -> memref<1x128xi32, #tpu.memory_space<vmem>>
      %dma_wait3A_361 = tpu.memref_squeeze %dma_wait3A_360 : memref<1x128xi32, #tpu.memory_space<vmem>> -> memref<128xi32, #tpu.memory_space<vmem>>
      %dma_wait3A_362 = arith.constant 0 : i32
      %dma_wait3A_363 = arith.constant 0 : i32
      %dma_wait3A_364 = tpu.memref_slice %arg17[%dma_wait3A_362, %dma_wait3A_363] : memref<10240x32xf32, #tpu.memory_space<vmem_shared>> -> memref<10240x32xf32, #tpu.memory_space<vmem_shared>>
      tpu.wait_indirect_dma semaphore(%arg32 : memref<!tpu.dma_semaphore, #tpu.memory_space<semaphore_mem>>) src(%arg15 : memref<128x32xf32, #tpu.memory_space<vmem>>) dst(%dma_wait3A_364 : memref<10240x32xf32, #tpu.memory_space<vmem_shared>>)
      %add3A_365 = arith.constant 8 : i32
      %add3A_366 = arith.addi %add3A_358, %add3A_365 : i32
      %dma_start3A_367 = arith.constant 0 : i32
      %dma_start3A_368 = tpu.memref_slice %arg7[%add3A_366, %dma_start3A_367] : memref<72x128xi32, #tpu.memory_space<vmem>> -> memref<1x128xi32, #tpu.memory_space<vmem>>
      %dma_start3A_369 = tpu.memref_squeeze %dma_start3A_368 : memref<1x128xi32, #tpu.memory_space<vmem>> -> memref<128xi32, #tpu.memory_space<vmem>>
      %dma_start3A_370 = arith.constant 0 : i32
      %dma_start3A_371 = arith.constant 0 : i32
      %dma_start3A_372 = tpu.memref_slice %arg4[%dma_start3A_370, %dma_start3A_371] : memref<10000x32xf32, #tpu.memory_space<hbm>> -> memref<10000x32xf32, #tpu.memory_space<hbm>>
      tpu.enqueue_indirect_dma source(%dma_start3A_372 : memref<10000x32xf32, #tpu.memory_space<hbm>>) target(%arg15 : memref<128x32xf32, #tpu.memory_space<vmem>>) offsets(%dma_start3A_369 : memref<128xi32, #tpu.memory_space<vmem>>) semaphore(%arg24 : memref<!tpu.dma_semaphore, #tpu.memory_space<semaphore_mem>>)
      %add3A_373 = arith.constant 7 : i32
      %add3A_374 = arith.addi %while3A_148, %add3A_373 : i32
      %dma_wait3A_375 = arith.constant 0 : i32
      %dma_wait3A_376 = tpu.memref_slice %arg8[%add3A_374, %dma_wait3A_375] : memref<72x128xi32, #tpu.memory_space<vmem>> -> memref<1x128xi32, #tpu.memory_space<vmem>>
      %dma_wait3A_377 = tpu.memref_squeeze %dma_wait3A_376 : memref<1x128xi32, #tpu.memory_space<vmem>> -> memref<128xi32, #tpu.memory_space<vmem>>
      %dma_wait3A_378 = arith.constant 0 : i32
      %dma_wait3A_379 = arith.constant 0 : i32
      %dma_wait3A_380 = tpu.memref_slice %arg17[%dma_wait3A_378, %dma_wait3A_379] : memref<10240x32xf32, #tpu.memory_space<vmem_shared>> -> memref<10240x32xf32, #tpu.memory_space<vmem_shared>>
      tpu.wait_indirect_dma semaphore(%arg33 : memref<!tpu.dma_semaphore, #tpu.memory_space<semaphore_mem>>) src(%arg16 : memref<128x32xf32, #tpu.memory_space<vmem>>) dst(%dma_wait3A_380 : memref<10240x32xf32, #tpu.memory_space<vmem_shared>>)
      %add3A_381 = arith.constant 8 : i32
      %add3A_382 = arith.addi %add3A_374, %add3A_381 : i32
      %dma_start3A_383 = arith.constant 0 : i32
      %dma_start3A_384 = tpu.memref_slice %arg7[%add3A_382, %dma_start3A_383] : memref<72x128xi32, #tpu.memory_space<vmem>> -> memref<1x128xi32, #tpu.memory_space<vmem>>
      %dma_start3A_385 = tpu.memref_squeeze %dma_start3A_384 : memref<1x128xi32, #tpu.memory_space<vmem>> -> memref<128xi32, #tpu.memory_space<vmem>>
      %dma_start3A_386 = arith.constant 0 : i32
      %dma_start3A_387 = arith.constant 0 : i32
      %dma_start3A_388 = tpu.memref_slice %arg4[%dma_start3A_386, %dma_start3A_387] : memref<10000x32xf32, #tpu.memory_space<hbm>> -> memref<10000x32xf32, #tpu.memory_space<hbm>>
      tpu.enqueue_indirect_dma source(%dma_start3A_388 : memref<10000x32xf32, #tpu.memory_space<hbm>>) target(%arg16 : memref<128x32xf32, #tpu.memory_space<vmem>>) offsets(%dma_start3A_385 : memref<128xi32, #tpu.memory_space<vmem>>) semaphore(%arg25 : memref<!tpu.dma_semaphore, #tpu.memory_space<semaphore_mem>>)
      %add3A_389 = arith.constant 8 : i32
      %add3A_390 = arith.addi %while3A_148, %add3A_389 : i32
      scf.yield %add3A_390 : i32
    }
    %add3A_79 = arith.constant 0 : i32
    %add3A_80 = arith.addi %while3A_78, %add3A_79 : i32
    %dma_wait3A = arith.constant 0 : i32
    %dma_wait3A_81 = tpu.memref_slice %arg7[%add3A_80, %dma_wait3A] : memref<72x128xi32, #tpu.memory_space<vmem>> -> memref<1x128xi32, #tpu.memory_space<vmem>>
    %dma_wait3A_82 = tpu.memref_squeeze %dma_wait3A_81 : memref<1x128xi32, #tpu.memory_space<vmem>> -> memref<128xi32, #tpu.memory_space<vmem>>
    %dma_wait3A_83 = arith.constant 0 : i32
    %dma_wait3A_84 = arith.constant 0 : i32
    %dma_wait3A_85 = tpu.memref_slice %arg4[%dma_wait3A_83, %dma_wait3A_84] : memref<10000x32xf32, #tpu.memory_space<hbm>> -> memref<10000x32xf32, #tpu.memory_space<hbm>>
    tpu.wait_indirect_dma semaphore(%arg18 : memref<!tpu.dma_semaphore, #tpu.memory_space<semaphore_mem>>) src(%dma_wait3A_85 : memref<10000x32xf32, #tpu.memory_space<hbm>>) dst(%arg9 : memref<128x32xf32, #tpu.memory_space<vmem>>)
    "tpu.region"() ({
      %run_scoped3A = tpu.sem_alloc : memref<!tpu.dma_semaphore, #tpu.memory_space<semaphore_mem>>
      %dma_start3A_147 = arith.constant 0 : i32
      %dma_start3A_148 = tpu.memref_slice %arg8[%add3A_80, %dma_start3A_147] : memref<72x128xi32, #tpu.memory_space<vmem>> -> memref<1x128xi32, #tpu.memory_space<vmem>>
      %dma_start3A_149 = tpu.memref_squeeze %dma_start3A_148 : memref<1x128xi32, #tpu.memory_space<vmem>> -> memref<128xi32, #tpu.memory_space<vmem>>
      %dma_start3A_150 = arith.constant 0 : i32
      %dma_start3A_151 = arith.constant 0 : i32
      %dma_start3A_152 = tpu.memref_slice %arg17[%dma_start3A_150, %dma_start3A_151] : memref<10240x32xf32, #tpu.memory_space<vmem_shared>> -> memref<10240x32xf32, #tpu.memory_space<vmem_shared>>
      tpu.enqueue_indirect_dma source(%arg9 : memref<128x32xf32, #tpu.memory_space<vmem>>) target(%dma_start3A_152 : memref<10240x32xf32, #tpu.memory_space<vmem_shared>>) offsets(%dma_start3A_149 : memref<128xi32, #tpu.memory_space<vmem>>) semaphore(%run_scoped3A : memref<!tpu.dma_semaphore, #tpu.memory_space<semaphore_mem>>) {add = true}
      %dma_wait3A_153 = arith.constant 0 : i32
      %dma_wait3A_154 = tpu.memref_slice %arg8[%add3A_80, %dma_wait3A_153] : memref<72x128xi32, #tpu.memory_space<vmem>> -> memref<1x128xi32, #tpu.memory_space<vmem>>
      %dma_wait3A_155 = tpu.memref_squeeze %dma_wait3A_154 : memref<1x128xi32, #tpu.memory_space<vmem>> -> memref<128xi32, #tpu.memory_space<vmem>>
      %dma_wait3A_156 = arith.constant 0 : i32
      %dma_wait3A_157 = arith.constant 0 : i32
      %dma_wait3A_158 = tpu.memref_slice %arg17[%dma_wait3A_156, %dma_wait3A_157] : memref<10240x32xf32, #tpu.memory_space<vmem_shared>> -> memref<10240x32xf32, #tpu.memory_space<vmem_shared>>
      tpu.wait_indirect_dma semaphore(%run_scoped3A : memref<!tpu.dma_semaphore, #tpu.memory_space<semaphore_mem>>) src(%arg9 : memref<128x32xf32, #tpu.memory_space<vmem>>) dst(%dma_wait3A_158 : memref<10240x32xf32, #tpu.memory_space<vmem_shared>>)
      tpu.yield
    }) : () -> ()
    %add3A_86 = arith.constant 1 : i32
    %add3A_87 = arith.addi %while3A_78, %add3A_86 : i32
    %dma_wait3A_88 = arith.constant 0 : i32
    %dma_wait3A_89 = tpu.memref_slice %arg7[%add3A_87, %dma_wait3A_88] : memref<72x128xi32, #tpu.memory_space<vmem>> -> memref<1x128xi32, #tpu.memory_space<vmem>>
    %dma_wait3A_90 = tpu.memref_squeeze %dma_wait3A_89 : memref<1x128xi32, #tpu.memory_space<vmem>> -> memref<128xi32, #tpu.memory_space<vmem>>
    %dma_wait3A_91 = arith.constant 0 : i32
    %dma_wait3A_92 = arith.constant 0 : i32
    %dma_wait3A_93 = tpu.memref_slice %arg4[%dma_wait3A_91, %dma_wait3A_92] : memref<10000x32xf32, #tpu.memory_space<hbm>> -> memref<10000x32xf32, #tpu.memory_space<hbm>>
    tpu.wait_indirect_dma semaphore(%arg19 : memref<!tpu.dma_semaphore, #tpu.memory_space<semaphore_mem>>) src(%dma_wait3A_93 : memref<10000x32xf32, #tpu.memory_space<hbm>>) dst(%arg10 : memref<128x32xf32, #tpu.memory_space<vmem>>)
    "tpu.region"() ({
      %run_scoped3A = tpu.sem_alloc : memref<!tpu.dma_semaphore, #tpu.memory_space<semaphore_mem>>
      %dma_start3A_147 = arith.constant 0 : i32
      %dma_start3A_148 = tpu.memref_slice %arg8[%add3A_87, %dma_start3A_147] : memref<72x128xi32, #tpu.memory_space<vmem>> -> memref<1x128xi32, #tpu.memory_space<vmem>>
      %dma_start3A_149 = tpu.memref_squeeze %dma_start3A_148 : memref<1x128xi32, #tpu.memory_space<vmem>> -> memref<128xi32, #tpu.memory_space<vmem>>
      %dma_start3A_150 = arith.constant 0 : i32
      %dma_start3A_151 = arith.constant 0 : i32
      %dma_start3A_152 = tpu.memref_slice %arg17[%dma_start3A_150, %dma_start3A_151] : memref<10240x32xf32, #tpu.memory_space<vmem_shared>> -> memref<10240x32xf32, #tpu.memory_space<vmem_shared>>
      tpu.enqueue_indirect_dma source(%arg10 : memref<128x32xf32, #tpu.memory_space<vmem>>) target(%dma_start3A_152 : memref<10240x32xf32, #tpu.memory_space<vmem_shared>>) offsets(%dma_start3A_149 : memref<128xi32, #tpu.memory_space<vmem>>) semaphore(%run_scoped3A : memref<!tpu.dma_semaphore, #tpu.memory_space<semaphore_mem>>) {add = true}
      %dma_wait3A_153 = arith.constant 0 : i32
      %dma_wait3A_154 = tpu.memref_slice %arg8[%add3A_87, %dma_wait3A_153] : memref<72x128xi32, #tpu.memory_space<vmem>> -> memref<1x128xi32, #tpu.memory_space<vmem>>
      %dma_wait3A_155 = tpu.memref_squeeze %dma_wait3A_154 : memref<1x128xi32, #tpu.memory_space<vmem>> -> memref<128xi32, #tpu.memory_space<vmem>>
      %dma_wait3A_156 = arith.constant 0 : i32
      %dma_wait3A_157 = arith.constant 0 : i32
      %dma_wait3A_158 = tpu.memref_slice %arg17[%dma_wait3A_156, %dma_wait3A_157] : memref<10240x32xf32, #tpu.memory_space<vmem_shared>> -> memref<10240x32xf32, #tpu.memory_space<vmem_shared>>
      tpu.wait_indirect_dma semaphore(%run_scoped3A : memref<!tpu.dma_semaphore, #tpu.memory_space<semaphore_mem>>) src(%arg10 : memref<128x32xf32, #tpu.memory_space<vmem>>) dst(%dma_wait3A_158 : memref<10240x32xf32, #tpu.memory_space<vmem_shared>>)
      tpu.yield
    }) : () -> ()
    %add3A_94 = arith.constant 2 : i32
    %add3A_95 = arith.addi %while3A_78, %add3A_94 : i32
    %dma_wait3A_96 = arith.constant 0 : i32
    %dma_wait3A_97 = tpu.memref_slice %arg7[%add3A_95, %dma_wait3A_96] : memref<72x128xi32, #tpu.memory_space<vmem>> -> memref<1x128xi32, #tpu.memory_space<vmem>>
    %dma_wait3A_98 = tpu.memref_squeeze %dma_wait3A_97 : memref<1x128xi32, #tpu.memory_space<vmem>> -> memref<128xi32, #tpu.memory_space<vmem>>
    %dma_wait3A_99 = arith.constant 0 : i32
    %dma_wait3A_100 = arith.constant 0 : i32
    %dma_wait3A_101 = tpu.memref_slice %arg4[%dma_wait3A_99, %dma_wait3A_100] : memref<10000x32xf32, #tpu.memory_space<hbm>> -> memref<10000x32xf32, #tpu.memory_space<hbm>>
    tpu.wait_indirect_dma semaphore(%arg20 : memref<!tpu.dma_semaphore, #tpu.memory_space<semaphore_mem>>) src(%dma_wait3A_101 : memref<10000x32xf32, #tpu.memory_space<hbm>>) dst(%arg11 : memref<128x32xf32, #tpu.memory_space<vmem>>)
    "tpu.region"() ({
      %run_scoped3A = tpu.sem_alloc : memref<!tpu.dma_semaphore, #tpu.memory_space<semaphore_mem>>
      %dma_start3A_147 = arith.constant 0 : i32
      %dma_start3A_148 = tpu.memref_slice %arg8[%add3A_95, %dma_start3A_147] : memref<72x128xi32, #tpu.memory_space<vmem>> -> memref<1x128xi32, #tpu.memory_space<vmem>>
      %dma_start3A_149 = tpu.memref_squeeze %dma_start3A_148 : memref<1x128xi32, #tpu.memory_space<vmem>> -> memref<128xi32, #tpu.memory_space<vmem>>
      %dma_start3A_150 = arith.constant 0 : i32
      %dma_start3A_151 = arith.constant 0 : i32
      %dma_start3A_152 = tpu.memref_slice %arg17[%dma_start3A_150, %dma_start3A_151] : memref<10240x32xf32, #tpu.memory_space<vmem_shared>> -> memref<10240x32xf32, #tpu.memory_space<vmem_shared>>
      tpu.enqueue_indirect_dma source(%arg11 : memref<128x32xf32, #tpu.memory_space<vmem>>) target(%dma_start3A_152 : memref<10240x32xf32, #tpu.memory_space<vmem_shared>>) offsets(%dma_start3A_149 : memref<128xi32, #tpu.memory_space<vmem>>) semaphore(%run_scoped3A : memref<!tpu.dma_semaphore, #tpu.memory_space<semaphore_mem>>) {add = true}
      %dma_wait3A_153 = arith.constant 0 : i32
      %dma_wait3A_154 = tpu.memref_slice %arg8[%add3A_95, %dma_wait3A_153] : memref<72x128xi32, #tpu.memory_space<vmem>> -> memref<1x128xi32, #tpu.memory_space<vmem>>
      %dma_wait3A_155 = tpu.memref_squeeze %dma_wait3A_154 : memref<1x128xi32, #tpu.memory_space<vmem>> -> memref<128xi32, #tpu.memory_space<vmem>>
      %dma_wait3A_156 = arith.constant 0 : i32
      %dma_wait3A_157 = arith.constant 0 : i32
      %dma_wait3A_158 = tpu.memref_slice %arg17[%dma_wait3A_156, %dma_wait3A_157] : memref<10240x32xf32, #tpu.memory_space<vmem_shared>> -> memref<10240x32xf32, #tpu.memory_space<vmem_shared>>
      tpu.wait_indirect_dma semaphore(%run_scoped3A : memref<!tpu.dma_semaphore, #tpu.memory_space<semaphore_mem>>) src(%arg11 : memref<128x32xf32, #tpu.memory_space<vmem>>) dst(%dma_wait3A_158 : memref<10240x32xf32, #tpu.memory_space<vmem_shared>>)
      tpu.yield
    }) : () -> ()
    %add3A_102 = arith.constant 3 : i32
    %add3A_103 = arith.addi %while3A_78, %add3A_102 : i32
    %dma_wait3A_104 = arith.constant 0 : i32
    %dma_wait3A_105 = tpu.memref_slice %arg7[%add3A_103, %dma_wait3A_104] : memref<72x128xi32, #tpu.memory_space<vmem>> -> memref<1x128xi32, #tpu.memory_space<vmem>>
    %dma_wait3A_106 = tpu.memref_squeeze %dma_wait3A_105 : memref<1x128xi32, #tpu.memory_space<vmem>> -> memref<128xi32, #tpu.memory_space<vmem>>
    %dma_wait3A_107 = arith.constant 0 : i32
    %dma_wait3A_108 = arith.constant 0 : i32
    %dma_wait3A_109 = tpu.memref_slice %arg4[%dma_wait3A_107, %dma_wait3A_108] : memref<10000x32xf32, #tpu.memory_space<hbm>> -> memref<10000x32xf32, #tpu.memory_space<hbm>>
    tpu.wait_indirect_dma semaphore(%arg21 : memref<!tpu.dma_semaphore, #tpu.memory_space<semaphore_mem>>) src(%dma_wait3A_109 : memref<10000x32xf32, #tpu.memory_space<hbm>>) dst(%arg12 : memref<128x32xf32, #tpu.memory_space<vmem>>)
    "tpu.region"() ({
      %run_scoped3A = tpu.sem_alloc : memref<!tpu.dma_semaphore, #tpu.memory_space<semaphore_mem>>
      %dma_start3A_147 = arith.constant 0 : i32
      %dma_start3A_148 = tpu.memref_slice %arg8[%add3A_103, %dma_start3A_147] : memref<72x128xi32, #tpu.memory_space<vmem>> -> memref<1x128xi32, #tpu.memory_space<vmem>>
      %dma_start3A_149 = tpu.memref_squeeze %dma_start3A_148 : memref<1x128xi32, #tpu.memory_space<vmem>> -> memref<128xi32, #tpu.memory_space<vmem>>
      %dma_start3A_150 = arith.constant 0 : i32
      %dma_start3A_151 = arith.constant 0 : i32
      %dma_start3A_152 = tpu.memref_slice %arg17[%dma_start3A_150, %dma_start3A_151] : memref<10240x32xf32, #tpu.memory_space<vmem_shared>> -> memref<10240x32xf32, #tpu.memory_space<vmem_shared>>
      tpu.enqueue_indirect_dma source(%arg12 : memref<128x32xf32, #tpu.memory_space<vmem>>) target(%dma_start3A_152 : memref<10240x32xf32, #tpu.memory_space<vmem_shared>>) offsets(%dma_start3A_149 : memref<128xi32, #tpu.memory_space<vmem>>) semaphore(%run_scoped3A : memref<!tpu.dma_semaphore, #tpu.memory_space<semaphore_mem>>) {add = true}
      %dma_wait3A_153 = arith.constant 0 : i32
      %dma_wait3A_154 = tpu.memref_slice %arg8[%add3A_103, %dma_wait3A_153] : memref<72x128xi32, #tpu.memory_space<vmem>> -> memref<1x128xi32, #tpu.memory_space<vmem>>
      %dma_wait3A_155 = tpu.memref_squeeze %dma_wait3A_154 : memref<1x128xi32, #tpu.memory_space<vmem>> -> memref<128xi32, #tpu.memory_space<vmem>>
      %dma_wait3A_156 = arith.constant 0 : i32
      %dma_wait3A_157 = arith.constant 0 : i32
      %dma_wait3A_158 = tpu.memref_slice %arg17[%dma_wait3A_156, %dma_wait3A_157] : memref<10240x32xf32, #tpu.memory_space<vmem_shared>> -> memref<10240x32xf32, #tpu.memory_space<vmem_shared>>
      tpu.wait_indirect_dma semaphore(%run_scoped3A : memref<!tpu.dma_semaphore, #tpu.memory_space<semaphore_mem>>) src(%arg12 : memref<128x32xf32, #tpu.memory_space<vmem>>) dst(%dma_wait3A_158 : memref<10240x32xf32, #tpu.memory_space<vmem_shared>>)
      tpu.yield
    }) : () -> ()
    %add3A_110 = arith.constant 4 : i32
    %add3A_111 = arith.addi %while3A_78, %add3A_110 : i32
    %dma_wait3A_112 = arith.constant 0 : i32
    %dma_wait3A_113 = tpu.memref_slice %arg7[%add3A_111, %dma_wait3A_112] : memref<72x128xi32, #tpu.memory_space<vmem>> -> memref<1x128xi32, #tpu.memory_space<vmem>>
    %dma_wait3A_114 = tpu.memref_squeeze %dma_wait3A_113 : memref<1x128xi32, #tpu.memory_space<vmem>> -> memref<128xi32, #tpu.memory_space<vmem>>
    %dma_wait3A_115 = arith.constant 0 : i32
    %dma_wait3A_116 = arith.constant 0 : i32
    %dma_wait3A_117 = tpu.memref_slice %arg4[%dma_wait3A_115, %dma_wait3A_116] : memref<10000x32xf32, #tpu.memory_space<hbm>> -> memref<10000x32xf32, #tpu.memory_space<hbm>>
    tpu.wait_indirect_dma semaphore(%arg22 : memref<!tpu.dma_semaphore, #tpu.memory_space<semaphore_mem>>) src(%dma_wait3A_117 : memref<10000x32xf32, #tpu.memory_space<hbm>>) dst(%arg13 : memref<128x32xf32, #tpu.memory_space<vmem>>)
    "tpu.region"() ({
      %run_scoped3A = tpu.sem_alloc : memref<!tpu.dma_semaphore, #tpu.memory_space<semaphore_mem>>
      %dma_start3A_147 = arith.constant 0 : i32
      %dma_start3A_148 = tpu.memref_slice %arg8[%add3A_111, %dma_start3A_147] : memref<72x128xi32, #tpu.memory_space<vmem>> -> memref<1x128xi32, #tpu.memory_space<vmem>>
      %dma_start3A_149 = tpu.memref_squeeze %dma_start3A_148 : memref<1x128xi32, #tpu.memory_space<vmem>> -> memref<128xi32, #tpu.memory_space<vmem>>
      %dma_start3A_150 = arith.constant 0 : i32
      %dma_start3A_151 = arith.constant 0 : i32
      %dma_start3A_152 = tpu.memref_slice %arg17[%dma_start3A_150, %dma_start3A_151] : memref<10240x32xf32, #tpu.memory_space<vmem_shared>> -> memref<10240x32xf32, #tpu.memory_space<vmem_shared>>
      tpu.enqueue_indirect_dma source(%arg13 : memref<128x32xf32, #tpu.memory_space<vmem>>) target(%dma_start3A_152 : memref<10240x32xf32, #tpu.memory_space<vmem_shared>>) offsets(%dma_start3A_149 : memref<128xi32, #tpu.memory_space<vmem>>) semaphore(%run_scoped3A : memref<!tpu.dma_semaphore, #tpu.memory_space<semaphore_mem>>) {add = true}
      %dma_wait3A_153 = arith.constant 0 : i32
      %dma_wait3A_154 = tpu.memref_slice %arg8[%add3A_111, %dma_wait3A_153] : memref<72x128xi32, #tpu.memory_space<vmem>> -> memref<1x128xi32, #tpu.memory_space<vmem>>
      %dma_wait3A_155 = tpu.memref_squeeze %dma_wait3A_154 : memref<1x128xi32, #tpu.memory_space<vmem>> -> memref<128xi32, #tpu.memory_space<vmem>>
      %dma_wait3A_156 = arith.constant 0 : i32
      %dma_wait3A_157 = arith.constant 0 : i32
      %dma_wait3A_158 = tpu.memref_slice %arg17[%dma_wait3A_156, %dma_wait3A_157] : memref<10240x32xf32, #tpu.memory_space<vmem_shared>> -> memref<10240x32xf32, #tpu.memory_space<vmem_shared>>
      tpu.wait_indirect_dma semaphore(%run_scoped3A : memref<!tpu.dma_semaphore, #tpu.memory_space<semaphore_mem>>) src(%arg13 : memref<128x32xf32, #tpu.memory_space<vmem>>) dst(%dma_wait3A_158 : memref<10240x32xf32, #tpu.memory_space<vmem_shared>>)
      tpu.yield
    }) : () -> ()
    %add3A_118 = arith.constant 5 : i32
    %add3A_119 = arith.addi %while3A_78, %add3A_118 : i32
    %dma_wait3A_120 = arith.constant 0 : i32
    %dma_wait3A_121 = tpu.memref_slice %arg7[%add3A_119, %dma_wait3A_120] : memref<72x128xi32, #tpu.memory_space<vmem>> -> memref<1x128xi32, #tpu.memory_space<vmem>>
    %dma_wait3A_122 = tpu.memref_squeeze %dma_wait3A_121 : memref<1x128xi32, #tpu.memory_space<vmem>> -> memref<128xi32, #tpu.memory_space<vmem>>
    %dma_wait3A_123 = arith.constant 0 : i32
    %dma_wait3A_124 = arith.constant 0 : i32
    %dma_wait3A_125 = tpu.memref_slice %arg4[%dma_wait3A_123, %dma_wait3A_124] : memref<10000x32xf32, #tpu.memory_space<hbm>> -> memref<10000x32xf32, #tpu.memory_space<hbm>>
    tpu.wait_indirect_dma semaphore(%arg23 : memref<!tpu.dma_semaphore, #tpu.memory_space<semaphore_mem>>) src(%dma_wait3A_125 : memref<10000x32xf32, #tpu.memory_space<hbm>>) dst(%arg14 : memref<128x32xf32, #tpu.memory_space<vmem>>)
    "tpu.region"() ({
      %run_scoped3A = tpu.sem_alloc : memref<!tpu.dma_semaphore, #tpu.memory_space<semaphore_mem>>
      %dma_start3A_147 = arith.constant 0 : i32
      %dma_start3A_148 = tpu.memref_slice %arg8[%add3A_119, %dma_start3A_147] : memref<72x128xi32, #tpu.memory_space<vmem>> -> memref<1x128xi32, #tpu.memory_space<vmem>>
      %dma_start3A_149 = tpu.memref_squeeze %dma_start3A_148 : memref<1x128xi32, #tpu.memory_space<vmem>> -> memref<128xi32, #tpu.memory_space<vmem>>
      %dma_start3A_150 = arith.constant 0 : i32
      %dma_start3A_151 = arith.constant 0 : i32
      %dma_start3A_152 = tpu.memref_slice %arg17[%dma_start3A_150, %dma_start3A_151] : memref<10240x32xf32, #tpu.memory_space<vmem_shared>> -> memref<10240x32xf32, #tpu.memory_space<vmem_shared>>
      tpu.enqueue_indirect_dma source(%arg14 : memref<128x32xf32, #tpu.memory_space<vmem>>) target(%dma_start3A_152 : memref<10240x32xf32, #tpu.memory_space<vmem_shared>>) offsets(%dma_start3A_149 : memref<128xi32, #tpu.memory_space<vmem>>) semaphore(%run_scoped3A : memref<!tpu.dma_semaphore, #tpu.memory_space<semaphore_mem>>) {add = true}
      %dma_wait3A_153 = arith.constant 0 : i32
      %dma_wait3A_154 = tpu.memref_slice %arg8[%add3A_119, %dma_wait3A_153] : memref<72x128xi32, #tpu.memory_space<vmem>> -> memref<1x128xi32, #tpu.memory_space<vmem>>
      %dma_wait3A_155 = tpu.memref_squeeze %dma_wait3A_154 : memref<1x128xi32, #tpu.memory_space<vmem>> -> memref<128xi32, #tpu.memory_space<vmem>>
      %dma_wait3A_156 = arith.constant 0 : i32
      %dma_wait3A_157 = arith.constant 0 : i32
      %dma_wait3A_158 = tpu.memref_slice %arg17[%dma_wait3A_156, %dma_wait3A_157] : memref<10240x32xf32, #tpu.memory_space<vmem_shared>> -> memref<10240x32xf32, #tpu.memory_space<vmem_shared>>
      tpu.wait_indirect_dma semaphore(%run_scoped3A : memref<!tpu.dma_semaphore, #tpu.memory_space<semaphore_mem>>) src(%arg14 : memref<128x32xf32, #tpu.memory_space<vmem>>) dst(%dma_wait3A_158 : memref<10240x32xf32, #tpu.memory_space<vmem_shared>>)
      tpu.yield
    }) : () -> ()
    %add3A_126 = arith.constant 6 : i32
    %add3A_127 = arith.addi %while3A_78, %add3A_126 : i32
    %dma_wait3A_128 = arith.constant 0 : i32
    %dma_wait3A_129 = tpu.memref_slice %arg7[%add3A_127, %dma_wait3A_128] : memref<72x128xi32, #tpu.memory_space<vmem>> -> memref<1x128xi32, #tpu.memory_space<vmem>>
    %dma_wait3A_130 = tpu.memref_squeeze %dma_wait3A_129 : memref<1x128xi32, #tpu.memory_space<vmem>> -> memref<128xi32, #tpu.memory_space<vmem>>
    %dma_wait3A_131 = arith.constant 0 : i32
    %dma_wait3A_132 = arith.constant 0 : i32
    %dma_wait3A_133 = tpu.memref_slice %arg4[%dma_wait3A_131, %dma_wait3A_132] : memref<10000x32xf32, #tpu.memory_space<hbm>> -> memref<10000x32xf32, #tpu.memory_space<hbm>>
    tpu.wait_indirect_dma semaphore(%arg24 : memref<!tpu.dma_semaphore, #tpu.memory_space<semaphore_mem>>) src(%dma_wait3A_133 : memref<10000x32xf32, #tpu.memory_space<hbm>>) dst(%arg15 : memref<128x32xf32, #tpu.memory_space<vmem>>)
    "tpu.region"() ({
      %run_scoped3A = tpu.sem_alloc : memref<!tpu.dma_semaphore, #tpu.memory_space<semaphore_mem>>
      %dma_start3A_147 = arith.constant 0 : i32
      %dma_start3A_148 = tpu.memref_slice %arg8[%add3A_127, %dma_start3A_147] : memref<72x128xi32, #tpu.memory_space<vmem>> -> memref<1x128xi32, #tpu.memory_space<vmem>>
      %dma_start3A_149 = tpu.memref_squeeze %dma_start3A_148 : memref<1x128xi32, #tpu.memory_space<vmem>> -> memref<128xi32, #tpu.memory_space<vmem>>
      %dma_start3A_150 = arith.constant 0 : i32
      %dma_start3A_151 = arith.constant 0 : i32
      %dma_start3A_152 = tpu.memref_slice %arg17[%dma_start3A_150, %dma_start3A_151] : memref<10240x32xf32, #tpu.memory_space<vmem_shared>> -> memref<10240x32xf32, #tpu.memory_space<vmem_shared>>
      tpu.enqueue_indirect_dma source(%arg15 : memref<128x32xf32, #tpu.memory_space<vmem>>) target(%dma_start3A_152 : memref<10240x32xf32, #tpu.memory_space<vmem_shared>>) offsets(%dma_start3A_149 : memref<128xi32, #tpu.memory_space<vmem>>) semaphore(%run_scoped3A : memref<!tpu.dma_semaphore, #tpu.memory_space<semaphore_mem>>) {add = true}
      %dma_wait3A_153 = arith.constant 0 : i32
      %dma_wait3A_154 = tpu.memref_slice %arg8[%add3A_127, %dma_wait3A_153] : memref<72x128xi32, #tpu.memory_space<vmem>> -> memref<1x128xi32, #tpu.memory_space<vmem>>
      %dma_wait3A_155 = tpu.memref_squeeze %dma_wait3A_154 : memref<1x128xi32, #tpu.memory_space<vmem>> -> memref<128xi32, #tpu.memory_space<vmem>>
      %dma_wait3A_156 = arith.constant 0 : i32
      %dma_wait3A_157 = arith.constant 0 : i32
      %dma_wait3A_158 = tpu.memref_slice %arg17[%dma_wait3A_156, %dma_wait3A_157] : memref<10240x32xf32, #tpu.memory_space<vmem_shared>> -> memref<10240x32xf32, #tpu.memory_space<vmem_shared>>
      tpu.wait_indirect_dma semaphore(%run_scoped3A : memref<!tpu.dma_semaphore, #tpu.memory_space<semaphore_mem>>) src(%arg15 : memref<128x32xf32, #tpu.memory_space<vmem>>) dst(%dma_wait3A_158 : memref<10240x32xf32, #tpu.memory_space<vmem_shared>>)
      tpu.yield
    }) : () -> ()
    %add3A_134 = arith.constant 7 : i32
    %add3A_135 = arith.addi %while3A_78, %add3A_134 : i32
    %dma_wait3A_136 = arith.constant 0 : i32
    %dma_wait3A_137 = tpu.memref_slice %arg7[%add3A_135, %dma_wait3A_136] : memref<72x128xi32, #tpu.memory_space<vmem>> -> memref<1x128xi32, #tpu.memory_space<vmem>>
    %dma_wait3A_138 = tpu.memref_squeeze %dma_wait3A_137 : memref<1x128xi32, #tpu.memory_space<vmem>> -> memref<128xi32, #tpu.memory_space<vmem>>
    %dma_wait3A_139 = arith.constant 0 : i32
    %dma_wait3A_140 = arith.constant 0 : i32
    %dma_wait3A_141 = tpu.memref_slice %arg4[%dma_wait3A_139, %dma_wait3A_140] : memref<10000x32xf32, #tpu.memory_space<hbm>> -> memref<10000x32xf32, #tpu.memory_space<hbm>>
    tpu.wait_indirect_dma semaphore(%arg25 : memref<!tpu.dma_semaphore, #tpu.memory_space<semaphore_mem>>) src(%dma_wait3A_141 : memref<10000x32xf32, #tpu.memory_space<hbm>>) dst(%arg16 : memref<128x32xf32, #tpu.memory_space<vmem>>)
    "tpu.region"() ({
      %run_scoped3A = tpu.sem_alloc : memref<!tpu.dma_semaphore, #tpu.memory_space<semaphore_mem>>
      %dma_start3A_147 = arith.constant 0 : i32
      %dma_start3A_148 = tpu.memref_slice %arg8[%add3A_135, %dma_start3A_147] : memref<72x128xi32, #tpu.memory_space<vmem>> -> memref<1x128xi32, #tpu.memory_space<vmem>>
      %dma_start3A_149 = tpu.memref_squeeze %dma_start3A_148 : memref<1x128xi32, #tpu.memory_space<vmem>> -> memref<128xi32, #tpu.memory_space<vmem>>
      %dma_start3A_150 = arith.constant 0 : i32
      %dma_start3A_151 = arith.constant 0 : i32
      %dma_start3A_152 = tpu.memref_slice %arg17[%dma_start3A_150, %dma_start3A_151] : memref<10240x32xf32, #tpu.memory_space<vmem_shared>> -> memref<10240x32xf32, #tpu.memory_space<vmem_shared>>
      tpu.enqueue_indirect_dma source(%arg16 : memref<128x32xf32, #tpu.memory_space<vmem>>) target(%dma_start3A_152 : memref<10240x32xf32, #tpu.memory_space<vmem_shared>>) offsets(%dma_start3A_149 : memref<128xi32, #tpu.memory_space<vmem>>) semaphore(%run_scoped3A : memref<!tpu.dma_semaphore, #tpu.memory_space<semaphore_mem>>) {add = true}
      %dma_wait3A_153 = arith.constant 0 : i32
      %dma_wait3A_154 = tpu.memref_slice %arg8[%add3A_135, %dma_wait3A_153] : memref<72x128xi32, #tpu.memory_space<vmem>> -> memref<1x128xi32, #tpu.memory_space<vmem>>
      %dma_wait3A_155 = tpu.memref_squeeze %dma_wait3A_154 : memref<1x128xi32, #tpu.memory_space<vmem>> -> memref<128xi32, #tpu.memory_space<vmem>>
      %dma_wait3A_156 = arith.constant 0 : i32
      %dma_wait3A_157 = arith.constant 0 : i32
      %dma_wait3A_158 = tpu.memref_slice %arg17[%dma_wait3A_156, %dma_wait3A_157] : memref<10240x32xf32, #tpu.memory_space<vmem_shared>> -> memref<10240x32xf32, #tpu.memory_space<vmem_shared>>
      tpu.wait_indirect_dma semaphore(%run_scoped3A : memref<!tpu.dma_semaphore, #tpu.memory_space<semaphore_mem>>) src(%arg16 : memref<128x32xf32, #tpu.memory_space<vmem>>) dst(%dma_wait3A_158 : memref<10240x32xf32, #tpu.memory_space<vmem_shared>>)
      tpu.yield
    }) : () -> ()
    %barrier3A_142 = arith.constant 0 : index
    tpu.barrier barrier_id(%barrier3A_142)
    %mul3A_143 = arith.constant 640 : i32
    %mul3A_144 = arith.muli %arg1, %mul3A_143 : i32
    %mul3A_145 = arith.constant 640 : i32
    %mul3A_146 = arith.muli %arg1, %mul3A_145 : i32
    "tpu.region"() ({
      %run_scoped3A = tpu.sem_alloc : memref<!tpu.dma_semaphore, #tpu.memory_space<semaphore_mem>>
      %dma_start3A_147 = arith.constant 0 : i32
      %dma_start3A_148 = tpu.memref_slice %arg6[%arg0, %mul3A_146, %dma_start3A_147] : memref<2x10240x32xf32, #tpu.memory_space<hbm>> -> memref<1x640x32xf32, #tpu.memory_space<hbm>>
      %dma_start3A_149 = tpu.memref_squeeze %dma_start3A_148 : memref<1x640x32xf32, #tpu.memory_space<hbm>> -> memref<640x32xf32, #tpu.memory_space<hbm>>
      %dma_start3A_150 = arith.constant 0 : i32
      %dma_start3A_151 = tpu.memref_slice %arg17[%mul3A_144, %dma_start3A_150] : memref<10240x32xf32, #tpu.memory_space<vmem_shared>> -> memref<640x32xf32, #tpu.memory_space<vmem_shared>>
      tpu.enqueue_dma source(%dma_start3A_151 : memref<640x32xf32, #tpu.memory_space<vmem_shared>>) target(%dma_start3A_149 : memref<640x32xf32, #tpu.memory_space<hbm>>) target_semaphore(%run_scoped3A : memref<!tpu.dma_semaphore, #tpu.memory_space<semaphore_mem>>)
      %dma_wait3A_152 = arith.constant 0 : i32
      %dma_wait3A_153 = tpu.memref_slice %arg6[%arg0, %mul3A_146, %dma_wait3A_152] : memref<2x10240x32xf32, #tpu.memory_space<hbm>> -> memref<1x640x32xf32, #tpu.memory_space<hbm>>
      %dma_wait3A_154 = tpu.memref_squeeze %dma_wait3A_153 : memref<1x640x32xf32, #tpu.memory_space<hbm>> -> memref<640x32xf32, #tpu.memory_space<hbm>>
      %dma_wait3A_155 = arith.constant 0 : i32
      %dma_wait3A_156 = tpu.memref_slice %arg17[%mul3A_144, %dma_wait3A_155] : memref<10240x32xf32, #tpu.memory_space<vmem_shared>> -> memref<640x32xf32, #tpu.memory_space<vmem_shared>>
      tpu.wait_dma2 semaphore(%run_scoped3A : memref<!tpu.dma_semaphore, #tpu.memory_space<semaphore_mem>>) src(%dma_wait3A_156 : memref<640x32xf32, #tpu.memory_space<vmem_shared>>) dst(%dma_wait3A_154 : memref<640x32xf32, #tpu.memory_space<hbm>>)
      tpu.yield
    }) : () -> ()
    return
  }
}

module attributes {stable_mosaic.version = 14 : i64} {
  func.func @body(%arg0: i32, %arg1: memref<1000x256xf32, #tpu.memory_space<vmem>>, %arg2: memref<256x32xf32, #tpu.memory_space<vmem>>, %arg3: memref<1000x32xf32, #tpu.memory_space<vmem>>) attributes {dimension_semantics = [#tpu.dimension_semantics<arbitrary>], iteration_bounds = array<i64: 10>, scalar_prefetch = 0 : i64, scratch_operands = 0 : i64, tpu.core_type = #tpu.core_type<tc>, window_params = [{transform_indices = @transform_0, window_bounds = array<i64: 1000, 256>}, {transform_indices = @transform_1, window_bounds = array<i64: 256, 32>}, {transform_indices = @transform_2, window_bounds = array<i64: 1000, 32>}]} {
    %get3A = arith.constant 0 : index
    %get3A_0 = arith.constant 0 : index
    %get3A_1 = vector.load %arg1[%get3A, %get3A_0] : memref<1000x256xf32, #tpu.memory_space<vmem>>, vector<1000x256xf32>
    %get3A_2 = arith.constant 0 : index
    %get3A_3 = arith.constant 0 : index
    %get3A_4 = vector.load %arg2[%get3A_2, %get3A_3] : memref<256x32xf32, #tpu.memory_space<vmem>>, vector<256x32xf32>
    %dot_general3A = arith.constant dense<0.000000e+00> : vector<1000x32xf32>
    %dot_general3A_5 = tpu.matmul %get3A_1, %get3A_4, %dot_general3A {dimension_numbers = #tpu.dot_dimension_numbers<[1], [0], [0], [1], [0, 0, 1, 1], [], []>, precision = #tpu.contract_precision<fp32>, transpose_lhs_hint = false} : vector<1000x256xf32>, vector<256x32xf32>, vector<1000x32xf32> -> vector<1000x32xf32>
    %swap3A = arith.constant 0 : index
    %swap3A_6 = arith.constant 0 : index
    %swap3A_7 = vector.load %arg3[%swap3A, %swap3A_6] : memref<1000x32xf32, #tpu.memory_space<vmem>>, vector<1000x32xf32>
    tpu.vector_store %arg3[%swap3A, %swap3A_6], %dot_general3A_5 {strides = array<i32>} : memref<1000x32xf32, #tpu.memory_space<vmem>>, vector<1000x32xf32>,
    return
  }
  func.func @transform_0(%arg0: i32) -> (i32, i32) {
    %sub3A = arith.subi %arg0, %arg0 : i32
    %c0_i32 = arith.constant 0 : i32
    return %arg0, %sub3A : i32, i32
  }
  func.func @transform_1(%arg0: i32) -> (i32, i32) {
    %sub3A = arith.subi %arg0, %arg0 : i32
    %sub3A_0 = arith.subi %arg0, %arg0 : i32
    %c0_i32 = arith.constant 0 : i32
    return %sub3A, %sub3A_0 : i32, i32
  }
  func.func @transform_2(%arg0: i32) -> (i32, i32) {
    %sub3A = arith.subi %arg0, %arg0 : i32
    %c0_i32 = arith.constant 0 : i32
    return %arg0, %sub3A : i32, i32
  }
}

module attributes {stable_mosaic.version = 14 : i64} {
  func.func @body(%arg0: i32, %arg1: memref<1000x32xf32, #tpu.memory_space<vmem>>, %arg2: memref<2x1000x16xf32, #tpu.memory_space<vmem>>, %arg3: memref<1000x32xf32, #tpu.memory_space<vmem>>) attributes {dimension_semantics = [#tpu.dimension_semantics<arbitrary>], iteration_bounds = array<i64: 10>, scalar_prefetch = 0 : i64, scratch_operands = 0 : i64, tpu.core_type = #tpu.core_type<tc>, window_params = [{transform_indices = @transform_0, window_bounds = array<i64: 1000, 32>}, {transform_indices = @transform_1, window_bounds = array<i64: 2, 1000, 16>}, {transform_indices = @transform_2, window_bounds = array<i64: 1000, 32>}]} {
    %get3A = arith.constant 0 : index
    %get3A_0 = arith.constant 0 : index
    %get3A_1 = arith.constant 0 : index
    %get3A_2 = vector.load %arg2[%get3A, %get3A_0, %get3A_1] : memref<2x1000x16xf32, #tpu.memory_space<vmem>>, vector<1x1000x1xf32>
    %get3A_3 = vector.shape_cast %get3A_2 : vector<1x1000x1xf32> to vector<1000x1xf32>
    %get3A_4 = arith.constant 1 : index
    %get3A_5 = arith.constant 0 : index
    %get3A_6 = arith.constant 0 : index
    %get3A_7 = vector.load %arg2[%get3A_4, %get3A_5, %get3A_6] : memref<2x1000x16xf32, #tpu.memory_space<vmem>>, vector<1x1000x1xf32>
    %get3A_8 = vector.shape_cast %get3A_7 : vector<1x1000x1xf32> to vector<1000x1xf32>
    %add3A = arith.addf %get3A_3, %get3A_8 : vector<1000x1xf32>
    %add3A_9 = arith.constant 1.000000e+00 : f32
    %add3A_10 = vector.broadcast %add3A_9 : f32 to vector<1000x1xf32>
    %add3A_11 = arith.addf %add3A, %add3A_10 : vector<1000x1xf32>
    %rsqrt3A = math.rsqrt %add3A_11 : vector<1000x1xf32>
    %get3A_12 = arith.constant 0 : index
    %get3A_13 = arith.constant 0 : index
    %get3A_14 = vector.load %arg1[%get3A_12, %get3A_13] : memref<1000x32xf32, #tpu.memory_space<vmem>>, vector<1000x32xf32>
    %mul3A = vector.broadcast %rsqrt3A : vector<1000x1xf32> to vector<1000x32xf32>
    %mul3A_15 = arith.mulf %get3A_14, %mul3A : vector<1000x32xf32>
    %swap3A = arith.constant 0 : index
    %swap3A_16 = arith.constant 0 : index
    %swap3A_17 = vector.load %arg3[%swap3A, %swap3A_16] : memref<1000x32xf32, #tpu.memory_space<vmem>>, vector<1000x32xf32>
    tpu.vector_store %arg3[%swap3A, %swap3A_16], %mul3A_15 {strides = array<i32>} : memref<1000x32xf32, #tpu.memory_space<vmem>>, vector<1000x32xf32>,
    return
  }
  func.func @transform_0(%arg0: i32) -> (i32, i32) {
    %sub3A = arith.subi %arg0, %arg0 : i32
    %c0_i32 = arith.constant 0 : i32
    return %arg0, %sub3A : i32, i32
  }
  func.func @transform_1(%arg0: i32) -> (i32, i32, i32) {
    %sub3A = arith.subi %arg0, %arg0 : i32
    %sub3A_0 = arith.subi %arg0, %arg0 : i32
    %c0_i32 = arith.constant 0 : i32
    return %sub3A, %arg0, %sub3A_0 : i32, i32, i32
  }
  func.func @transform_2(%arg0: i32) -> (i32, i32) {
    %sub3A = arith.subi %arg0, %arg0 : i32
    %c0_i32 = arith.constant 0 : i32
    return %arg0, %sub3A : i32, i32
  }
}

module attributes {stable_mosaic.version = 14 : i64} {
  func.func @body(%arg0: i32, %arg1: memref<2x1000x32xf32, #tpu.memory_space<vmem>>, %arg2: memref<1000x32xf32, #tpu.memory_space<vmem>>, %arg3: memref<2x1000x16xf32, #tpu.memory_space<vmem>>, %arg4: memref<1x32xf32, #tpu.memory_space<vmem>>, %arg5: memref<32x48xf32, #tpu.memory_space<vmem>>, %arg6: memref<1000x48xf32, #tpu.memory_space<vmem>>) attributes {dimension_semantics = [#tpu.dimension_semantics<arbitrary>], iteration_bounds = array<i64: 10>, scalar_prefetch = 0 : i64, scratch_operands = 0 : i64, tpu.core_type = #tpu.core_type<tc>, window_params = [{transform_indices = @transform_0, window_bounds = array<i64: 2, 1000, 32>}, {transform_indices = @transform_1, window_bounds = array<i64: 1000, 32>}, {transform_indices = @transform_2, window_bounds = array<i64: 2, 1000, 16>}, {transform_indices = @transform_3, window_bounds = array<i64: 1, 32>}, {transform_indices = @transform_4, window_bounds = array<i64: 32, 48>}, {transform_indices = @transform_5, window_bounds = array<i64: 1000, 48>}]} {
    %get3A = arith.constant 0 : index
    %get3A_0 = arith.constant 0 : index
    %get3A_1 = arith.constant 0 : index
    %get3A_2 = vector.load %arg3[%get3A, %get3A_0, %get3A_1] : memref<2x1000x16xf32, #tpu.memory_space<vmem>>, vector<1x1000x1xf32>
    %get3A_3 = vector.shape_cast %get3A_2 : vector<1x1000x1xf32> to vector<1000x1xf32>
    %get3A_4 = arith.constant 1 : index
    %get3A_5 = arith.constant 0 : index
    %get3A_6 = arith.constant 0 : index
    %get3A_7 = vector.load %arg3[%get3A_4, %get3A_5, %get3A_6] : memref<2x1000x16xf32, #tpu.memory_space<vmem>>, vector<1x1000x1xf32>
    %get3A_8 = vector.shape_cast %get3A_7 : vector<1x1000x1xf32> to vector<1000x1xf32>
    %add3A = arith.addf %get3A_3, %get3A_8 : vector<1000x1xf32>
    %add3A_9 = arith.constant 1.000000e+00 : f32
    %add3A_10 = vector.broadcast %add3A_9 : f32 to vector<1000x1xf32>
    %add3A_11 = arith.addf %add3A, %add3A_10 : vector<1000x1xf32>
    %rsqrt3A = math.rsqrt %add3A_11 : vector<1000x1xf32>
    %get3A_12 = arith.constant 0 : index
    %get3A_13 = arith.constant 0 : index
    %get3A_14 = arith.constant 0 : index
    %get3A_15 = vector.load %arg1[%get3A_12, %get3A_13, %get3A_14] : memref<2x1000x32xf32, #tpu.memory_space<vmem>>, vector<1x1000x32xf32>
    %get3A_16 = vector.shape_cast %get3A_15 : vector<1x1000x32xf32> to vector<1000x32xf32>
    %get3A_17 = arith.constant 1 : index
    %get3A_18 = arith.constant 0 : index
    %get3A_19 = arith.constant 0 : index
    %get3A_20 = vector.load %arg1[%get3A_17, %get3A_18, %get3A_19] : memref<2x1000x32xf32, #tpu.memory_space<vmem>>, vector<1x1000x32xf32>
    %get3A_21 = vector.shape_cast %get3A_20 : vector<1x1000x32xf32> to vector<1000x32xf32>
    %add3A_22 = arith.addf %get3A_16, %get3A_21 : vector<1000x32xf32>
    %get3A_23 = arith.constant 0 : index
    %get3A_24 = arith.constant 0 : index
    %get3A_25 = vector.load %arg2[%get3A_23, %get3A_24] : memref<1000x32xf32, #tpu.memory_space<vmem>>, vector<1000x32xf32>
    %add3A_26 = arith.addf %add3A_22, %get3A_25 : vector<1000x32xf32>
    %mul3A = vector.broadcast %rsqrt3A : vector<1000x1xf32> to vector<1000x32xf32>
    %mul3A_27 = arith.mulf %add3A_26, %mul3A : vector<1000x32xf32>
    %get3A_28 = arith.constant 0 : index
    %get3A_29 = arith.constant 0 : index
    %get3A_30 = vector.load %arg4[%get3A_28, %get3A_29] : memref<1x32xf32, #tpu.memory_space<vmem>>, vector<1x32xf32>
    %add3A_31 = vector.broadcast %get3A_30 : vector<1x32xf32> to vector<1000x32xf32>
    %add3A_32 = arith.addf %mul3A_27, %add3A_31 : vector<1000x32xf32>
    %max3A = arith.constant 0.000000e+00 : f32
    %max3A_33 = vector.broadcast %max3A : f32 to vector<1000x32xf32>
    %max3A_34 = arith.maximumf %add3A_32, %max3A_33 : vector<1000x32xf32>
    %get3A_35 = arith.constant 0 : index
    %get3A_36 = arith.constant 0 : index
    %get3A_37 = vector.load %arg5[%get3A_35, %get3A_36] : memref<32x48xf32, #tpu.memory_space<vmem>>, vector<32x48xf32>
    %dot_general3A = arith.constant dense<0.000000e+00> : vector<1000x48xf32>
    %dot_general3A_38 = tpu.matmul %max3A_34, %get3A_37, %dot_general3A {dimension_numbers = #tpu.dot_dimension_numbers<[1], [0], [0], [1], [0, 0, 1, 1], [], []>, precision = #tpu.contract_precision<fp32>, transpose_lhs_hint = false} : vector<1000x32xf32>, vector<32x48xf32>, vector<1000x48xf32> -> vector<1000x48xf32>
    %mul3A_39 = vector.broadcast %rsqrt3A : vector<1000x1xf32> to vector<1000x48xf32>
    %mul3A_40 = arith.mulf %dot_general3A_38, %mul3A_39 : vector<1000x48xf32>
    %swap3A = arith.constant 0 : index
    %swap3A_41 = arith.constant 0 : index
    %swap3A_42 = vector.load %arg6[%swap3A, %swap3A_41] : memref<1000x48xf32, #tpu.memory_space<vmem>>, vector<1000x48xf32>
    tpu.vector_store %arg6[%swap3A, %swap3A_41], %mul3A_40 {strides = array<i32>} : memref<1000x48xf32, #tpu.memory_space<vmem>>, vector<1000x48xf32>,
    return
  }
  func.func @transform_0(%arg0: i32) -> (i32, i32, i32) {
    %sub3A = arith.subi %arg0, %arg0 : i32
    %sub3A_0 = arith.subi %arg0, %arg0 : i32
    %c0_i32 = arith.constant 0 : i32
    return %sub3A, %arg0, %sub3A_0 : i32, i32, i32
  }
  func.func @transform_1(%arg0: i32) -> (i32, i32) {
    %sub3A = arith.subi %arg0, %arg0 : i32
    %c0_i32 = arith.constant 0 : i32
    return %arg0, %sub3A : i32, i32
  }
  func.func @transform_2(%arg0: i32) -> (i32, i32, i32) {
    %sub3A = arith.subi %arg0, %arg0 : i32
    %sub3A_0 = arith.subi %arg0, %arg0 : i32
    %c0_i32 = arith.constant 0 : i32
    return %sub3A, %arg0, %sub3A_0 : i32, i32, i32
  }
  func.func @transform_3(%arg0: i32) -> (i32, i32) {
    %sub3A = arith.subi %arg0, %arg0 : i32
    %sub3A_0 = arith.subi %arg0, %arg0 : i32
    %c0_i32 = arith.constant 0 : i32
    return %sub3A, %sub3A_0 : i32, i32
  }
  func.func @transform_4(%arg0: i32) -> (i32, i32) {
    %sub3A = arith.subi %arg0, %arg0 : i32
    %sub3A_0 = arith.subi %arg0, %arg0 : i32
    %c0_i32 = arith.constant 0 : i32
    return %sub3A, %sub3A_0 : i32, i32
  }
  func.func @transform_5(%arg0: i32) -> (i32, i32) {
    %sub3A = arith.subi %arg0, %arg0 : i32
    %c0_i32 = arith.constant 0 : i32
    return %arg0, %sub3A : i32, i32
  }
}

module attributes {stable_mosaic.version = 14 : i64} {
  func.func @body(%arg0: i32, %arg1: memref<2x1000x48xf32, #tpu.memory_space<vmem>>, %arg2: memref<1000x48xf32, #tpu.memory_space<vmem>>, %arg3: memref<2x1000x16xf32, #tpu.memory_space<vmem>>, %arg4: memref<1x48xf32, #tpu.memory_space<vmem>>, %arg5: memref<1000x40xf32, #tpu.memory_space<vmem>>) attributes {dimension_semantics = [#tpu.dimension_semantics<arbitrary>], iteration_bounds = array<i64: 10>, scalar_prefetch = 0 : i64, scratch_operands = 0 : i64, tpu.core_type = #tpu.core_type<tc>, window_params = [{transform_indices = @transform_0, window_bounds = array<i64: 2, 1000, 48>}, {transform_indices = @transform_1, window_bounds = array<i64: 1000, 48>}, {transform_indices = @transform_2, window_bounds = array<i64: 2, 1000, 16>}, {transform_indices = @transform_3, window_bounds = array<i64: 1, 48>}, {transform_indices = @transform_4, window_bounds = array<i64: 1000, 40>}]} {
    %get3A = arith.constant 0 : index
    %get3A_0 = arith.constant 0 : index
    %get3A_1 = arith.constant 0 : index
    %get3A_2 = vector.load %arg3[%get3A, %get3A_0, %get3A_1] : memref<2x1000x16xf32, #tpu.memory_space<vmem>>, vector<1x1000x1xf32>
    %get3A_3 = vector.shape_cast %get3A_2 : vector<1x1000x1xf32> to vector<1000x1xf32>
    %get3A_4 = arith.constant 1 : index
    %get3A_5 = arith.constant 0 : index
    %get3A_6 = arith.constant 0 : index
    %get3A_7 = vector.load %arg3[%get3A_4, %get3A_5, %get3A_6] : memref<2x1000x16xf32, #tpu.memory_space<vmem>>, vector<1x1000x1xf32>
    %get3A_8 = vector.shape_cast %get3A_7 : vector<1x1000x1xf32> to vector<1000x1xf32>
    %add3A = arith.addf %get3A_3, %get3A_8 : vector<1000x1xf32>
    %add3A_9 = arith.constant 1.000000e+00 : f32
    %add3A_10 = vector.broadcast %add3A_9 : f32 to vector<1000x1xf32>
    %add3A_11 = arith.addf %add3A, %add3A_10 : vector<1000x1xf32>
    %rsqrt3A = math.rsqrt %add3A_11 : vector<1000x1xf32>
    %get3A_12 = arith.constant 0 : index
    %get3A_13 = arith.constant 0 : index
    %get3A_14 = arith.constant 0 : index
    %get3A_15 = vector.load %arg1[%get3A_12, %get3A_13, %get3A_14] : memref<2x1000x48xf32, #tpu.memory_space<vmem>>, vector<1x1000x48xf32>
    %get3A_16 = vector.shape_cast %get3A_15 : vector<1x1000x48xf32> to vector<1000x48xf32>
    %get3A_17 = arith.constant 1 : index
    %get3A_18 = arith.constant 0 : index
    %get3A_19 = arith.constant 0 : index
    %get3A_20 = vector.load %arg1[%get3A_17, %get3A_18, %get3A_19] : memref<2x1000x48xf32, #tpu.memory_space<vmem>>, vector<1x1000x48xf32>
    %get3A_21 = vector.shape_cast %get3A_20 : vector<1x1000x48xf32> to vector<1000x48xf32>
    %add3A_22 = arith.addf %get3A_16, %get3A_21 : vector<1000x48xf32>
    %get3A_23 = arith.constant 0 : index
    %get3A_24 = arith.constant 0 : index
    %get3A_25 = vector.load %arg2[%get3A_23, %get3A_24] : memref<1000x48xf32, #tpu.memory_space<vmem>>, vector<1000x48xf32>
    %add3A_26 = arith.addf %add3A_22, %get3A_25 : vector<1000x48xf32>
    %mul3A = vector.broadcast %rsqrt3A : vector<1000x1xf32> to vector<1000x48xf32>
    %mul3A_27 = arith.mulf %add3A_26, %mul3A : vector<1000x48xf32>
    %get3A_28 = arith.constant 0 : index
    %get3A_29 = arith.constant 0 : index
    %get3A_30 = vector.load %arg4[%get3A_28, %get3A_29] : memref<1x48xf32, #tpu.memory_space<vmem>>, vector<1x48xf32>
    %add3A_31 = vector.broadcast %get3A_30 : vector<1x48xf32> to vector<1000x48xf32>
    %add3A_32 = arith.addf %mul3A_27, %add3A_31 : vector<1000x48xf32>
    %iota3A = tpu.iota {dimensions = array<i32: 1>} : vector<1000x48xi32>
    %lt3A = arith.constant 40 : i32
    %lt3A_33 = vector.broadcast %lt3A : i32 to vector<1000x48xi32>
    %lt3A_34 = arith.cmpi slt, %iota3A, %lt3A_33 : vector<1000x48xi32>
    %jit3A = arith.constant 0xFFF0000000000000 : f64
    %convert_element_type3A = arith.truncf %jit3A : f64 to f32
    %broadcast_in_dim3A = vector.broadcast %convert_element_type3A : f32 to vector<1000x48xf32>
    %select_n3A = arith.select %lt3A_34, %add3A_32, %broadcast_in_dim3A : vector<1000x48xi1>, vector<1000x48xf32>
    %reduce_max3A = arith.constant dense<0xFF800000> : vector<1000xf32>
    %reduce_max3A_35 = vector.multi_reduction <maximumf>, %select_n3A, %reduce_max3A [1] : vector<1000x48xf32> to vector<1000xf32>
    %broadcast_in_dim3A_36 = vector.shape_cast %reduce_max3A_35 : vector<1000xf32> to vector<1000x1xf32>
    %sub3A = vector.broadcast %broadcast_in_dim3A_36 : vector<1000x1xf32> to vector<1000x48xf32>
    %sub3A_37 = arith.subf %add3A_32, %sub3A : vector<1000x48xf32>
    %exp3A = math.exp %sub3A_37 : vector<1000x48xf32>
    %jit3A_38 = arith.constant 0.000000e+00 : f64
    %convert_element_type3A_39 = arith.truncf %jit3A_38 : f64 to f32
    %broadcast_in_dim3A_40 = vector.broadcast %convert_element_type3A_39 : f32 to vector<1000x48xf32>
    %select_n3A_41 = arith.select %lt3A_34, %exp3A, %broadcast_in_dim3A_40 : vector<1000x48xi1>, vector<1000x48xf32>
    %reduce_sum3A = arith.constant dense<0.000000e+00> : vector<1000xf32>
    %reduce_sum3A_42 = vector.multi_reduction <add>, %select_n3A_41, %reduce_sum3A [1] : vector<1000x48xf32> to vector<1000xf32>
    %broadcast_in_dim3A_43 = vector.shape_cast %reduce_sum3A_42 : vector<1000xf32> to vector<1000x1xf32>
    %log3A = math.log %broadcast_in_dim3A_43 : vector<1000x1xf32>
    %sub3A_44 = vector.broadcast %broadcast_in_dim3A_36 : vector<1000x1xf32> to vector<1000x48xf32>
    %sub3A_45 = arith.subf %add3A_32, %sub3A_44 : vector<1000x48xf32>
    %sub3A_46 = vector.broadcast %log3A : vector<1000x1xf32> to vector<1000x48xf32>
    %sub3A_47 = arith.subf %sub3A_45, %sub3A_46 : vector<1000x48xf32>
    %slice3A = vector.extract_strided_slice %sub3A_47 {offsets = [0, 0], sizes = [1000, 40], strides = [1, 1]} : vector<1000x48xf32> to vector<1000x40xf32>
    %swap3A = arith.constant 0 : index
    %swap3A_48 = arith.constant 0 : index
    %swap3A_49 = vector.load %arg5[%swap3A, %swap3A_48] : memref<1000x40xf32, #tpu.memory_space<vmem>>, vector<1000x40xf32>
    tpu.vector_store %arg5[%swap3A, %swap3A_48], %slice3A {strides = array<i32>} : memref<1000x40xf32, #tpu.memory_space<vmem>>, vector<1000x40xf32>,
    return
  }
  func.func @transform_0(%arg0: i32) -> (i32, i32, i32) {
    %sub3A = arith.subi %arg0, %arg0 : i32
    %sub3A_0 = arith.subi %arg0, %arg0 : i32
    %c0_i32 = arith.constant 0 : i32
    return %sub3A, %arg0, %sub3A_0 : i32, i32, i32
  }
  func.func @transform_1(%arg0: i32) -> (i32, i32) {
    %sub3A = arith.subi %arg0, %arg0 : i32
    %c0_i32 = arith.constant 0 : i32
    return %arg0, %sub3A : i32, i32
  }
  func.func @transform_2(%arg0: i32) -> (i32, i32, i32) {
    %sub3A = arith.subi %arg0, %arg0 : i32
    %sub3A_0 = arith.subi %arg0, %arg0 : i32
    %c0_i32 = arith.constant 0 : i32
    return %sub3A, %arg0, %sub3A_0 : i32, i32, i32
  }
  func.func @transform_3(%arg0: i32) -> (i32, i32) {
    %sub3A = arith.subi %arg0, %arg0 : i32
    %sub3A_0 = arith.subi %arg0, %arg0 : i32
    %c0_i32 = arith.constant 0 : i32
    return %sub3A, %sub3A_0 : i32, i32
  }
  func.func @transform_4(%arg0: i32) -> (i32, i32) {
    %sub3A = arith.subi %arg0, %arg0 : i32
    %c0_i32 = arith.constant 0 : i32
    return %arg0, %sub3A : i32, i32
  }
}

</mosaic_0001>

<sc_bundles>
// kernel: kernel.12.cloned.1.call-start
scs
__scs_entry_jumppad:
0x0: {  	(pc) =	sbr.rel $0x88, $3  }
0x1: {  	(tag) =	ssettag $0x0;
	lr =	simm.s32 $0x1  }
0x2: {  	[smem:$0x3F9B] =	sst lr;
	_ =	strace $0xD0000000  }
0x3: {  	_ = 	snop  }
0x4: {  	_ = 	snop  }
0x5: {  	_ = 	snop  }
0x6: {  	_ = 	snop  }
0x7: {  	_ = 	snop  }
__scs_overlays_trampoline_lowered:
0x8: {  	[smem:$0x3FAA] =	sst s0  }
0x9: {  	[smem:$0x3FAB] =	sst s1  }
0xa: {  	[smem:$0x3FAC] =	sst s2  }
0xb: {  	[smem:$0x3FAD] =	sst s3  }
0xc: {  	[smem:$0x3FAE] =	sst s4  }
0xd: {  	[smem:$0x3FAF] =	sst s5  }
0xe: {  	[smem:$0x3FB0] =	sst s6  }
0xf: {  	[smem:$0x3FB1] =	sst s7  }
0x10: {  	[smem:$0x3FB2] =	sst s8  }
0x11: {  	[smem:$0x3FB3] =	sst s9;
	s0 =	simm.s32 @!p0 $0x0  }
0x12: {  	s1 =	sld [smem:$0x3F99];
	s0 =	simm.s32 @p0 $0x1  }
0x13: {  	[smem:$0x3FB4] =	sst s0;
	s0 =	simm.s32 @!p1 $0x0  }
0x14: {  	s2 =	sld [smem:$0x3F98];
	s0 =	simm.s32 @p1 $0x1  }
0x15: {  	[smem:$0x3FB5] =	sst s0;
	s0 =	simm.s32 @!p2 $0x0  }
0x16: {  	s3 =	sld [smem:$0x3FDB];
	s0 =	simm.s32 @p2 $0x1  }
0x17: {  	s4 =	simm.s32 $0x1BF5;
	[smem:$0x3FB7] =	sst s0  }
0x18: {  	s0 =	sld [smem:$0x3F9A];
	_ =	swait.ge [sflag:s4], $0x0  }
0x19: {  	s7 =	sld [smem:$0x3F9B]  }
0x1a: {  	s8 =	sadd.s32 $0xFFFFE003, lr  }
0x1b: {  	s9 =	sadd.s32 $0xFFFFFEF7, lr;
	s5 =	simm.s32 $0xFFFFFFFF;
	p2 =	slt.u32 s8, $0xFFFFF086  }
0x1c: {  	p1 =	slt.u32 s9, $0xF7A;
	s5 =	simm.s32 @!p2 $0x0  }
0x1d: {  	s5 =	simm.s32 @p1 $0x1;
	p0 =	seq.s32 s7, s2  }
0x1e: {  	s7 =	smul.u32 @!p0 $0xF7A, s2;
	p2 =	seq.s32 @!p0 s5, $0x0  }
0x1f: {  	s9 =	smul.u32 $0xF7A, s1;
	s8 =	simm.s32 @!p0 $0x1BF5;
	p2 =	por !p2, p0  }
0x20: {  	[sflag:s8] =	ssyncset.s32 @!p0 $0xFFFFF086;
	s6 =	sadd.s32 @!p0 s3, s7;
	s7 =	simm.s32 @!p0 $0x108  }
0x21: {  	s3 =	sadd.s32 s3, s9;
	s6 =	sadd.s32 @!p0 $0x88, s6;
	s7 =	simm.s32 @p2 $0x1082  }
0x22: {  	[simem:s7], [sflag:s8] =	dma.local @!p0 [hbm:s6], $0xF7A  }
0x23: {  	s9 =	sor.u32 $0xD0000000, s2;
	s6 =	simm.s32 $0x108;
	_ =	swait.ge @!p0 [sflag:s8], $0x0  }
0x24: {  	s3 =	sadd.s32 $0x88, s3;
	s6 =	simm.s32 @!p1 $0x1082;
	[sflag:s4] =	ssyncset.s32 $0xFFFFF086  }
0x25: {  	[simem:s6], [sflag:s4] =	dma.local [hbm:s3], $0xF7A  }
0x26: {  	[smem:$0x3F9B] =	sst s1;
	(tag) =	ssettag s2;
	_ =	strace s9  }
0x27: {  	s1 =	sld [smem:$0x3FAB]  }
0x28: {  	s2 =	sld [smem:$0x3FAC]  }
0x29: {  	s4 =	sld [smem:$0x3FAE]  }
0x2a: {  	p0 =	seq.s32 s5, $0x0;
	s5 =	sld [smem:$0x3FAF]  }
0x2b: {  	s6 =	sld [smem:$0x3FB0]  }
0x2c: {  	s7 =	sld [smem:$0x3FB1]  }
0x2d: {  	s3 =	simm.s32 $0x108;
	s8 =	sld [smem:$0x3FB2]  }
0x2e: {  	s3 =	simm.s32 @!p0 $0x1082;
	s9 =	sld [smem:$0x3FB3]  }
0x2f: {  	lr =	sadd.s32 s0, s3;
	s0 =	sld [smem:$0x3FAA]  }
0x30: {  	s3 =	sld [smem:$0x3FAD]  }
0x31: {  	[smem:$0x3FB6] =	sst s10  }
0x32: {  	s10 =	sld [smem:$0x3FB4];
	_ =	sdelay $0x3  }
0x33: {  	p0 =	seq.s32 s10, $0x1;
	s10 =	sld [smem:$0x3FB6];
	_ =	sdelay $0x3  }
0x34: {  	[smem:$0x3FB6] =	sst s10  }
0x35: {  	s10 =	sld [smem:$0x3FB5];
	_ =	sdelay $0x3  }
0x36: {  	p1 =	seq.s32 s10, $0x1;
	s10 =	sld [smem:$0x3FB6];
	_ =	sdelay $0x3  }
0x37: {  	[smem:$0x3FB6] =	sst s10  }
0x38: {  	s10 =	sld [smem:$0x3FB7]  }
0x39: {  	_ = 	snop;
	(pc) =	sbr.ind lr, $3  }
0x3a: {  	_ = 	snop  }
0x3b: {  	_ = 	snop  }
0x3c: {  	p2 =	seq.s32 s10, $0x1;
	s10 =	sld [smem:$0x3FB6]  }
0x3d: {  	_ =	shalt  }
0x3e: {  	_ =	shalt  }
0x3f: {  	_ =	shalt  }
0x40: {  	_ =	shalt  }
0x41: {  	_ =	shalt  }
0x42: {  	_ =	shalt  }
0x43: {  	_ =	shalt  }
0x44: {  	_ =	shalt  }
0x45: {  	_ =	shalt  }
0x46: {  	_ =	shalt  }
0x47: {  	_ =	shalt  }
0x48: {  	_ =	shalt  }
0x49: {  	_ =	shalt  }
0x4a: {  	_ =	shalt  }
0x4b: {  	_ =	shalt  }
0x4c: {  	_ =	shalt  }
0x4d: {  	_ =	shalt  }
0x4e: {  	_ =	shalt  }
0x4f: {  	_ =	shalt  }
0x50: {  	_ =	shalt  }
0x51: {  	_ =	shalt  }
0x52: {  	_ =	shalt  }
0x53: {  	_ =	shalt  }
0x54: {  	_ =	shalt  }
0x55: {  	_ =	shalt  }
0x56: {  	_ =	shalt  }
0x57: {  	_ =	shalt  }
0x58: {  	_ =	shalt  }
0x59: {  	_ =	shalt  }
0x5a: {  	_ =	shalt  }
0x5b: {  	_ =	shalt  }
0x5c: {  	_ =	shalt  }
0x5d: {  	_ =	shalt  }
0x5e: {  	_ =	shalt  }
0x5f: {  	_ =	shalt  }
0x60: {  	_ =	shalt  }
0x61: {  	_ =	shalt  }
0x62: {  	_ =	shalt  }
0x63: {  	_ =	shalt  }
0x64: {  	_ =	shalt  }
0x65: {  	_ =	shalt  }
0x66: {  	_ =	shalt  }
0x67: {  	_ =	shalt  }
0x68: {  	_ =	shalt  }
0x69: {  	_ =	shalt  }
0x6a: {  	_ =	shalt  }
0x6b: {  	_ =	shalt  }
0x6c: {  	_ =	shalt  }
0x6d: {  	_ =	shalt  }
0x6e: {  	_ =	shalt  }
0x6f: {  	_ =	shalt  }
0x70: {  	_ =	shalt  }
0x71: {  	_ =	shalt  }
0x72: {  	_ =	shalt  }
0x73: {  	_ =	shalt  }
0x74: {  	_ =	shalt  }
0x75: {  	_ =	shalt  }
0x76: {  	_ =	shalt  }
0x77: {  	_ =	shalt  }
0x78: {  	_ =	shalt  }
0x79: {  	_ =	shalt  }
0x7a: {  	_ =	shalt  }
0x7b: {  	_ =	shalt  }
0x7c: {  	_ =	shalt  }
0x7d: {  	_ =	shalt  }
0x7e: {  	_ =	shalt  }
0x7f: {  	_ =	shalt  }
0x80: {  	_ =	shalt  }
0x81: {  	_ =	shalt  }
0x82: {  	_ =	shalt  }
0x83: {  	_ =	shalt  }
0x84: {  	_ =	shalt  }
0x85: {  	_ =	shalt  }
0x86: {  	_ =	shalt  }
0x87: {  	_ =	shalt  }
.Lfunc_end0:
.L_simem_size_0:
called_computation.1_lowered:
.L_overlay_start_0:
0x88: {  	s2 =	sld [smem:$0x3FD9]  }
0x89: {  	s3 =	sld [smem:$0x3FFE];
	_ =	sdelay $0x1  }
0x8a: {  	s1 =	srdreg.scid  }
0x8b: {  	s0 =	sand.u32 $0x1, s1  }
0x8c: {  	s17 =	sshll.u32 s0, $0xA;
	s2 =	sadd.s32 s3, s2  }
0x8d: {  	s2 =	sadd.s32 s2, s17  }
0x8e: {  	[smem:$0x3FC2] =	sst s2  }
0x8f: {  	_ = 	snop  }
0x90: {  	s2 =	sld [smem:$0x3FD0];
	(tm) =	ssettm $0x1  }
0x91: {  	s18 =	sld [smem:$0x3FFB];
	_ =	sdelay $0x3  }
0x92: {  	_ =	strace s18  }
0x93: {  	s3 =	sld [smem:$0x3FFC];
	_ =	sdelay $0x3  }
0x94: {  	_ =	strace s3  }
0x95: {  	s3 =	sld [smem:$0x3FFD];
	_ =	sdelay $0x3  }
0x96: {  	_ =	strace s3  }
0x97: {  	_ =	strace $0x8FFFFFFF  }
0x98: {  	s19 =	sld [smem:$0x3FDB];
	_ =	sdelay $0x1  }
0x99: {  	s4 =	simm.s32 $_scs_section_size  }
0x9a: {  	s5 =	simm.s32 $_size__tile_overlayer_lowered;
	s6 =	simm.s32 $_tile_overlayer_lowered  }
0x9b: {  	s22 =	simm.s32 $0x1BFF;
	s21 =	sshll.u32 s6, $0x1;
	s3 =	sadd.s32 s4, s19  }
0x9c: {  	s7 =	simm.s32 $0x0;
	s20 =	sshll.u32 s5, $0x1;
	s5 =	sadd.s32 s21, s3  }
0x9d: {  	[timem:s7], [sflag:s22] =	dma.local [hbm:s5], s20  }
0x9e: {  	_ =	swait.ge [sflag:s22], s20  }
0x9f: {  	s4 =	ssub.s32 $0x0, s20;
	[sflag:s22] =	ssyncset.done $0x0  }
0xa0: {  	[sflag:s22] =	ssyncadd.s32 s4;
	_ =	sdelay $0x1  }
0xa1: {  	s23 =	simm.s32 $0x1B8B  }
0xa2: {  	_ =	swait.ge [sflag:s23], $0x1  }
0xa3: {  	[sflag:s23] =	ssyncset.done $0x0  }
0xa4: {  	s25 =	simm.s32 $0x1B8E;
	s24 =	sld [smem:$0x3FFE];
	[sflag:s23] =	ssyncadd.s32 $0xFFFFFFFF  }
0xa5: {  	s26 =	simm.s32 $execute0_lowered;
	[smem:$0x3FD2] =	sst s25  }
0xa6: {  	s5 =	sshll.u32 s26, $0x1;
	_ =	strace $0x80000049;
	[dreg:$0x1] =	wrdreg $0xFFFFFFFF  }
0xa7: {  	s28 =	simm.s32 $_size_execute0_lowered;
	s3 =	sadd.s32 s3, s5;
	[dreg:$0x0] =	wrdreg $0x0  }
0xa8: {  	s5 =	sshll.u32 s28, $0x1;
	[dreg:$0x2] =	wrdreg s3  }
0xa9: {  	[dreg:$0x3] =	wrdreg s5  }
0xaa: {  	[dreg:$0x4] =	wrdreg $0xC0  }
0xab: {  	_ =	task [dreg:s7], $0x5FFFF  }
0xac: {  	[dreg:$0x1] =	wrdreg $0xFFFFFFFF  }
0xad: {  	[dreg:$0x0] =	wrdreg $0x60  }
0xae: {  	[dreg:$0x2] =	wrdreg s24  }
0xaf: {  	[dreg:$0x3] =	wrdreg s2  }
0xb0: {  	[dreg:$0x4] =	wrdreg $0xC8000  }
0xb1: {  	[dreg:$0x5] =	wrdreg $0x9  }
0xb2: {  	_ =	task.clear_ibuf [dreg:s7], $0x6FFFF;
	_ =	strace $0x90000049  }
0xb3: {  	s29 =	simm.s32 $0x9;
	_ =	strace $0x8000004B  }
0xb4: {  	_ =	swait.ge [sflag:s29], $0x1  }
0xb5: {  	[sflag:s29] =	ssyncadd.s32 $0xFFFFFFFF  }
0xb6: {  	_ =	strace $0x9000004B  }
0xb7: {  	_ =	sfence  }
0xb8: {  	s30 =	sld [smem:$0x0];
	_ =	sdelay $0x2  }
0xb9: {  	s31 =	sshll.u32 s1, $0xD;
	s1 =	sshrl.u32 s1, $0x2  }
0xba: {  	s3 =	sand.u32 $0x4000, s31;
	s1 =	sadd.s32 s1, s30  }
0xbb: {  	s0 =	sor.u32 s3, s0;
	s1 =	sshll.u32 s1, $0x11  }
0xbc: {  	s0 =	sor.u32 s1, s0  }
0xbd: {  	s0 =	sadd.s32 $0x8F2B, s0  }
0xbe: {  	[sflag:s0] =	ssyncadd.remote.s32 $0x1  }
0xbf: {  	_ =	sfence.sel $0xFFFF  }
0xc0: {  	[dreg:$0x0] =	wrdreg $0xFFFFFFFF;
	(pc) =	sbr.abs _section_cstart, $3  }
0xc1: {  	[dreg:$0x1] =	wrdreg $0xFFFFFFFF  }
0xc2: {  	_ =	task.clear_ibuf [dreg:s7], $0x2FFFF;
	_ =	strace $0x9FFFFFFF  }
0xc3: {  	(tm) =	ssettm $0x7FFFFFFF  }
tec
execute0_lowered:
.L_overlay_start_1:
0x0: {  	(tag) =	ssettag $0x1  }
0x1: {  	s7 =	stileid.u32;
	s0 =	rddreg [dreg:$0x0]  }
0x2: {  	s1 =	srdreg.scid;
	s5 =	rddreg [dreg:$0x1];
	s9 =	simm.s32 $0x0  }
0x3: {  	s12 =	simm.s32 $0x11;
	s14 =	simm.s32 $0x80;
	s15 =	simm.s32 $0x4800  }
0x4: {  	s16 =	simm.s32 $0x5800;
	s29 =	simm.s32 $0xB800;
	s30 =	simm.s32 $0x1  }
0x5: {  	s31 =	simm.s32 $0x2;
	s13 =	simm.s32 $0x5;
	s17 =	simm.s32 $0x6  }
0x6: {  	s28 =	simm.s32 $0xB;
	s10 =	simm.s32 $0x10;
	s4 =	smul.u32 $0x48, s7  }
0x7: {  	s3 =	sshll.u32 s7, $0x6;
	s1 =	sand.u32 $0x1, s1;
	s7 =	smul.u32 $0x5000, s7  }
0x8: {  	[smem:$0x7FF] =	sst s9;
	s9 =	simm.s32 $0xF;
	s2 =	ssub.s32 $0x480, s3  }
0x9: {  	s8 =	smul.u32 $0x50000, s1;
	s20 =	ssub.s32 $0x2, s1;
	s11 =	sor.u32 $0x1C11, s3  }
0xa: {  	s23 =	sshll.u32 s1, $0xF;
	p0 =	sne.s32 s1, $0x0;
	s6 =	smul.u32 s1, s2  }
0xb: {  	s2 =	rddreg [dreg:$0x2];
	_ =	strace $0x8000004A;
	s21 =	sshrl.u32 s20, $0x1  }
0xc: {  	s3 =	sadd.s32 $0xFFFF8000, s23;
	s1 =	simm.s32 $0x3;
	s23 =	simm.s32 $0x9  }
0xd: {  	[dreg:$0x6] =	wrdreg s11;
	s18 =	sadd.s32 s7, s8;
	s22 =	sadd.s32 s7, s2  }
0xe: {  	s7 =	sshrl.u32 s7, $0x3;
	[dreg:$0x4] =	wrdreg s3;
	s8 =	simm.s32 $0xE  }
0xf: {  	s3 =	simm.s32 $0x0;
	s4 =	sadd.s32 s4, s6;
	s6 =	sshrl.u32 s18, $0x3  }
0x10: {  	s5 =	sadd.s32 s5, s7;
	s18 =	simm.s32 $0x6800;
	[dreg:$0xc] =	wrdreg s3  }
0x11: {  	s7 =	simm.s32 $0xD;
	s4 =	sshll.u32 s4, $0x4;
	[dreg:$0x5] =	wrdreg s5  }
0x12: {  	s5 =	simm.s32 $0xC;
	s19 =	sadd.s32 s4, s0;
	s4 =	sadd.s32 $0x88600, s0  }
0x13: {  	s0 =	sadd.s32 s6, s0;
	s6 =	ssub.s32 s20, s21;
	s20 =	simm.s32 $0x7800  }
0x14: {  	s21 =	simm.s32 $0x8;
	s24 =	sadd.s32 $0xC000, s19;
	s25 =	sadd.s32 $0x1A00, s19  }
.Ltmp0:
0x15: {  	s0 =	sadd.s32 $0x92400, s0;
	[dreg:$0x7] =	wrdreg s24;
	(pc) =	sbr.rel .LBB2_1-.Ltmp0, $4  }
0x16: {  	s26 =	smax.u32 s6, $0x1;
	s6 =	sshrl.u32 s22, $0x3;
	[dreg:$0x8] =	wrdreg s25  }
0x17: {  	s22 =	simm.s32 $0x8800;
	s19 =	simm.s32 $0x7;
	[dreg:$0x9] =	wrdreg s0  }
0x18: {  	[dreg:$0xa] =	wrdreg s26;
	s24 =	simm.s32 $0x9800;
	s26 =	simm.s32 $0xA800  }
0x19: {  	s0 =	simm.s32 $0x4;
	s25 =	simm.s32 $0xA;
	[dreg:$0xb] =	wrdreg s6  }
.LBB2_3:
0x1a: {  	_ =	swait.ge [sflag:s30], $0x1000  }
0x1b: {  	s3 =	sshra.s32 s6, $0x2;
	[sflag:s30] =	ssyncset.done $0x0  }
0x1c: {  	s6 =	sadd.s32 $0x2400, s3;
	[sflag:s30] =	ssyncadd.s32 $0xFFFFF000  }
0x1d: {  	[spmem:s2] =	stream.indirect.scatter.add.f32 [tilespmem:s15], [sflag:$0x11], $0x20, s6, s14, $0xb8;
	[tilespmem:$0x11800] =	vst v63  }
0x1e: {  	_ =	swait.ge [sflag:s12], $0x1000  }
0x1f: {  	[sflag:s12] =	ssyncset.done $0x0  }
0x20: {  	[sflag:s12] =	ssyncadd.s32 $0xFFFFF000  }
0x21: {  	_ =	swait.ge [sflag:s31], $0x1000  }
0x22: {  	[sflag:s31] =	ssyncset.done $0x0  }
0x23: {  	s15 =	sadd.s32 $0x2480, s3;
	[sflag:s31] =	ssyncadd.s32 $0xFFFFF000  }
0x24: {  	[spmem:s2] =	stream.indirect.scatter.add.f32 [tilespmem:s16], [sflag:$0x11], $0x20, s15, s14, $0xb8;
	[tilespmem:$0x11800] =	vst v63  }
0x25: {  	_ =	swait.ge [sflag:s12], $0x1000  }
0x26: {  	[sflag:s12] =	ssyncset.done $0x0  }
0x27: {  	[sflag:s12] =	ssyncadd.s32 $0xFFFFF000  }
0x28: {  	_ =	swait.ge [sflag:s1], $0x1000  }
0x29: {  	[sflag:s1] =	ssyncset.done $0x0  }
0x2a: {  	s11 =	sadd.s32 $0x2500, s3;
	[sflag:s1] =	ssyncadd.s32 $0xFFFFF000  }
0x2b: {  	[spmem:s2] =	stream.indirect.scatter.add.f32 [tilespmem:s18], [sflag:$0x11], $0x20, s11, s14, $0xb8;
	[tilespmem:$0x11800] =	vst v63  }
0x2c: {  	_ =	swait.ge [sflag:s12], $0x1000  }
0x2d: {  	[sflag:s12] =	ssyncset.done $0x0  }
0x2e: {  	[sflag:s12] =	ssyncadd.s32 $0xFFFFF000  }
0x2f: {  	_ =	swait.ge [sflag:s0], $0x1000  }
0x30: {  	[sflag:s0] =	ssyncset.done $0x0  }
0x31: {  	s15 =	sadd.s32 $0x2580, s3;
	[sflag:s0] =	ssyncadd.s32 $0xFFFFF000  }
0x32: {  	[spmem:s2] =	stream.indirect.scatter.add.f32 [tilespmem:s20], [sflag:$0x11], $0x20, s15, s14, $0xb8;
	[tilespmem:$0x11800] =	vst v63  }
0x33: {  	_ =	swait.ge [sflag:s12], $0x1000  }
0x34: {  	[sflag:s12] =	ssyncset.done $0x0  }
0x35: {  	[sflag:s12] =	ssyncadd.s32 $0xFFFFF000  }
0x36: {  	_ =	swait.ge [sflag:s13], $0x1000  }
0x37: {  	[sflag:s13] =	ssyncset.done $0x0  }
0x38: {  	s11 =	sadd.s32 $0x2600, s3;
	[sflag:s13] =	ssyncadd.s32 $0xFFFFF000  }
0x39: {  	[spmem:s2] =	stream.indirect.scatter.add.f32 [tilespmem:s22], [sflag:$0x11], $0x20, s11, s14, $0xb8;
	[tilespmem:$0x11800] =	vst v63  }
0x3a: {  	_ =	swait.ge [sflag:s12], $0x1000  }
0x3b: {  	[sflag:s12] =	ssyncset.done $0x0  }
0x3c: {  	[sflag:s12] =	ssyncadd.s32 $0xFFFFF000  }
0x3d: {  	_ =	swait.ge [sflag:s17], $0x1000  }
0x3e: {  	[sflag:s17] =	ssyncset.done $0x0  }
0x3f: {  	s15 =	sadd.s32 $0x2680, s3;
	[sflag:s17] =	ssyncadd.s32 $0xFFFFF000  }
0x40: {  	[spmem:s2] =	stream.indirect.scatter.add.f32 [tilespmem:s24], [sflag:$0x11], $0x20, s15, s14, $0xb8;
	[tilespmem:$0x11800] =	vst v63  }
0x41: {  	_ =	swait.ge [sflag:s12], $0x1000  }
0x42: {  	[sflag:s12] =	ssyncset.done $0x0  }
0x43: {  	[sflag:s12] =	ssyncadd.s32 $0xFFFFF000  }
0x44: {  	_ =	swait.ge [sflag:s19], $0x1000  }
0x45: {  	[sflag:s19] =	ssyncset.done $0x0  }
0x46: {  	s11 =	sadd.s32 $0x2700, s3;
	[sflag:s19] =	ssyncadd.s32 $0xFFFFF000  }
0x47: {  	[spmem:s2] =	stream.indirect.scatter.add.f32 [tilespmem:s26], [sflag:$0x11], $0x20, s11, s14, $0xb8;
	[tilespmem:$0x11800] =	vst v63  }
0x48: {  	_ =	swait.ge [sflag:s12], $0x1000  }
0x49: {  	[sflag:s12] =	ssyncset.done $0x0  }
0x4a: {  	[sflag:s12] =	ssyncadd.s32 $0xFFFFF000  }
0x4b: {  	_ =	swait.ge [sflag:s21], $0x1000  }
0x4c: {  	[sflag:s21] =	ssyncset.done $0x0  }
0x4d: {  	s3 =	sadd.s32 $0x2780, s3;
	[sflag:s21] =	ssyncadd.s32 $0xFFFFF000  }
0x4e: {  	[spmem:s2] =	stream.indirect.scatter.add.f32 [tilespmem:s29], [sflag:$0x11], $0x20, s3, s14, $0xb8;
	[tilespmem:$0x11800] =	vst v63  }
0x4f: {  	_ =	swait.ge [sflag:s12], $0x1000  }
0x50: {  	[sflag:s12] =	ssyncset.done $0x0  }
0x51: {  	[sflag:s12] =	ssyncadd.s32 $0xFFFFF000  }
0x52: {  	[bflag:$0x0] =	sbarrier.arrive $0xFFFF  }
0x53: {  	s11 =	rddreg [dreg:$0x6]  }
0x54: {  	s15 =	rddreg [dreg:$0x9]  }
0x55: {  	s6 =	rddreg [dreg:$0xb]  }
0x56: {  	[hbm:s15], [sflag:s11] =	dma.local [spmem:s6], $0xA00  }
0x57: {  	_ =	swait.ge [sflag:s12], $0xA00  }
0x58: {  	s3 =	rddreg [dreg:$0xc]  }
0x59: {  	s15 =	sadd.s32 $0x1, s3;
	s3 =	rddreg [dreg:$0xa]  }
0x5a: {  	p1 =	sne.s32 s15, s3  }
.Ltmp1:
0x5b: {  	_ = 	snop;
	(pc) =	sbr.rel @!p1 .LBB2_4-.Ltmp1, $3  }
0x5c: {  	_ =	sdelay $0x1  }
0x5d: {  	[sflag:s12] =	ssyncset.done $0x0  }
0x5e: {  	[sflag:s12] =	ssyncadd.s32 $0xFFFFF600;
	[dreg:$0xc] =	wrdreg s15;
	s15 =	simm.s32 $0x4800  }
.LBB2_1:
0x5f: {  	s3 =	rddreg [dreg:$0x5]  }
0x60: {  	[spmem:s6], [sflag:s11] =	dma.local [hbm:s3], $0xA00  }
0x61: {  	_ =	swait.ge [sflag:s12], $0xA00  }
0x62: {  	[sflag:s12] =	ssyncset.done $0x0  }
0x63: {  	s3 =	simm.s32 $0x0;
	s11 =	rddreg [dreg:$0x7];
	[sflag:s12] =	ssyncadd.s32 $0xFFFFF600  }
0x64: {  	[tilespmem:s3], [sflag:$0x11] =	stream.linear.gather [hbm4b:s11+s3], $0x2400, $0x38;
	[tilespmem:$0x11800] =	vst v63  }
0x65: {  	_ =	swait.ge [sflag:s12], $0x2400  }
0x66: {  	[sflag:s12] =	ssyncset.done $0x0  }
0x67: {  	s11 =	simm.s32 $0x2400;
	s6 =	rddreg [dreg:$0x8];
	[sflag:s12] =	ssyncadd.s32 $0xFFFFDC00  }
0x68: {  	[tilespmem:s11], [sflag:$0x11] =	stream.linear.gather [hbm4b:s6+s3], $0x2400, $0x38;
	[tilespmem:$0x11800] =	vst v63  }
0x69: {  	_ =	swait.ge [sflag:s12], $0x2400  }
0x6a: {  	[sflag:s12] =	ssyncset.done $0x0  }
0x6b: {  	[sflag:s12] =	ssyncadd.s32 $0xFFFFDC00  }
0x6c: {  	[bflag:$0x0] =	sbarrier.arrive $0xFFFF  }
0x6d: {  	[tilespmem:s15], [sflag:$0x1] =	stream.indirect.gather [hbm4b:s4+s14], $0x20, s3, s14, $0xb8;
	[tilespmem:$0x11800] =	vst v63  }
0x6e: {  	_ = 	snop  }
0x6f: {  	[tilespmem:s16], [sflag:$0x2] =	stream.indirect.gather [hbm4b:s4+s14], $0x20, s14, s14, $0xb8;
	[tilespmem:$0x11800] =	vst v63  }
0x70: {  	s6 =	simm.s32 $0x100  }
0x71: {  	[tilespmem:s18], [sflag:$0x3] =	stream.indirect.gather [hbm4b:s4+s14], $0x20, s6, s14, $0xb8;
	[tilespmem:$0x11800] =	vst v63  }
0x72: {  	s11 =	simm.s32 $0x180  }
0x73: {  	[tilespmem:s20], [sflag:$0x4] =	stream.indirect.gather [hbm4b:s4+s14], $0x20, s11, s14, $0xb8;
	[tilespmem:$0x11800] =	vst v63  }
0x74: {  	s6 =	simm.s32 $0x200  }
0x75: {  	[tilespmem:s22], [sflag:$0x5] =	stream.indirect.gather [hbm4b:s4+s14], $0x20, s6, s14, $0xb8;
	[tilespmem:$0x11800] =	vst v63  }
0x76: {  	s11 =	simm.s32 $0x280  }
0x77: {  	[tilespmem:s24], [sflag:$0x6] =	stream.indirect.gather [hbm4b:s4+s14], $0x20, s11, s14, $0xb8;
	[tilespmem:$0x11800] =	vst v63  }
.Ltmp2:
0x78: {  	_ = 	snop;
	(pc) =	sbr.rel @p0 .LBB2_3-.Ltmp2, $4  }
0x79: {  	s6 =	simm.s32 $0x300  }
0x7a: {  	[tilespmem:s26], [sflag:$0x7] =	stream.indirect.gather [hbm4b:s4+s14], $0x20, s6, s14, $0xb8;
	[tilespmem:$0x11800] =	vst v63  }
0x7b: {  	s11 =	simm.s32 $0x380;
	s6 =	simm.s32 $0x0  }
0x7c: {  	[tilespmem:s29], [sflag:$0x8] =	stream.indirect.gather [hbm4b:s4+s14], $0x20, s11, s14, $0xb8;
	[tilespmem:$0x11800] =	vst v63  }
.LBB2_2:
0x7d: {  	_ =	swait.ge [sflag:s30], $0x1000  }
0x7e: {  	s11 =	sshra.s32 s6, $0x2;
	[sflag:s30] =	ssyncset.done $0x0  }
0x7f: {  	s3 =	sadd.s32 $0x2400, s11;
	[sflag:s30] =	ssyncadd.s32 $0xFFFFF000  }
0x80: {  	[spmem:s2] =	stream.indirect.scatter.add.f32 [tilespmem:s15], [sflag:$0x9], $0x20, s3, s14, $0xb8;
	[tilespmem:$0x11800] =	vst v63  }
0x81: {  	_ =	swait.ge [sflag:s31], $0x1000  }
0x82: {  	[sflag:s31] =	ssyncset.done $0x0  }
0x83: {  	s3 =	sadd.s32 $0x2480, s11;
	[sflag:s31] =	ssyncadd.s32 $0xFFFFF000  }
0x84: {  	[spmem:s2] =	stream.indirect.scatter.add.f32 [tilespmem:s16], [sflag:$0xA], $0x20, s3, s14, $0xb8;
	[tilespmem:$0x11800] =	vst v63  }
0x85: {  	_ =	swait.ge [sflag:s1], $0x1000  }
0x86: {  	[sflag:s1] =	ssyncset.done $0x0  }
0x87: {  	s3 =	sadd.s32 $0x2500, s11;
	[sflag:s1] =	ssyncadd.s32 $0xFFFFF000  }
0x88: {  	[spmem:s2] =	stream.indirect.scatter.add.f32 [tilespmem:s18], [sflag:$0xB], $0x20, s3, s14, $0xb8;
	[tilespmem:$0x11800] =	vst v63  }
0x89: {  	_ =	swait.ge [sflag:s0], $0x1000  }
0x8a: {  	[sflag:s0] =	ssyncset.done $0x0  }
0x8b: {  	s3 =	sadd.s32 $0x2580, s11;
	[sflag:s0] =	ssyncadd.s32 $0xFFFFF000  }
0x8c: {  	[spmem:s2] =	stream.indirect.scatter.add.f32 [tilespmem:s20], [sflag:$0xC], $0x20, s3, s14, $0xb8;
	[tilespmem:$0x11800] =	vst v63  }
0x8d: {  	_ =	swait.ge [sflag:s13], $0x1000  }
0x8e: {  	[sflag:s13] =	ssyncset.done $0x0  }
0x8f: {  	s3 =	sadd.s32 $0x2600, s11;
	[sflag:s13] =	ssyncadd.s32 $0xFFFFF000  }
0x90: {  	[spmem:s2] =	stream.indirect.scatter.add.f32 [tilespmem:s22], [sflag:$0xD], $0x20, s3, s14, $0xb8;
	[tilespmem:$0x11800] =	vst v63  }
0x91: {  	_ =	swait.ge [sflag:s17], $0x1000  }
0x92: {  	[sflag:s17] =	ssyncset.done $0x0  }
0x93: {  	s3 =	sadd.s32 $0x2680, s11;
	[sflag:s17] =	ssyncadd.s32 $0xFFFFF000  }
0x94: {  	[spmem:s2] =	stream.indirect.scatter.add.f32 [tilespmem:s24], [sflag:$0xE], $0x20, s3, s14, $0xb8;
	[tilespmem:$0x11800] =	vst v63  }
0x95: {  	_ =	swait.ge [sflag:s19], $0x1000  }
0x96: {  	[sflag:s19] =	ssyncset.done $0x0  }
0x97: {  	s3 =	sadd.s32 $0x2700, s11;
	[sflag:s19] =	ssyncadd.s32 $0xFFFFF000  }
0x98: {  	[spmem:s2] =	stream.indirect.scatter.add.f32 [tilespmem:s26], [sflag:$0xF], $0x20, s3, s14, $0xb8;
	[tilespmem:$0x11800] =	vst v63  }
0x99: {  	_ =	swait.ge [sflag:s21], $0x1000  }
0x9a: {  	[sflag:s21] =	ssyncset.done $0x0  }
0x9b: {  	s3 =	sadd.s32 $0x2780, s11;
	[sflag:s21] =	ssyncadd.s32 $0xFFFFF000  }
0x9c: {  	[spmem:s2] =	stream.indirect.scatter.add.f32 [tilespmem:s29], [sflag:$0x10], $0x20, s3, s14, $0xb8;
	[tilespmem:$0x11800] =	vst v63  }
0x9d: {  	_ =	swait.ge [sflag:s23], $0x1000  }
0x9e: {  	[sflag:s23] =	ssyncset.done $0x0  }
0x9f: {  	s3 =	sadd.s32 $0x400, s11;
	[sflag:s23] =	ssyncadd.s32 $0xFFFFF000  }
0xa0: {  	[tilespmem:s15], [sflag:$0x1] =	stream.indirect.gather [hbm4b:s4+s14], $0x20, s3, s14, $0xb8;
	[tilespmem:$0x11800] =	vst v63  }
0xa1: {  	_ =	swait.ge [sflag:s25], $0x1000  }
0xa2: {  	[sflag:s25] =	ssyncset.done $0x0  }
0xa3: {  	s3 =	sadd.s32 $0x480, s11;
	[sflag:s25] =	ssyncadd.s32 $0xFFFFF000  }
0xa4: {  	[tilespmem:s16], [sflag:$0x2] =	stream.indirect.gather [hbm4b:s4+s14], $0x20, s3, s14, $0xb8;
	[tilespmem:$0x11800] =	vst v63  }
0xa5: {  	_ =	swait.ge [sflag:s28], $0x1000  }
0xa6: {  	[sflag:s28] =	ssyncset.done $0x0  }
0xa7: {  	s3 =	sadd.s32 $0x500, s11;
	[sflag:s28] =	ssyncadd.s32 $0xFFFFF000  }
0xa8: {  	[tilespmem:s18], [sflag:$0x3] =	stream.indirect.gather [hbm4b:s4+s14], $0x20, s3, s14, $0xb8;
	[tilespmem:$0x11800] =	vst v63  }
0xa9: {  	_ =	swait.ge [sflag:s5], $0x1000  }
0xaa: {  	[sflag:s5] =	ssyncset.done $0x0  }
0xab: {  	s3 =	sadd.s32 $0x580, s11;
	[sflag:s5] =	ssyncadd.s32 $0xFFFFF000  }
0xac: {  	[tilespmem:s20], [sflag:$0x4] =	stream.indirect.gather [hbm4b:s4+s14], $0x20, s3, s14, $0xb8;
	[tilespmem:$0x11800] =	vst v63  }
0xad: {  	_ =	swait.ge [sflag:s7], $0x1000  }
0xae: {  	[sflag:s7] =	ssyncset.done $0x0  }
0xaf: {  	s3 =	sadd.s32 $0x600, s11;
	[sflag:s7] =	ssyncadd.s32 $0xFFFFF000  }
0xb0: {  	[tilespmem:s22], [sflag:$0x5] =	stream.indirect.gather [hbm4b:s4+s14], $0x20, s3, s14, $0xb8;
	[tilespmem:$0x11800] =	vst v63  }
0xb1: {  	_ =	swait.ge [sflag:s8], $0x1000  }
0xb2: {  	[sflag:s8] =	ssyncset.done $0x0  }
0xb3: {  	s3 =	sadd.s32 $0x680, s11;
	[sflag:s8] =	ssyncadd.s32 $0xFFFFF000  }
0xb4: {  	[tilespmem:s24], [sflag:$0x6] =	stream.indirect.gather [hbm4b:s4+s14], $0x20, s3, s14, $0xb8;
	[tilespmem:$0x11800] =	vst v63  }
0xb5: {  	_ =	swait.ge [sflag:s9], $0x1000  }
0xb6: {  	[sflag:s9] =	ssyncset.done $0x0  }
0xb7: {  	s3 =	sadd.s32 $0x700, s11;
	[sflag:s9] =	ssyncadd.s32 $0xFFFFF000  }
0xb8: {  	[tilespmem:s26], [sflag:$0x7] =	stream.indirect.gather [hbm4b:s4+s14], $0x20, s3, s14, $0xb8;
	[tilespmem:$0x11800] =	vst v63  }
0xb9: {  	_ =	swait.ge [sflag:s10], $0x1000  }
0xba: {  	s6 =	sadd.s32 $0x1000, s6;
	s3 =	sadd.s32 $0x780, s11;
	s11 =	rddreg [dreg:$0x4]  }
0xbb: {  	s11 =	sadd.s32 s6, s11  }
0xbc: {  	p1 =	sne.s32 s11, $0x0  }
.Ltmp3:
0xbd: {  	_ = 	snop;
	(pc) =	sbr.rel @p1 .LBB2_2-.Ltmp3, $4  }
0xbe: {  	_ = 	snop  }
0xbf: {  	[sflag:s10] =	ssyncset.done $0x0  }
0xc0: {  	[sflag:s10] =	ssyncadd.s32 $0xFFFFF000  }
0xc1: {  	[tilespmem:s29], [sflag:$0x8] =	stream.indirect.gather [hbm4b:s4+s14], $0x20, s3, s14, $0xb8;
	[tilespmem:$0x11800] =	vst v63  }
.Ltmp4:
0xc2: {  	_ = 	snop;
	(pc) =	sbr.rel .LBB2_3-.Ltmp4, $1  }
0xc3: {  	_ =	sdelay $0x3  }
.LBB2_4:
0xc4: {  	_ =	sfence.sel $0x180000  }
0xc5: {  	[bflag:$0x0] =	sbarrier.arrive $0xFFFF  }
0xc6: {  	_ =	strace $0x9000004A  }
0xc7: {  	s0 =	stileid.u32;
	[bflag:$0x2] =	sbarrier.arrive $0xFFFF  }
0xc8: {  	p0 =	sne.s32 s0, $0x0;
	s0 =	rddreg [dreg:$0x3]  }
0xc9: {  	s0 =	sadd.s32 @!p0 $0x100000, s0  }
0xca: {  	[sflag:s0] =	ssyncadd.tile.s32 @!p0 $0x1;
	_ =	shalt  }
.Lfunc_end2:
_tile_overlayer_lowered:
.L_overlay_start_2:
0xcb: {  	(tag) =	ssettag $0x2  }
0xcc: {  	s0 =	rddreg [dreg:$0x0];
	s2 =	stileid.u32  }
0xcd: {  	s1 =	rddreg [dreg:$0x1];
	p0 =	sne.s32 s2, $0x0  }
0xce: {  	s3 =	rddreg [dreg:$0x2];
	[bflag:$0x3] =	sbarrier.arrive $0xFFFF;
	s2 =	simm.s32 @!p0 $0x1C11  }
0xcf: {  	[timem:s3], [sflag:s2] =	dma.local @!p0 [hbm:s0], s1  }
0xd0: {  	s0 =	simm.s32 @!p0 $0x11  }
0xd1: {  	_ =	swait.ge @!p0 [sflag:s0], s1  }
0xd2: {  	s1 =	ssub.s32 @!p0 $0x0, s1;
	[sflag:s0] =	ssyncset.done @!p0 $0x0  }
0xd3: {  	[sflag:s0] =	ssyncadd.s32 @!p0 s1  }
0xd4: {  	[bflag:$0x3] =	sbarrier.arrive $0xFFFF  }
0xd5: {  	_ =	shalt  }

// kernel: kernel.15.cloned.1.call-start
scs
__scs_entry_jumppad:
0x0: {  	(pc) =	sbr.rel $0x88, $3  }
0x1: {  	(tag) =	ssettag $0x0;
	lr =	simm.s32 $0x1  }
0x2: {  	[smem:$0x3F9B] =	sst lr;
	_ =	strace $0xD0000000  }
0x3: {  	_ = 	snop  }
0x4: {  	_ = 	snop  }
0x5: {  	_ = 	snop  }
0x6: {  	_ = 	snop  }
0x7: {  	_ = 	snop  }
__scs_overlays_trampoline_lowered:
0x8: {  	[smem:$0x3FAA] =	sst s0  }
0x9: {  	[smem:$0x3FAB] =	sst s1  }
0xa: {  	[smem:$0x3FAC] =	sst s2  }
0xb: {  	[smem:$0x3FAD] =	sst s3  }
0xc: {  	[smem:$0x3FAE] =	sst s4  }
0xd: {  	[smem:$0x3FAF] =	sst s5  }
0xe: {  	[smem:$0x3FB0] =	sst s6  }
0xf: {  	[smem:$0x3FB1] =	sst s7  }
0x10: {  	[smem:$0x3FB2] =	sst s8  }
0x11: {  	[smem:$0x3FB3] =	sst s9;
	s0 =	simm.s32 @!p0 $0x0  }
0x12: {  	s1 =	sld [smem:$0x3F99];
	s0 =	simm.s32 @p0 $0x1  }
0x13: {  	[smem:$0x3FB4] =	sst s0;
	s0 =	simm.s32 @!p1 $0x0  }
0x14: {  	s2 =	sld [smem:$0x3F98];
	s0 =	simm.s32 @p1 $0x1  }
0x15: {  	[smem:$0x3FB5] =	sst s0;
	s0 =	simm.s32 @!p2 $0x0  }
0x16: {  	s3 =	sld [smem:$0x3FDB];
	s0 =	simm.s32 @p2 $0x1  }
0x17: {  	s4 =	simm.s32 $0x1BF5;
	[smem:$0x3FB7] =	sst s0  }
0x18: {  	s0 =	sld [smem:$0x3F9A];
	_ =	swait.ge [sflag:s4], $0x0  }
0x19: {  	s7 =	sld [smem:$0x3F9B]  }
0x1a: {  	s8 =	sadd.s32 $0xFFFFE003, lr  }
0x1b: {  	s9 =	sadd.s32 $0xFFFFFEF7, lr;
	s5 =	simm.s32 $0xFFFFFFFF;
	p2 =	slt.u32 s8, $0xFFFFF086  }
0x1c: {  	p1 =	slt.u32 s9, $0xF7A;
	s5 =	simm.s32 @!p2 $0x0  }
0x1d: {  	s5 =	simm.s32 @p1 $0x1;
	p0 =	seq.s32 s7, s2  }
0x1e: {  	s7 =	smul.u32 @!p0 $0xF7A, s2;
	p2 =	seq.s32 @!p0 s5, $0x0  }
0x1f: {  	s9 =	smul.u32 $0xF7A, s1;
	s8 =	simm.s32 @!p0 $0x1BF5;
	p2 =	por !p2, p0  }
0x20: {  	[sflag:s8] =	ssyncset.s32 @!p0 $0xFFFFF086;
	s6 =	sadd.s32 @!p0 s3, s7;
	s7 =	simm.s32 @!p0 $0x108  }
0x21: {  	s3 =	sadd.s32 s3, s9;
	s6 =	sadd.s32 @!p0 $0x88, s6;
	s7 =	simm.s32 @p2 $0x1082  }
0x22: {  	[simem:s7], [sflag:s8] =	dma.local @!p0 [hbm:s6], $0xF7A  }
0x23: {  	s9 =	sor.u32 $0xD0000000, s2;
	s6 =	simm.s32 $0x108;
	_ =	swait.ge @!p0 [sflag:s8], $0x0  }
0x24: {  	s3 =	sadd.s32 $0x88, s3;
	s6 =	simm.s32 @!p1 $0x1082;
	[sflag:s4] =	ssyncset.s32 $0xFFFFF086  }
0x25: {  	[simem:s6], [sflag:s4] =	dma.local [hbm:s3], $0xF7A  }
0x26: {  	[smem:$0x3F9B] =	sst s1;
	(tag) =	ssettag s2;
	_ =	strace s9  }
0x27: {  	s1 =	sld [smem:$0x3FAB]  }
0x28: {  	s2 =	sld [smem:$0x3FAC]  }
0x29: {  	s4 =	sld [smem:$0x3FAE]  }
0x2a: {  	p0 =	seq.s32 s5, $0x0;
	s5 =	sld [smem:$0x3FAF]  }
0x2b: {  	s6 =	sld [smem:$0x3FB0]  }
0x2c: {  	s7 =	sld [smem:$0x3FB1]  }
0x2d: {  	s3 =	simm.s32 $0x108;
	s8 =	sld [smem:$0x3FB2]  }
0x2e: {  	s3 =	simm.s32 @!p0 $0x1082;
	s9 =	sld [smem:$0x3FB3]  }
0x2f: {  	lr =	sadd.s32 s0, s3;
	s0 =	sld [smem:$0x3FAA]  }
0x30: {  	s3 =	sld [smem:$0x3FAD]  }
0x31: {  	[smem:$0x3FB6] =	sst s10  }
0x32: {  	s10 =	sld [smem:$0x3FB4];
	_ =	sdelay $0x3  }
0x33: {  	p0 =	seq.s32 s10, $0x1;
	s10 =	sld [smem:$0x3FB6];
	_ =	sdelay $0x3  }
0x34: {  	[smem:$0x3FB6] =	sst s10  }
0x35: {  	s10 =	sld [smem:$0x3FB5];
	_ =	sdelay $0x3  }
0x36: {  	p1 =	seq.s32 s10, $0x1;
	s10 =	sld [smem:$0x3FB6];
	_ =	sdelay $0x3  }
0x37: {  	[smem:$0x3FB6] =	sst s10  }
0x38: {  	s10 =	sld [smem:$0x3FB7]  }
0x39: {  	_ = 	snop;
	(pc) =	sbr.ind lr, $3  }
0x3a: {  	_ = 	snop  }
0x3b: {  	_ = 	snop  }
0x3c: {  	p2 =	seq.s32 s10, $0x1;
	s10 =	sld [smem:$0x3FB6]  }
0x3d: {  	_ =	shalt  }
0x3e: {  	_ =	shalt  }
0x3f: {  	_ =	shalt  }
0x40: {  	_ =	shalt  }
0x41: {  	_ =	shalt  }
0x42: {  	_ =	shalt  }
0x43: {  	_ =	shalt  }
0x44: {  	_ =	shalt  }
0x45: {  	_ =	shalt  }
0x46: {  	_ =	shalt  }
0x47: {  	_ =	shalt  }
0x48: {  	_ =	shalt  }
0x49: {  	_ =	shalt  }
0x4a: {  	_ =	shalt  }
0x4b: {  	_ =	shalt  }
0x4c: {  	_ =	shalt  }
0x4d: {  	_ =	shalt  }
0x4e: {  	_ =	shalt  }
0x4f: {  	_ =	shalt  }
0x50: {  	_ =	shalt  }
0x51: {  	_ =	shalt  }
0x52: {  	_ =	shalt  }
0x53: {  	_ =	shalt  }
0x54: {  	_ =	shalt  }
0x55: {  	_ =	shalt  }
0x56: {  	_ =	shalt  }
0x57: {  	_ =	shalt  }
0x58: {  	_ =	shalt  }
0x59: {  	_ =	shalt  }
0x5a: {  	_ =	shalt  }
0x5b: {  	_ =	shalt  }
0x5c: {  	_ =	shalt  }
0x5d: {  	_ =	shalt  }
0x5e: {  	_ =	shalt  }
0x5f: {  	_ =	shalt  }
0x60: {  	_ =	shalt  }
0x61: {  	_ =	shalt  }
0x62: {  	_ =	shalt  }
0x63: {  	_ =	shalt  }
0x64: {  	_ =	shalt  }
0x65: {  	_ =	shalt  }
0x66: {  	_ =	shalt  }
0x67: {  	_ =	shalt  }
0x68: {  	_ =	shalt  }
0x69: {  	_ =	shalt  }
0x6a: {  	_ =	shalt  }
0x6b: {  	_ =	shalt  }
0x6c: {  	_ =	shalt  }
0x6d: {  	_ =	shalt  }
0x6e: {  	_ =	shalt  }
0x6f: {  	_ =	shalt  }
0x70: {  	_ =	shalt  }
0x71: {  	_ =	shalt  }
0x72: {  	_ =	shalt  }
0x73: {  	_ =	shalt  }
0x74: {  	_ =	shalt  }
0x75: {  	_ =	shalt  }
0x76: {  	_ =	shalt  }
0x77: {  	_ =	shalt  }
0x78: {  	_ =	shalt  }
0x79: {  	_ =	shalt  }
0x7a: {  	_ =	shalt  }
0x7b: {  	_ =	shalt  }
0x7c: {  	_ =	shalt  }
0x7d: {  	_ =	shalt  }
0x7e: {  	_ =	shalt  }
0x7f: {  	_ =	shalt  }
0x80: {  	_ =	shalt  }
0x81: {  	_ =	shalt  }
0x82: {  	_ =	shalt  }
0x83: {  	_ =	shalt  }
0x84: {  	_ =	shalt  }
0x85: {  	_ =	shalt  }
0x86: {  	_ =	shalt  }
0x87: {  	_ =	shalt  }
.Lfunc_end0:
.L_simem_size_0:
called_computation.2_lowered:
.L_overlay_start_0:
0x88: {  	s2 =	sld [smem:$0x3FD9]  }
0x89: {  	s3 =	sld [smem:$0x3FFE];
	_ =	sdelay $0x1  }
0x8a: {  	s1 =	srdreg.scid  }
0x8b: {  	s0 =	sand.u32 $0x1, s1  }
0x8c: {  	s16 =	sshll.u32 s0, $0xA;
	s2 =	sadd.s32 s3, s2  }
0x8d: {  	s2 =	sadd.s32 s2, s16  }
0x8e: {  	[smem:$0x3FC2] =	sst s2  }
0x8f: {  	_ = 	snop  }
0x90: {  	(tm) =	ssettm $0x1  }
0x91: {  	s17 =	sld [smem:$0x3FFB];
	_ =	sdelay $0x3  }
0x92: {  	_ =	strace s17  }
0x93: {  	s2 =	sld [smem:$0x3FFC];
	_ =	sdelay $0x3  }
0x94: {  	_ =	strace s2  }
0x95: {  	s2 =	sld [smem:$0x3FFD];
	_ =	sdelay $0x3  }
0x96: {  	_ =	strace s2  }
0x97: {  	_ =	strace $0x8FFFFFFF  }
0x98: {  	s18 =	sld [smem:$0x3FDB];
	_ =	sdelay $0x1  }
0x99: {  	s19 =	simm.s32 $_scs_section_size  }
0x9a: {  	s4 =	simm.s32 $_size__tile_overlayer_lowered;
	s5 =	simm.s32 $_tile_overlayer_lowered  }
0x9b: {  	s22 =	simm.s32 $0x1BFF;
	s21 =	sshll.u32 s5, $0x1;
	s2 =	sadd.s32 s19, s18  }
0x9c: {  	s6 =	simm.s32 $0x0;
	s20 =	sshll.u32 s4, $0x1;
	s4 =	sadd.s32 s21, s2  }
0x9d: {  	[timem:s6], [sflag:s22] =	dma.local [hbm:s4], s20  }
0x9e: {  	_ =	swait.ge [sflag:s22], s20  }
0x9f: {  	s3 =	ssub.s32 $0x0, s20;
	[sflag:s22] =	ssyncset.done $0x0  }
0xa0: {  	[sflag:s22] =	ssyncadd.s32 s3;
	_ =	sdelay $0x1  }
0xa1: {  	s23 =	simm.s32 $0x1B8B  }
0xa2: {  	_ =	swait.ge [sflag:s23], $0x1  }
0xa3: {  	[sflag:s23] =	ssyncset.done $0x0  }
0xa4: {  	s25 =	simm.s32 $0x1B8E;
	s24 =	sld [smem:$0x3FFE];
	[sflag:s23] =	ssyncadd.s32 $0xFFFFFFFF  }
0xa5: {  	s26 =	simm.s32 $execute0_lowered;
	[smem:$0x3FD2] =	sst s25  }
0xa6: {  	s4 =	sshll.u32 s26, $0x1;
	_ =	strace $0x8000004C;
	[dreg:$0x1] =	wrdreg $0xFFFFFFFF  }
0xa7: {  	s28 =	simm.s32 $_size_execute0_lowered;
	s2 =	sadd.s32 s2, s4;
	[dreg:$0x0] =	wrdreg $0x0  }
0xa8: {  	s4 =	sshll.u32 s28, $0x1;
	[dreg:$0x2] =	wrdreg s2  }
0xa9: {  	[dreg:$0x3] =	wrdreg s4  }
0xaa: {  	[dreg:$0x4] =	wrdreg $0xC0  }
0xab: {  	_ =	task [dreg:s6], $0x5FFFF  }
0xac: {  	[dreg:$0x1] =	wrdreg $0xFFFFFFFF  }
0xad: {  	[dreg:$0x0] =	wrdreg $0x60  }
0xae: {  	[dreg:$0x2] =	wrdreg s24  }
0xaf: {  	[dreg:$0x3] =	wrdreg $0x108000  }
0xb0: {  	[dreg:$0x4] =	wrdreg $0x9  }
0xb1: {  	_ =	task.clear_ibuf [dreg:s6], $0x5FFFF;
	_ =	strace $0x9000004C  }
0xb2: {  	s29 =	simm.s32 $0x9;
	_ =	strace $0x8000004E  }
0xb3: {  	_ =	swait.ge [sflag:s29], $0x1  }
0xb4: {  	[sflag:s29] =	ssyncadd.s32 $0xFFFFFFFF  }
0xb5: {  	_ =	strace $0x9000004E  }
0xb6: {  	_ =	sfence  }
0xb7: {  	s30 =	sld [smem:$0x0];
	_ =	sdelay $0x2  }
0xb8: {  	s31 =	sshll.u32 s1, $0xD;
	s1 =	sshrl.u32 s1, $0x2  }
0xb9: {  	s3 =	sand.u32 $0x4000, s31;
	s1 =	sadd.s32 s1, s30  }
0xba: {  	s0 =	sor.u32 s3, s0;
	s1 =	sshll.u32 s1, $0x11  }
0xbb: {  	s0 =	sor.u32 s1, s0  }
0xbc: {  	s0 =	sadd.s32 $0x8F2B, s0  }
0xbd: {  	[sflag:s0] =	ssyncadd.remote.s32 $0x1  }
0xbe: {  	_ =	sfence.sel $0xFFFF  }
0xbf: {  	[dreg:$0x0] =	wrdreg $0xFFFFFFFF;
	(pc) =	sbr.abs _section_cstart, $3  }
0xc0: {  	[dreg:$0x1] =	wrdreg $0xFFFFFFFF  }
0xc1: {  	_ =	task.clear_ibuf [dreg:s6], $0x2FFFF;
	_ =	strace $0x9FFFFFFF  }
0xc2: {  	(tm) =	ssettm $0x7FFFFFFF  }
0xc3: {  	_ =	shalt  }
tec
execute0_lowered:
.L_overlay_start_1:
0x0: {  	(tag) =	ssettag $0x1  }
0x1: {  	s6 =	stileid.u32;
	s0 =	rddreg [dreg:$0x0]  }
0x2: {  	s1 =	srdreg.scid;
	s2 =	rddreg [dreg:$0x1];
	s7 =	simm.s32 $0x0  }
0x3: {  	s12 =	simm.s32 $0x11;
	s14 =	simm.s32 $0x80;
	s15 =	simm.s32 $0x4800  }
0x4: {  	s16 =	simm.s32 $0x6000;
	s18 =	simm.s32 $0x7800;
	s29 =	simm.s32 $0xF000  }
0x5: {  	s30 =	simm.s32 $0x1;
	s31 =	simm.s32 $0x2;
	s13 =	simm.s32 $0x5  }
0x6: {  	s17 =	simm.s32 $0x6;
	s19 =	simm.s32 $0x7;
	s28 =	simm.s32 $0xB  }
0x7: {  	s3 =	sshll.u32 s6, $0x6;
	s1 =	sand.u32 $0x1, s1;
	s4 =	smul.u32 $0x48, s6  }
0x8: {  	s20 =	smul.u32 $0x7800, s6;
	[smem:$0x7FF] =	sst s7;
	s5 =	ssub.s32 $0x480, s3  }
0x9: {  	s21 =	smul.u32 $0x78000, s1;
	_ =	strace $0x8000004D;
	s9 =	ssub.s32 $0x2, s1  }
0xa: {  	s11 =	sor.u32 $0x1C11, s3;
	s24 =	sshll.u32 s1, $0xF;
	p0 =	sne.s32 s1, $0x0  }
0xb: {  	s5 =	smul.u32 s1, s5;
	s8 =	sshrl.u32 s20, $0x3;
	s10 =	sshrl.u32 s9, $0x1  }
0xc: {  	s3 =	sadd.s32 $0xFFFF8000, s24;
	s24 =	simm.s32 $0xC000;
	s1 =	simm.s32 $0x3  }
0xd: {  	[dreg:$0x5] =	wrdreg s11;
	s6 =	sadd.s32 s20, s21;
	s8 =	sadd.s32 s8, s0  }
0xe: {  	s23 =	ssub.s32 s9, s10;
	[dreg:$0x3] =	wrdreg s3;
	s21 =	simm.s32 $0x8  }
0xf: {  	s9 =	simm.s32 $0xF;
	s10 =	simm.s32 $0x10;
	s3 =	simm.s32 $0x0  }
0x10: {  	s4 =	sadd.s32 s4, s5;
	s6 =	sshrl.u32 s6, $0x3;
	s5 =	sadd.s32 s20, s2  }
0x11: {  	s8 =	sadd.s32 $0x70000, s8;
	s26 =	smax.u32 s23, $0x1;
	[dreg:$0xb] =	wrdreg s3  }
0x12: {  	s20 =	simm.s32 $0x9000;
	s4 =	sshll.u32 s4, $0x4;
	[dreg:$0x4] =	wrdreg s8  }
0x13: {  	s23 =	simm.s32 $0x9;
	[dreg:$0x9] =	wrdreg s26;
	s22 =	sadd.s32 s4, s0  }
0x14: {  	s4 =	sadd.s32 $0x61400, s0;
	s0 =	sadd.s32 s6, s0;
	s6 =	sshrl.u32 s5, $0x3  }
.Ltmp0:
0x15: {  	s25 =	sadd.s32 $0xC000, s22;
	[dreg:$0xa] =	wrdreg s6;
	(pc) =	sbr.rel .LBB2_1-.Ltmp0, $4  }
0x16: {  	s26 =	simm.s32 $0xD800;
	s7 =	sadd.s32 $0x1A00, s22;
	[dreg:$0x6] =	wrdreg s25  }
0x17: {  	s8 =	simm.s32 $0xE;
	s0 =	sadd.s32 $0x7F000, s0;
	[dreg:$0x7] =	wrdreg s7  }
0x18: {  	s5 =	simm.s32 $0xC;
	s22 =	simm.s32 $0xA800;
	[dreg:$0x8] =	wrdreg s0  }
0x19: {  	s0 =	simm.s32 $0x4;
	s25 =	simm.s32 $0xA;
	s7 =	simm.s32 $0xD  }
.LBB2_3:
0x1a: {  	_ =	swait.ge [sflag:s30], $0x1800  }
0x1b: {  	s3 =	sshra.s32 s6, $0x2;
	[sflag:s30] =	ssyncset.done $0x0  }
0x1c: {  	s6 =	sadd.s32 $0x2400, s3;
	[sflag:s30] =	ssyncadd.s32 $0xFFFFE800  }
0x1d: {  	[spmem:s2] =	stream.indirect.scatter.add.f32 [tilespmem:s15], [sflag:$0x11], $0x30, s6, s14, $0xb8;
	[tilespmem:$0x18000] =	vst v63  }
0x1e: {  	_ =	swait.ge [sflag:s12], $0x1800  }
0x1f: {  	[sflag:s12] =	ssyncset.done $0x0  }
0x20: {  	[sflag:s12] =	ssyncadd.s32 $0xFFFFE800  }
0x21: {  	_ =	swait.ge [sflag:s31], $0x1800  }
0x22: {  	[sflag:s31] =	ssyncset.done $0x0  }
0x23: {  	s15 =	sadd.s32 $0x2480, s3;
	[sflag:s31] =	ssyncadd.s32 $0xFFFFE800  }
0x24: {  	[spmem:s2] =	stream.indirect.scatter.add.f32 [tilespmem:s16], [sflag:$0x11], $0x30, s15, s14, $0xb8;
	[tilespmem:$0x18000] =	vst v63  }
0x25: {  	_ =	swait.ge [sflag:s12], $0x1800  }
0x26: {  	[sflag:s12] =	ssyncset.done $0x0  }
0x27: {  	[sflag:s12] =	ssyncadd.s32 $0xFFFFE800  }
0x28: {  	_ =	swait.ge [sflag:s1], $0x1800  }
0x29: {  	[sflag:s1] =	ssyncset.done $0x0  }
0x2a: {  	s11 =	sadd.s32 $0x2500, s3;
	[sflag:s1] =	ssyncadd.s32 $0xFFFFE800  }
0x2b: {  	[spmem:s2] =	stream.indirect.scatter.add.f32 [tilespmem:s18], [sflag:$0x11], $0x30, s11, s14, $0xb8;
	[tilespmem:$0x18000] =	vst v63  }
0x2c: {  	_ =	swait.ge [sflag:s12], $0x1800  }
0x2d: {  	[sflag:s12] =	ssyncset.done $0x0  }
0x2e: {  	[sflag:s12] =	ssyncadd.s32 $0xFFFFE800  }
0x2f: {  	_ =	swait.ge [sflag:s0], $0x1800  }
0x30: {  	[sflag:s0] =	ssyncset.done $0x0  }
0x31: {  	s15 =	sadd.s32 $0x2580, s3;
	[sflag:s0] =	ssyncadd.s32 $0xFFFFE800  }
0x32: {  	[spmem:s2] =	stream.indirect.scatter.add.f32 [tilespmem:s20], [sflag:$0x11], $0x30, s15, s14, $0xb8;
	[tilespmem:$0x18000] =	vst v63  }
0x33: {  	_ =	swait.ge [sflag:s12], $0x1800  }
0x34: {  	[sflag:s12] =	ssyncset.done $0x0  }
0x35: {  	[sflag:s12] =	ssyncadd.s32 $0xFFFFE800  }
0x36: {  	_ =	swait.ge [sflag:s13], $0x1800  }
0x37: {  	[sflag:s13] =	ssyncset.done $0x0  }
0x38: {  	s11 =	sadd.s32 $0x2600, s3;
	[sflag:s13] =	ssyncadd.s32 $0xFFFFE800  }
0x39: {  	[spmem:s2] =	stream.indirect.scatter.add.f32 [tilespmem:s22], [sflag:$0x11], $0x30, s11, s14, $0xb8;
	[tilespmem:$0x18000] =	vst v63  }
0x3a: {  	_ =	swait.ge [sflag:s12], $0x1800  }
0x3b: {  	[sflag:s12] =	ssyncset.done $0x0  }
0x3c: {  	[sflag:s12] =	ssyncadd.s32 $0xFFFFE800  }
0x3d: {  	_ =	swait.ge [sflag:s17], $0x1800  }
0x3e: {  	[sflag:s17] =	ssyncset.done $0x0  }
0x3f: {  	s15 =	sadd.s32 $0x2680, s3;
	[sflag:s17] =	ssyncadd.s32 $0xFFFFE800  }
0x40: {  	[spmem:s2] =	stream.indirect.scatter.add.f32 [tilespmem:s24], [sflag:$0x11], $0x30, s15, s14, $0xb8;
	[tilespmem:$0x18000] =	vst v63  }
0x41: {  	_ =	swait.ge [sflag:s12], $0x1800  }
0x42: {  	[sflag:s12] =	ssyncset.done $0x0  }
0x43: {  	[sflag:s12] =	ssyncadd.s32 $0xFFFFE800  }
0x44: {  	_ =	swait.ge [sflag:s19], $0x1800  }
0x45: {  	[sflag:s19] =	ssyncset.done $0x0  }
0x46: {  	s11 =	sadd.s32 $0x2700, s3;
	[sflag:s19] =	ssyncadd.s32 $0xFFFFE800  }
0x47: {  	[spmem:s2] =	stream.indirect.scatter.add.f32 [tilespmem:s26], [sflag:$0x11], $0x30, s11, s14, $0xb8;
	[tilespmem:$0x18000] =	vst v63  }
0x48: {  	_ =	swait.ge [sflag:s12], $0x1800  }
0x49: {  	[sflag:s12] =	ssyncset.done $0x0  }
0x4a: {  	[sflag:s12] =	ssyncadd.s32 $0xFFFFE800  }
0x4b: {  	_ =	swait.ge [sflag:s21], $0x1800  }
0x4c: {  	[sflag:s21] =	ssyncset.done $0x0  }
0x4d: {  	s3 =	sadd.s32 $0x2780, s3;
	[sflag:s21] =	ssyncadd.s32 $0xFFFFE800  }
0x4e: {  	[spmem:s2] =	stream.indirect.scatter.add.f32 [tilespmem:s29], [sflag:$0x11], $0x30, s3, s14, $0xb8;
	[tilespmem:$0x18000] =	vst v63  }
0x4f: {  	_ =	swait.ge [sflag:s12], $0x1800  }
0x50: {  	[sflag:s12] =	ssyncset.done $0x0  }
0x51: {  	[sflag:s12] =	ssyncadd.s32 $0xFFFFE800  }
0x52: {  	[bflag:$0x0] =	sbarrier.arrive $0xFFFF  }
0x53: {  	s11 =	rddreg [dreg:$0x5]  }
0x54: {  	s15 =	rddreg [dreg:$0x8]  }
0x55: {  	s6 =	rddreg [dreg:$0xa]  }
0x56: {  	[hbm:s15], [sflag:s11] =	dma.local [spmem:s6], $0xF00  }
0x57: {  	_ =	swait.ge [sflag:s12], $0xF00  }
0x58: {  	s3 =	rddreg [dreg:$0xb]  }
0x59: {  	s15 =	sadd.s32 $0x1, s3;
	s3 =	rddreg [dreg:$0x9]  }
0x5a: {  	p1 =	sne.s32 s15, s3  }
.Ltmp1:
0x5b: {  	_ = 	snop;
	(pc) =	sbr.rel @!p1 .LBB2_4-.Ltmp1, $3  }
0x5c: {  	_ =	sdelay $0x1  }
0x5d: {  	[sflag:s12] =	ssyncset.done $0x0  }
0x5e: {  	[sflag:s12] =	ssyncadd.s32 $0xFFFFF100;
	[dreg:$0xb] =	wrdreg s15;
	s15 =	simm.s32 $0x4800  }
.LBB2_1:
0x5f: {  	s3 =	rddreg [dreg:$0x4]  }
0x60: {  	[spmem:s6], [sflag:s11] =	dma.local [hbm:s3], $0xF00  }
0x61: {  	_ =	swait.ge [sflag:s12], $0xF00  }
0x62: {  	[sflag:s12] =	ssyncset.done $0x0  }
0x63: {  	s3 =	simm.s32 $0x0;
	s11 =	rddreg [dreg:$0x6];
	[sflag:s12] =	ssyncadd.s32 $0xFFFFF100  }
0x64: {  	[tilespmem:s3], [sflag:$0x11] =	stream.linear.gather [hbm4b:s11+s3], $0x2400, $0x38;
	[tilespmem:$0x18000] =	vst v63  }
0x65: {  	_ =	swait.ge [sflag:s12], $0x2400  }
0x66: {  	[sflag:s12] =	ssyncset.done $0x0  }
0x67: {  	s11 =	simm.s32 $0x2400;
	s6 =	rddreg [dreg:$0x7];
	[sflag:s12] =	ssyncadd.s32 $0xFFFFDC00  }
0x68: {  	[tilespmem:s11], [sflag:$0x11] =	stream.linear.gather [hbm4b:s6+s3], $0x2400, $0x38;
	[tilespmem:$0x18000] =	vst v63  }
0x69: {  	_ =	swait.ge [sflag:s12], $0x2400  }
0x6a: {  	[sflag:s12] =	ssyncset.done $0x0  }
0x6b: {  	[sflag:s12] =	ssyncadd.s32 $0xFFFFDC00  }
0x6c: {  	[bflag:$0x0] =	sbarrier.arrive $0xFFFF  }
0x6d: {  	[tilespmem:s15], [sflag:$0x1] =	stream.indirect.gather [hbm4b:s4+s14], $0x30, s3, s14, $0xb8;
	[tilespmem:$0x18000] =	vst v63  }
0x6e: {  	_ = 	snop  }
0x6f: {  	[tilespmem:s16], [sflag:$0x2] =	stream.indirect.gather [hbm4b:s4+s14], $0x30, s14, s14, $0xb8;
	[tilespmem:$0x18000] =	vst v63  }
0x70: {  	s6 =	simm.s32 $0x100  }
0x71: {  	[tilespmem:s18], [sflag:$0x3] =	stream.indirect.gather [hbm4b:s4+s14], $0x30, s6, s14, $0xb8;
	[tilespmem:$0x18000] =	vst v63  }
0x72: {  	s11 =	simm.s32 $0x180  }
0x73: {  	[tilespmem:s20], [sflag:$0x4] =	stream.indirect.gather [hbm4b:s4+s14], $0x30, s11, s14, $0xb8;
	[tilespmem:$0x18000] =	vst v63  }
0x74: {  	s6 =	simm.s32 $0x200  }
0x75: {  	[tilespmem:s22], [sflag:$0x5] =	stream.indirect.gather [hbm4b:s4+s14], $0x30, s6, s14, $0xb8;
	[tilespmem:$0x18000] =	vst v63  }
0x76: {  	s11 =	simm.s32 $0x280  }
0x77: {  	[tilespmem:s24], [sflag:$0x6] =	stream.indirect.gather [hbm4b:s4+s14], $0x30, s11, s14, $0xb8;
	[tilespmem:$0x18000] =	vst v63  }
.Ltmp2:
0x78: {  	_ = 	snop;
	(pc) =	sbr.rel @p0 .LBB2_3-.Ltmp2, $4  }
0x79: {  	s6 =	simm.s32 $0x300  }
0x7a: {  	[tilespmem:s26], [sflag:$0x7] =	stream.indirect.gather [hbm4b:s4+s14], $0x30, s6, s14, $0xb8;
	[tilespmem:$0x18000] =	vst v63  }
0x7b: {  	s11 =	simm.s32 $0x380;
	s6 =	simm.s32 $0x0  }
0x7c: {  	[tilespmem:s29], [sflag:$0x8] =	stream.indirect.gather [hbm4b:s4+s14], $0x30, s11, s14, $0xb8;
	[tilespmem:$0x18000] =	vst v63  }
.LBB2_2:
0x7d: {  	_ =	swait.ge [sflag:s30], $0x1800  }
0x7e: {  	s11 =	sshra.s32 s6, $0x2;
	[sflag:s30] =	ssyncset.done $0x0  }
0x7f: {  	s3 =	sadd.s32 $0x2400, s11;
	[sflag:s30] =	ssyncadd.s32 $0xFFFFE800  }
0x80: {  	[spmem:s2] =	stream.indirect.scatter.add.f32 [tilespmem:s15], [sflag:$0x9], $0x30, s3, s14, $0xb8;
	[tilespmem:$0x18000] =	vst v63  }
0x81: {  	_ =	swait.ge [sflag:s31], $0x1800  }
0x82: {  	[sflag:s31] =	ssyncset.done $0x0  }
0x83: {  	s3 =	sadd.s32 $0x2480, s11;
	[sflag:s31] =	ssyncadd.s32 $0xFFFFE800  }
0x84: {  	[spmem:s2] =	stream.indirect.scatter.add.f32 [tilespmem:s16], [sflag:$0xA], $0x30, s3, s14, $0xb8;
	[tilespmem:$0x18000] =	vst v63  }
0x85: {  	_ =	swait.ge [sflag:s1], $0x1800  }
0x86: {  	[sflag:s1] =	ssyncset.done $0x0  }
0x87: {  	s3 =	sadd.s32 $0x2500, s11;
	[sflag:s1] =	ssyncadd.s32 $0xFFFFE800  }
0x88: {  	[spmem:s2] =	stream.indirect.scatter.add.f32 [tilespmem:s18], [sflag:$0xB], $0x30, s3, s14, $0xb8;
	[tilespmem:$0x18000] =	vst v63  }
0x89: {  	_ =	swait.ge [sflag:s0], $0x1800  }
0x8a: {  	[sflag:s0] =	ssyncset.done $0x0  }
0x8b: {  	s3 =	sadd.s32 $0x2580, s11;
	[sflag:s0] =	ssyncadd.s32 $0xFFFFE800  }
0x8c: {  	[spmem:s2] =	stream.indirect.scatter.add.f32 [tilespmem:s20], [sflag:$0xC], $0x30, s3, s14, $0xb8;
	[tilespmem:$0x18000] =	vst v63  }
0x8d: {  	_ =	swait.ge [sflag:s13], $0x1800  }
0x8e: {  	[sflag:s13] =	ssyncset.done $0x0  }
0x8f: {  	s3 =	sadd.s32 $0x2600, s11;
	[sflag:s13] =	ssyncadd.s32 $0xFFFFE800  }
0x90: {  	[spmem:s2] =	stream.indirect.scatter.add.f32 [tilespmem:s22], [sflag:$0xD], $0x30, s3, s14, $0xb8;
	[tilespmem:$0x18000] =	vst v63  }
0x91: {  	_ =	swait.ge [sflag:s17], $0x1800  }
0x92: {  	[sflag:s17] =	ssyncset.done $0x0  }
0x93: {  	s3 =	sadd.s32 $0x2680, s11;
	[sflag:s17] =	ssyncadd.s32 $0xFFFFE800  }
0x94: {  	[spmem:s2] =	stream.indirect.scatter.add.f32 [tilespmem:s24], [sflag:$0xE], $0x30, s3, s14, $0xb8;
	[tilespmem:$0x18000] =	vst v63  }
0x95: {  	_ =	swait.ge [sflag:s19], $0x1800  }
0x96: {  	[sflag:s19] =	ssyncset.done $0x0  }
0x97: {  	s3 =	sadd.s32 $0x2700, s11;
	[sflag:s19] =	ssyncadd.s32 $0xFFFFE800  }
0x98: {  	[spmem:s2] =	stream.indirect.scatter.add.f32 [tilespmem:s26], [sflag:$0xF], $0x30, s3, s14, $0xb8;
	[tilespmem:$0x18000] =	vst v63  }
0x99: {  	_ =	swait.ge [sflag:s21], $0x1800  }
0x9a: {  	[sflag:s21] =	ssyncset.done $0x0  }
0x9b: {  	s3 =	sadd.s32 $0x2780, s11;
	[sflag:s21] =	ssyncadd.s32 $0xFFFFE800  }
0x9c: {  	[spmem:s2] =	stream.indirect.scatter.add.f32 [tilespmem:s29], [sflag:$0x10], $0x30, s3, s14, $0xb8;
	[tilespmem:$0x18000] =	vst v63  }
0x9d: {  	_ =	swait.ge [sflag:s23], $0x1800  }
0x9e: {  	[sflag:s23] =	ssyncset.done $0x0  }
0x9f: {  	s3 =	sadd.s32 $0x400, s11;
	[sflag:s23] =	ssyncadd.s32 $0xFFFFE800  }
0xa0: {  	[tilespmem:s15], [sflag:$0x1] =	stream.indirect.gather [hbm4b:s4+s14], $0x30, s3, s14, $0xb8;
	[tilespmem:$0x18000] =	vst v63  }
0xa1: {  	_ =	swait.ge [sflag:s25], $0x1800  }
0xa2: {  	[sflag:s25] =	ssyncset.done $0x0  }
0xa3: {  	s3 =	sadd.s32 $0x480, s11;
	[sflag:s25] =	ssyncadd.s32 $0xFFFFE800  }
0xa4: {  	[tilespmem:s16], [sflag:$0x2] =	stream.indirect.gather [hbm4b:s4+s14], $0x30, s3, s14, $0xb8;
	[tilespmem:$0x18000] =	vst v63  }
0xa5: {  	_ =	swait.ge [sflag:s28], $0x1800  }
0xa6: {  	[sflag:s28] =	ssyncset.done $0x0  }
0xa7: {  	s3 =	sadd.s32 $0x500, s11;
	[sflag:s28] =	ssyncadd.s32 $0xFFFFE800  }
0xa8: {  	[tilespmem:s18], [sflag:$0x3] =	stream.indirect.gather [hbm4b:s4+s14], $0x30, s3, s14, $0xb8;
	[tilespmem:$0x18000] =	vst v63  }
0xa9: {  	_ =	swait.ge [sflag:s5], $0x1800  }
0xaa: {  	[sflag:s5] =	ssyncset.done $0x0  }
0xab: {  	s3 =	sadd.s32 $0x580, s11;
	[sflag:s5] =	ssyncadd.s32 $0xFFFFE800  }
0xac: {  	[tilespmem:s20], [sflag:$0x4] =	stream.indirect.gather [hbm4b:s4+s14], $0x30, s3, s14, $0xb8;
	[tilespmem:$0x18000] =	vst v63  }
0xad: {  	_ =	swait.ge [sflag:s7], $0x1800  }
0xae: {  	[sflag:s7] =	ssyncset.done $0x0  }
0xaf: {  	s3 =	sadd.s32 $0x600, s11;
	[sflag:s7] =	ssyncadd.s32 $0xFFFFE800  }
0xb0: {  	[tilespmem:s22], [sflag:$0x5] =	stream.indirect.gather [hbm4b:s4+s14], $0x30, s3, s14, $0xb8;
	[tilespmem:$0x18000] =	vst v63  }
0xb1: {  	_ =	swait.ge [sflag:s8], $0x1800  }
0xb2: {  	[sflag:s8] =	ssyncset.done $0x0  }
0xb3: {  	s3 =	sadd.s32 $0x680, s11;
	[sflag:s8] =	ssyncadd.s32 $0xFFFFE800  }
0xb4: {  	[tilespmem:s24], [sflag:$0x6] =	stream.indirect.gather [hbm4b:s4+s14], $0x30, s3, s14, $0xb8;
	[tilespmem:$0x18000] =	vst v63  }
0xb5: {  	_ =	swait.ge [sflag:s9], $0x1800  }
0xb6: {  	[sflag:s9] =	ssyncset.done $0x0  }
0xb7: {  	s3 =	sadd.s32 $0x700, s11;
	[sflag:s9] =	ssyncadd.s32 $0xFFFFE800  }
0xb8: {  	[tilespmem:s26], [sflag:$0x7] =	stream.indirect.gather [hbm4b:s4+s14], $0x30, s3, s14, $0xb8;
	[tilespmem:$0x18000] =	vst v63  }
0xb9: {  	_ =	swait.ge [sflag:s10], $0x1800  }
0xba: {  	s6 =	sadd.s32 $0x1000, s6;
	s3 =	sadd.s32 $0x780, s11;
	s11 =	rddreg [dreg:$0x3]  }
0xbb: {  	s11 =	sadd.s32 s6, s11  }
0xbc: {  	p1 =	sne.s32 s11, $0x0  }
.Ltmp3:
0xbd: {  	_ = 	snop;
	(pc) =	sbr.rel @p1 .LBB2_2-.Ltmp3, $4  }
0xbe: {  	_ = 	snop  }
0xbf: {  	[sflag:s10] =	ssyncset.done $0x0  }
0xc0: {  	[sflag:s10] =	ssyncadd.s32 $0xFFFFE800  }
0xc1: {  	[tilespmem:s29], [sflag:$0x8] =	stream.indirect.gather [hbm4b:s4+s14], $0x30, s3, s14, $0xb8;
	[tilespmem:$0x18000] =	vst v63  }
.Ltmp4:
0xc2: {  	_ = 	snop;
	(pc) =	sbr.rel .LBB2_3-.Ltmp4, $1  }
0xc3: {  	_ =	sdelay $0x3  }
.LBB2_4:
0xc4: {  	_ =	sfence.sel $0x180000  }
0xc5: {  	[bflag:$0x0] =	sbarrier.arrive $0xFFFF  }
0xc6: {  	_ =	strace $0x9000004D  }
0xc7: {  	s0 =	stileid.u32;
	[bflag:$0x2] =	sbarrier.arrive $0xFFFF  }
0xc8: {  	p0 =	sne.s32 s0, $0x0;
	s0 =	rddreg [dreg:$0x2]  }
0xc9: {  	s0 =	sadd.s32 @!p0 $0x100000, s0  }
0xca: {  	[sflag:s0] =	ssyncadd.tile.s32 @!p0 $0x1;
	_ =	shalt  }
.Lfunc_end2:
_tile_overlayer_lowered:
.L_overlay_start_2:
0xcb: {  	(tag) =	ssettag $0x2  }
0xcc: {  	s0 =	rddreg [dreg:$0x0];
	s2 =	stileid.u32  }
0xcd: {  	s1 =	rddreg [dreg:$0x1];
	p0 =	sne.s32 s2, $0x0  }
0xce: {  	s3 =	rddreg [dreg:$0x2];
	[bflag:$0x3] =	sbarrier.arrive $0xFFFF;
	s2 =	simm.s32 @!p0 $0x1C11  }
0xcf: {  	[timem:s3], [sflag:s2] =	dma.local @!p0 [hbm:s0], s1  }
0xd0: {  	s0 =	simm.s32 @!p0 $0x11  }
0xd1: {  	_ =	swait.ge @!p0 [sflag:s0], s1  }
0xd2: {  	s1 =	ssub.s32 @!p0 $0x0, s1;
	[sflag:s0] =	ssyncset.done @!p0 $0x0  }
0xd3: {  	[sflag:s0] =	ssyncadd.s32 @!p0 s1  }
0xd4: {  	[bflag:$0x3] =	sbarrier.arrive $0xFFFF  }
0xd5: {  	_ =	shalt  }

// kernel: kernel.9.cloned.1.call-start
scs
__scs_entry_jumppad:
0x0: {  	(pc) =	sbr.rel $0x88, $3  }
0x1: {  	(tag) =	ssettag $0x0;
	lr =	simm.s32 $0x1  }
0x2: {  	[smem:$0x3F9B] =	sst lr;
	_ =	strace $0xD0000000  }
0x3: {  	_ = 	snop  }
0x4: {  	_ = 	snop  }
0x5: {  	_ = 	snop  }
0x6: {  	_ = 	snop  }
0x7: {  	_ = 	snop  }
__scs_overlays_trampoline_lowered:
0x8: {  	[smem:$0x3FAA] =	sst s0  }
0x9: {  	[smem:$0x3FAB] =	sst s1  }
0xa: {  	[smem:$0x3FAC] =	sst s2  }
0xb: {  	[smem:$0x3FAD] =	sst s3  }
0xc: {  	[smem:$0x3FAE] =	sst s4  }
0xd: {  	[smem:$0x3FAF] =	sst s5  }
0xe: {  	[smem:$0x3FB0] =	sst s6  }
0xf: {  	[smem:$0x3FB1] =	sst s7  }
0x10: {  	[smem:$0x3FB2] =	sst s8  }
0x11: {  	[smem:$0x3FB3] =	sst s9;
	s0 =	simm.s32 @!p0 $0x0  }
0x12: {  	s1 =	sld [smem:$0x3F99];
	s0 =	simm.s32 @p0 $0x1  }
0x13: {  	[smem:$0x3FB4] =	sst s0;
	s0 =	simm.s32 @!p1 $0x0  }
0x14: {  	s2 =	sld [smem:$0x3F98];
	s0 =	simm.s32 @p1 $0x1  }
0x15: {  	[smem:$0x3FB5] =	sst s0;
	s0 =	simm.s32 @!p2 $0x0  }
0x16: {  	s3 =	sld [smem:$0x3FDB];
	s0 =	simm.s32 @p2 $0x1  }
0x17: {  	s4 =	simm.s32 $0x1BF5;
	[smem:$0x3FB7] =	sst s0  }
0x18: {  	s0 =	sld [smem:$0x3F9A];
	_ =	swait.ge [sflag:s4], $0x0  }
0x19: {  	s7 =	sld [smem:$0x3F9B]  }
0x1a: {  	s8 =	sadd.s32 $0xFFFFE003, lr  }
0x1b: {  	s9 =	sadd.s32 $0xFFFFFEF7, lr;
	s5 =	simm.s32 $0xFFFFFFFF;
	p2 =	slt.u32 s8, $0xFFFFF086  }
0x1c: {  	p1 =	slt.u32 s9, $0xF7A;
	s5 =	simm.s32 @!p2 $0x0  }
0x1d: {  	s5 =	simm.s32 @p1 $0x1;
	p0 =	seq.s32 s7, s2  }
0x1e: {  	s7 =	smul.u32 @!p0 $0xF7A, s2;
	p2 =	seq.s32 @!p0 s5, $0x0  }
0x1f: {  	s9 =	smul.u32 $0xF7A, s1;
	s8 =	simm.s32 @!p0 $0x1BF5;
	p2 =	por !p2, p0  }
0x20: {  	[sflag:s8] =	ssyncset.s32 @!p0 $0xFFFFF086;
	s6 =	sadd.s32 @!p0 s3, s7;
	s7 =	simm.s32 @!p0 $0x108  }
0x21: {  	s3 =	sadd.s32 s3, s9;
	s6 =	sadd.s32 @!p0 $0x88, s6;
	s7 =	simm.s32 @p2 $0x1082  }
0x22: {  	[simem:s7], [sflag:s8] =	dma.local @!p0 [hbm:s6], $0xF7A  }
0x23: {  	s9 =	sor.u32 $0xD0000000, s2;
	s6 =	simm.s32 $0x108;
	_ =	swait.ge @!p0 [sflag:s8], $0x0  }
0x24: {  	s3 =	sadd.s32 $0x88, s3;
	s6 =	simm.s32 @!p1 $0x1082;
	[sflag:s4] =	ssyncset.s32 $0xFFFFF086  }
0x25: {  	[simem:s6], [sflag:s4] =	dma.local [hbm:s3], $0xF7A  }
0x26: {  	[smem:$0x3F9B] =	sst s1;
	(tag) =	ssettag s2;
	_ =	strace s9  }
0x27: {  	s1 =	sld [smem:$0x3FAB]  }
0x28: {  	s2 =	sld [smem:$0x3FAC]  }
0x29: {  	s4 =	sld [smem:$0x3FAE]  }
0x2a: {  	p0 =	seq.s32 s5, $0x0;
	s5 =	sld [smem:$0x3FAF]  }
0x2b: {  	s6 =	sld [smem:$0x3FB0]  }
0x2c: {  	s7 =	sld [smem:$0x3FB1]  }
0x2d: {  	s3 =	simm.s32 $0x108;
	s8 =	sld [smem:$0x3FB2]  }
0x2e: {  	s3 =	simm.s32 @!p0 $0x1082;
	s9 =	sld [smem:$0x3FB3]  }
0x2f: {  	lr =	sadd.s32 s0, s3;
	s0 =	sld [smem:$0x3FAA]  }
0x30: {  	s3 =	sld [smem:$0x3FAD]  }
0x31: {  	[smem:$0x3FB6] =	sst s10  }
0x32: {  	s10 =	sld [smem:$0x3FB4];
	_ =	sdelay $0x3  }
0x33: {  	p0 =	seq.s32 s10, $0x1;
	s10 =	sld [smem:$0x3FB6];
	_ =	sdelay $0x3  }
0x34: {  	[smem:$0x3FB6] =	sst s10  }
0x35: {  	s10 =	sld [smem:$0x3FB5];
	_ =	sdelay $0x3  }
0x36: {  	p1 =	seq.s32 s10, $0x1;
	s10 =	sld [smem:$0x3FB6];
	_ =	sdelay $0x3  }
0x37: {  	[smem:$0x3FB6] =	sst s10  }
0x38: {  	s10 =	sld [smem:$0x3FB7]  }
0x39: {  	_ = 	snop;
	(pc) =	sbr.ind lr, $3  }
0x3a: {  	_ = 	snop  }
0x3b: {  	_ = 	snop  }
0x3c: {  	p2 =	seq.s32 s10, $0x1;
	s10 =	sld [smem:$0x3FB6]  }
0x3d: {  	_ =	shalt  }
0x3e: {  	_ =	shalt  }
0x3f: {  	_ =	shalt  }
0x40: {  	_ =	shalt  }
0x41: {  	_ =	shalt  }
0x42: {  	_ =	shalt  }
0x43: {  	_ =	shalt  }
0x44: {  	_ =	shalt  }
0x45: {  	_ =	shalt  }
0x46: {  	_ =	shalt  }
0x47: {  	_ =	shalt  }
0x48: {  	_ =	shalt  }
0x49: {  	_ =	shalt  }
0x4a: {  	_ =	shalt  }
0x4b: {  	_ =	shalt  }
0x4c: {  	_ =	shalt  }
0x4d: {  	_ =	shalt  }
0x4e: {  	_ =	shalt  }
0x4f: {  	_ =	shalt  }
0x50: {  	_ =	shalt  }
0x51: {  	_ =	shalt  }
0x52: {  	_ =	shalt  }
0x53: {  	_ =	shalt  }
0x54: {  	_ =	shalt  }
0x55: {  	_ =	shalt  }
0x56: {  	_ =	shalt  }
0x57: {  	_ =	shalt  }
0x58: {  	_ =	shalt  }
0x59: {  	_ =	shalt  }
0x5a: {  	_ =	shalt  }
0x5b: {  	_ =	shalt  }
0x5c: {  	_ =	shalt  }
0x5d: {  	_ =	shalt  }
0x5e: {  	_ =	shalt  }
0x5f: {  	_ =	shalt  }
0x60: {  	_ =	shalt  }
0x61: {  	_ =	shalt  }
0x62: {  	_ =	shalt  }
0x63: {  	_ =	shalt  }
0x64: {  	_ =	shalt  }
0x65: {  	_ =	shalt  }
0x66: {  	_ =	shalt  }
0x67: {  	_ =	shalt  }
0x68: {  	_ =	shalt  }
0x69: {  	_ =	shalt  }
0x6a: {  	_ =	shalt  }
0x6b: {  	_ =	shalt  }
0x6c: {  	_ =	shalt  }
0x6d: {  	_ =	shalt  }
0x6e: {  	_ =	shalt  }
0x6f: {  	_ =	shalt  }
0x70: {  	_ =	shalt  }
0x71: {  	_ =	shalt  }
0x72: {  	_ =	shalt  }
0x73: {  	_ =	shalt  }
0x74: {  	_ =	shalt  }
0x75: {  	_ =	shalt  }
0x76: {  	_ =	shalt  }
0x77: {  	_ =	shalt  }
0x78: {  	_ =	shalt  }
0x79: {  	_ =	shalt  }
0x7a: {  	_ =	shalt  }
0x7b: {  	_ =	shalt  }
0x7c: {  	_ =	shalt  }
0x7d: {  	_ =	shalt  }
0x7e: {  	_ =	shalt  }
0x7f: {  	_ =	shalt  }
0x80: {  	_ =	shalt  }
0x81: {  	_ =	shalt  }
0x82: {  	_ =	shalt  }
0x83: {  	_ =	shalt  }
0x84: {  	_ =	shalt  }
0x85: {  	_ =	shalt  }
0x86: {  	_ =	shalt  }
0x87: {  	_ =	shalt  }
.Lfunc_end0:
.L_simem_size_0:
called_computation_lowered:
.L_overlay_start_0:
0x88: {  	s2 =	sld [smem:$0x3FD9]  }
0x89: {  	s3 =	sld [smem:$0x3FFE];
	_ =	sdelay $0x1  }
0x8a: {  	s1 =	srdreg.scid  }
0x8b: {  	s0 =	sand.u32 $0x1, s1  }
0x8c: {  	s17 =	sshll.u32 s0, $0xA;
	s2 =	sadd.s32 s3, s2  }
0x8d: {  	s2 =	sadd.s32 s2, s17  }
0x8e: {  	[smem:$0x3FC2] =	sst s2  }
0x8f: {  	_ = 	snop  }
0x90: {  	s2 =	sld [smem:$0x3FD0];
	(tm) =	ssettm $0x1  }
0x91: {  	s18 =	sld [smem:$0x3FFB];
	_ =	sdelay $0x3  }
0x92: {  	_ =	strace s18  }
0x93: {  	s3 =	sld [smem:$0x3FFC];
	_ =	sdelay $0x3  }
0x94: {  	_ =	strace s3  }
0x95: {  	s3 =	sld [smem:$0x3FFD];
	_ =	sdelay $0x3  }
0x96: {  	_ =	strace s3  }
0x97: {  	_ =	strace $0x8FFFFFFF  }
0x98: {  	s19 =	sld [smem:$0x3FDB];
	_ =	sdelay $0x1  }
0x99: {  	s4 =	simm.s32 $_scs_section_size  }
0x9a: {  	s5 =	simm.s32 $_size__tile_overlayer_lowered;
	s6 =	simm.s32 $_tile_overlayer_lowered  }
0x9b: {  	s22 =	simm.s32 $0x1BFF;
	s21 =	sshll.u32 s6, $0x1;
	s3 =	sadd.s32 s4, s19  }
0x9c: {  	s7 =	simm.s32 $0x0;
	s20 =	sshll.u32 s5, $0x1;
	s5 =	sadd.s32 s21, s3  }
0x9d: {  	[timem:s7], [sflag:s22] =	dma.local [hbm:s5], s20  }
0x9e: {  	_ =	swait.ge [sflag:s22], s20  }
0x9f: {  	s4 =	ssub.s32 $0x0, s20;
	[sflag:s22] =	ssyncset.done $0x0  }
0xa0: {  	[sflag:s22] =	ssyncadd.s32 s4;
	_ =	sdelay $0x1  }
0xa1: {  	s23 =	simm.s32 $0x1B8B  }
0xa2: {  	_ =	swait.ge [sflag:s23], $0x1  }
0xa3: {  	[sflag:s23] =	ssyncset.done $0x0  }
0xa4: {  	s25 =	simm.s32 $0x1B8E;
	s24 =	sld [smem:$0x3FFE];
	[sflag:s23] =	ssyncadd.s32 $0xFFFFFFFF  }
0xa5: {  	s26 =	simm.s32 $execute0_lowered;
	[smem:$0x3FD2] =	sst s25  }
0xa6: {  	s5 =	sshll.u32 s26, $0x1;
	_ =	strace $0x80000046;
	[dreg:$0x1] =	wrdreg $0xFFFFFFFF  }
0xa7: {  	s28 =	simm.s32 $_size_execute0_lowered;
	s3 =	sadd.s32 s3, s5;
	[dreg:$0x0] =	wrdreg $0x0  }
0xa8: {  	s5 =	sshll.u32 s28, $0x1;
	[dreg:$0x2] =	wrdreg s3  }
0xa9: {  	[dreg:$0x3] =	wrdreg s5  }
0xaa: {  	[dreg:$0x4] =	wrdreg $0xC0  }
0xab: {  	_ =	task [dreg:s7], $0x5FFFF  }
0xac: {  	[dreg:$0x1] =	wrdreg $0xFFFFFFFF  }
0xad: {  	[dreg:$0x0] =	wrdreg $0x60  }
0xae: {  	[dreg:$0x2] =	wrdreg s24  }
0xaf: {  	[dreg:$0x3] =	wrdreg s2  }
0xb0: {  	[dreg:$0x4] =	wrdreg $0x1C000  }
0xb1: {  	[dreg:$0x5] =	wrdreg $0x9  }
0xb2: {  	_ =	task.clear_ibuf [dreg:s7], $0x6FFFF;
	_ =	strace $0x90000046  }
0xb3: {  	s29 =	simm.s32 $0x9;
	_ =	strace $0x80000048  }
0xb4: {  	_ =	swait.ge [sflag:s29], $0x1  }
0xb5: {  	[sflag:s29] =	ssyncadd.s32 $0xFFFFFFFF  }
0xb6: {  	_ =	strace $0x90000048  }
0xb7: {  	_ =	sfence  }
0xb8: {  	s30 =	sld [smem:$0x0];
	_ =	sdelay $0x2  }
0xb9: {  	s31 =	sshll.u32 s1, $0xD;
	s1 =	sshrl.u32 s1, $0x2  }
0xba: {  	s3 =	sand.u32 $0x4000, s31;
	s1 =	sadd.s32 s1, s30  }
0xbb: {  	s0 =	sor.u32 s3, s0;
	s1 =	sshll.u32 s1, $0x11  }
0xbc: {  	s0 =	sor.u32 s1, s0  }
0xbd: {  	s0 =	sadd.s32 $0x8F2B, s0  }
0xbe: {  	[sflag:s0] =	ssyncadd.remote.s32 $0x1  }
0xbf: {  	_ =	sfence.sel $0xFFFF  }
0xc0: {  	[dreg:$0x0] =	wrdreg $0xFFFFFFFF;
	(pc) =	sbr.abs _section_cstart, $3  }
0xc1: {  	[dreg:$0x1] =	wrdreg $0xFFFFFFFF  }
0xc2: {  	_ =	task.clear_ibuf [dreg:s7], $0x2FFFF;
	_ =	strace $0x9FFFFFFF  }
0xc3: {  	(tm) =	ssettm $0x7FFFFFFF  }
tec
execute0_lowered:
.L_overlay_start_1:
0x0: {  	(tag) =	ssettag $0x1  }
0x1: {  	s0 =	srdreg.scid;
	s1 =	rddreg [dreg:$0x0]  }
0x2: {  	s8 =	rddreg [dreg:$0x1];
	s11 =	stileid.u32  }
0x3: {  	s2 =	rddreg [dreg:$0x2];
	s12 =	simm.s32 $0x1400;
	s13 =	simm.s32 $0x80  }
0x4: {  	s17 =	simm.s32 $0xC00;
	s18 =	simm.s32 $0xC80;
	s19 =	simm.s32 $0xD00  }
0x5: {  	s20 =	simm.s32 $0xD80;
	s21 =	simm.s32 $0xE00;
	s22 =	simm.s32 $0xE80  }
0x6: {  	s23 =	simm.s32 $0xF00;
	s28 =	simm.s32 $0x1100;
	s29 =	simm.s32 $0x1180  }
0x7: {  	s30 =	simm.s32 $0x1200;
	s31 =	simm.s32 $0x1280;
	s14 =	simm.s32 $0x1  }
0x8: {  	s15 =	simm.s32 $0x0;
	s0 =	sand.u32 $0x1, s0;
	s5 =	smul.u32 $0x2800, s11  }
0x9: {  	s26 =	sshll.u32 s11, $0x6;
	s3 =	sshll.u32 s0, $0x4;
	s6 =	ssub.s32 $0x2, s0  }
0xa: {  	s0 =	smul.u32 $0x28000, s0;
	s4 =	sor.u32 s11, s3;
	s3 =	simm.s32 $0x0  }
0xb: {  	s24 =	sshrl.u32 s5, $0x3;
	s25 =	sshrl.u32 s6, $0x1;
	s10 =	sadd.s32 s5, s2  }
0xc: {  	s11 =	simm.s32 $0x2;
	s4 =	smul.u32 $0x280, s4;
	[smem:$0x7FF] =	sst s3  }
0xd: {  	s9 =	sadd.s32 s24, s1;
	s0 =	sadd.s32 s5, s0;
	s10 =	sshrl.u32 s10, $0x3  }
0xe: {  	s24 =	simm.s32 $0xF80;
	_ =	strace $0x80000047;
	s5 =	sadd.s32 $0x6E00, s9  }
0xf: {  	s0 =	sshrl.u32 s0, $0x3;
	s7 =	sadd.s32 s4, s1;
	s4 =	sadd.s32 $0xBE00, s1  }
0x10: {  	s1 =	ssub.s32 s6, s25;
	s6 =	sor.u32 $0x1C02, s26;
	s8 =	sadd.s32 s8, s0  }
0x11: {  	s25 =	simm.s32 $0x1000;
	s26 =	simm.s32 $0x1080;
	s0 =	simm.s32 $0x1380  }
0x12: {  	s7 =	sadd.s32 $0x1A00, s7;
	s9 =	smax.u32 s1, $0x1;
	s1 =	simm.s32 $0x1300  }
.LBB2_1:
0x13: {  	[spmem:s10], [sflag:s6] =	dma.local [hbm:s5], $0x500  }
0x14: {  	_ =	swait.ge [sflag:s11], $0x500  }
0x15: {  	[sflag:s11] =	ssyncset.done $0x0  }
0x16: {  	[sflag:s11] =	ssyncadd.s32 $0xFFFFFB00  }
0x17: {  	[tilespmem:s3], [sflag:$0x2] =	stream.linear.gather [hbm4b:s7+s3], $0x1400, $0x38;
	[tilespmem:$0x4400] =	vst v63  }
0x18: {  	_ =	swait.ge [sflag:s11], $0x1400  }
0x19: {  	[sflag:s11] =	ssyncset.done $0x0  }
0x1a: {  	[sflag:s11] =	ssyncadd.s32 $0xFFFFEC00  }
0x1b: {  	[tilespmem:s12], [sflag:$0x2] =	stream.linear.gather [hbm4b:s4+s3], $0x800, $0x38;
	[tilespmem:$0x4400] =	vst v63  }
0x1c: {  	_ =	swait.ge [sflag:s11], $0x800  }
0x1d: {  	[sflag:s11] =	ssyncset.done $0x0  }
0x1e: {  	[sflag:s11] =	ssyncadd.s32 $0xFFFFF800  }
0x1f: {  	[bflag:$0x0] =	sbarrier.arrive $0xFFFF  }
0x20: {  	[spmem:s2] =	stream.indirect.scatter.add.f32 [tilespmem:s12], [sflag:$0x1], $0x10, s3, s13, $0xb8;
	[tilespmem:$0x4400] =	vst v63  }
0x21: {  	_ = 	snop  }
0x22: {  	[spmem:s2] =	stream.indirect.scatter.add.f32 [tilespmem:s12], [sflag:$0x1], $0x10, s13, s13, $0xb8;
	[tilespmem:$0x4400] =	vst v63  }
0x23: {  	s16 =	simm.s32 $0x100  }
0x24: {  	[spmem:s2] =	stream.indirect.scatter.add.f32 [tilespmem:s12], [sflag:$0x1], $0x10, s16, s13, $0xb8;
	[tilespmem:$0x4400] =	vst v63  }
0x25: {  	s16 =	simm.s32 $0x180  }
0x26: {  	[spmem:s2] =	stream.indirect.scatter.add.f32 [tilespmem:s12], [sflag:$0x1], $0x10, s16, s13, $0xb8;
	[tilespmem:$0x4400] =	vst v63  }
0x27: {  	s16 =	simm.s32 $0x200  }
0x28: {  	[spmem:s2] =	stream.indirect.scatter.add.f32 [tilespmem:s12], [sflag:$0x1], $0x10, s16, s13, $0xb8;
	[tilespmem:$0x4400] =	vst v63  }
0x29: {  	s16 =	simm.s32 $0x280  }
0x2a: {  	[spmem:s2] =	stream.indirect.scatter.add.f32 [tilespmem:s12], [sflag:$0x1], $0x10, s16, s13, $0xb8;
	[tilespmem:$0x4400] =	vst v63  }
0x2b: {  	s16 =	simm.s32 $0x300  }
0x2c: {  	[spmem:s2] =	stream.indirect.scatter.add.f32 [tilespmem:s12], [sflag:$0x1], $0x10, s16, s13, $0xb8;
	[tilespmem:$0x4400] =	vst v63  }
0x2d: {  	s16 =	simm.s32 $0x380  }
0x2e: {  	[spmem:s2] =	stream.indirect.scatter.add.f32 [tilespmem:s12], [sflag:$0x1], $0x10, s16, s13, $0xb8;
	[tilespmem:$0x4400] =	vst v63  }
0x2f: {  	s16 =	simm.s32 $0x400  }
0x30: {  	[spmem:s2] =	stream.indirect.scatter.add.f32 [tilespmem:s12], [sflag:$0x1], $0x10, s16, s13, $0xb8;
	[tilespmem:$0x4400] =	vst v63  }
0x31: {  	s16 =	simm.s32 $0x480  }
0x32: {  	[spmem:s2] =	stream.indirect.scatter.add.f32 [tilespmem:s12], [sflag:$0x1], $0x10, s16, s13, $0xb8;
	[tilespmem:$0x4400] =	vst v63  }
0x33: {  	s16 =	simm.s32 $0x500  }
0x34: {  	[spmem:s2] =	stream.indirect.scatter.add.f32 [tilespmem:s12], [sflag:$0x1], $0x10, s16, s13, $0xb8;
	[tilespmem:$0x4400] =	vst v63  }
0x35: {  	s16 =	simm.s32 $0x580  }
0x36: {  	[spmem:s2] =	stream.indirect.scatter.add.f32 [tilespmem:s12], [sflag:$0x1], $0x10, s16, s13, $0xb8;
	[tilespmem:$0x4400] =	vst v63  }
0x37: {  	s16 =	simm.s32 $0x600  }
0x38: {  	[spmem:s2] =	stream.indirect.scatter.add.f32 [tilespmem:s12], [sflag:$0x1], $0x10, s16, s13, $0xb8;
	[tilespmem:$0x4400] =	vst v63  }
0x39: {  	s16 =	simm.s32 $0x680  }
0x3a: {  	[spmem:s2] =	stream.indirect.scatter.add.f32 [tilespmem:s12], [sflag:$0x1], $0x10, s16, s13, $0xb8;
	[tilespmem:$0x4400] =	vst v63  }
0x3b: {  	s16 =	simm.s32 $0x700  }
0x3c: {  	[spmem:s2] =	stream.indirect.scatter.add.f32 [tilespmem:s12], [sflag:$0x1], $0x10, s16, s13, $0xb8;
	[tilespmem:$0x4400] =	vst v63  }
0x3d: {  	s16 =	simm.s32 $0x780  }
0x3e: {  	[spmem:s2] =	stream.indirect.scatter.add.f32 [tilespmem:s12], [sflag:$0x1], $0x10, s16, s13, $0xb8;
	[tilespmem:$0x4400] =	vst v63  }
0x3f: {  	s16 =	simm.s32 $0x800  }
0x40: {  	[spmem:s2] =	stream.indirect.scatter.add.f32 [tilespmem:s12], [sflag:$0x1], $0x10, s16, s13, $0xb8;
	[tilespmem:$0x4400] =	vst v63  }
0x41: {  	s16 =	simm.s32 $0x880  }
0x42: {  	[spmem:s2] =	stream.indirect.scatter.add.f32 [tilespmem:s12], [sflag:$0x1], $0x10, s16, s13, $0xb8;
	[tilespmem:$0x4400] =	vst v63  }
0x43: {  	s16 =	simm.s32 $0x900  }
0x44: {  	[spmem:s2] =	stream.indirect.scatter.add.f32 [tilespmem:s12], [sflag:$0x1], $0x10, s16, s13, $0xb8;
	[tilespmem:$0x4400] =	vst v63  }
0x45: {  	s16 =	simm.s32 $0x980  }
0x46: {  	[spmem:s2] =	stream.indirect.scatter.add.f32 [tilespmem:s12], [sflag:$0x1], $0x10, s16, s13, $0xb8;
	[tilespmem:$0x4400] =	vst v63  }
0x47: {  	s16 =	simm.s32 $0xA00  }
0x48: {  	[spmem:s2] =	stream.indirect.scatter.add.f32 [tilespmem:s12], [sflag:$0x1], $0x10, s16, s13, $0xb8;
	[tilespmem:$0x4400] =	vst v63  }
0x49: {  	s16 =	simm.s32 $0xA80  }
0x4a: {  	[spmem:s2] =	stream.indirect.scatter.add.f32 [tilespmem:s12], [sflag:$0x1], $0x10, s16, s13, $0xb8;
	[tilespmem:$0x4400] =	vst v63  }
0x4b: {  	s16 =	simm.s32 $0xB00  }
0x4c: {  	[spmem:s2] =	stream.indirect.scatter.add.f32 [tilespmem:s12], [sflag:$0x1], $0x10, s16, s13, $0xb8;
	[tilespmem:$0x4400] =	vst v63  }
0x4d: {  	s16 =	simm.s32 $0xB80  }
0x4e: {  	[spmem:s2] =	stream.indirect.scatter.add.f32 [tilespmem:s12], [sflag:$0x1], $0x10, s16, s13, $0xb8;
	[tilespmem:$0x4400] =	vst v63  }
0x4f: {  	_ = 	snop  }
0x50: {  	[spmem:s2] =	stream.indirect.scatter.add.f32 [tilespmem:s12], [sflag:$0x1], $0x10, s17, s13, $0xb8;
	[tilespmem:$0x4400] =	vst v63  }
0x51: {  	_ = 	snop  }
0x52: {  	[spmem:s2] =	stream.indirect.scatter.add.f32 [tilespmem:s12], [sflag:$0x1], $0x10, s18, s13, $0xb8;
	[tilespmem:$0x4400] =	vst v63  }
0x53: {  	_ = 	snop  }
0x54: {  	[spmem:s2] =	stream.indirect.scatter.add.f32 [tilespmem:s12], [sflag:$0x1], $0x10, s19, s13, $0xb8;
	[tilespmem:$0x4400] =	vst v63  }
0x55: {  	_ = 	snop  }
0x56: {  	[spmem:s2] =	stream.indirect.scatter.add.f32 [tilespmem:s12], [sflag:$0x1], $0x10, s20, s13, $0xb8;
	[tilespmem:$0x4400] =	vst v63  }
0x57: {  	_ = 	snop  }
0x58: {  	[spmem:s2] =	stream.indirect.scatter.add.f32 [tilespmem:s12], [sflag:$0x1], $0x10, s21, s13, $0xb8;
	[tilespmem:$0x4400] =	vst v63  }
0x59: {  	_ = 	snop  }
0x5a: {  	[spmem:s2] =	stream.indirect.scatter.add.f32 [tilespmem:s12], [sflag:$0x1], $0x10, s22, s13, $0xb8;
	[tilespmem:$0x4400] =	vst v63  }
0x5b: {  	_ = 	snop  }
0x5c: {  	[spmem:s2] =	stream.indirect.scatter.add.f32 [tilespmem:s12], [sflag:$0x1], $0x10, s23, s13, $0xb8;
	[tilespmem:$0x4400] =	vst v63  }
0x5d: {  	_ = 	snop  }
0x5e: {  	[spmem:s2] =	stream.indirect.scatter.add.f32 [tilespmem:s12], [sflag:$0x1], $0x10, s24, s13, $0xb8;
	[tilespmem:$0x4400] =	vst v63  }
0x5f: {  	_ = 	snop  }
0x60: {  	[spmem:s2] =	stream.indirect.scatter.add.f32 [tilespmem:s12], [sflag:$0x1], $0x10, s25, s13, $0xb8;
	[tilespmem:$0x4400] =	vst v63  }
0x61: {  	_ = 	snop  }
0x62: {  	[spmem:s2] =	stream.indirect.scatter.add.f32 [tilespmem:s12], [sflag:$0x1], $0x10, s26, s13, $0xb8;
	[tilespmem:$0x4400] =	vst v63  }
0x63: {  	_ = 	snop  }
0x64: {  	[spmem:s2] =	stream.indirect.scatter.add.f32 [tilespmem:s12], [sflag:$0x1], $0x10, s28, s13, $0xb8;
	[tilespmem:$0x4400] =	vst v63  }
0x65: {  	_ = 	snop  }
0x66: {  	[spmem:s2] =	stream.indirect.scatter.add.f32 [tilespmem:s12], [sflag:$0x1], $0x10, s29, s13, $0xb8;
	[tilespmem:$0x4400] =	vst v63  }
0x67: {  	_ = 	snop  }
0x68: {  	[spmem:s2] =	stream.indirect.scatter.add.f32 [tilespmem:s12], [sflag:$0x1], $0x10, s30, s13, $0xb8;
	[tilespmem:$0x4400] =	vst v63  }
0x69: {  	_ = 	snop  }
0x6a: {  	[spmem:s2] =	stream.indirect.scatter.add.f32 [tilespmem:s12], [sflag:$0x1], $0x10, s31, s13, $0xb8;
	[tilespmem:$0x4400] =	vst v63  }
0x6b: {  	_ = 	snop  }
0x6c: {  	[spmem:s2] =	stream.indirect.scatter.add.f32 [tilespmem:s12], [sflag:$0x1], $0x10, s1, s13, $0xb8;
	[tilespmem:$0x4400] =	vst v63  }
0x6d: {  	_ = 	snop  }
0x6e: {  	[spmem:s2] =	stream.indirect.scatter.add.f32 [tilespmem:s12], [sflag:$0x1], $0x10, s0, s13, $0xb8;
	[tilespmem:$0x4400] =	vst v63  }
0x6f: {  	_ =	swait.ge [sflag:s14], $0x800  }
0x70: {  	s16 =	simm.s32 $0x27;
	[sflag:s14] =	ssyncset.done $0x0  }
.LBB2_2:
0x71: {  	p0 =	sne.s32 s16, $0x1;
	s16 =	sadd.s32 $0xFFFFFFFF, s16;
	[sflag:s14] =	ssyncadd.s32 $0xFFFFF800  }
.Ltmp0:
0x72: {  	(pc) =	sbr.rel @p0 .LBB2_2-.Ltmp0, $3  }
0x73: {  	_ =	sdelay $0x1  }
0x74: {  	_ =	swait.ge [sflag:s14], $0x800  }
0x75: {  	[sflag:s14] =	ssyncset.done $0x0  }
0x76: {  	s15 =	sadd.s32 $0x1, s15  }
0x77: {  	[sflag:s14] =	ssyncadd.s32 $0xFFFFF800;
	p0 =	sne.s32 s15, s9  }
.Ltmp1:
0x78: {  	[bflag:$0x0] =	sbarrier.arrive $0xFFFF;
	(pc) =	sbr.rel @p0 .LBB2_1-.Ltmp1, $4  }
0x79: {  	[hbm:s8], [sflag:s6] =	dma.local [spmem:s10], $0x500  }
0x7a: {  	_ =	swait.ge [sflag:s11], $0x500  }
0x7b: {  	[sflag:s11] =	ssyncset.done $0x0  }
0x7c: {  	[sflag:s11] =	ssyncadd.s32 $0xFFFFFB00  }
0x7d: {  	_ =	sfence.sel $0x180000  }
0x7e: {  	[bflag:$0x0] =	sbarrier.arrive $0xFFFF  }
0x7f: {  	_ =	strace $0x90000047  }
0x80: {  	s0 =	stileid.u32;
	[bflag:$0x2] =	sbarrier.arrive $0xFFFF  }
0x81: {  	p0 =	sne.s32 s0, $0x0;
	s0 =	rddreg [dreg:$0x3]  }
0x82: {  	s0 =	sadd.s32 @!p0 $0x100000, s0  }
0x83: {  	[sflag:s0] =	ssyncadd.tile.s32 @!p0 $0x1;
	_ =	shalt  }
.Lfunc_end2:
_tile_overlayer_lowered:
.L_overlay_start_2:
0x84: {  	(tag) =	ssettag $0x2  }
0x85: {  	s0 =	rddreg [dreg:$0x0];
	s2 =	stileid.u32  }
0x86: {  	s1 =	rddreg [dreg:$0x1];
	p0 =	sne.s32 s2, $0x0  }
0x87: {  	s3 =	rddreg [dreg:$0x2];
	[bflag:$0x3] =	sbarrier.arrive $0xFFFF;
	s2 =	simm.s32 @!p0 $0x1C02  }
0x88: {  	[timem:s3], [sflag:s2] =	dma.local @!p0 [hbm:s0], s1  }
0x89: {  	s0 =	simm.s32 @!p0 $0x2  }
0x8a: {  	_ =	swait.ge @!p0 [sflag:s0], s1  }
0x8b: {  	s1 =	ssub.s32 @!p0 $0x0, s1;
	[sflag:s0] =	ssyncset.done @!p0 $0x0  }
0x8c: {  	[sflag:s0] =	ssyncadd.s32 @!p0 s1  }
0x8d: {  	[bflag:$0x3] =	sbarrier.arrive $0xFFFF  }
0x8e: {  	_ =	shalt  }

</sc_bundles>
